<compile_context>
chip_gen: v7x
topology: tpu7x:2x2x1
jax: 0.10.2.dev20260603
libtpu: 0.0.44.dev20260713+nightly
codegen_flags: <defaults>
</compile_context>

<pallas_src>
import functools

import jax
import jax.numpy as jnp
from jax import lax
from jax.experimental import pallas as pl
from jax.experimental.pallas import tpu as pltpu
from jax.experimental.pallas import tpu_sc as plsc

N_NODES = 10000
N_EDGES = 320000
IN_FEATS = 10000
OUT_FEATS = 128

NC = 2
NS = 16
L = 16
FH = OUT_FEATS // NC

NPT = 640
N_PAD = NS * NPT
NODE_CHUNKS = NPT // 128

SUB = 400
NSUB = 50
HSUB = 2000
HPAIRS = 5
EPT = NSUB * SUB


def _rsqrt_inplace(ref, n_vecs):

    def body(i, carry):
        x = jnp.maximum(ref[pl.ds(i * L, L)], 1.0)
        bits = lax.bitcast_convert_type(x, jnp.int32)
        y = lax.bitcast_convert_type(
            jnp.int32(0x5F3759DF) - lax.shift_right_arithmetic(bits, 1),
            jnp.float32)
        for _ in range(3):
            y = y * (1.5 - 0.5 * x * y * y)
        ref[pl.ds(i * L, L)] = y
        return carry

    lax.fori_loop(0, n_vecs, body, 0)


def _sc_body(feat_ref, src_ref, dst_ref, emb2_ref, bias_ref, out_ref,
             x_sp, accum, outdeg, indeg,
             ssub_a, dsub_a, ssub_b, dsub_b, hs_a, hd_a, hs_b, hd_b,
             featbuf, norm_v, rows_a, rows_b, rows_c, rows_f, ones_v, biasv,
             gsem_a, gsem_b, hsem_a, hsem_b):
    c = lax.axis_index("c")
    s = lax.axis_index("s")
    base_n = s * NPT
    rows0 = rows_c

    zeros16 = jnp.zeros((L,), jnp.float32)

    def zero_rows(r, carry):
        for f in range(FH // L):
            rows0[r, pl.ds(f * L, L)] = zeros16
        return carry

    lax.fori_loop(0, 128, zero_rows, 0)

    def zero_norm(i, carry):
        norm_v[pl.ds(i * L, L)] = zeros16
        return carry

    lax.fori_loop(0, NPT // L, zero_norm, 0)

    ones16 = jnp.ones((L,), jnp.float32)

    def fill_ones(k, carry):
        ones_v[pl.ds(k * L, L)] = ones16
        return carry

    lax.fori_loop(0, HSUB // L, fill_ones, 0)

    for j in range(NODE_CHUNKS):
        pltpu.sync_copy(rows0, accum.at[pl.ds(base_n + j * 128, 128)])
    pltpu.sync_copy(norm_v, outdeg.at[pl.ds(base_n, NPT)])
    pltpu.sync_copy(norm_v, indeg.at[pl.ds(base_n, NPT)])

    pltpu.sync_copy(feat_ref.at[pl.ds(base_n, NPT)], featbuf)
    pltpu.sync_copy(bias_ref.at[pl.ds(c * FH, FH)], biasv)

    plsc.subcore_barrier()

    def hist_pair(u, carry):
        pltpu.sync_copy(src_ref.at[s, pl.ds((2 * u) * HSUB, HSUB)], hs_a)
        pltpu.sync_copy(dst_ref.at[s, pl.ds((2 * u) * HSUB, HSUB)], hd_a)
        da = pltpu.async_copy(ones_v, outdeg.at[hs_a], hsem_a, add=True)
        db = pltpu.async_copy(ones_v, indeg.at[hd_a], hsem_b, add=True)
        pltpu.sync_copy(src_ref.at[s, pl.ds((2 * u + 1) * HSUB, HSUB)], hs_b)
        pltpu.sync_copy(dst_ref.at[s, pl.ds((2 * u + 1) * HSUB, HSUB)], hd_b)
        da.wait()
        db.wait()
        dc = pltpu.async_copy(ones_v, outdeg.at[hs_b], hsem_a, add=True)
        dd = pltpu.async_copy(ones_v, indeg.at[hd_b], hsem_b, add=True)
        dc.wait()
        dd.wait()
        return carry

    lax.fori_loop(0, HPAIRS, hist_pair, 0)
    plsc.subcore_barrier()

    pltpu.sync_copy(outdeg.at[pl.ds(base_n, NPT)], norm_v)
    _rsqrt_inplace(norm_v, NPT // L)

    lane_iota = lax.iota(jnp.int32, L)

    def scale_rows(j, bias_vecs=None):

        def group(g, carry2):
            nv16 = norm_v[pl.ds(j * 128 + g * L, L)]
            for r16 in range(L):
                bc = jnp.full((L,), jnp.sum(jnp.where(lane_iota == r16,
                                                      nv16, 0.0)))
                r = g * L + r16
                for f in range(FH // L):
                    v = rows0[r, pl.ds(f * L, L)] * bc
                    if bias_vecs is not None:
                        v = v + bias_vecs[f]
                    rows0[r, pl.ds(f * L, L)] = v
            return carry2

        lax.fori_loop(0, 128 // L, group, 0)

    def build_chunk(j, carry):
        pltpu.sync_copy(emb2_ref.at[featbuf.at[pl.ds(j * 64, 64)]], rows_f)

        def bgroup(g, carry2):
            nv16 = norm_v[pl.ds(j * 64 + g * L, L)]
            for r16 in range(L):
                bc = jnp.full((L,), jnp.sum(jnp.where(lane_iota == r16,
                                                      nv16, 0.0)))
                r = g * L + r16
                for f in range(FH // L):
                    rows_c[r, pl.ds(f * L, L)] = (
                        rows_f[r, pl.ds(c * FH + f * L, L)] * bc)
            return carry2

        lax.fori_loop(0, 64 // L, bgroup, 0)
        pltpu.sync_copy(rows_c.at[pl.ds(0, 64)],
                        x_sp.at[pl.ds(c * N_PAD + base_n + j * 64, 64)])
        return carry

    lax.fori_loop(0, NPT // 64, build_chunk, 0)

    pltpu.sync_copy(indeg.at[pl.ds(base_n, NPT)], norm_v)
    _rsqrt_inplace(norm_v, NPT // L)
    plsc.subcore_barrier()

    xoff = c * N_PAD

    def add_xoff(buf):
        for i in range(SUB // L):
            buf[pl.ds(i * L, L)] = buf[pl.ds(i * L, L)] + xoff

    pltpu.sync_copy(src_ref.at[s, pl.ds(0, SUB)], ssub_a)
    add_xoff(ssub_a)
    pltpu.async_copy(x_sp.at[ssub_a], rows_a, gsem_a)

    def edge_pair(t, carry):
        pltpu.sync_copy(src_ref.at[s, pl.ds((2 * t + 1) * SUB, SUB)], ssub_b)
        add_xoff(ssub_b)
        db = pltpu.async_copy(x_sp.at[ssub_b], rows_b, gsem_b)
        pltpu.sync_copy(dst_ref.at[s, pl.ds(2 * t * SUB, SUB)], dsub_a)
        pltpu.make_async_copy(x_sp.at[ssub_a], rows_a, gsem_a).wait()
        pltpu.sync_copy(rows_a, accum.at[dsub_a], add=True)
        nxt = jnp.minimum(2 * t + 2, NSUB - 1)
        pltpu.sync_copy(src_ref.at[s, pl.ds(nxt * SUB, SUB)], ssub_a)
        add_xoff(ssub_a)
        pltpu.async_copy(x_sp.at[ssub_a], rows_a, gsem_a)
        pltpu.sync_copy(dst_ref.at[s, pl.ds((2 * t + 1) * SUB, SUB)], dsub_b)
        db.wait()
        pltpu.sync_copy(rows_b, accum.at[dsub_b], add=True)
        return carry

    lax.fori_loop(0, NSUB // 2, edge_pair, 0)
    pltpu.make_async_copy(x_sp.at[ssub_a], rows_a, gsem_a).wait()
    plsc.subcore_barrier()

    bias_vecs = [biasv[pl.ds(f * L, L)] for f in range(FH // L)]

    def out_chunk(j, carry):
        pltpu.sync_copy(accum.at[pl.ds(base_n + j * 128, 128)], rows0)
        scale_rows(j, bias_vecs)
        pltpu.sync_copy(rows0,
                        out_ref.at[pl.ds(base_n + j * 128, 128),
                                   pl.ds(c * FH, FH)])
        return carry

    lax.fori_loop(0, NODE_CHUNKS, out_chunk, 0)


@functools.partial(jax.jit, static_argnames=())
def kernel(feat, edge_index, emb, bias):
    feat = feat.astype(jnp.int32)
    src = edge_index[0].astype(jnp.int32)
    dst = edge_index[1].astype(jnp.int32)

    feat_p = jnp.concatenate(
        [feat, jnp.zeros((N_PAD - N_NODES,), jnp.int32)])
    src_p = src.reshape(NS, EPT)
    dst_p = dst.reshape(NS, EPT)

    mesh = plsc.VectorSubcoreMesh(core_axis_name="c", subcore_axis_name="s",
                                  num_cores=NC, num_subcores=NS)
    out = pl.kernel(
        _sc_body,
        out_type=jax.ShapeDtypeStruct((N_PAD, OUT_FEATS), jnp.float32),
        mesh=mesh,
        compiler_params=pltpu.CompilerParams(needs_layout_passes=False,
                                             use_tc_tiling_on_sc=False),
        scratch_types=[
            pltpu.HBM((NC * N_PAD, FH), jnp.float32),
            pltpu.VMEM_SHARED((N_PAD, FH), jnp.float32),
            pltpu.VMEM_SHARED((N_PAD,), jnp.float32),
            pltpu.VMEM_SHARED((N_PAD,), jnp.float32),
            pltpu.VMEM((SUB,), jnp.int32),
            pltpu.VMEM((SUB,), jnp.int32),
            pltpu.VMEM((SUB,), jnp.int32),
            pltpu.VMEM((SUB,), jnp.int32),
            pltpu.VMEM((HSUB,), jnp.int32),
            pltpu.VMEM((HSUB,), jnp.int32),
            pltpu.VMEM((HSUB,), jnp.int32),
            pltpu.VMEM((HSUB,), jnp.int32),
            pltpu.VMEM((NPT,), jnp.int32),
            pltpu.VMEM((NPT,), jnp.float32),
            pltpu.VMEM((SUB, FH), jnp.float32),
            pltpu.VMEM((SUB, FH), jnp.float32),
            pltpu.VMEM((128, FH), jnp.float32),
            pltpu.VMEM((64, OUT_FEATS), jnp.float32),
            pltpu.VMEM((HSUB,), jnp.float32),
            pltpu.VMEM((FH,), jnp.float32),
            pltpu.SemaphoreType.DMA,
            pltpu.SemaphoreType.DMA,
            pltpu.SemaphoreType.DMA,
            pltpu.SemaphoreType.DMA,
        ],
    )(feat_p, src_p, dst_p, emb, bias)
    return out[:N_NODES]

# --- scband reference (transcript-rebuilt; emitter-appended) ---
"""Pipeline reference for scband-embed-graph-conv-34153579937817 (READ-ONLY COPY).

The authoritative reference and input builder live on the scoring server;
editing this copy changes nothing except your own understanding.
"""

import jax, jax.numpy as jnp
import numpy as np

N_NODES = 10000
N_EDGES = 320000
IN_FEATS = 10000
OUT_FEATS = 128

def setup_inputs(seed: int = 0) -> dict:
    key = jax.random.key(seed)
    k1, k2, k3 = jax.random.split(key, 3)
    feat = jax.random.randint(k1, (N_NODES,), 0, IN_FEATS, dtype=jnp.int64 if jax.config.jax_enable_x64 else jnp.int32).astype(jnp.int32)
    edge_index = jax.random.randint(k2, (2, N_EDGES), 0, N_NODES).astype(jnp.int32)
    emb = jax.random.normal(k3, (IN_FEATS, OUT_FEATS), dtype=jnp.float32) * 0.02
    bias = jnp.zeros((OUT_FEATS,), dtype=jnp.float32)
    return {"feat": feat, "edge_index": edge_index, "emb": emb, "bias": bias}

def reference(feat, edge_index, emb, bias):
    src = edge_index[0]
    dst = edge_index[1]
    # feat_src = self.embedding(feat.long())
    feat_src = jnp.take(emb, feat, axis=0)
    # norm == 'both': left normalization by out-degree^-0.5
    out_deg = jnp.maximum(jnp.bincount(src, length=N_NODES).astype(jnp.float32), 1.0)
    norm_l = jnp.power(out_deg, -0.5)
    feat_src = feat_src * norm_l[:, None]
    # message passing: copy_src + sum aggregation (scatter-add over dst)
    msgs = jnp.take(feat_src, src, axis=0)
    rst = jax.ops.segment_sum(msgs, dst, num_segments=N_NODES)
    # norm == 'both': right normalization by in-degree^-0.5
    in_deg = jnp.maximum(jnp.bincount(dst, length=N_NODES).astype(jnp.float32), 1.0)
    norm_r = jnp.power(in_deg, -0.5)
    rst = rst * norm_r[:, None]
    # bias
    rst = rst + bias
    return rst

if __name__ == "__main__":
    import jax
    _d = setup_inputs()
    print(jax.jit(kernel)(*tuple(_d.values())))

</pallas_src>

<mosaic_0001>
#map = affine_map<(d0, d1) -> (0)>
#map1 = affine_map<(d0, d1) -> (0, 0)>
module attributes {stable_mosaic.version = 14 : i64} {
  func.func @_sc_body(%arg0: i32, %arg1: i32, %arg2: memref<10240xi32, #tpu.memory_space<hbm>>, %arg3: memref<16x20000xi32, #tpu.memory_space<hbm>>, %arg4: memref<16x20000xi32, #tpu.memory_space<hbm>>, %arg5: memref<10000x128xf32, #tpu.memory_space<hbm>>, %arg6: memref<128xf32, #tpu.memory_space<hbm>>, %arg7: memref<10240x128xf32, #tpu.memory_space<hbm>>, %arg8: memref<20480x64xf32, #tpu.memory_space<hbm>>, %arg9: memref<10240x64xf32, #tpu.memory_space<vmem_shared>>, %arg10: memref<10240xf32, #tpu.memory_space<vmem_shared>>, %arg11: memref<10240xf32, #tpu.memory_space<vmem_shared>>, %arg12: memref<400xi32, #tpu.memory_space<vmem>>, %arg13: memref<400xi32, #tpu.memory_space<vmem>>, %arg14: memref<400xi32, #tpu.memory_space<vmem>>, %arg15: memref<400xi32, #tpu.memory_space<vmem>>, %arg16: memref<2000xi32, #tpu.memory_space<vmem>>, %arg17: memref<2000xi32, #tpu.memory_space<vmem>>, %arg18: memref<2000xi32, #tpu.memory_space<vmem>>, %arg19: memref<2000xi32, #tpu.memory_space<vmem>>, %arg20: memref<640xi32, #tpu.memory_space<vmem>>, %arg21: memref<640xf32, #tpu.memory_space<vmem>>, %arg22: memref<400x64xf32, #tpu.memory_space<vmem>>, %arg23: memref<400x64xf32, #tpu.memory_space<vmem>>, %arg24: memref<128x64xf32, #tpu.memory_space<vmem>>, %arg25: memref<64x128xf32, #tpu.memory_space<vmem>>, %arg26: memref<2000xf32, #tpu.memory_space<vmem>>, %arg27: memref<64xf32, #tpu.memory_space<vmem>>, %arg28: memref<!tpu.dma_semaphore, #tpu.memory_space<semaphore_mem>>, %arg29: memref<!tpu.dma_semaphore, #tpu.memory_space<semaphore_mem>>, %arg30: memref<!tpu.dma_semaphore, #tpu.memory_space<semaphore_mem>>, %arg31: memref<!tpu.dma_semaphore, #tpu.memory_space<semaphore_mem>>) attributes {dimension_semantics = [#tpu.dimension_semantics<core_parallel>, #tpu.dimension_semantics<subcore_parallel>], iteration_bounds = array<i64: 2, 16>, scalar_prefetch = 0 : i64, scratch_operands = 24 : i64, tpu.core_type = #tpu.core_type<sc_vector_subcore>, window_params = [{transform_indices = #map}, {transform_indices = #map1}, {transform_indices = #map1}, {transform_indices = #map1}, {transform_indices = #map}, {transform_indices = #map1}]} {
    %mul3A = arith.constant 640 : i32
    %mul3A_0 = arith.muli %arg1, %mul3A : i32
    %broadcast_in_dim3A = arith.constant 0.000000e+00 : f32
    %broadcast_in_dim3A_1 = vector.broadcast %broadcast_in_dim3A : f32 to vector<16xf32>
    %scan3A = arith.constant 0 : i32
    %scan3A_2 = arith.constant 0 : i32
    %scan3A_3 = arith.constant 128 : i32
    %scan3A_4 = arith.addi %scan3A_2, %scan3A_3 : i32
    %scan3A_5 = arith.constant 1 : i32
    scf.for %scan3A_233 = %scan3A_2 to %scan3A_4 step %scan3A_5  : i32 {
      %swap3A_234 = arith.index_cast %scan3A_233 : i32 to index
      %swap3A_235 = arith.constant 0 : index
      %swap3A_236 = tpu.vector_load %arg24[%swap3A_234, %swap3A_235] {strides = array<i32>} : memref<128x64xf32, #tpu.memory_space<vmem>>, vector<16xf32>,
      tpu.vector_store %arg24[%swap3A_234, %swap3A_235], %broadcast_in_dim3A_1 {strides = array<i32>} : memref<128x64xf32, #tpu.memory_space<vmem>>, vector<16xf32>,
      %swap3A_237 = arith.index_cast %scan3A_233 : i32 to index
      %swap3A_238 = arith.constant 16 : index
      %swap3A_239 = tpu.vector_load %arg24[%swap3A_237, %swap3A_238] {strides = array<i32>} : memref<128x64xf32, #tpu.memory_space<vmem>>, vector<16xf32>,
      tpu.vector_store %arg24[%swap3A_237, %swap3A_238], %broadcast_in_dim3A_1 {strides = array<i32>} : memref<128x64xf32, #tpu.memory_space<vmem>>, vector<16xf32>,
      %swap3A_240 = arith.index_cast %scan3A_233 : i32 to index
      %swap3A_241 = arith.constant 32 : index
      %swap3A_242 = tpu.vector_load %arg24[%swap3A_240, %swap3A_241] {strides = array<i32>} : memref<128x64xf32, #tpu.memory_space<vmem>>, vector<16xf32>,
      tpu.vector_store %arg24[%swap3A_240, %swap3A_241], %broadcast_in_dim3A_1 {strides = array<i32>} : memref<128x64xf32, #tpu.memory_space<vmem>>, vector<16xf32>,
      %swap3A_243 = arith.index_cast %scan3A_233 : i32 to index
      %swap3A_244 = arith.constant 48 : index
      %swap3A_245 = tpu.vector_load %arg24[%swap3A_243, %swap3A_244] {strides = array<i32>} : memref<128x64xf32, #tpu.memory_space<vmem>>, vector<16xf32>,
      tpu.vector_store %arg24[%swap3A_243, %swap3A_244], %broadcast_in_dim3A_1 {strides = array<i32>} : memref<128x64xf32, #tpu.memory_space<vmem>>, vector<16xf32>,
    }
    %scan3A_6 = arith.constant 128 : i32
    %scan3A_7 = arith.constant 0 : i32
    %scan3A_8 = arith.constant 0 : i32
    %scan3A_9 = arith.constant 40 : i32
    %scan3A_10 = arith.addi %scan3A_8, %scan3A_9 : i32
    %scan3A_11 = arith.constant 1 : i32
    scf.for %scan3A_233 = %scan3A_8 to %scan3A_10 step %scan3A_11  : i32 {
      %mul3A_234 = arith.constant 16 : i32
      %mul3A_235 = arith.muli %scan3A_233, %mul3A_234 : i32
      %swap3A_236 = arith.index_cast %mul3A_235 : i32 to index
      %swap3A_237 = tpu.vector_load %arg21[%swap3A_236] {strides = array<i32>} : memref<640xf32, #tpu.memory_space<vmem>>, vector<16xf32>,
      tpu.vector_store %arg21[%swap3A_236], %broadcast_in_dim3A_1 {strides = array<i32>} : memref<640xf32, #tpu.memory_space<vmem>>, vector<16xf32>,
    }
    %scan3A_12 = arith.constant 40 : i32
    %broadcast_in_dim3A_13 = arith.constant 1.000000e+00 : f32
    %broadcast_in_dim3A_14 = vector.broadcast %broadcast_in_dim3A_13 : f32 to vector<16xf32>
    %scan3A_15 = arith.constant 0 : i32
    %scan3A_16 = arith.constant 0 : i32
    %scan3A_17 = arith.constant 125 : i32
    %scan3A_18 = arith.addi %scan3A_16, %scan3A_17 : i32
    %scan3A_19 = arith.constant 1 : i32
    scf.for %scan3A_233 = %scan3A_16 to %scan3A_18 step %scan3A_19  : i32 {
      %mul3A_234 = arith.constant 16 : i32
      %mul3A_235 = arith.muli %scan3A_233, %mul3A_234 : i32
      %swap3A_236 = arith.index_cast %mul3A_235 : i32 to index
      %swap3A_237 = tpu.vector_load %arg26[%swap3A_236] {strides = array<i32>} : memref<2000xf32, #tpu.memory_space<vmem>>, vector<16xf32>,
      tpu.vector_store %arg26[%swap3A_236], %broadcast_in_dim3A_14 {strides = array<i32>} : memref<2000xf32, #tpu.memory_space<vmem>>, vector<16xf32>,
    }
    %scan3A_20 = arith.constant 125 : i32
    %add3A = arith.constant 0 : i32
    %add3A_21 = arith.addi %mul3A_0, %add3A : i32
    "tpu.region"() ({
      %run_scoped3A = tpu.sem_alloc : memref<!tpu.dma_semaphore, #tpu.memory_space<semaphore_mem>>
      %dma_start3A_233 = arith.constant 0 : i32
      %dma_start3A_234 = tpu.memref_slice %arg9[%add3A_21, %dma_start3A_233] : memref<10240x64xf32, #tpu.memory_space<vmem_shared>> -> memref<128x64xf32, #tpu.memory_space<vmem_shared>>
      %dma_start3A_235 = arith.constant 0 : i32
      %dma_start3A_236 = tpu.memref_slice %arg9[%add3A_21, %dma_start3A_235] : memref<10240x64xf32, #tpu.memory_space<vmem_shared>> -> memref<128x64xf32, #tpu.memory_space<vmem_shared>>
      tpu.enqueue_dma source(%arg24 : memref<128x64xf32, #tpu.memory_space<vmem>>) target(%dma_start3A_236 : memref<128x64xf32, #tpu.memory_space<vmem_shared>>) target_semaphore(%run_scoped3A : memref<!tpu.dma_semaphore, #tpu.memory_space<semaphore_mem>>)
      %dma_wait3A_237 = arith.constant 0 : i32
      %dma_wait3A_238 = tpu.memref_slice %arg9[%add3A_21, %dma_wait3A_237] : memref<10240x64xf32, #tpu.memory_space<vmem_shared>> -> memref<128x64xf32, #tpu.memory_space<vmem_shared>>
      %dma_wait3A_239 = arith.constant 0 : i32
      %dma_wait3A_240 = tpu.memref_slice %arg9[%add3A_21, %dma_wait3A_239] : memref<10240x64xf32, #tpu.memory_space<vmem_shared>> -> memref<128x64xf32, #tpu.memory_space<vmem_shared>>
      tpu.wait_dma2 semaphore(%run_scoped3A : memref<!tpu.dma_semaphore, #tpu.memory_space<semaphore_mem>>) src(%arg24 : memref<128x64xf32, #tpu.memory_space<vmem>>) dst(%dma_wait3A_240 : memref<128x64xf32, #tpu.memory_space<vmem_shared>>)
      tpu.yield
    }) : () -> ()
    %add3A_22 = arith.constant 128 : i32
    %add3A_23 = arith.addi %mul3A_0, %add3A_22 : i32
    "tpu.region"() ({
      %run_scoped3A = tpu.sem_alloc : memref<!tpu.dma_semaphore, #tpu.memory_space<semaphore_mem>>
      %dma_start3A_233 = arith.constant 0 : i32
      %dma_start3A_234 = tpu.memref_slice %arg9[%add3A_23, %dma_start3A_233] : memref<10240x64xf32, #tpu.memory_space<vmem_shared>> -> memref<128x64xf32, #tpu.memory_space<vmem_shared>>
      %dma_start3A_235 = arith.constant 0 : i32
      %dma_start3A_236 = tpu.memref_slice %arg9[%add3A_23, %dma_start3A_235] : memref<10240x64xf32, #tpu.memory_space<vmem_shared>> -> memref<128x64xf32, #tpu.memory_space<vmem_shared>>
      tpu.enqueue_dma source(%arg24 : memref<128x64xf32, #tpu.memory_space<vmem>>) target(%dma_start3A_236 : memref<128x64xf32, #tpu.memory_space<vmem_shared>>) target_semaphore(%run_scoped3A : memref<!tpu.dma_semaphore, #tpu.memory_space<semaphore_mem>>)
      %dma_wait3A_237 = arith.constant 0 : i32
      %dma_wait3A_238 = tpu.memref_slice %arg9[%add3A_23, %dma_wait3A_237] : memref<10240x64xf32, #tpu.memory_space<vmem_shared>> -> memref<128x64xf32, #tpu.memory_space<vmem_shared>>
      %dma_wait3A_239 = arith.constant 0 : i32
      %dma_wait3A_240 = tpu.memref_slice %arg9[%add3A_23, %dma_wait3A_239] : memref<10240x64xf32, #tpu.memory_space<vmem_shared>> -> memref<128x64xf32, #tpu.memory_space<vmem_shared>>
      tpu.wait_dma2 semaphore(%run_scoped3A : memref<!tpu.dma_semaphore, #tpu.memory_space<semaphore_mem>>) src(%arg24 : memref<128x64xf32, #tpu.memory_space<vmem>>) dst(%dma_wait3A_240 : memref<128x64xf32, #tpu.memory_space<vmem_shared>>)
      tpu.yield
    }) : () -> ()
    %add3A_24 = arith.constant 256 : i32
    %add3A_25 = arith.addi %mul3A_0, %add3A_24 : i32
    "tpu.region"() ({
      %run_scoped3A = tpu.sem_alloc : memref<!tpu.dma_semaphore, #tpu.memory_space<semaphore_mem>>
      %dma_start3A_233 = arith.constant 0 : i32
      %dma_start3A_234 = tpu.memref_slice %arg9[%add3A_25, %dma_start3A_233] : memref<10240x64xf32, #tpu.memory_space<vmem_shared>> -> memref<128x64xf32, #tpu.memory_space<vmem_shared>>
      %dma_start3A_235 = arith.constant 0 : i32
      %dma_start3A_236 = tpu.memref_slice %arg9[%add3A_25, %dma_start3A_235] : memref<10240x64xf32, #tpu.memory_space<vmem_shared>> -> memref<128x64xf32, #tpu.memory_space<vmem_shared>>
      tpu.enqueue_dma source(%arg24 : memref<128x64xf32, #tpu.memory_space<vmem>>) target(%dma_start3A_236 : memref<128x64xf32, #tpu.memory_space<vmem_shared>>) target_semaphore(%run_scoped3A : memref<!tpu.dma_semaphore, #tpu.memory_space<semaphore_mem>>)
      %dma_wait3A_237 = arith.constant 0 : i32
      %dma_wait3A_238 = tpu.memref_slice %arg9[%add3A_25, %dma_wait3A_237] : memref<10240x64xf32, #tpu.memory_space<vmem_shared>> -> memref<128x64xf32, #tpu.memory_space<vmem_shared>>
      %dma_wait3A_239 = arith.constant 0 : i32
      %dma_wait3A_240 = tpu.memref_slice %arg9[%add3A_25, %dma_wait3A_239] : memref<10240x64xf32, #tpu.memory_space<vmem_shared>> -> memref<128x64xf32, #tpu.memory_space<vmem_shared>>
      tpu.wait_dma2 semaphore(%run_scoped3A : memref<!tpu.dma_semaphore, #tpu.memory_space<semaphore_mem>>) src(%arg24 : memref<128x64xf32, #tpu.memory_space<vmem>>) dst(%dma_wait3A_240 : memref<128x64xf32, #tpu.memory_space<vmem_shared>>)
      tpu.yield
    }) : () -> ()
    %add3A_26 = arith.constant 384 : i32
    %add3A_27 = arith.addi %mul3A_0, %add3A_26 : i32
    "tpu.region"() ({
      %run_scoped3A = tpu.sem_alloc : memref<!tpu.dma_semaphore, #tpu.memory_space<semaphore_mem>>
      %dma_start3A_233 = arith.constant 0 : i32
      %dma_start3A_234 = tpu.memref_slice %arg9[%add3A_27, %dma_start3A_233] : memref<10240x64xf32, #tpu.memory_space<vmem_shared>> -> memref<128x64xf32, #tpu.memory_space<vmem_shared>>
      %dma_start3A_235 = arith.constant 0 : i32
      %dma_start3A_236 = tpu.memref_slice %arg9[%add3A_27, %dma_start3A_235] : memref<10240x64xf32, #tpu.memory_space<vmem_shared>> -> memref<128x64xf32, #tpu.memory_space<vmem_shared>>
      tpu.enqueue_dma source(%arg24 : memref<128x64xf32, #tpu.memory_space<vmem>>) target(%dma_start3A_236 : memref<128x64xf32, #tpu.memory_space<vmem_shared>>) target_semaphore(%run_scoped3A : memref<!tpu.dma_semaphore, #tpu.memory_space<semaphore_mem>>)
      %dma_wait3A_237 = arith.constant 0 : i32
      %dma_wait3A_238 = tpu.memref_slice %arg9[%add3A_27, %dma_wait3A_237] : memref<10240x64xf32, #tpu.memory_space<vmem_shared>> -> memref<128x64xf32, #tpu.memory_space<vmem_shared>>
      %dma_wait3A_239 = arith.constant 0 : i32
      %dma_wait3A_240 = tpu.memref_slice %arg9[%add3A_27, %dma_wait3A_239] : memref<10240x64xf32, #tpu.memory_space<vmem_shared>> -> memref<128x64xf32, #tpu.memory_space<vmem_shared>>
      tpu.wait_dma2 semaphore(%run_scoped3A : memref<!tpu.dma_semaphore, #tpu.memory_space<semaphore_mem>>) src(%arg24 : memref<128x64xf32, #tpu.memory_space<vmem>>) dst(%dma_wait3A_240 : memref<128x64xf32, #tpu.memory_space<vmem_shared>>)
      tpu.yield
    }) : () -> ()
    %add3A_28 = arith.constant 512 : i32
    %add3A_29 = arith.addi %mul3A_0, %add3A_28 : i32
    "tpu.region"() ({
      %run_scoped3A = tpu.sem_alloc : memref<!tpu.dma_semaphore, #tpu.memory_space<semaphore_mem>>
      %dma_start3A_233 = arith.constant 0 : i32
      %dma_start3A_234 = tpu.memref_slice %arg9[%add3A_29, %dma_start3A_233] : memref<10240x64xf32, #tpu.memory_space<vmem_shared>> -> memref<128x64xf32, #tpu.memory_space<vmem_shared>>
      %dma_start3A_235 = arith.constant 0 : i32
      %dma_start3A_236 = tpu.memref_slice %arg9[%add3A_29, %dma_start3A_235] : memref<10240x64xf32, #tpu.memory_space<vmem_shared>> -> memref<128x64xf32, #tpu.memory_space<vmem_shared>>
      tpu.enqueue_dma source(%arg24 : memref<128x64xf32, #tpu.memory_space<vmem>>) target(%dma_start3A_236 : memref<128x64xf32, #tpu.memory_space<vmem_shared>>) target_semaphore(%run_scoped3A : memref<!tpu.dma_semaphore, #tpu.memory_space<semaphore_mem>>)
      %dma_wait3A_237 = arith.constant 0 : i32
      %dma_wait3A_238 = tpu.memref_slice %arg9[%add3A_29, %dma_wait3A_237] : memref<10240x64xf32, #tpu.memory_space<vmem_shared>> -> memref<128x64xf32, #tpu.memory_space<vmem_shared>>
      %dma_wait3A_239 = arith.constant 0 : i32
      %dma_wait3A_240 = tpu.memref_slice %arg9[%add3A_29, %dma_wait3A_239] : memref<10240x64xf32, #tpu.memory_space<vmem_shared>> -> memref<128x64xf32, #tpu.memory_space<vmem_shared>>
      tpu.wait_dma2 semaphore(%run_scoped3A : memref<!tpu.dma_semaphore, #tpu.memory_space<semaphore_mem>>) src(%arg24 : memref<128x64xf32, #tpu.memory_space<vmem>>) dst(%dma_wait3A_240 : memref<128x64xf32, #tpu.memory_space<vmem_shared>>)
      tpu.yield
    }) : () -> ()
    "tpu.region"() ({
      %run_scoped3A = tpu.sem_alloc : memref<!tpu.dma_semaphore, #tpu.memory_space<semaphore_mem>>
      %dma_start3A_233 = tpu.memref_slice %arg10[%mul3A_0] : memref<10240xf32, #tpu.memory_space<vmem_shared>> -> memref<640xf32, #tpu.memory_space<vmem_shared>>
      %dma_start3A_234 = tpu.memref_slice %arg10[%mul3A_0] : memref<10240xf32, #tpu.memory_space<vmem_shared>> -> memref<640xf32, #tpu.memory_space<vmem_shared>>
      tpu.enqueue_dma source(%arg21 : memref<640xf32, #tpu.memory_space<vmem>>) target(%dma_start3A_234 : memref<640xf32, #tpu.memory_space<vmem_shared>>) target_semaphore(%run_scoped3A : memref<!tpu.dma_semaphore, #tpu.memory_space<semaphore_mem>>)
      %dma_wait3A_235 = tpu.memref_slice %arg10[%mul3A_0] : memref<10240xf32, #tpu.memory_space<vmem_shared>> -> memref<640xf32, #tpu.memory_space<vmem_shared>>
      %dma_wait3A_236 = tpu.memref_slice %arg10[%mul3A_0] : memref<10240xf32, #tpu.memory_space<vmem_shared>> -> memref<640xf32, #tpu.memory_space<vmem_shared>>
      tpu.wait_dma2 semaphore(%run_scoped3A : memref<!tpu.dma_semaphore, #tpu.memory_space<semaphore_mem>>) src(%arg21 : memref<640xf32, #tpu.memory_space<vmem>>) dst(%dma_wait3A_236 : memref<640xf32, #tpu.memory_space<vmem_shared>>)
      tpu.yield
    }) : () -> ()
    "tpu.region"() ({
      %run_scoped3A = tpu.sem_alloc : memref<!tpu.dma_semaphore, #tpu.memory_space<semaphore_mem>>
      %dma_start3A_233 = tpu.memref_slice %arg11[%mul3A_0] : memref<10240xf32, #tpu.memory_space<vmem_shared>> -> memref<640xf32, #tpu.memory_space<vmem_shared>>
      %dma_start3A_234 = tpu.memref_slice %arg11[%mul3A_0] : memref<10240xf32, #tpu.memory_space<vmem_shared>> -> memref<640xf32, #tpu.memory_space<vmem_shared>>
      tpu.enqueue_dma source(%arg21 : memref<640xf32, #tpu.memory_space<vmem>>) target(%dma_start3A_234 : memref<640xf32, #tpu.memory_space<vmem_shared>>) target_semaphore(%run_scoped3A : memref<!tpu.dma_semaphore, #tpu.memory_space<semaphore_mem>>)
      %dma_wait3A_235 = tpu.memref_slice %arg11[%mul3A_0] : memref<10240xf32, #tpu.memory_space<vmem_shared>> -> memref<640xf32, #tpu.memory_space<vmem_shared>>
      %dma_wait3A_236 = tpu.memref_slice %arg11[%mul3A_0] : memref<10240xf32, #tpu.memory_space<vmem_shared>> -> memref<640xf32, #tpu.memory_space<vmem_shared>>
      tpu.wait_dma2 semaphore(%run_scoped3A : memref<!tpu.dma_semaphore, #tpu.memory_space<semaphore_mem>>) src(%arg21 : memref<640xf32, #tpu.memory_space<vmem>>) dst(%dma_wait3A_236 : memref<640xf32, #tpu.memory_space<vmem_shared>>)
      tpu.yield
    }) : () -> ()
    "tpu.region"() ({
      %run_scoped3A = tpu.sem_alloc : memref<!tpu.dma_semaphore, #tpu.memory_space<semaphore_mem>>
      %dma_start3A_233 = tpu.memref_slice %arg2[%mul3A_0] : memref<10240xi32, #tpu.memory_space<hbm>> -> memref<640xi32, #tpu.memory_space<hbm>>
      %dma_start3A_234 = tpu.memref_slice %arg2[%mul3A_0] : memref<10240xi32, #tpu.memory_space<hbm>> -> memref<640xi32, #tpu.memory_space<hbm>>
      tpu.enqueue_dma source(%dma_start3A_234 : memref<640xi32, #tpu.memory_space<hbm>>) target(%arg20 : memref<640xi32, #tpu.memory_space<vmem>>) target_semaphore(%run_scoped3A : memref<!tpu.dma_semaphore, #tpu.memory_space<semaphore_mem>>)
      %dma_wait3A_235 = tpu.memref_slice %arg2[%mul3A_0] : memref<10240xi32, #tpu.memory_space<hbm>> -> memref<640xi32, #tpu.memory_space<hbm>>
      %dma_wait3A_236 = tpu.memref_slice %arg2[%mul3A_0] : memref<10240xi32, #tpu.memory_space<hbm>> -> memref<640xi32, #tpu.memory_space<hbm>>
      tpu.wait_dma2 semaphore(%run_scoped3A : memref<!tpu.dma_semaphore, #tpu.memory_space<semaphore_mem>>) src(%dma_wait3A_236 : memref<640xi32, #tpu.memory_space<hbm>>) dst(%arg20 : memref<640xi32, #tpu.memory_space<vmem>>)
      tpu.yield
    }) : () -> ()
    %mul3A_30 = arith.constant 64 : i32
    %mul3A_31 = arith.muli %arg0, %mul3A_30 : i32
    "tpu.region"() ({
      %run_scoped3A = tpu.sem_alloc : memref<!tpu.dma_semaphore, #tpu.memory_space<semaphore_mem>>
      %dma_start3A_233 = tpu.memref_slice %arg6[%mul3A_31] : memref<128xf32, #tpu.memory_space<hbm>> -> memref<64xf32, #tpu.memory_space<hbm>>
      %dma_start3A_234 = tpu.memref_slice %arg6[%mul3A_31] : memref<128xf32, #tpu.memory_space<hbm>> -> memref<64xf32, #tpu.memory_space<hbm>>
      tpu.enqueue_dma source(%dma_start3A_234 : memref<64xf32, #tpu.memory_space<hbm>>) target(%arg27 : memref<64xf32, #tpu.memory_space<vmem>>) target_semaphore(%run_scoped3A : memref<!tpu.dma_semaphore, #tpu.memory_space<semaphore_mem>>)
      %dma_wait3A_235 = tpu.memref_slice %arg6[%mul3A_31] : memref<128xf32, #tpu.memory_space<hbm>> -> memref<64xf32, #tpu.memory_space<hbm>>
      %dma_wait3A_236 = tpu.memref_slice %arg6[%mul3A_31] : memref<128xf32, #tpu.memory_space<hbm>> -> memref<64xf32, #tpu.memory_space<hbm>>
      tpu.wait_dma2 semaphore(%run_scoped3A : memref<!tpu.dma_semaphore, #tpu.memory_space<semaphore_mem>>) src(%dma_wait3A_236 : memref<64xf32, #tpu.memory_space<hbm>>) dst(%arg27 : memref<64xf32, #tpu.memory_space<vmem>>)
      tpu.yield
    }) : () -> ()
    %barrier3A = arith.constant 0 : index
    tpu.barrier barrier_id(%barrier3A)
    %scan3A_32 = arith.constant 0 : i32
    %scan3A_33 = arith.constant 0 : i32
    %scan3A_34 = arith.constant 5 : i32
    %scan3A_35 = arith.addi %scan3A_33, %scan3A_34 : i32
    %scan3A_36 = arith.constant 1 : i32
    scf.for %scan3A_233 = %scan3A_33 to %scan3A_35 step %scan3A_36  : i32 {
      %mul3A_234 = arith.constant 2 : i32
      %mul3A_235 = arith.muli %mul3A_234, %scan3A_233 : i32
      %mul3A_236 = arith.constant 2000 : i32
      %mul3A_237 = arith.muli %mul3A_235, %mul3A_236 : i32
      "tpu.region"() ({
        %run_scoped3A = tpu.sem_alloc : memref<!tpu.dma_semaphore, #tpu.memory_space<semaphore_mem>>
        %dma_start3A_270 = tpu.memref_slice %arg3[%arg1, %mul3A_237] : memref<16x20000xi32, #tpu.memory_space<hbm>> -> memref<1x2000xi32, #tpu.memory_space<hbm>>
        %dma_start3A_271 = tpu.memref_squeeze %dma_start3A_270 : memref<1x2000xi32, #tpu.memory_space<hbm>> -> memref<2000xi32, #tpu.memory_space<hbm>>
        %dma_start3A_272 = tpu.memref_slice %arg3[%arg1, %mul3A_237] : memref<16x20000xi32, #tpu.memory_space<hbm>> -> memref<1x2000xi32, #tpu.memory_space<hbm>>
        %dma_start3A_273 = tpu.memref_squeeze %dma_start3A_272 : memref<1x2000xi32, #tpu.memory_space<hbm>> -> memref<2000xi32, #tpu.memory_space<hbm>>
        tpu.enqueue_dma source(%dma_start3A_273 : memref<2000xi32, #tpu.memory_space<hbm>>) target(%arg16 : memref<2000xi32, #tpu.memory_space<vmem>>) target_semaphore(%run_scoped3A : memref<!tpu.dma_semaphore, #tpu.memory_space<semaphore_mem>>)
        %dma_wait3A_274 = tpu.memref_slice %arg3[%arg1, %mul3A_237] : memref<16x20000xi32, #tpu.memory_space<hbm>> -> memref<1x2000xi32, #tpu.memory_space<hbm>>
        %dma_wait3A_275 = tpu.memref_squeeze %dma_wait3A_274 : memref<1x2000xi32, #tpu.memory_space<hbm>> -> memref<2000xi32, #tpu.memory_space<hbm>>
        %dma_wait3A_276 = tpu.memref_slice %arg3[%arg1, %mul3A_237] : memref<16x20000xi32, #tpu.memory_space<hbm>> -> memref<1x2000xi32, #tpu.memory_space<hbm>>
        %dma_wait3A_277 = tpu.memref_squeeze %dma_wait3A_276 : memref<1x2000xi32, #tpu.memory_space<hbm>> -> memref<2000xi32, #tpu.memory_space<hbm>>
        tpu.wait_dma2 semaphore(%run_scoped3A : memref<!tpu.dma_semaphore, #tpu.memory_space<semaphore_mem>>) src(%dma_wait3A_277 : memref<2000xi32, #tpu.memory_space<hbm>>) dst(%arg16 : memref<2000xi32, #tpu.memory_space<vmem>>)
        tpu.yield
      }) : () -> ()
      %mul3A_238 = arith.constant 2 : i32
      %mul3A_239 = arith.muli %mul3A_238, %scan3A_233 : i32
      %mul3A_240 = arith.constant 2000 : i32
      %mul3A_241 = arith.muli %mul3A_239, %mul3A_240 : i32
      "tpu.region"() ({
        %run_scoped3A = tpu.sem_alloc : memref<!tpu.dma_semaphore, #tpu.memory_space<semaphore_mem>>
        %dma_start3A_270 = tpu.memref_slice %arg4[%arg1, %mul3A_241] : memref<16x20000xi32, #tpu.memory_space<hbm>> -> memref<1x2000xi32, #tpu.memory_space<hbm>>
        %dma_start3A_271 = tpu.memref_squeeze %dma_start3A_270 : memref<1x2000xi32, #tpu.memory_space<hbm>> -> memref<2000xi32, #tpu.memory_space<hbm>>
        %dma_start3A_272 = tpu.memref_slice %arg4[%arg1, %mul3A_241] : memref<16x20000xi32, #tpu.memory_space<hbm>> -> memref<1x2000xi32, #tpu.memory_space<hbm>>
        %dma_start3A_273 = tpu.memref_squeeze %dma_start3A_272 : memref<1x2000xi32, #tpu.memory_space<hbm>> -> memref<2000xi32, #tpu.memory_space<hbm>>
        tpu.enqueue_dma source(%dma_start3A_273 : memref<2000xi32, #tpu.memory_space<hbm>>) target(%arg17 : memref<2000xi32, #tpu.memory_space<vmem>>) target_semaphore(%run_scoped3A : memref<!tpu.dma_semaphore, #tpu.memory_space<semaphore_mem>>)
        %dma_wait3A_274 = tpu.memref_slice %arg4[%arg1, %mul3A_241] : memref<16x20000xi32, #tpu.memory_space<hbm>> -> memref<1x2000xi32, #tpu.memory_space<hbm>>
        %dma_wait3A_275 = tpu.memref_squeeze %dma_wait3A_274 : memref<1x2000xi32, #tpu.memory_space<hbm>> -> memref<2000xi32, #tpu.memory_space<hbm>>
        %dma_wait3A_276 = tpu.memref_slice %arg4[%arg1, %mul3A_241] : memref<16x20000xi32, #tpu.memory_space<hbm>> -> memref<1x2000xi32, #tpu.memory_space<hbm>>
        %dma_wait3A_277 = tpu.memref_squeeze %dma_wait3A_276 : memref<1x2000xi32, #tpu.memory_space<hbm>> -> memref<2000xi32, #tpu.memory_space<hbm>>
        tpu.wait_dma2 semaphore(%run_scoped3A : memref<!tpu.dma_semaphore, #tpu.memory_space<semaphore_mem>>) src(%dma_wait3A_277 : memref<2000xi32, #tpu.memory_space<hbm>>) dst(%arg17 : memref<2000xi32, #tpu.memory_space<vmem>>)
        tpu.yield
      }) : () -> ()
      %dma_start3A_242 = arith.constant 0 : i32
      %dma_start3A_243 = tpu.memref_slice %arg10[%dma_start3A_242] : memref<10240xf32, #tpu.memory_space<vmem_shared>> -> memref<10240xf32, #tpu.memory_space<vmem_shared>>
      tpu.enqueue_indirect_dma source(%arg26 : memref<2000xf32, #tpu.memory_space<vmem>>) target(%dma_start3A_243 : memref<10240xf32, #tpu.memory_space<vmem_shared>>) offsets(%arg16 : memref<2000xi32, #tpu.memory_space<vmem>>) semaphore(%arg30 : memref<!tpu.dma_semaphore, #tpu.memory_space<semaphore_mem>>) {add = true}
      %dma_start3A_244 = arith.constant 0 : i32
      %dma_start3A_245 = tpu.memref_slice %arg11[%dma_start3A_244] : memref<10240xf32, #tpu.memory_space<vmem_shared>> -> memref<10240xf32, #tpu.memory_space<vmem_shared>>
      tpu.enqueue_indirect_dma source(%arg26 : memref<2000xf32, #tpu.memory_space<vmem>>) target(%dma_start3A_245 : memref<10240xf32, #tpu.memory_space<vmem_shared>>) offsets(%arg17 : memref<2000xi32, #tpu.memory_space<vmem>>) semaphore(%arg31 : memref<!tpu.dma_semaphore, #tpu.memory_space<semaphore_mem>>) {add = true}
      %mul3A_246 = arith.constant 2 : i32
      %mul3A_247 = arith.muli %mul3A_246, %scan3A_233 : i32
      %add3A_248 = arith.constant 1 : i32
      %add3A_249 = arith.addi %mul3A_247, %add3A_248 : i32
      %mul3A_250 = arith.constant 2000 : i32
      %mul3A_251 = arith.muli %add3A_249, %mul3A_250 : i32
      "tpu.region"() ({
        %run_scoped3A = tpu.sem_alloc : memref<!tpu.dma_semaphore, #tpu.memory_space<semaphore_mem>>
        %dma_start3A_270 = tpu.memref_slice %arg3[%arg1, %mul3A_251] : memref<16x20000xi32, #tpu.memory_space<hbm>> -> memref<1x2000xi32, #tpu.memory_space<hbm>>
        %dma_start3A_271 = tpu.memref_squeeze %dma_start3A_270 : memref<1x2000xi32, #tpu.memory_space<hbm>> -> memref<2000xi32, #tpu.memory_space<hbm>>
        %dma_start3A_272 = tpu.memref_slice %arg3[%arg1, %mul3A_251] : memref<16x20000xi32, #tpu.memory_space<hbm>> -> memref<1x2000xi32, #tpu.memory_space<hbm>>
        %dma_start3A_273 = tpu.memref_squeeze %dma_start3A_272 : memref<1x2000xi32, #tpu.memory_space<hbm>> -> memref<2000xi32, #tpu.memory_space<hbm>>
        tpu.enqueue_dma source(%dma_start3A_273 : memref<2000xi32, #tpu.memory_space<hbm>>) target(%arg18 : memref<2000xi32, #tpu.memory_space<vmem>>) target_semaphore(%run_scoped3A : memref<!tpu.dma_semaphore, #tpu.memory_space<semaphore_mem>>)
        %dma_wait3A_274 = tpu.memref_slice %arg3[%arg1, %mul3A_251] : memref<16x20000xi32, #tpu.memory_space<hbm>> -> memref<1x2000xi32, #tpu.memory_space<hbm>>
        %dma_wait3A_275 = tpu.memref_squeeze %dma_wait3A_274 : memref<1x2000xi32, #tpu.memory_space<hbm>> -> memref<2000xi32, #tpu.memory_space<hbm>>
        %dma_wait3A_276 = tpu.memref_slice %arg3[%arg1, %mul3A_251] : memref<16x20000xi32, #tpu.memory_space<hbm>> -> memref<1x2000xi32, #tpu.memory_space<hbm>>
        %dma_wait3A_277 = tpu.memref_squeeze %dma_wait3A_276 : memref<1x2000xi32, #tpu.memory_space<hbm>> -> memref<2000xi32, #tpu.memory_space<hbm>>
        tpu.wait_dma2 semaphore(%run_scoped3A : memref<!tpu.dma_semaphore, #tpu.memory_space<semaphore_mem>>) src(%dma_wait3A_277 : memref<2000xi32, #tpu.memory_space<hbm>>) dst(%arg18 : memref<2000xi32, #tpu.memory_space<vmem>>)
        tpu.yield
      }) : () -> ()
      %mul3A_252 = arith.constant 2 : i32
      %mul3A_253 = arith.muli %mul3A_252, %scan3A_233 : i32
      %add3A_254 = arith.constant 1 : i32
      %add3A_255 = arith.addi %mul3A_253, %add3A_254 : i32
      %mul3A_256 = arith.constant 2000 : i32
      %mul3A_257 = arith.muli %add3A_255, %mul3A_256 : i32
      "tpu.region"() ({
        %run_scoped3A = tpu.sem_alloc : memref<!tpu.dma_semaphore, #tpu.memory_space<semaphore_mem>>
        %dma_start3A_270 = tpu.memref_slice %arg4[%arg1, %mul3A_257] : memref<16x20000xi32, #tpu.memory_space<hbm>> -> memref<1x2000xi32, #tpu.memory_space<hbm>>
        %dma_start3A_271 = tpu.memref_squeeze %dma_start3A_270 : memref<1x2000xi32, #tpu.memory_space<hbm>> -> memref<2000xi32, #tpu.memory_space<hbm>>
        %dma_start3A_272 = tpu.memref_slice %arg4[%arg1, %mul3A_257] : memref<16x20000xi32, #tpu.memory_space<hbm>> -> memref<1x2000xi32, #tpu.memory_space<hbm>>
        %dma_start3A_273 = tpu.memref_squeeze %dma_start3A_272 : memref<1x2000xi32, #tpu.memory_space<hbm>> -> memref<2000xi32, #tpu.memory_space<hbm>>
        tpu.enqueue_dma source(%dma_start3A_273 : memref<2000xi32, #tpu.memory_space<hbm>>) target(%arg19 : memref<2000xi32, #tpu.memory_space<vmem>>) target_semaphore(%run_scoped3A : memref<!tpu.dma_semaphore, #tpu.memory_space<semaphore_mem>>)
        %dma_wait3A_274 = tpu.memref_slice %arg4[%arg1, %mul3A_257] : memref<16x20000xi32, #tpu.memory_space<hbm>> -> memref<1x2000xi32, #tpu.memory_space<hbm>>
        %dma_wait3A_275 = tpu.memref_squeeze %dma_wait3A_274 : memref<1x2000xi32, #tpu.memory_space<hbm>> -> memref<2000xi32, #tpu.memory_space<hbm>>
        %dma_wait3A_276 = tpu.memref_slice %arg4[%arg1, %mul3A_257] : memref<16x20000xi32, #tpu.memory_space<hbm>> -> memref<1x2000xi32, #tpu.memory_space<hbm>>
        %dma_wait3A_277 = tpu.memref_squeeze %dma_wait3A_276 : memref<1x2000xi32, #tpu.memory_space<hbm>> -> memref<2000xi32, #tpu.memory_space<hbm>>
        tpu.wait_dma2 semaphore(%run_scoped3A : memref<!tpu.dma_semaphore, #tpu.memory_space<semaphore_mem>>) src(%dma_wait3A_277 : memref<2000xi32, #tpu.memory_space<hbm>>) dst(%arg19 : memref<2000xi32, #tpu.memory_space<vmem>>)
        tpu.yield
      }) : () -> ()
      %dma_wait3A_258 = arith.constant 0 : i32
      %dma_wait3A_259 = tpu.memref_slice %arg10[%dma_wait3A_258] : memref<10240xf32, #tpu.memory_space<vmem_shared>> -> memref<10240xf32, #tpu.memory_space<vmem_shared>>
      tpu.wait_indirect_dma semaphore(%arg30 : memref<!tpu.dma_semaphore, #tpu.memory_space<semaphore_mem>>) src(%arg26 : memref<2000xf32, #tpu.memory_space<vmem>>) dst(%dma_wait3A_259 : memref<10240xf32, #tpu.memory_space<vmem_shared>>)
      %dma_wait3A_260 = arith.constant 0 : i32
      %dma_wait3A_261 = tpu.memref_slice %arg11[%dma_wait3A_260] : memref<10240xf32, #tpu.memory_space<vmem_shared>> -> memref<10240xf32, #tpu.memory_space<vmem_shared>>
      tpu.wait_indirect_dma semaphore(%arg31 : memref<!tpu.dma_semaphore, #tpu.memory_space<semaphore_mem>>) src(%arg26 : memref<2000xf32, #tpu.memory_space<vmem>>) dst(%dma_wait3A_261 : memref<10240xf32, #tpu.memory_space<vmem_shared>>)
      %dma_start3A_262 = arith.constant 0 : i32
      %dma_start3A_263 = tpu.memref_slice %arg10[%dma_start3A_262] : memref<10240xf32, #tpu.memory_space<vmem_shared>> -> memref<10240xf32, #tpu.memory_space<vmem_shared>>
      tpu.enqueue_indirect_dma source(%arg26 : memref<2000xf32, #tpu.memory_space<vmem>>) target(%dma_start3A_263 : memref<10240xf32, #tpu.memory_space<vmem_shared>>) offsets(%arg18 : memref<2000xi32, #tpu.memory_space<vmem>>) semaphore(%arg30 : memref<!tpu.dma_semaphore, #tpu.memory_space<semaphore_mem>>) {add = true}
      %dma_start3A_264 = arith.constant 0 : i32
      %dma_start3A_265 = tpu.memref_slice %arg11[%dma_start3A_264] : memref<10240xf32, #tpu.memory_space<vmem_shared>> -> memref<10240xf32, #tpu.memory_space<vmem_shared>>
      tpu.enqueue_indirect_dma source(%arg26 : memref<2000xf32, #tpu.memory_space<vmem>>) target(%dma_start3A_265 : memref<10240xf32, #tpu.memory_space<vmem_shared>>) offsets(%arg19 : memref<2000xi32, #tpu.memory_space<vmem>>) semaphore(%arg31 : memref<!tpu.dma_semaphore, #tpu.memory_space<semaphore_mem>>) {add = true}
      %dma_wait3A_266 = arith.constant 0 : i32
      %dma_wait3A_267 = tpu.memref_slice %arg10[%dma_wait3A_266] : memref<10240xf32, #tpu.memory_space<vmem_shared>> -> memref<10240xf32, #tpu.memory_space<vmem_shared>>
      tpu.wait_indirect_dma semaphore(%arg30 : memref<!tpu.dma_semaphore, #tpu.memory_space<semaphore_mem>>) src(%arg26 : memref<2000xf32, #tpu.memory_space<vmem>>) dst(%dma_wait3A_267 : memref<10240xf32, #tpu.memory_space<vmem_shared>>)
      %dma_wait3A_268 = arith.constant 0 : i32
      %dma_wait3A_269 = tpu.memref_slice %arg11[%dma_wait3A_268] : memref<10240xf32, #tpu.memory_space<vmem_shared>> -> memref<10240xf32, #tpu.memory_space<vmem_shared>>
      tpu.wait_indirect_dma semaphore(%arg31 : memref<!tpu.dma_semaphore, #tpu.memory_space<semaphore_mem>>) src(%arg26 : memref<2000xf32, #tpu.memory_space<vmem>>) dst(%dma_wait3A_269 : memref<10240xf32, #tpu.memory_space<vmem_shared>>)
    }
    %scan3A_37 = arith.constant 5 : i32
    %barrier3A_38 = arith.constant 0 : index
    tpu.barrier barrier_id(%barrier3A_38)
    "tpu.region"() ({
      %run_scoped3A = tpu.sem_alloc : memref<!tpu.dma_semaphore, #tpu.memory_space<semaphore_mem>>
      %dma_start3A_233 = tpu.memref_slice %arg10[%mul3A_0] : memref<10240xf32, #tpu.memory_space<vmem_shared>> -> memref<640xf32, #tpu.memory_space<vmem_shared>>
      %dma_start3A_234 = tpu.memref_slice %arg10[%mul3A_0] : memref<10240xf32, #tpu.memory_space<vmem_shared>> -> memref<640xf32, #tpu.memory_space<vmem_shared>>
      tpu.enqueue_dma source(%dma_start3A_234 : memref<640xf32, #tpu.memory_space<vmem_shared>>) target(%arg21 : memref<640xf32, #tpu.memory_space<vmem>>) target_semaphore(%run_scoped3A : memref<!tpu.dma_semaphore, #tpu.memory_space<semaphore_mem>>)
      %dma_wait3A_235 = tpu.memref_slice %arg10[%mul3A_0] : memref<10240xf32, #tpu.memory_space<vmem_shared>> -> memref<640xf32, #tpu.memory_space<vmem_shared>>
      %dma_wait3A_236 = tpu.memref_slice %arg10[%mul3A_0] : memref<10240xf32, #tpu.memory_space<vmem_shared>> -> memref<640xf32, #tpu.memory_space<vmem_shared>>
      tpu.wait_dma2 semaphore(%run_scoped3A : memref<!tpu.dma_semaphore, #tpu.memory_space<semaphore_mem>>) src(%dma_wait3A_236 : memref<640xf32, #tpu.memory_space<vmem_shared>>) dst(%arg21 : memref<640xf32, #tpu.memory_space<vmem>>)
      tpu.yield
    }) : () -> ()
    %scan3A_39 = arith.constant 0 : i32
    %scan3A_40 = arith.constant 0 : i32
    %scan3A_41 = arith.constant 40 : i32
    %scan3A_42 = arith.addi %scan3A_40, %scan3A_41 : i32
    %scan3A_43 = arith.constant 1 : i32
    scf.for %scan3A_233 = %scan3A_40 to %scan3A_42 step %scan3A_43  : i32 {
      %mul3A_234 = arith.constant 16 : i32
      %mul3A_235 = arith.muli %scan3A_233, %mul3A_234 : i32
      %get3A_236 = arith.index_cast %mul3A_235 : i32 to index
      %get3A_237 = tpu.vector_load %arg21[%get3A_236] {strides = array<i32>} : memref<640xf32, #tpu.memory_space<vmem>>, vector<16xf32>,
      %max3A = arith.constant 1.000000e+00 : f32
      %max3A_238 = vector.broadcast %max3A : f32 to vector<16xf32>
      %max3A_239 = arith.maximumf %get3A_237, %max3A_238 : vector<16xf32>
      %bitcast_convert_type3A = tpu.bitcast %max3A_239 : vector<16xf32> -> vector<16xi32>
      %shift_right_arithmetic3A = arith.constant 1 : i32
      %shift_right_arithmetic3A_240 = vector.broadcast %shift_right_arithmetic3A : i32 to vector<16xi32>
      %shift_right_arithmetic3A_241 = arith.shrsi %bitcast_convert_type3A, %shift_right_arithmetic3A_240 : vector<16xi32>
      %sub3A = arith.constant 1597463007 : i32
      %sub3A_242 = vector.broadcast %sub3A : i32 to vector<16xi32>
      %sub3A_243 = arith.subi %sub3A_242, %shift_right_arithmetic3A_241 : vector<16xi32>
      %bitcast_convert_type3A_244 = tpu.bitcast %sub3A_243 : vector<16xi32> -> vector<16xf32>
      %mul3A_245 = arith.constant 5.000000e-01 : f32
      %mul3A_246 = vector.broadcast %mul3A_245 : f32 to vector<16xf32>
      %mul3A_247 = arith.mulf %mul3A_246, %max3A_239 : vector<16xf32>
      %mul3A_248 = arith.mulf %mul3A_247, %bitcast_convert_type3A_244 : vector<16xf32>
      %mul3A_249 = arith.mulf %mul3A_248, %bitcast_convert_type3A_244 : vector<16xf32>
      %sub3A_250 = arith.constant 1.500000e+00 : f32
      %sub3A_251 = vector.broadcast %sub3A_250 : f32 to vector<16xf32>
      %sub3A_252 = arith.subf %sub3A_251, %mul3A_249 : vector<16xf32>
      %mul3A_253 = arith.mulf %bitcast_convert_type3A_244, %sub3A_252 : vector<16xf32>
      %mul3A_254 = arith.constant 5.000000e-01 : f32
      %mul3A_255 = vector.broadcast %mul3A_254 : f32 to vector<16xf32>
      %mul3A_256 = arith.mulf %mul3A_255, %max3A_239 : vector<16xf32>
      %mul3A_257 = arith.mulf %mul3A_256, %mul3A_253 : vector<16xf32>
      %mul3A_258 = arith.mulf %mul3A_257, %mul3A_253 : vector<16xf32>
      %sub3A_259 = arith.constant 1.500000e+00 : f32
      %sub3A_260 = vector.broadcast %sub3A_259 : f32 to vector<16xf32>
      %sub3A_261 = arith.subf %sub3A_260, %mul3A_258 : vector<16xf32>
      %mul3A_262 = arith.mulf %mul3A_253, %sub3A_261 : vector<16xf32>
      %mul3A_263 = arith.constant 5.000000e-01 : f32
      %mul3A_264 = vector.broadcast %mul3A_263 : f32 to vector<16xf32>
      %mul3A_265 = arith.mulf %mul3A_264, %max3A_239 : vector<16xf32>
      %mul3A_266 = arith.mulf %mul3A_265, %mul3A_262 : vector<16xf32>
      %mul3A_267 = arith.mulf %mul3A_266, %mul3A_262 : vector<16xf32>
      %sub3A_268 = arith.constant 1.500000e+00 : f32
      %sub3A_269 = vector.broadcast %sub3A_268 : f32 to vector<16xf32>
      %sub3A_270 = arith.subf %sub3A_269, %mul3A_267 : vector<16xf32>
      %mul3A_271 = arith.mulf %mul3A_262, %sub3A_270 : vector<16xf32>
      %mul3A_272 = arith.constant 16 : i32
      %mul3A_273 = arith.muli %scan3A_233, %mul3A_272 : i32
      %swap3A_274 = arith.index_cast %mul3A_273 : i32 to index
      %swap3A_275 = tpu.vector_load %arg21[%swap3A_274] {strides = array<i32>} : memref<640xf32, #tpu.memory_space<vmem>>, vector<16xf32>,
      tpu.vector_store %arg21[%swap3A_274], %mul3A_271 {strides = array<i32>} : memref<640xf32, #tpu.memory_space<vmem>>, vector<16xf32>,
    }
    %scan3A_44 = arith.constant 40 : i32
    %iota3A = tpu.iota {dimensions = array<i32: 0>} : vector<16xi32>
    %scan3A_45 = arith.constant 0 : i32
    %scan3A_46 = arith.constant 0 : i32
    %scan3A_47 = arith.constant 10 : i32
    %scan3A_48 = arith.addi %scan3A_46, %scan3A_47 : i32
    %scan3A_49 = arith.constant 1 : i32
    scf.for %scan3A_233 = %scan3A_46 to %scan3A_48 step %scan3A_49  : i32 {
      %mul3A_234 = arith.constant 64 : i32
      %mul3A_235 = arith.muli %scan3A_233, %mul3A_234 : i32
      "tpu.region"() ({
        %run_scoped3A = tpu.sem_alloc : memref<!tpu.dma_semaphore, #tpu.memory_space<semaphore_mem>>
        %dma_start3A_248 = tpu.memref_slice %arg20[%mul3A_235] : memref<640xi32, #tpu.memory_space<vmem>> -> memref<64xi32, #tpu.memory_space<vmem>>
        %dma_start3A_249 = arith.constant 0 : i32
        %dma_start3A_250 = arith.constant 0 : i32
        %dma_start3A_251 = tpu.memref_slice %arg5[%dma_start3A_249, %dma_start3A_250] : memref<10000x128xf32, #tpu.memory_space<hbm>> -> memref<10000x128xf32, #tpu.memory_space<hbm>>
        tpu.enqueue_indirect_dma source(%dma_start3A_251 : memref<10000x128xf32, #tpu.memory_space<hbm>>) target(%arg25 : memref<64x128xf32, #tpu.memory_space<vmem>>) offsets(%dma_start3A_248 : memref<64xi32, #tpu.memory_space<vmem>>) semaphore(%run_scoped3A : memref<!tpu.dma_semaphore, #tpu.memory_space<semaphore_mem>>)
        %dma_wait3A_252 = tpu.memref_slice %arg20[%mul3A_235] : memref<640xi32, #tpu.memory_space<vmem>> -> memref<64xi32, #tpu.memory_space<vmem>>
        %dma_wait3A_253 = arith.constant 0 : i32
        %dma_wait3A_254 = arith.constant 0 : i32
        %dma_wait3A_255 = tpu.memref_slice %arg5[%dma_wait3A_253, %dma_wait3A_254] : memref<10000x128xf32, #tpu.memory_space<hbm>> -> memref<10000x128xf32, #tpu.memory_space<hbm>>
        tpu.wait_indirect_dma semaphore(%run_scoped3A : memref<!tpu.dma_semaphore, #tpu.memory_space<semaphore_mem>>) src(%dma_wait3A_255 : memref<10000x128xf32, #tpu.memory_space<hbm>>) dst(%arg25 : memref<64x128xf32, #tpu.memory_space<vmem>>)
        tpu.yield
      }) : () -> ()
      %scan3A_236 = arith.constant 0 : i32
      %scan3A_237 = arith.constant 0 : i32
      %scan3A_238 = arith.constant 4 : i32
      %scan3A_239 = arith.addi %scan3A_237, %scan3A_238 : i32
      %scan3A_240 = arith.constant 1 : i32
      scf.for %scan3A_248 = %scan3A_237 to %scan3A_239 step %scan3A_240  : i32 {
        %mul3A_249 = arith.constant 64 : i32
        %mul3A_250 = arith.muli %scan3A_233, %mul3A_249 : i32
        %mul3A_251 = arith.constant 16 : i32
        %mul3A_252 = arith.muli %scan3A_248, %mul3A_251 : i32
        %add3A_253 = arith.addi %mul3A_250, %mul3A_252 : i32
        %get3A_254 = arith.index_cast %add3A_253 : i32 to index
        %get3A_255 = tpu.vector_load %arg21[%get3A_254] {strides = array<i32>} : memref<640xf32, #tpu.memory_space<vmem>>, vector<16xf32>,
        %eq3A = arith.constant 0 : i32
        %eq3A_256 = vector.broadcast %eq3A : i32 to vector<16xi32>
        %eq3A_257 = arith.cmpi eq, %iota3A, %eq3A_256 : vector<16xi32>
        %jit3A = arith.constant 0.000000e+00 : f32
        %broadcast_in_dim3A_258 = vector.broadcast %jit3A : f32 to vector<16xf32>
        %select_n3A = arith.select %eq3A_257, %get3A_255, %broadcast_in_dim3A_258 : vector<16xi1>, vector<16xf32>
        %reduce_sum3A = arith.constant true
        %reduce_sum3A_259 = vector.broadcast %reduce_sum3A : i1 to vector<16xi1>
        %reduce_sum3A_260 = tpu.scan <sum>, %select_n3A masked %reduce_sum3A_259 : vector<16xf32>, vector<16xi1> -> vector<16xf32>
        %reduce_sum3A_261 = vector.extract %reduce_sum3A_260[15] : f32 from vector<16xf32>
        %broadcast_in_dim3A_262 = vector.broadcast %reduce_sum3A_261 : f32 to vector<16xf32>
        %mul3A_263 = arith.constant 16 : i32
        %mul3A_264 = arith.muli %scan3A_248, %mul3A_263 : i32
        %add3A_265 = arith.constant 0 : i32
        %add3A_266 = arith.addi %mul3A_264, %add3A_265 : i32
        %mul3A_267 = arith.constant 64 : i32
        %mul3A_268 = arith.muli %arg0, %mul3A_267 : i32
        %add3A_269 = arith.constant 0 : i32
        %add3A_270 = arith.addi %mul3A_268, %add3A_269 : i32
        %get3A_271 = arith.index_cast %add3A_266 : i32 to index
        %get3A_272 = arith.index_cast %add3A_270 : i32 to index
        %get3A_273 = tpu.vector_load %arg25[%get3A_271, %get3A_272] {strides = array<i32>} : memref<64x128xf32, #tpu.memory_space<vmem>>, vector<16xf32>,
        %mul3A_274 = arith.mulf %get3A_273, %broadcast_in_dim3A_262 : vector<16xf32>
        %swap3A_275 = arith.index_cast %add3A_266 : i32 to index
        %swap3A_276 = arith.constant 0 : index
        %swap3A_277 = tpu.vector_load %arg24[%swap3A_275, %swap3A_276] {strides = array<i32>} : memref<128x64xf32, #tpu.memory_space<vmem>>, vector<16xf32>,
        tpu.vector_store %arg24[%swap3A_275, %swap3A_276], %mul3A_274 {strides = array<i32>} : memref<128x64xf32, #tpu.memory_space<vmem>>, vector<16xf32>,
        %mul3A_278 = arith.constant 64 : i32
        %mul3A_279 = arith.muli %arg0, %mul3A_278 : i32
        %add3A_280 = arith.constant 16 : i32
        %add3A_281 = arith.addi %mul3A_279, %add3A_280 : i32
        %get3A_282 = arith.index_cast %add3A_266 : i32 to index
        %get3A_283 = arith.index_cast %add3A_281 : i32 to index
        %get3A_284 = tpu.vector_load %arg25[%get3A_282, %get3A_283] {strides = array<i32>} : memref<64x128xf32, #tpu.memory_space<vmem>>, vector<16xf32>,
        %mul3A_285 = arith.mulf %get3A_284, %broadcast_in_dim3A_262 : vector<16xf32>
        %swap3A_286 = arith.index_cast %add3A_266 : i32 to index
        %swap3A_287 = arith.constant 16 : index
        %swap3A_288 = tpu.vector_load %arg24[%swap3A_286, %swap3A_287] {strides = array<i32>} : memref<128x64xf32, #tpu.memory_space<vmem>>, vector<16xf32>,
        tpu.vector_store %arg24[%swap3A_286, %swap3A_287], %mul3A_285 {strides = array<i32>} : memref<128x64xf32, #tpu.memory_space<vmem>>, vector<16xf32>,
        %mul3A_289 = arith.constant 64 : i32
        %mul3A_290 = arith.muli %arg0, %mul3A_289 : i32
        %add3A_291 = arith.constant 32 : i32
        %add3A_292 = arith.addi %mul3A_290, %add3A_291 : i32
        %get3A_293 = arith.index_cast %add3A_266 : i32 to index
        %get3A_294 = arith.index_cast %add3A_292 : i32 to index
        %get3A_295 = tpu.vector_load %arg25[%get3A_293, %get3A_294] {strides = array<i32>} : memref<64x128xf32, #tpu.memory_space<vmem>>, vector<16xf32>,
        %mul3A_296 = arith.mulf %get3A_295, %broadcast_in_dim3A_262 : vector<16xf32>
        %swap3A_297 = arith.index_cast %add3A_266 : i32 to index
        %swap3A_298 = arith.constant 32 : index
        %swap3A_299 = tpu.vector_load %arg24[%swap3A_297, %swap3A_298] {strides = array<i32>} : memref<128x64xf32, #tpu.memory_space<vmem>>, vector<16xf32>,
        tpu.vector_store %arg24[%swap3A_297, %swap3A_298], %mul3A_296 {strides = array<i32>} : memref<128x64xf32, #tpu.memory_space<vmem>>, vector<16xf32>,
        %mul3A_300 = arith.constant 64 : i32
        %mul3A_301 = arith.muli %arg0, %mul3A_300 : i32
        %add3A_302 = arith.constant 48 : i32
        %add3A_303 = arith.addi %mul3A_301, %add3A_302 : i32
        %get3A_304 = arith.index_cast %add3A_266 : i32 to index
        %get3A_305 = arith.index_cast %add3A_303 : i32 to index
        %get3A_306 = tpu.vector_load %arg25[%get3A_304, %get3A_305] {strides = array<i32>} : memref<64x128xf32, #tpu.memory_space<vmem>>, vector<16xf32>,
        %mul3A_307 = arith.mulf %get3A_306, %broadcast_in_dim3A_262 : vector<16xf32>
        %swap3A_308 = arith.index_cast %add3A_266 : i32 to index
        %swap3A_309 = arith.constant 48 : index
        %swap3A_310 = tpu.vector_load %arg24[%swap3A_308, %swap3A_309] {strides = array<i32>} : memref<128x64xf32, #tpu.memory_space<vmem>>, vector<16xf32>,
        tpu.vector_store %arg24[%swap3A_308, %swap3A_309], %mul3A_307 {strides = array<i32>} : memref<128x64xf32, #tpu.memory_space<vmem>>, vector<16xf32>,
        %eq3A_311 = arith.constant 1 : i32
        %eq3A_312 = vector.broadcast %eq3A_311 : i32 to vector<16xi32>
        %eq3A_313 = arith.cmpi eq, %iota3A, %eq3A_312 : vector<16xi32>
        %jit3A_314 = arith.constant 0.000000e+00 : f32
        %broadcast_in_dim3A_315 = vector.broadcast %jit3A_314 : f32 to vector<16xf32>
        %select_n3A_316 = arith.select %eq3A_313, %get3A_255, %broadcast_in_dim3A_315 : vector<16xi1>, vector<16xf32>
        %reduce_sum3A_317 = arith.constant true
        %reduce_sum3A_318 = vector.broadcast %reduce_sum3A_317 : i1 to vector<16xi1>
        %reduce_sum3A_319 = tpu.scan <sum>, %select_n3A_316 masked %reduce_sum3A_318 : vector<16xf32>, vector<16xi1> -> vector<16xf32>
        %reduce_sum3A_320 = vector.extract %reduce_sum3A_319[15] : f32 from vector<16xf32>
        %broadcast_in_dim3A_321 = vector.broadcast %reduce_sum3A_320 : f32 to vector<16xf32>
        %mul3A_322 = arith.constant 16 : i32
        %mul3A_323 = arith.muli %scan3A_248, %mul3A_322 : i32
        %add3A_324 = arith.constant 1 : i32
        %add3A_325 = arith.addi %mul3A_323, %add3A_324 : i32
        %mul3A_326 = arith.constant 64 : i32
        %mul3A_327 = arith.muli %arg0, %mul3A_326 : i32
        %add3A_328 = arith.constant 0 : i32
        %add3A_329 = arith.addi %mul3A_327, %add3A_328 : i32
        %get3A_330 = arith.index_cast %add3A_325 : i32 to index
        %get3A_331 = arith.index_cast %add3A_329 : i32 to index
        %get3A_332 = tpu.vector_load %arg25[%get3A_330, %get3A_331] {strides = array<i32>} : memref<64x128xf32, #tpu.memory_space<vmem>>, vector<16xf32>,
        %mul3A_333 = arith.mulf %get3A_332, %broadcast_in_dim3A_321 : vector<16xf32>
        %swap3A_334 = arith.index_cast %add3A_325 : i32 to index
        %swap3A_335 = arith.constant 0 : index
        %swap3A_336 = tpu.vector_load %arg24[%swap3A_334, %swap3A_335] {strides = array<i32>} : memref<128x64xf32, #tpu.memory_space<vmem>>, vector<16xf32>,
        tpu.vector_store %arg24[%swap3A_334, %swap3A_335], %mul3A_333 {strides = array<i32>} : memref<128x64xf32, #tpu.memory_space<vmem>>, vector<16xf32>,
        %mul3A_337 = arith.constant 64 : i32
        %mul3A_338 = arith.muli %arg0, %mul3A_337 : i32
        %add3A_339 = arith.constant 16 : i32
        %add3A_340 = arith.addi %mul3A_338, %add3A_339 : i32
        %get3A_341 = arith.index_cast %add3A_325 : i32 to index
        %get3A_342 = arith.index_cast %add3A_340 : i32 to index
        %get3A_343 = tpu.vector_load %arg25[%get3A_341, %get3A_342] {strides = array<i32>} : memref<64x128xf32, #tpu.memory_space<vmem>>, vector<16xf32>,
        %mul3A_344 = arith.mulf %get3A_343, %broadcast_in_dim3A_321 : vector<16xf32>
        %swap3A_345 = arith.index_cast %add3A_325 : i32 to index
        %swap3A_346 = arith.constant 16 : index
        %swap3A_347 = tpu.vector_load %arg24[%swap3A_345, %swap3A_346] {strides = array<i32>} : memref<128x64xf32, #tpu.memory_space<vmem>>, vector<16xf32>,
        tpu.vector_store %arg24[%swap3A_345, %swap3A_346], %mul3A_344 {strides = array<i32>} : memref<128x64xf32, #tpu.memory_space<vmem>>, vector<16xf32>,
        %mul3A_348 = arith.constant 64 : i32
        %mul3A_349 = arith.muli %arg0, %mul3A_348 : i32
        %add3A_350 = arith.constant 32 : i32
        %add3A_351 = arith.addi %mul3A_349, %add3A_350 : i32
        %get3A_352 = arith.index_cast %add3A_325 : i32 to index
        %get3A_353 = arith.index_cast %add3A_351 : i32 to index
        %get3A_354 = tpu.vector_load %arg25[%get3A_352, %get3A_353] {strides = array<i32>} : memref<64x128xf32, #tpu.memory_space<vmem>>, vector<16xf32>,
        %mul3A_355 = arith.mulf %get3A_354, %broadcast_in_dim3A_321 : vector<16xf32>
        %swap3A_356 = arith.index_cast %add3A_325 : i32 to index
        %swap3A_357 = arith.constant 32 : index
        %swap3A_358 = tpu.vector_load %arg24[%swap3A_356, %swap3A_357] {strides = array<i32>} : memref<128x64xf32, #tpu.memory_space<vmem>>, vector<16xf32>,
        tpu.vector_store %arg24[%swap3A_356, %swap3A_357], %mul3A_355 {strides = array<i32>} : memref<128x64xf32, #tpu.memory_space<vmem>>, vector<16xf32>,
        %mul3A_359 = arith.constant 64 : i32
        %mul3A_360 = arith.muli %arg0, %mul3A_359 : i32
        %add3A_361 = arith.constant 48 : i32
        %add3A_362 = arith.addi %mul3A_360, %add3A_361 : i32
        %get3A_363 = arith.index_cast %add3A_325 : i32 to index
        %get3A_364 = arith.index_cast %add3A_362 : i32 to index
        %get3A_365 = tpu.vector_load %arg25[%get3A_363, %get3A_364] {strides = array<i32>} : memref<64x128xf32, #tpu.memory_space<vmem>>, vector<16xf32>,
        %mul3A_366 = arith.mulf %get3A_365, %broadcast_in_dim3A_321 : vector<16xf32>
        %swap3A_367 = arith.index_cast %add3A_325 : i32 to index
        %swap3A_368 = arith.constant 48 : index
        %swap3A_369 = tpu.vector_load %arg24[%swap3A_367, %swap3A_368] {strides = array<i32>} : memref<128x64xf32, #tpu.memory_space<vmem>>, vector<16xf32>,
        tpu.vector_store %arg24[%swap3A_367, %swap3A_368], %mul3A_366 {strides = array<i32>} : memref<128x64xf32, #tpu.memory_space<vmem>>, vector<16xf32>,
        %eq3A_370 = arith.constant 2 : i32
        %eq3A_371 = vector.broadcast %eq3A_370 : i32 to vector<16xi32>
        %eq3A_372 = arith.cmpi eq, %iota3A, %eq3A_371 : vector<16xi32>
        %jit3A_373 = arith.constant 0.000000e+00 : f32
        %broadcast_in_dim3A_374 = vector.broadcast %jit3A_373 : f32 to vector<16xf32>
        %select_n3A_375 = arith.select %eq3A_372, %get3A_255, %broadcast_in_dim3A_374 : vector<16xi1>, vector<16xf32>
        %reduce_sum3A_376 = arith.constant true
        %reduce_sum3A_377 = vector.broadcast %reduce_sum3A_376 : i1 to vector<16xi1>
        %reduce_sum3A_378 = tpu.scan <sum>, %select_n3A_375 masked %reduce_sum3A_377 : vector<16xf32>, vector<16xi1> -> vector<16xf32>
        %reduce_sum3A_379 = vector.extract %reduce_sum3A_378[15] : f32 from vector<16xf32>
        %broadcast_in_dim3A_380 = vector.broadcast %reduce_sum3A_379 : f32 to vector<16xf32>
        %mul3A_381 = arith.constant 16 : i32
        %mul3A_382 = arith.muli %scan3A_248, %mul3A_381 : i32
        %add3A_383 = arith.constant 2 : i32
        %add3A_384 = arith.addi %mul3A_382, %add3A_383 : i32
        %mul3A_385 = arith.constant 64 : i32
        %mul3A_386 = arith.muli %arg0, %mul3A_385 : i32
        %add3A_387 = arith.constant 0 : i32
        %add3A_388 = arith.addi %mul3A_386, %add3A_387 : i32
        %get3A_389 = arith.index_cast %add3A_384 : i32 to index
        %get3A_390 = arith.index_cast %add3A_388 : i32 to index
        %get3A_391 = tpu.vector_load %arg25[%get3A_389, %get3A_390] {strides = array<i32>} : memref<64x128xf32, #tpu.memory_space<vmem>>, vector<16xf32>,
        %mul3A_392 = arith.mulf %get3A_391, %broadcast_in_dim3A_380 : vector<16xf32>
        %swap3A_393 = arith.index_cast %add3A_384 : i32 to index
        %swap3A_394 = arith.constant 0 : index
        %swap3A_395 = tpu.vector_load %arg24[%swap3A_393, %swap3A_394] {strides = array<i32>} : memref<128x64xf32, #tpu.memory_space<vmem>>, vector<16xf32>,
        tpu.vector_store %arg24[%swap3A_393, %swap3A_394], %mul3A_392 {strides = array<i32>} : memref<128x64xf32, #tpu.memory_space<vmem>>, vector<16xf32>,
        %mul3A_396 = arith.constant 64 : i32
        %mul3A_397 = arith.muli %arg0, %mul3A_396 : i32
        %add3A_398 = arith.constant 16 : i32
        %add3A_399 = arith.addi %mul3A_397, %add3A_398 : i32
        %get3A_400 = arith.index_cast %add3A_384 : i32 to index
        %get3A_401 = arith.index_cast %add3A_399 : i32 to index
        %get3A_402 = tpu.vector_load %arg25[%get3A_400, %get3A_401] {strides = array<i32>} : memref<64x128xf32, #tpu.memory_space<vmem>>, vector<16xf32>,
        %mul3A_403 = arith.mulf %get3A_402, %broadcast_in_dim3A_380 : vector<16xf32>
        %swap3A_404 = arith.index_cast %add3A_384 : i32 to index
        %swap3A_405 = arith.constant 16 : index
        %swap3A_406 = tpu.vector_load %arg24[%swap3A_404, %swap3A_405] {strides = array<i32>} : memref<128x64xf32, #tpu.memory_space<vmem>>, vector<16xf32>,
        tpu.vector_store %arg24[%swap3A_404, %swap3A_405], %mul3A_403 {strides = array<i32>} : memref<128x64xf32, #tpu.memory_space<vmem>>, vector<16xf32>,
        %mul3A_407 = arith.constant 64 : i32
        %mul3A_408 = arith.muli %arg0, %mul3A_407 : i32
        %add3A_409 = arith.constant 32 : i32
        %add3A_410 = arith.addi %mul3A_408, %add3A_409 : i32
        %get3A_411 = arith.index_cast %add3A_384 : i32 to index
        %get3A_412 = arith.index_cast %add3A_410 : i32 to index
        %get3A_413 = tpu.vector_load %arg25[%get3A_411, %get3A_412] {strides = array<i32>} : memref<64x128xf32, #tpu.memory_space<vmem>>, vector<16xf32>,
        %mul3A_414 = arith.mulf %get3A_413, %broadcast_in_dim3A_380 : vector<16xf32>
        %swap3A_415 = arith.index_cast %add3A_384 : i32 to index
        %swap3A_416 = arith.constant 32 : index
        %swap3A_417 = tpu.vector_load %arg24[%swap3A_415, %swap3A_416] {strides = array<i32>} : memref<128x64xf32, #tpu.memory_space<vmem>>, vector<16xf32>,
        tpu.vector_store %arg24[%swap3A_415, %swap3A_416], %mul3A_414 {strides = array<i32>} : memref<128x64xf32, #tpu.memory_space<vmem>>, vector<16xf32>,
        %mul3A_418 = arith.constant 64 : i32
        %mul3A_419 = arith.muli %arg0, %mul3A_418 : i32
        %add3A_420 = arith.constant 48 : i32
        %add3A_421 = arith.addi %mul3A_419, %add3A_420 : i32
        %get3A_422 = arith.index_cast %add3A_384 : i32 to index
        %get3A_423 = arith.index_cast %add3A_421 : i32 to index
        %get3A_424 = tpu.vector_load %arg25[%get3A_422, %get3A_423] {strides = array<i32>} : memref<64x128xf32, #tpu.memory_space<vmem>>, vector<16xf32>,
        %mul3A_425 = arith.mulf %get3A_424, %broadcast_in_dim3A_380 : vector<16xf32>
        %swap3A_426 = arith.index_cast %add3A_384 : i32 to index
        %swap3A_427 = arith.constant 48 : index
        %swap3A_428 = tpu.vector_load %arg24[%swap3A_426, %swap3A_427] {strides = array<i32>} : memref<128x64xf32, #tpu.memory_space<vmem>>, vector<16xf32>,
        tpu.vector_store %arg24[%swap3A_426, %swap3A_427], %mul3A_425 {strides = array<i32>} : memref<128x64xf32, #tpu.memory_space<vmem>>, vector<16xf32>,
        %eq3A_429 = arith.constant 3 : i32
        %eq3A_430 = vector.broadcast %eq3A_429 : i32 to vector<16xi32>
        %eq3A_431 = arith.cmpi eq, %iota3A, %eq3A_430 : vector<16xi32>
        %jit3A_432 = arith.constant 0.000000e+00 : f32
        %broadcast_in_dim3A_433 = vector.broadcast %jit3A_432 : f32 to vector<16xf32>
        %select_n3A_434 = arith.select %eq3A_431, %get3A_255, %broadcast_in_dim3A_433 : vector<16xi1>, vector<16xf32>
        %reduce_sum3A_435 = arith.constant true
        %reduce_sum3A_436 = vector.broadcast %reduce_sum3A_435 : i1 to vector<16xi1>
        %reduce_sum3A_437 = tpu.scan <sum>, %select_n3A_434 masked %reduce_sum3A_436 : vector<16xf32>, vector<16xi1> -> vector<16xf32>
        %reduce_sum3A_438 = vector.extract %reduce_sum3A_437[15] : f32 from vector<16xf32>
        %broadcast_in_dim3A_439 = vector.broadcast %reduce_sum3A_438 : f32 to vector<16xf32>
        %mul3A_440 = arith.constant 16 : i32
        %mul3A_441 = arith.muli %scan3A_248, %mul3A_440 : i32
        %add3A_442 = arith.constant 3 : i32
        %add3A_443 = arith.addi %mul3A_441, %add3A_442 : i32
        %mul3A_444 = arith.constant 64 : i32
        %mul3A_445 = arith.muli %arg0, %mul3A_444 : i32
        %add3A_446 = arith.constant 0 : i32
        %add3A_447 = arith.addi %mul3A_445, %add3A_446 : i32
        %get3A_448 = arith.index_cast %add3A_443 : i32 to index
        %get3A_449 = arith.index_cast %add3A_447 : i32 to index
        %get3A_450 = tpu.vector_load %arg25[%get3A_448, %get3A_449] {strides = array<i32>} : memref<64x128xf32, #tpu.memory_space<vmem>>, vector<16xf32>,
        %mul3A_451 = arith.mulf %get3A_450, %broadcast_in_dim3A_439 : vector<16xf32>
        %swap3A_452 = arith.index_cast %add3A_443 : i32 to index
        %swap3A_453 = arith.constant 0 : index
        %swap3A_454 = tpu.vector_load %arg24[%swap3A_452, %swap3A_453] {strides = array<i32>} : memref<128x64xf32, #tpu.memory_space<vmem>>, vector<16xf32>,
        tpu.vector_store %arg24[%swap3A_452, %swap3A_453], %mul3A_451 {strides = array<i32>} : memref<128x64xf32, #tpu.memory_space<vmem>>, vector<16xf32>,
        %mul3A_455 = arith.constant 64 : i32
        %mul3A_456 = arith.muli %arg0, %mul3A_455 : i32
        %add3A_457 = arith.constant 16 : i32
        %add3A_458 = arith.addi %mul3A_456, %add3A_457 : i32
        %get3A_459 = arith.index_cast %add3A_443 : i32 to index
        %get3A_460 = arith.index_cast %add3A_458 : i32 to index
        %get3A_461 = tpu.vector_load %arg25[%get3A_459, %get3A_460] {strides = array<i32>} : memref<64x128xf32, #tpu.memory_space<vmem>>, vector<16xf32>,
        %mul3A_462 = arith.mulf %get3A_461, %broadcast_in_dim3A_439 : vector<16xf32>
        %swap3A_463 = arith.index_cast %add3A_443 : i32 to index
        %swap3A_464 = arith.constant 16 : index
        %swap3A_465 = tpu.vector_load %arg24[%swap3A_463, %swap3A_464] {strides = array<i32>} : memref<128x64xf32, #tpu.memory_space<vmem>>, vector<16xf32>,
        tpu.vector_store %arg24[%swap3A_463, %swap3A_464], %mul3A_462 {strides = array<i32>} : memref<128x64xf32, #tpu.memory_space<vmem>>, vector<16xf32>,
        %mul3A_466 = arith.constant 64 : i32
        %mul3A_467 = arith.muli %arg0, %mul3A_466 : i32
        %add3A_468 = arith.constant 32 : i32
        %add3A_469 = arith.addi %mul3A_467, %add3A_468 : i32
        %get3A_470 = arith.index_cast %add3A_443 : i32 to index
        %get3A_471 = arith.index_cast %add3A_469 : i32 to index
        %get3A_472 = tpu.vector_load %arg25[%get3A_470, %get3A_471] {strides = array<i32>} : memref<64x128xf32, #tpu.memory_space<vmem>>, vector<16xf32>,
        %mul3A_473 = arith.mulf %get3A_472, %broadcast_in_dim3A_439 : vector<16xf32>
        %swap3A_474 = arith.index_cast %add3A_443 : i32 to index
        %swap3A_475 = arith.constant 32 : index
        %swap3A_476 = tpu.vector_load %arg24[%swap3A_474, %swap3A_475] {strides = array<i32>} : memref<128x64xf32, #tpu.memory_space<vmem>>, vector<16xf32>,
        tpu.vector_store %arg24[%swap3A_474, %swap3A_475], %mul3A_473 {strides = array<i32>} : memref<128x64xf32, #tpu.memory_space<vmem>>, vector<16xf32>,
        %mul3A_477 = arith.constant 64 : i32
        %mul3A_478 = arith.muli %arg0, %mul3A_477 : i32
        %add3A_479 = arith.constant 48 : i32
        %add3A_480 = arith.addi %mul3A_478, %add3A_479 : i32
        %get3A_481 = arith.index_cast %add3A_443 : i32 to index
        %get3A_482 = arith.index_cast %add3A_480 : i32 to index
        %get3A_483 = tpu.vector_load %arg25[%get3A_481, %get3A_482] {strides = array<i32>} : memref<64x128xf32, #tpu.memory_space<vmem>>, vector<16xf32>,
        %mul3A_484 = arith.mulf %get3A_483, %broadcast_in_dim3A_439 : vector<16xf32>
        %swap3A_485 = arith.index_cast %add3A_443 : i32 to index
        %swap3A_486 = arith.constant 48 : index
        %swap3A_487 = tpu.vector_load %arg24[%swap3A_485, %swap3A_486] {strides = array<i32>} : memref<128x64xf32, #tpu.memory_space<vmem>>, vector<16xf32>,
        tpu.vector_store %arg24[%swap3A_485, %swap3A_486], %mul3A_484 {strides = array<i32>} : memref<128x64xf32, #tpu.memory_space<vmem>>, vector<16xf32>,
        %eq3A_488 = arith.constant 4 : i32
        %eq3A_489 = vector.broadcast %eq3A_488 : i32 to vector<16xi32>
        %eq3A_490 = arith.cmpi eq, %iota3A, %eq3A_489 : vector<16xi32>
        %jit3A_491 = arith.constant 0.000000e+00 : f32
        %broadcast_in_dim3A_492 = vector.broadcast %jit3A_491 : f32 to vector<16xf32>
        %select_n3A_493 = arith.select %eq3A_490, %get3A_255, %broadcast_in_dim3A_492 : vector<16xi1>, vector<16xf32>
        %reduce_sum3A_494 = arith.constant true
        %reduce_sum3A_495 = vector.broadcast %reduce_sum3A_494 : i1 to vector<16xi1>
        %reduce_sum3A_496 = tpu.scan <sum>, %select_n3A_493 masked %reduce_sum3A_495 : vector<16xf32>, vector<16xi1> -> vector<16xf32>
        %reduce_sum3A_497 = vector.extract %reduce_sum3A_496[15] : f32 from vector<16xf32>
        %broadcast_in_dim3A_498 = vector.broadcast %reduce_sum3A_497 : f32 to vector<16xf32>
        %mul3A_499 = arith.constant 16 : i32
        %mul3A_500 = arith.muli %scan3A_248, %mul3A_499 : i32
        %add3A_501 = arith.constant 4 : i32
        %add3A_502 = arith.addi %mul3A_500, %add3A_501 : i32
        %mul3A_503 = arith.constant 64 : i32
        %mul3A_504 = arith.muli %arg0, %mul3A_503 : i32
        %add3A_505 = arith.constant 0 : i32
        %add3A_506 = arith.addi %mul3A_504, %add3A_505 : i32
        %get3A_507 = arith.index_cast %add3A_502 : i32 to index
        %get3A_508 = arith.index_cast %add3A_506 : i32 to index
        %get3A_509 = tpu.vector_load %arg25[%get3A_507, %get3A_508] {strides = array<i32>} : memref<64x128xf32, #tpu.memory_space<vmem>>, vector<16xf32>,
        %mul3A_510 = arith.mulf %get3A_509, %broadcast_in_dim3A_498 : vector<16xf32>
        %swap3A_511 = arith.index_cast %add3A_502 : i32 to index
        %swap3A_512 = arith.constant 0 : index
        %swap3A_513 = tpu.vector_load %arg24[%swap3A_511, %swap3A_512] {strides = array<i32>} : memref<128x64xf32, #tpu.memory_space<vmem>>, vector<16xf32>,
        tpu.vector_store %arg24[%swap3A_511, %swap3A_512], %mul3A_510 {strides = array<i32>} : memref<128x64xf32, #tpu.memory_space<vmem>>, vector<16xf32>,
        %mul3A_514 = arith.constant 64 : i32
        %mul3A_515 = arith.muli %arg0, %mul3A_514 : i32
        %add3A_516 = arith.constant 16 : i32
        %add3A_517 = arith.addi %mul3A_515, %add3A_516 : i32
        %get3A_518 = arith.index_cast %add3A_502 : i32 to index
        %get3A_519 = arith.index_cast %add3A_517 : i32 to index
        %get3A_520 = tpu.vector_load %arg25[%get3A_518, %get3A_519] {strides = array<i32>} : memref<64x128xf32, #tpu.memory_space<vmem>>, vector<16xf32>,
        %mul3A_521 = arith.mulf %get3A_520, %broadcast_in_dim3A_498 : vector<16xf32>
        %swap3A_522 = arith.index_cast %add3A_502 : i32 to index
        %swap3A_523 = arith.constant 16 : index
        %swap3A_524 = tpu.vector_load %arg24[%swap3A_522, %swap3A_523] {strides = array<i32>} : memref<128x64xf32, #tpu.memory_space<vmem>>, vector<16xf32>,
        tpu.vector_store %arg24[%swap3A_522, %swap3A_523], %mul3A_521 {strides = array<i32>} : memref<128x64xf32, #tpu.memory_space<vmem>>, vector<16xf32>,
        %mul3A_525 = arith.constant 64 : i32
        %mul3A_526 = arith.muli %arg0, %mul3A_525 : i32
        %add3A_527 = arith.constant 32 : i32
        %add3A_528 = arith.addi %mul3A_526, %add3A_527 : i32
        %get3A_529 = arith.index_cast %add3A_502 : i32 to index
        %get3A_530 = arith.index_cast %add3A_528 : i32 to index
        %get3A_531 = tpu.vector_load %arg25[%get3A_529, %get3A_530] {strides = array<i32>} : memref<64x128xf32, #tpu.memory_space<vmem>>, vector<16xf32>,
        %mul3A_532 = arith.mulf %get3A_531, %broadcast_in_dim3A_498 : vector<16xf32>
        %swap3A_533 = arith.index_cast %add3A_502 : i32 to index
        %swap3A_534 = arith.constant 32 : index
        %swap3A_535 = tpu.vector_load %arg24[%swap3A_533, %swap3A_534] {strides = array<i32>} : memref<128x64xf32, #tpu.memory_space<vmem>>, vector<16xf32>,
        tpu.vector_store %arg24[%swap3A_533, %swap3A_534], %mul3A_532 {strides = array<i32>} : memref<128x64xf32, #tpu.memory_space<vmem>>, vector<16xf32>,
        %mul3A_536 = arith.constant 64 : i32
        %mul3A_537 = arith.muli %arg0, %mul3A_536 : i32
        %add3A_538 = arith.constant 48 : i32
        %add3A_539 = arith.addi %mul3A_537, %add3A_538 : i32
        %get3A_540 = arith.index_cast %add3A_502 : i32 to index
        %get3A_541 = arith.index_cast %add3A_539 : i32 to index
        %get3A_542 = tpu.vector_load %arg25[%get3A_540, %get3A_541] {strides = array<i32>} : memref<64x128xf32, #tpu.memory_space<vmem>>, vector<16xf32>,
        %mul3A_543 = arith.mulf %get3A_542, %broadcast_in_dim3A_498 : vector<16xf32>
        %swap3A_544 = arith.index_cast %add3A_502 : i32 to index
        %swap3A_545 = arith.constant 48 : index
        %swap3A_546 = tpu.vector_load %arg24[%swap3A_544, %swap3A_545] {strides = array<i32>} : memref<128x64xf32, #tpu.memory_space<vmem>>, vector<16xf32>,
        tpu.vector_store %arg24[%swap3A_544, %swap3A_545], %mul3A_543 {strides = array<i32>} : memref<128x64xf32, #tpu.memory_space<vmem>>, vector<16xf32>,
        %eq3A_547 = arith.constant 5 : i32
        %eq3A_548 = vector.broadcast %eq3A_547 : i32 to vector<16xi32>
        %eq3A_549 = arith.cmpi eq, %iota3A, %eq3A_548 : vector<16xi32>
        %jit3A_550 = arith.constant 0.000000e+00 : f32
        %broadcast_in_dim3A_551 = vector.broadcast %jit3A_550 : f32 to vector<16xf32>
        %select_n3A_552 = arith.select %eq3A_549, %get3A_255, %broadcast_in_dim3A_551 : vector<16xi1>, vector<16xf32>
        %reduce_sum3A_553 = arith.constant true
        %reduce_sum3A_554 = vector.broadcast %reduce_sum3A_553 : i1 to vector<16xi1>
        %reduce_sum3A_555 = tpu.scan <sum>, %select_n3A_552 masked %reduce_sum3A_554 : vector<16xf32>, vector<16xi1> -> vector<16xf32>
        %reduce_sum3A_556 = vector.extract %reduce_sum3A_555[15] : f32 from vector<16xf32>
        %broadcast_in_dim3A_557 = vector.broadcast %reduce_sum3A_556 : f32 to vector<16xf32>
        %mul3A_558 = arith.constant 16 : i32
        %mul3A_559 = arith.muli %scan3A_248, %mul3A_558 : i32
        %add3A_560 = arith.constant 5 : i32
        %add3A_561 = arith.addi %mul3A_559, %add3A_560 : i32
        %mul3A_562 = arith.constant 64 : i32
        %mul3A_563 = arith.muli %arg0, %mul3A_562 : i32
        %add3A_564 = arith.constant 0 : i32
        %add3A_565 = arith.addi %mul3A_563, %add3A_564 : i32
        %get3A_566 = arith.index_cast %add3A_561 : i32 to index
        %get3A_567 = arith.index_cast %add3A_565 : i32 to index
        %get3A_568 = tpu.vector_load %arg25[%get3A_566, %get3A_567] {strides = array<i32>} : memref<64x128xf32, #tpu.memory_space<vmem>>, vector<16xf32>,
        %mul3A_569 = arith.mulf %get3A_568, %broadcast_in_dim3A_557 : vector<16xf32>
        %swap3A_570 = arith.index_cast %add3A_561 : i32 to index
        %swap3A_571 = arith.constant 0 : index
        %swap3A_572 = tpu.vector_load %arg24[%swap3A_570, %swap3A_571] {strides = array<i32>} : memref<128x64xf32, #tpu.memory_space<vmem>>, vector<16xf32>,
        tpu.vector_store %arg24[%swap3A_570, %swap3A_571], %mul3A_569 {strides = array<i32>} : memref<128x64xf32, #tpu.memory_space<vmem>>, vector<16xf32>,
        %mul3A_573 = arith.constant 64 : i32
        %mul3A_574 = arith.muli %arg0, %mul3A_573 : i32
        %add3A_575 = arith.constant 16 : i32
        %add3A_576 = arith.addi %mul3A_574, %add3A_575 : i32
        %get3A_577 = arith.index_cast %add3A_561 : i32 to index
        %get3A_578 = arith.index_cast %add3A_576 : i32 to index
        %get3A_579 = tpu.vector_load %arg25[%get3A_577, %get3A_578] {strides = array<i32>} : memref<64x128xf32, #tpu.memory_space<vmem>>, vector<16xf32>,
        %mul3A_580 = arith.mulf %get3A_579, %broadcast_in_dim3A_557 : vector<16xf32>
        %swap3A_581 = arith.index_cast %add3A_561 : i32 to index
        %swap3A_582 = arith.constant 16 : index
        %swap3A_583 = tpu.vector_load %arg24[%swap3A_581, %swap3A_582] {strides = array<i32>} : memref<128x64xf32, #tpu.memory_space<vmem>>, vector<16xf32>,
        tpu.vector_store %arg24[%swap3A_581, %swap3A_582], %mul3A_580 {strides = array<i32>} : memref<128x64xf32, #tpu.memory_space<vmem>>, vector<16xf32>,
        %mul3A_584 = arith.constant 64 : i32
        %mul3A_585 = arith.muli %arg0, %mul3A_584 : i32
        %add3A_586 = arith.constant 32 : i32
        %add3A_587 = arith.addi %mul3A_585, %add3A_586 : i32
        %get3A_588 = arith.index_cast %add3A_561 : i32 to index
        %get3A_589 = arith.index_cast %add3A_587 : i32 to index
        %get3A_590 = tpu.vector_load %arg25[%get3A_588, %get3A_589] {strides = array<i32>} : memref<64x128xf32, #tpu.memory_space<vmem>>, vector<16xf32>,
        %mul3A_591 = arith.mulf %get3A_590, %broadcast_in_dim3A_557 : vector<16xf32>
        %swap3A_592 = arith.index_cast %add3A_561 : i32 to index
        %swap3A_593 = arith.constant 32 : index
        %swap3A_594 = tpu.vector_load %arg24[%swap3A_592, %swap3A_593] {strides = array<i32>} : memref<128x64xf32, #tpu.memory_space<vmem>>, vector<16xf32>,
        tpu.vector_store %arg24[%swap3A_592, %swap3A_593], %mul3A_591 {strides = array<i32>} : memref<128x64xf32, #tpu.memory_space<vmem>>, vector<16xf32>,
        %mul3A_595 = arith.constant 64 : i32
        %mul3A_596 = arith.muli %arg0, %mul3A_595 : i32
        %add3A_597 = arith.constant 48 : i32
        %add3A_598 = arith.addi %mul3A_596, %add3A_597 : i32
        %get3A_599 = arith.index_cast %add3A_561 : i32 to index
        %get3A_600 = arith.index_cast %add3A_598 : i32 to index
        %get3A_601 = tpu.vector_load %arg25[%get3A_599, %get3A_600] {strides = array<i32>} : memref<64x128xf32, #tpu.memory_space<vmem>>, vector<16xf32>,
        %mul3A_602 = arith.mulf %get3A_601, %broadcast_in_dim3A_557 : vector<16xf32>
        %swap3A_603 = arith.index_cast %add3A_561 : i32 to index
        %swap3A_604 = arith.constant 48 : index
        %swap3A_605 = tpu.vector_load %arg24[%swap3A_603, %swap3A_604] {strides = array<i32>} : memref<128x64xf32, #tpu.memory_space<vmem>>, vector<16xf32>,
        tpu.vector_store %arg24[%swap3A_603, %swap3A_604], %mul3A_602 {strides = array<i32>} : memref<128x64xf32, #tpu.memory_space<vmem>>, vector<16xf32>,
        %eq3A_606 = arith.constant 6 : i32
        %eq3A_607 = vector.broadcast %eq3A_606 : i32 to vector<16xi32>
        %eq3A_608 = arith.cmpi eq, %iota3A, %eq3A_607 : vector<16xi32>
        %jit3A_609 = arith.constant 0.000000e+00 : f32
        %broadcast_in_dim3A_610 = vector.broadcast %jit3A_609 : f32 to vector<16xf32>
        %select_n3A_611 = arith.select %eq3A_608, %get3A_255, %broadcast_in_dim3A_610 : vector<16xi1>, vector<16xf32>
        %reduce_sum3A_612 = arith.constant true
        %reduce_sum3A_613 = vector.broadcast %reduce_sum3A_612 : i1 to vector<16xi1>
        %reduce_sum3A_614 = tpu.scan <sum>, %select_n3A_611 masked %reduce_sum3A_613 : vector<16xf32>, vector<16xi1> -> vector<16xf32>
        %reduce_sum3A_615 = vector.extract %reduce_sum3A_614[15] : f32 from vector<16xf32>
        %broadcast_in_dim3A_616 = vector.broadcast %reduce_sum3A_615 : f32 to vector<16xf32>
        %mul3A_617 = arith.constant 16 : i32
        %mul3A_618 = arith.muli %scan3A_248, %mul3A_617 : i32
        %add3A_619 = arith.constant 6 : i32
        %add3A_620 = arith.addi %mul3A_618, %add3A_619 : i32
        %mul3A_621 = arith.constant 64 : i32
        %mul3A_622 = arith.muli %arg0, %mul3A_621 : i32
        %add3A_623 = arith.constant 0 : i32
        %add3A_624 = arith.addi %mul3A_622, %add3A_623 : i32
        %get3A_625 = arith.index_cast %add3A_620 : i32 to index
        %get3A_626 = arith.index_cast %add3A_624 : i32 to index
        %get3A_627 = tpu.vector_load %arg25[%get3A_625, %get3A_626] {strides = array<i32>} : memref<64x128xf32, #tpu.memory_space<vmem>>, vector<16xf32>,
        %mul3A_628 = arith.mulf %get3A_627, %broadcast_in_dim3A_616 : vector<16xf32>
        %swap3A_629 = arith.index_cast %add3A_620 : i32 to index
        %swap3A_630 = arith.constant 0 : index
        %swap3A_631 = tpu.vector_load %arg24[%swap3A_629, %swap3A_630] {strides = array<i32>} : memref<128x64xf32, #tpu.memory_space<vmem>>, vector<16xf32>,
        tpu.vector_store %arg24[%swap3A_629, %swap3A_630], %mul3A_628 {strides = array<i32>} : memref<128x64xf32, #tpu.memory_space<vmem>>, vector<16xf32>,
        %mul3A_632 = arith.constant 64 : i32
        %mul3A_633 = arith.muli %arg0, %mul3A_632 : i32
        %add3A_634 = arith.constant 16 : i32
        %add3A_635 = arith.addi %mul3A_633, %add3A_634 : i32
        %get3A_636 = arith.index_cast %add3A_620 : i32 to index
        %get3A_637 = arith.index_cast %add3A_635 : i32 to index
        %get3A_638 = tpu.vector_load %arg25[%get3A_636, %get3A_637] {strides = array<i32>} : memref<64x128xf32, #tpu.memory_space<vmem>>, vector<16xf32>,
        %mul3A_639 = arith.mulf %get3A_638, %broadcast_in_dim3A_616 : vector<16xf32>
        %swap3A_640 = arith.index_cast %add3A_620 : i32 to index
        %swap3A_641 = arith.constant 16 : index
        %swap3A_642 = tpu.vector_load %arg24[%swap3A_640, %swap3A_641] {strides = array<i32>} : memref<128x64xf32, #tpu.memory_space<vmem>>, vector<16xf32>,
        tpu.vector_store %arg24[%swap3A_640, %swap3A_641], %mul3A_639 {strides = array<i32>} : memref<128x64xf32, #tpu.memory_space<vmem>>, vector<16xf32>,
        %mul3A_643 = arith.constant 64 : i32
        %mul3A_644 = arith.muli %arg0, %mul3A_643 : i32
        %add3A_645 = arith.constant 32 : i32
        %add3A_646 = arith.addi %mul3A_644, %add3A_645 : i32
        %get3A_647 = arith.index_cast %add3A_620 : i32 to index
        %get3A_648 = arith.index_cast %add3A_646 : i32 to index
        %get3A_649 = tpu.vector_load %arg25[%get3A_647, %get3A_648] {strides = array<i32>} : memref<64x128xf32, #tpu.memory_space<vmem>>, vector<16xf32>,
        %mul3A_650 = arith.mulf %get3A_649, %broadcast_in_dim3A_616 : vector<16xf32>
        %swap3A_651 = arith.index_cast %add3A_620 : i32 to index
        %swap3A_652 = arith.constant 32 : index
        %swap3A_653 = tpu.vector_load %arg24[%swap3A_651, %swap3A_652] {strides = array<i32>} : memref<128x64xf32, #tpu.memory_space<vmem>>, vector<16xf32>,
        tpu.vector_store %arg24[%swap3A_651, %swap3A_652], %mul3A_650 {strides = array<i32>} : memref<128x64xf32, #tpu.memory_space<vmem>>, vector<16xf32>,
        %mul3A_654 = arith.constant 64 : i32
        %mul3A_655 = arith.muli %arg0, %mul3A_654 : i32
        %add3A_656 = arith.constant 48 : i32
        %add3A_657 = arith.addi %mul3A_655, %add3A_656 : i32
        %get3A_658 = arith.index_cast %add3A_620 : i32 to index
        %get3A_659 = arith.index_cast %add3A_657 : i32 to index
        %get3A_660 = tpu.vector_load %arg25[%get3A_658, %get3A_659] {strides = array<i32>} : memref<64x128xf32, #tpu.memory_space<vmem>>, vector<16xf32>,
        %mul3A_661 = arith.mulf %get3A_660, %broadcast_in_dim3A_616 : vector<16xf32>
        %swap3A_662 = arith.index_cast %add3A_620 : i32 to index
        %swap3A_663 = arith.constant 48 : index
        %swap3A_664 = tpu.vector_load %arg24[%swap3A_662, %swap3A_663] {strides = array<i32>} : memref<128x64xf32, #tpu.memory_space<vmem>>, vector<16xf32>,
        tpu.vector_store %arg24[%swap3A_662, %swap3A_663], %mul3A_661 {strides = array<i32>} : memref<128x64xf32, #tpu.memory_space<vmem>>, vector<16xf32>,
        %eq3A_665 = arith.constant 7 : i32
        %eq3A_666 = vector.broadcast %eq3A_665 : i32 to vector<16xi32>
        %eq3A_667 = arith.cmpi eq, %iota3A, %eq3A_666 : vector<16xi32>
        %jit3A_668 = arith.constant 0.000000e+00 : f32
        %broadcast_in_dim3A_669 = vector.broadcast %jit3A_668 : f32 to vector<16xf32>
        %select_n3A_670 = arith.select %eq3A_667, %get3A_255, %broadcast_in_dim3A_669 : vector<16xi1>, vector<16xf32>
        %reduce_sum3A_671 = arith.constant true
        %reduce_sum3A_672 = vector.broadcast %reduce_sum3A_671 : i1 to vector<16xi1>
        %reduce_sum3A_673 = tpu.scan <sum>, %select_n3A_670 masked %reduce_sum3A_672 : vector<16xf32>, vector<16xi1> -> vector<16xf32>
        %reduce_sum3A_674 = vector.extract %reduce_sum3A_673[15] : f32 from vector<16xf32>
        %broadcast_in_dim3A_675 = vector.broadcast %reduce_sum3A_674 : f32 to vector<16xf32>
        %mul3A_676 = arith.constant 16 : i32
        %mul3A_677 = arith.muli %scan3A_248, %mul3A_676 : i32
        %add3A_678 = arith.constant 7 : i32
        %add3A_679 = arith.addi %mul3A_677, %add3A_678 : i32
        %mul3A_680 = arith.constant 64 : i32
        %mul3A_681 = arith.muli %arg0, %mul3A_680 : i32
        %add3A_682 = arith.constant 0 : i32
        %add3A_683 = arith.addi %mul3A_681, %add3A_682 : i32
        %get3A_684 = arith.index_cast %add3A_679 : i32 to index
        %get3A_685 = arith.index_cast %add3A_683 : i32 to index
        %get3A_686 = tpu.vector_load %arg25[%get3A_684, %get3A_685] {strides = array<i32>} : memref<64x128xf32, #tpu.memory_space<vmem>>, vector<16xf32>,
        %mul3A_687 = arith.mulf %get3A_686, %broadcast_in_dim3A_675 : vector<16xf32>
        %swap3A_688 = arith.index_cast %add3A_679 : i32 to index
        %swap3A_689 = arith.constant 0 : index
        %swap3A_690 = tpu.vector_load %arg24[%swap3A_688, %swap3A_689] {strides = array<i32>} : memref<128x64xf32, #tpu.memory_space<vmem>>, vector<16xf32>,
        tpu.vector_store %arg24[%swap3A_688, %swap3A_689], %mul3A_687 {strides = array<i32>} : memref<128x64xf32, #tpu.memory_space<vmem>>, vector<16xf32>,
        %mul3A_691 = arith.constant 64 : i32
        %mul3A_692 = arith.muli %arg0, %mul3A_691 : i32
        %add3A_693 = arith.constant 16 : i32
        %add3A_694 = arith.addi %mul3A_692, %add3A_693 : i32
        %get3A_695 = arith.index_cast %add3A_679 : i32 to index
        %get3A_696 = arith.index_cast %add3A_694 : i32 to index
        %get3A_697 = tpu.vector_load %arg25[%get3A_695, %get3A_696] {strides = array<i32>} : memref<64x128xf32, #tpu.memory_space<vmem>>, vector<16xf32>,
        %mul3A_698 = arith.mulf %get3A_697, %broadcast_in_dim3A_675 : vector<16xf32>
        %swap3A_699 = arith.index_cast %add3A_679 : i32 to index
        %swap3A_700 = arith.constant 16 : index
        %swap3A_701 = tpu.vector_load %arg24[%swap3A_699, %swap3A_700] {strides = array<i32>} : memref<128x64xf32, #tpu.memory_space<vmem>>, vector<16xf32>,
        tpu.vector_store %arg24[%swap3A_699, %swap3A_700], %mul3A_698 {strides = array<i32>} : memref<128x64xf32, #tpu.memory_space<vmem>>, vector<16xf32>,
        %mul3A_702 = arith.constant 64 : i32
        %mul3A_703 = arith.muli %arg0, %mul3A_702 : i32
        %add3A_704 = arith.constant 32 : i32
        %add3A_705 = arith.addi %mul3A_703, %add3A_704 : i32
        %get3A_706 = arith.index_cast %add3A_679 : i32 to index
        %get3A_707 = arith.index_cast %add3A_705 : i32 to index
        %get3A_708 = tpu.vector_load %arg25[%get3A_706, %get3A_707] {strides = array<i32>} : memref<64x128xf32, #tpu.memory_space<vmem>>, vector<16xf32>,
        %mul3A_709 = arith.mulf %get3A_708, %broadcast_in_dim3A_675 : vector<16xf32>
        %swap3A_710 = arith.index_cast %add3A_679 : i32 to index
        %swap3A_711 = arith.constant 32 : index
        %swap3A_712 = tpu.vector_load %arg24[%swap3A_710, %swap3A_711] {strides = array<i32>} : memref<128x64xf32, #tpu.memory_space<vmem>>, vector<16xf32>,
        tpu.vector_store %arg24[%swap3A_710, %swap3A_711], %mul3A_709 {strides = array<i32>} : memref<128x64xf32, #tpu.memory_space<vmem>>, vector<16xf32>,
        %mul3A_713 = arith.constant 64 : i32
        %mul3A_714 = arith.muli %arg0, %mul3A_713 : i32
        %add3A_715 = arith.constant 48 : i32
        %add3A_716 = arith.addi %mul3A_714, %add3A_715 : i32
        %get3A_717 = arith.index_cast %add3A_679 : i32 to index
        %get3A_718 = arith.index_cast %add3A_716 : i32 to index
        %get3A_719 = tpu.vector_load %arg25[%get3A_717, %get3A_718] {strides = array<i32>} : memref<64x128xf32, #tpu.memory_space<vmem>>, vector<16xf32>,
        %mul3A_720 = arith.mulf %get3A_719, %broadcast_in_dim3A_675 : vector<16xf32>
        %swap3A_721 = arith.index_cast %add3A_679 : i32 to index
        %swap3A_722 = arith.constant 48 : index
        %swap3A_723 = tpu.vector_load %arg24[%swap3A_721, %swap3A_722] {strides = array<i32>} : memref<128x64xf32, #tpu.memory_space<vmem>>, vector<16xf32>,
        tpu.vector_store %arg24[%swap3A_721, %swap3A_722], %mul3A_720 {strides = array<i32>} : memref<128x64xf32, #tpu.memory_space<vmem>>, vector<16xf32>,
        %eq3A_724 = arith.constant 8 : i32
        %eq3A_725 = vector.broadcast %eq3A_724 : i32 to vector<16xi32>
        %eq3A_726 = arith.cmpi eq, %iota3A, %eq3A_725 : vector<16xi32>
        %jit3A_727 = arith.constant 0.000000e+00 : f32
        %broadcast_in_dim3A_728 = vector.broadcast %jit3A_727 : f32 to vector<16xf32>
        %select_n3A_729 = arith.select %eq3A_726, %get3A_255, %broadcast_in_dim3A_728 : vector<16xi1>, vector<16xf32>
        %reduce_sum3A_730 = arith.constant true
        %reduce_sum3A_731 = vector.broadcast %reduce_sum3A_730 : i1 to vector<16xi1>
        %reduce_sum3A_732 = tpu.scan <sum>, %select_n3A_729 masked %reduce_sum3A_731 : vector<16xf32>, vector<16xi1> -> vector<16xf32>
        %reduce_sum3A_733 = vector.extract %reduce_sum3A_732[15] : f32 from vector<16xf32>
        %broadcast_in_dim3A_734 = vector.broadcast %reduce_sum3A_733 : f32 to vector<16xf32>
        %mul3A_735 = arith.constant 16 : i32
        %mul3A_736 = arith.muli %scan3A_248, %mul3A_735 : i32
        %add3A_737 = arith.constant 8 : i32
        %add3A_738 = arith.addi %mul3A_736, %add3A_737 : i32
        %mul3A_739 = arith.constant 64 : i32
        %mul3A_740 = arith.muli %arg0, %mul3A_739 : i32
        %add3A_741 = arith.constant 0 : i32
        %add3A_742 = arith.addi %mul3A_740, %add3A_741 : i32
        %get3A_743 = arith.index_cast %add3A_738 : i32 to index
        %get3A_744 = arith.index_cast %add3A_742 : i32 to index
        %get3A_745 = tpu.vector_load %arg25[%get3A_743, %get3A_744] {strides = array<i32>} : memref<64x128xf32, #tpu.memory_space<vmem>>, vector<16xf32>,
        %mul3A_746 = arith.mulf %get3A_745, %broadcast_in_dim3A_734 : vector<16xf32>
        %swap3A_747 = arith.index_cast %add3A_738 : i32 to index
        %swap3A_748 = arith.constant 0 : index
        %swap3A_749 = tpu.vector_load %arg24[%swap3A_747, %swap3A_748] {strides = array<i32>} : memref<128x64xf32, #tpu.memory_space<vmem>>, vector<16xf32>,
        tpu.vector_store %arg24[%swap3A_747, %swap3A_748], %mul3A_746 {strides = array<i32>} : memref<128x64xf32, #tpu.memory_space<vmem>>, vector<16xf32>,
        %mul3A_750 = arith.constant 64 : i32
        %mul3A_751 = arith.muli %arg0, %mul3A_750 : i32
        %add3A_752 = arith.constant 16 : i32
        %add3A_753 = arith.addi %mul3A_751, %add3A_752 : i32
        %get3A_754 = arith.index_cast %add3A_738 : i32 to index
        %get3A_755 = arith.index_cast %add3A_753 : i32 to index
        %get3A_756 = tpu.vector_load %arg25[%get3A_754, %get3A_755] {strides = array<i32>} : memref<64x128xf32, #tpu.memory_space<vmem>>, vector<16xf32>,
        %mul3A_757 = arith.mulf %get3A_756, %broadcast_in_dim3A_734 : vector<16xf32>
        %swap3A_758 = arith.index_cast %add3A_738 : i32 to index
        %swap3A_759 = arith.constant 16 : index
        %swap3A_760 = tpu.vector_load %arg24[%swap3A_758, %swap3A_759] {strides = array<i32>} : memref<128x64xf32, #tpu.memory_space<vmem>>, vector<16xf32>,
        tpu.vector_store %arg24[%swap3A_758, %swap3A_759], %mul3A_757 {strides = array<i32>} : memref<128x64xf32, #tpu.memory_space<vmem>>, vector<16xf32>,
        %mul3A_761 = arith.constant 64 : i32
        %mul3A_762 = arith.muli %arg0, %mul3A_761 : i32
        %add3A_763 = arith.constant 32 : i32
        %add3A_764 = arith.addi %mul3A_762, %add3A_763 : i32
        %get3A_765 = arith.index_cast %add3A_738 : i32 to index
        %get3A_766 = arith.index_cast %add3A_764 : i32 to index
        %get3A_767 = tpu.vector_load %arg25[%get3A_765, %get3A_766] {strides = array<i32>} : memref<64x128xf32, #tpu.memory_space<vmem>>, vector<16xf32>,
        %mul3A_768 = arith.mulf %get3A_767, %broadcast_in_dim3A_734 : vector<16xf32>
        %swap3A_769 = arith.index_cast %add3A_738 : i32 to index
        %swap3A_770 = arith.constant 32 : index
        %swap3A_771 = tpu.vector_load %arg24[%swap3A_769, %swap3A_770] {strides = array<i32>} : memref<128x64xf32, #tpu.memory_space<vmem>>, vector<16xf32>,
        tpu.vector_store %arg24[%swap3A_769, %swap3A_770], %mul3A_768 {strides = array<i32>} : memref<128x64xf32, #tpu.memory_space<vmem>>, vector<16xf32>,
        %mul3A_772 = arith.constant 64 : i32
        %mul3A_773 = arith.muli %arg0, %mul3A_772 : i32
        %add3A_774 = arith.constant 48 : i32
        %add3A_775 = arith.addi %mul3A_773, %add3A_774 : i32
        %get3A_776 = arith.index_cast %add3A_738 : i32 to index
        %get3A_777 = arith.index_cast %add3A_775 : i32 to index
        %get3A_778 = tpu.vector_load %arg25[%get3A_776, %get3A_777] {strides = array<i32>} : memref<64x128xf32, #tpu.memory_space<vmem>>, vector<16xf32>,
        %mul3A_779 = arith.mulf %get3A_778, %broadcast_in_dim3A_734 : vector<16xf32>
        %swap3A_780 = arith.index_cast %add3A_738 : i32 to index
        %swap3A_781 = arith.constant 48 : index
        %swap3A_782 = tpu.vector_load %arg24[%swap3A_780, %swap3A_781] {strides = array<i32>} : memref<128x64xf32, #tpu.memory_space<vmem>>, vector<16xf32>,
        tpu.vector_store %arg24[%swap3A_780, %swap3A_781], %mul3A_779 {strides = array<i32>} : memref<128x64xf32, #tpu.memory_space<vmem>>, vector<16xf32>,
        %eq3A_783 = arith.constant 9 : i32
        %eq3A_784 = vector.broadcast %eq3A_783 : i32 to vector<16xi32>
        %eq3A_785 = arith.cmpi eq, %iota3A, %eq3A_784 : vector<16xi32>
        %jit3A_786 = arith.constant 0.000000e+00 : f32
        %broadcast_in_dim3A_787 = vector.broadcast %jit3A_786 : f32 to vector<16xf32>
        %select_n3A_788 = arith.select %eq3A_785, %get3A_255, %broadcast_in_dim3A_787 : vector<16xi1>, vector<16xf32>
        %reduce_sum3A_789 = arith.constant true
        %reduce_sum3A_790 = vector.broadcast %reduce_sum3A_789 : i1 to vector<16xi1>
        %reduce_sum3A_791 = tpu.scan <sum>, %select_n3A_788 masked %reduce_sum3A_790 : vector<16xf32>, vector<16xi1> -> vector<16xf32>
        %reduce_sum3A_792 = vector.extract %reduce_sum3A_791[15] : f32 from vector<16xf32>
        %broadcast_in_dim3A_793 = vector.broadcast %reduce_sum3A_792 : f32 to vector<16xf32>
        %mul3A_794 = arith.constant 16 : i32
        %mul3A_795 = arith.muli %scan3A_248, %mul3A_794 : i32
        %add3A_796 = arith.constant 9 : i32
        %add3A_797 = arith.addi %mul3A_795, %add3A_796 : i32
        %mul3A_798 = arith.constant 64 : i32
        %mul3A_799 = arith.muli %arg0, %mul3A_798 : i32
        %add3A_800 = arith.constant 0 : i32
        %add3A_801 = arith.addi %mul3A_799, %add3A_800 : i32
        %get3A_802 = arith.index_cast %add3A_797 : i32 to index
        %get3A_803 = arith.index_cast %add3A_801 : i32 to index
        %get3A_804 = tpu.vector_load %arg25[%get3A_802, %get3A_803] {strides = array<i32>} : memref<64x128xf32, #tpu.memory_space<vmem>>, vector<16xf32>,
        %mul3A_805 = arith.mulf %get3A_804, %broadcast_in_dim3A_793 : vector<16xf32>
        %swap3A_806 = arith.index_cast %add3A_797 : i32 to index
        %swap3A_807 = arith.constant 0 : index
        %swap3A_808 = tpu.vector_load %arg24[%swap3A_806, %swap3A_807] {strides = array<i32>} : memref<128x64xf32, #tpu.memory_space<vmem>>, vector<16xf32>,
        tpu.vector_store %arg24[%swap3A_806, %swap3A_807], %mul3A_805 {strides = array<i32>} : memref<128x64xf32, #tpu.memory_space<vmem>>, vector<16xf32>,
        %mul3A_809 = arith.constant 64 : i32
        %mul3A_810 = arith.muli %arg0, %mul3A_809 : i32
        %add3A_811 = arith.constant 16 : i32
        %add3A_812 = arith.addi %mul3A_810, %add3A_811 : i32
        %get3A_813 = arith.index_cast %add3A_797 : i32 to index
        %get3A_814 = arith.index_cast %add3A_812 : i32 to index
        %get3A_815 = tpu.vector_load %arg25[%get3A_813, %get3A_814] {strides = array<i32>} : memref<64x128xf32, #tpu.memory_space<vmem>>, vector<16xf32>,
        %mul3A_816 = arith.mulf %get3A_815, %broadcast_in_dim3A_793 : vector<16xf32>
        %swap3A_817 = arith.index_cast %add3A_797 : i32 to index
        %swap3A_818 = arith.constant 16 : index
        %swap3A_819 = tpu.vector_load %arg24[%swap3A_817, %swap3A_818] {strides = array<i32>} : memref<128x64xf32, #tpu.memory_space<vmem>>, vector<16xf32>,
        tpu.vector_store %arg24[%swap3A_817, %swap3A_818], %mul3A_816 {strides = array<i32>} : memref<128x64xf32, #tpu.memory_space<vmem>>, vector<16xf32>,
        %mul3A_820 = arith.constant 64 : i32
        %mul3A_821 = arith.muli %arg0, %mul3A_820 : i32
        %add3A_822 = arith.constant 32 : i32
        %add3A_823 = arith.addi %mul3A_821, %add3A_822 : i32
        %get3A_824 = arith.index_cast %add3A_797 : i32 to index
        %get3A_825 = arith.index_cast %add3A_823 : i32 to index
        %get3A_826 = tpu.vector_load %arg25[%get3A_824, %get3A_825] {strides = array<i32>} : memref<64x128xf32, #tpu.memory_space<vmem>>, vector<16xf32>,
        %mul3A_827 = arith.mulf %get3A_826, %broadcast_in_dim3A_793 : vector<16xf32>
        %swap3A_828 = arith.index_cast %add3A_797 : i32 to index
        %swap3A_829 = arith.constant 32 : index
        %swap3A_830 = tpu.vector_load %arg24[%swap3A_828, %swap3A_829] {strides = array<i32>} : memref<128x64xf32, #tpu.memory_space<vmem>>, vector<16xf32>,
        tpu.vector_store %arg24[%swap3A_828, %swap3A_829], %mul3A_827 {strides = array<i32>} : memref<128x64xf32, #tpu.memory_space<vmem>>, vector<16xf32>,
        %mul3A_831 = arith.constant 64 : i32
        %mul3A_832 = arith.muli %arg0, %mul3A_831 : i32
        %add3A_833 = arith.constant 48 : i32
        %add3A_834 = arith.addi %mul3A_832, %add3A_833 : i32
        %get3A_835 = arith.index_cast %add3A_797 : i32 to index
        %get3A_836 = arith.index_cast %add3A_834 : i32 to index
        %get3A_837 = tpu.vector_load %arg25[%get3A_835, %get3A_836] {strides = array<i32>} : memref<64x128xf32, #tpu.memory_space<vmem>>, vector<16xf32>,
        %mul3A_838 = arith.mulf %get3A_837, %broadcast_in_dim3A_793 : vector<16xf32>
        %swap3A_839 = arith.index_cast %add3A_797 : i32 to index
        %swap3A_840 = arith.constant 48 : index
        %swap3A_841 = tpu.vector_load %arg24[%swap3A_839, %swap3A_840] {strides = array<i32>} : memref<128x64xf32, #tpu.memory_space<vmem>>, vector<16xf32>,
        tpu.vector_store %arg24[%swap3A_839, %swap3A_840], %mul3A_838 {strides = array<i32>} : memref<128x64xf32, #tpu.memory_space<vmem>>, vector<16xf32>,
        %eq3A_842 = arith.constant 10 : i32
        %eq3A_843 = vector.broadcast %eq3A_842 : i32 to vector<16xi32>
        %eq3A_844 = arith.cmpi eq, %iota3A, %eq3A_843 : vector<16xi32>
        %jit3A_845 = arith.constant 0.000000e+00 : f32
        %broadcast_in_dim3A_846 = vector.broadcast %jit3A_845 : f32 to vector<16xf32>
        %select_n3A_847 = arith.select %eq3A_844, %get3A_255, %broadcast_in_dim3A_846 : vector<16xi1>, vector<16xf32>
        %reduce_sum3A_848 = arith.constant true
        %reduce_sum3A_849 = vector.broadcast %reduce_sum3A_848 : i1 to vector<16xi1>
        %reduce_sum3A_850 = tpu.scan <sum>, %select_n3A_847 masked %reduce_sum3A_849 : vector<16xf32>, vector<16xi1> -> vector<16xf32>
        %reduce_sum3A_851 = vector.extract %reduce_sum3A_850[15] : f32 from vector<16xf32>
        %broadcast_in_dim3A_852 = vector.broadcast %reduce_sum3A_851 : f32 to vector<16xf32>
        %mul3A_853 = arith.constant 16 : i32
        %mul3A_854 = arith.muli %scan3A_248, %mul3A_853 : i32
        %add3A_855 = arith.constant 10 : i32
        %add3A_856 = arith.addi %mul3A_854, %add3A_855 : i32
        %mul3A_857 = arith.constant 64 : i32
        %mul3A_858 = arith.muli %arg0, %mul3A_857 : i32
        %add3A_859 = arith.constant 0 : i32
        %add3A_860 = arith.addi %mul3A_858, %add3A_859 : i32
        %get3A_861 = arith.index_cast %add3A_856 : i32 to index
        %get3A_862 = arith.index_cast %add3A_860 : i32 to index
        %get3A_863 = tpu.vector_load %arg25[%get3A_861, %get3A_862] {strides = array<i32>} : memref<64x128xf32, #tpu.memory_space<vmem>>, vector<16xf32>,
        %mul3A_864 = arith.mulf %get3A_863, %broadcast_in_dim3A_852 : vector<16xf32>
        %swap3A_865 = arith.index_cast %add3A_856 : i32 to index
        %swap3A_866 = arith.constant 0 : index
        %swap3A_867 = tpu.vector_load %arg24[%swap3A_865, %swap3A_866] {strides = array<i32>} : memref<128x64xf32, #tpu.memory_space<vmem>>, vector<16xf32>,
        tpu.vector_store %arg24[%swap3A_865, %swap3A_866], %mul3A_864 {strides = array<i32>} : memref<128x64xf32, #tpu.memory_space<vmem>>, vector<16xf32>,
        %mul3A_868 = arith.constant 64 : i32
        %mul3A_869 = arith.muli %arg0, %mul3A_868 : i32
        %add3A_870 = arith.constant 16 : i32
        %add3A_871 = arith.addi %mul3A_869, %add3A_870 : i32
        %get3A_872 = arith.index_cast %add3A_856 : i32 to index
        %get3A_873 = arith.index_cast %add3A_871 : i32 to index
        %get3A_874 = tpu.vector_load %arg25[%get3A_872, %get3A_873] {strides = array<i32>} : memref<64x128xf32, #tpu.memory_space<vmem>>, vector<16xf32>,
        %mul3A_875 = arith.mulf %get3A_874, %broadcast_in_dim3A_852 : vector<16xf32>
        %swap3A_876 = arith.index_cast %add3A_856 : i32 to index
        %swap3A_877 = arith.constant 16 : index
        %swap3A_878 = tpu.vector_load %arg24[%swap3A_876, %swap3A_877] {strides = array<i32>} : memref<128x64xf32, #tpu.memory_space<vmem>>, vector<16xf32>,
        tpu.vector_store %arg24[%swap3A_876, %swap3A_877], %mul3A_875 {strides = array<i32>} : memref<128x64xf32, #tpu.memory_space<vmem>>, vector<16xf32>,
        %mul3A_879 = arith.constant 64 : i32
        %mul3A_880 = arith.muli %arg0, %mul3A_879 : i32
        %add3A_881 = arith.constant 32 : i32
        %add3A_882 = arith.addi %mul3A_880, %add3A_881 : i32
        %get3A_883 = arith.index_cast %add3A_856 : i32 to index
        %get3A_884 = arith.index_cast %add3A_882 : i32 to index
        %get3A_885 = tpu.vector_load %arg25[%get3A_883, %get3A_884] {strides = array<i32>} : memref<64x128xf32, #tpu.memory_space<vmem>>, vector<16xf32>,
        %mul3A_886 = arith.mulf %get3A_885, %broadcast_in_dim3A_852 : vector<16xf32>
        %swap3A_887 = arith.index_cast %add3A_856 : i32 to index
        %swap3A_888 = arith.constant 32 : index
        %swap3A_889 = tpu.vector_load %arg24[%swap3A_887, %swap3A_888] {strides = array<i32>} : memref<128x64xf32, #tpu.memory_space<vmem>>, vector<16xf32>,
        tpu.vector_store %arg24[%swap3A_887, %swap3A_888], %mul3A_886 {strides = array<i32>} : memref<128x64xf32, #tpu.memory_space<vmem>>, vector<16xf32>,
        %mul3A_890 = arith.constant 64 : i32
        %mul3A_891 = arith.muli %arg0, %mul3A_890 : i32
        %add3A_892 = arith.constant 48 : i32
        %add3A_893 = arith.addi %mul3A_891, %add3A_892 : i32
        %get3A_894 = arith.index_cast %add3A_856 : i32 to index
        %get3A_895 = arith.index_cast %add3A_893 : i32 to index
        %get3A_896 = tpu.vector_load %arg25[%get3A_894, %get3A_895] {strides = array<i32>} : memref<64x128xf32, #tpu.memory_space<vmem>>, vector<16xf32>,
        %mul3A_897 = arith.mulf %get3A_896, %broadcast_in_dim3A_852 : vector<16xf32>
        %swap3A_898 = arith.index_cast %add3A_856 : i32 to index
        %swap3A_899 = arith.constant 48 : index
        %swap3A_900 = tpu.vector_load %arg24[%swap3A_898, %swap3A_899] {strides = array<i32>} : memref<128x64xf32, #tpu.memory_space<vmem>>, vector<16xf32>,
        tpu.vector_store %arg24[%swap3A_898, %swap3A_899], %mul3A_897 {strides = array<i32>} : memref<128x64xf32, #tpu.memory_space<vmem>>, vector<16xf32>,
        %eq3A_901 = arith.constant 11 : i32
        %eq3A_902 = vector.broadcast %eq3A_901 : i32 to vector<16xi32>
        %eq3A_903 = arith.cmpi eq, %iota3A, %eq3A_902 : vector<16xi32>
        %jit3A_904 = arith.constant 0.000000e+00 : f32
        %broadcast_in_dim3A_905 = vector.broadcast %jit3A_904 : f32 to vector<16xf32>
        %select_n3A_906 = arith.select %eq3A_903, %get3A_255, %broadcast_in_dim3A_905 : vector<16xi1>, vector<16xf32>
        %reduce_sum3A_907 = arith.constant true
        %reduce_sum3A_908 = vector.broadcast %reduce_sum3A_907 : i1 to vector<16xi1>
        %reduce_sum3A_909 = tpu.scan <sum>, %select_n3A_906 masked %reduce_sum3A_908 : vector<16xf32>, vector<16xi1> -> vector<16xf32>
        %reduce_sum3A_910 = vector.extract %reduce_sum3A_909[15] : f32 from vector<16xf32>
        %broadcast_in_dim3A_911 = vector.broadcast %reduce_sum3A_910 : f32 to vector<16xf32>
        %mul3A_912 = arith.constant 16 : i32
        %mul3A_913 = arith.muli %scan3A_248, %mul3A_912 : i32
        %add3A_914 = arith.constant 11 : i32
        %add3A_915 = arith.addi %mul3A_913, %add3A_914 : i32
        %mul3A_916 = arith.constant 64 : i32
        %mul3A_917 = arith.muli %arg0, %mul3A_916 : i32
        %add3A_918 = arith.constant 0 : i32
        %add3A_919 = arith.addi %mul3A_917, %add3A_918 : i32
        %get3A_920 = arith.index_cast %add3A_915 : i32 to index
        %get3A_921 = arith.index_cast %add3A_919 : i32 to index
        %get3A_922 = tpu.vector_load %arg25[%get3A_920, %get3A_921] {strides = array<i32>} : memref<64x128xf32, #tpu.memory_space<vmem>>, vector<16xf32>,
        %mul3A_923 = arith.mulf %get3A_922, %broadcast_in_dim3A_911 : vector<16xf32>
        %swap3A_924 = arith.index_cast %add3A_915 : i32 to index
        %swap3A_925 = arith.constant 0 : index
        %swap3A_926 = tpu.vector_load %arg24[%swap3A_924, %swap3A_925] {strides = array<i32>} : memref<128x64xf32, #tpu.memory_space<vmem>>, vector<16xf32>,
        tpu.vector_store %arg24[%swap3A_924, %swap3A_925], %mul3A_923 {strides = array<i32>} : memref<128x64xf32, #tpu.memory_space<vmem>>, vector<16xf32>,
        %mul3A_927 = arith.constant 64 : i32
        %mul3A_928 = arith.muli %arg0, %mul3A_927 : i32
        %add3A_929 = arith.constant 16 : i32
        %add3A_930 = arith.addi %mul3A_928, %add3A_929 : i32
        %get3A_931 = arith.index_cast %add3A_915 : i32 to index
        %get3A_932 = arith.index_cast %add3A_930 : i32 to index
        %get3A_933 = tpu.vector_load %arg25[%get3A_931, %get3A_932] {strides = array<i32>} : memref<64x128xf32, #tpu.memory_space<vmem>>, vector<16xf32>,
        %mul3A_934 = arith.mulf %get3A_933, %broadcast_in_dim3A_911 : vector<16xf32>
        %swap3A_935 = arith.index_cast %add3A_915 : i32 to index
        %swap3A_936 = arith.constant 16 : index
        %swap3A_937 = tpu.vector_load %arg24[%swap3A_935, %swap3A_936] {strides = array<i32>} : memref<128x64xf32, #tpu.memory_space<vmem>>, vector<16xf32>,
        tpu.vector_store %arg24[%swap3A_935, %swap3A_936], %mul3A_934 {strides = array<i32>} : memref<128x64xf32, #tpu.memory_space<vmem>>, vector<16xf32>,
        %mul3A_938 = arith.constant 64 : i32
        %mul3A_939 = arith.muli %arg0, %mul3A_938 : i32
        %add3A_940 = arith.constant 32 : i32
        %add3A_941 = arith.addi %mul3A_939, %add3A_940 : i32
        %get3A_942 = arith.index_cast %add3A_915 : i32 to index
        %get3A_943 = arith.index_cast %add3A_941 : i32 to index
        %get3A_944 = tpu.vector_load %arg25[%get3A_942, %get3A_943] {strides = array<i32>} : memref<64x128xf32, #tpu.memory_space<vmem>>, vector<16xf32>,
        %mul3A_945 = arith.mulf %get3A_944, %broadcast_in_dim3A_911 : vector<16xf32>
        %swap3A_946 = arith.index_cast %add3A_915 : i32 to index
        %swap3A_947 = arith.constant 32 : index
        %swap3A_948 = tpu.vector_load %arg24[%swap3A_946, %swap3A_947] {strides = array<i32>} : memref<128x64xf32, #tpu.memory_space<vmem>>, vector<16xf32>,
        tpu.vector_store %arg24[%swap3A_946, %swap3A_947], %mul3A_945 {strides = array<i32>} : memref<128x64xf32, #tpu.memory_space<vmem>>, vector<16xf32>,
        %mul3A_949 = arith.constant 64 : i32
        %mul3A_950 = arith.muli %arg0, %mul3A_949 : i32
        %add3A_951 = arith.constant 48 : i32
        %add3A_952 = arith.addi %mul3A_950, %add3A_951 : i32
        %get3A_953 = arith.index_cast %add3A_915 : i32 to index
        %get3A_954 = arith.index_cast %add3A_952 : i32 to index
        %get3A_955 = tpu.vector_load %arg25[%get3A_953, %get3A_954] {strides = array<i32>} : memref<64x128xf32, #tpu.memory_space<vmem>>, vector<16xf32>,
        %mul3A_956 = arith.mulf %get3A_955, %broadcast_in_dim3A_911 : vector<16xf32>
        %swap3A_957 = arith.index_cast %add3A_915 : i32 to index
        %swap3A_958 = arith.constant 48 : index
        %swap3A_959 = tpu.vector_load %arg24[%swap3A_957, %swap3A_958] {strides = array<i32>} : memref<128x64xf32, #tpu.memory_space<vmem>>, vector<16xf32>,
        tpu.vector_store %arg24[%swap3A_957, %swap3A_958], %mul3A_956 {strides = array<i32>} : memref<128x64xf32, #tpu.memory_space<vmem>>, vector<16xf32>,
        %eq3A_960 = arith.constant 12 : i32
        %eq3A_961 = vector.broadcast %eq3A_960 : i32 to vector<16xi32>
        %eq3A_962 = arith.cmpi eq, %iota3A, %eq3A_961 : vector<16xi32>
        %jit3A_963 = arith.constant 0.000000e+00 : f32
        %broadcast_in_dim3A_964 = vector.broadcast %jit3A_963 : f32 to vector<16xf32>
        %select_n3A_965 = arith.select %eq3A_962, %get3A_255, %broadcast_in_dim3A_964 : vector<16xi1>, vector<16xf32>
        %reduce_sum3A_966 = arith.constant true
        %reduce_sum3A_967 = vector.broadcast %reduce_sum3A_966 : i1 to vector<16xi1>
        %reduce_sum3A_968 = tpu.scan <sum>, %select_n3A_965 masked %reduce_sum3A_967 : vector<16xf32>, vector<16xi1> -> vector<16xf32>
        %reduce_sum3A_969 = vector.extract %reduce_sum3A_968[15] : f32 from vector<16xf32>
        %broadcast_in_dim3A_970 = vector.broadcast %reduce_sum3A_969 : f32 to vector<16xf32>
        %mul3A_971 = arith.constant 16 : i32
        %mul3A_972 = arith.muli %scan3A_248, %mul3A_971 : i32
        %add3A_973 = arith.constant 12 : i32
        %add3A_974 = arith.addi %mul3A_972, %add3A_973 : i32
        %mul3A_975 = arith.constant 64 : i32
        %mul3A_976 = arith.muli %arg0, %mul3A_975 : i32
        %add3A_977 = arith.constant 0 : i32
        %add3A_978 = arith.addi %mul3A_976, %add3A_977 : i32
        %get3A_979 = arith.index_cast %add3A_974 : i32 to index
        %get3A_980 = arith.index_cast %add3A_978 : i32 to index
        %get3A_981 = tpu.vector_load %arg25[%get3A_979, %get3A_980] {strides = array<i32>} : memref<64x128xf32, #tpu.memory_space<vmem>>, vector<16xf32>,
        %mul3A_982 = arith.mulf %get3A_981, %broadcast_in_dim3A_970 : vector<16xf32>
        %swap3A_983 = arith.index_cast %add3A_974 : i32 to index
        %swap3A_984 = arith.constant 0 : index
        %swap3A_985 = tpu.vector_load %arg24[%swap3A_983, %swap3A_984] {strides = array<i32>} : memref<128x64xf32, #tpu.memory_space<vmem>>, vector<16xf32>,
        tpu.vector_store %arg24[%swap3A_983, %swap3A_984], %mul3A_982 {strides = array<i32>} : memref<128x64xf32, #tpu.memory_space<vmem>>, vector<16xf32>,
        %mul3A_986 = arith.constant 64 : i32
        %mul3A_987 = arith.muli %arg0, %mul3A_986 : i32
        %add3A_988 = arith.constant 16 : i32
        %add3A_989 = arith.addi %mul3A_987, %add3A_988 : i32
        %get3A_990 = arith.index_cast %add3A_974 : i32 to index
        %get3A_991 = arith.index_cast %add3A_989 : i32 to index
        %get3A_992 = tpu.vector_load %arg25[%get3A_990, %get3A_991] {strides = array<i32>} : memref<64x128xf32, #tpu.memory_space<vmem>>, vector<16xf32>,
        %mul3A_993 = arith.mulf %get3A_992, %broadcast_in_dim3A_970 : vector<16xf32>
        %swap3A_994 = arith.index_cast %add3A_974 : i32 to index
        %swap3A_995 = arith.constant 16 : index
        %swap3A_996 = tpu.vector_load %arg24[%swap3A_994, %swap3A_995] {strides = array<i32>} : memref<128x64xf32, #tpu.memory_space<vmem>>, vector<16xf32>,
        tpu.vector_store %arg24[%swap3A_994, %swap3A_995], %mul3A_993 {strides = array<i32>} : memref<128x64xf32, #tpu.memory_space<vmem>>, vector<16xf32>,
        %mul3A_997 = arith.constant 64 : i32
        %mul3A_998 = arith.muli %arg0, %mul3A_997 : i32
        %add3A_999 = arith.constant 32 : i32
        %add3A_1000 = arith.addi %mul3A_998, %add3A_999 : i32
        %get3A_1001 = arith.index_cast %add3A_974 : i32 to index
        %get3A_1002 = arith.index_cast %add3A_1000 : i32 to index
        %get3A_1003 = tpu.vector_load %arg25[%get3A_1001, %get3A_1002] {strides = array<i32>} : memref<64x128xf32, #tpu.memory_space<vmem>>, vector<16xf32>,
        %mul3A_1004 = arith.mulf %get3A_1003, %broadcast_in_dim3A_970 : vector<16xf32>
        %swap3A_1005 = arith.index_cast %add3A_974 : i32 to index
        %swap3A_1006 = arith.constant 32 : index
        %swap3A_1007 = tpu.vector_load %arg24[%swap3A_1005, %swap3A_1006] {strides = array<i32>} : memref<128x64xf32, #tpu.memory_space<vmem>>, vector<16xf32>,
        tpu.vector_store %arg24[%swap3A_1005, %swap3A_1006], %mul3A_1004 {strides = array<i32>} : memref<128x64xf32, #tpu.memory_space<vmem>>, vector<16xf32>,
        %mul3A_1008 = arith.constant 64 : i32
        %mul3A_1009 = arith.muli %arg0, %mul3A_1008 : i32
        %add3A_1010 = arith.constant 48 : i32
        %add3A_1011 = arith.addi %mul3A_1009, %add3A_1010 : i32
        %get3A_1012 = arith.index_cast %add3A_974 : i32 to index
        %get3A_1013 = arith.index_cast %add3A_1011 : i32 to index
        %get3A_1014 = tpu.vector_load %arg25[%get3A_1012, %get3A_1013] {strides = array<i32>} : memref<64x128xf32, #tpu.memory_space<vmem>>, vector<16xf32>,
        %mul3A_1015 = arith.mulf %get3A_1014, %broadcast_in_dim3A_970 : vector<16xf32>
        %swap3A_1016 = arith.index_cast %add3A_974 : i32 to index
        %swap3A_1017 = arith.constant 48 : index
        %swap3A_1018 = tpu.vector_load %arg24[%swap3A_1016, %swap3A_1017] {strides = array<i32>} : memref<128x64xf32, #tpu.memory_space<vmem>>, vector<16xf32>,
        tpu.vector_store %arg24[%swap3A_1016, %swap3A_1017], %mul3A_1015 {strides = array<i32>} : memref<128x64xf32, #tpu.memory_space<vmem>>, vector<16xf32>,
        %eq3A_1019 = arith.constant 13 : i32
        %eq3A_1020 = vector.broadcast %eq3A_1019 : i32 to vector<16xi32>
        %eq3A_1021 = arith.cmpi eq, %iota3A, %eq3A_1020 : vector<16xi32>
        %jit3A_1022 = arith.constant 0.000000e+00 : f32
        %broadcast_in_dim3A_1023 = vector.broadcast %jit3A_1022 : f32 to vector<16xf32>
        %select_n3A_1024 = arith.select %eq3A_1021, %get3A_255, %broadcast_in_dim3A_1023 : vector<16xi1>, vector<16xf32>
        %reduce_sum3A_1025 = arith.constant true
        %reduce_sum3A_1026 = vector.broadcast %reduce_sum3A_1025 : i1 to vector<16xi1>
        %reduce_sum3A_1027 = tpu.scan <sum>, %select_n3A_1024 masked %reduce_sum3A_1026 : vector<16xf32>, vector<16xi1> -> vector<16xf32>
        %reduce_sum3A_1028 = vector.extract %reduce_sum3A_1027[15] : f32 from vector<16xf32>
        %broadcast_in_dim3A_1029 = vector.broadcast %reduce_sum3A_1028 : f32 to vector<16xf32>
        %mul3A_1030 = arith.constant 16 : i32
        %mul3A_1031 = arith.muli %scan3A_248, %mul3A_1030 : i32
        %add3A_1032 = arith.constant 13 : i32
        %add3A_1033 = arith.addi %mul3A_1031, %add3A_1032 : i32
        %mul3A_1034 = arith.constant 64 : i32
        %mul3A_1035 = arith.muli %arg0, %mul3A_1034 : i32
        %add3A_1036 = arith.constant 0 : i32
        %add3A_1037 = arith.addi %mul3A_1035, %add3A_1036 : i32
        %get3A_1038 = arith.index_cast %add3A_1033 : i32 to index
        %get3A_1039 = arith.index_cast %add3A_1037 : i32 to index
        %get3A_1040 = tpu.vector_load %arg25[%get3A_1038, %get3A_1039] {strides = array<i32>} : memref<64x128xf32, #tpu.memory_space<vmem>>, vector<16xf32>,
        %mul3A_1041 = arith.mulf %get3A_1040, %broadcast_in_dim3A_1029 : vector<16xf32>
        %swap3A_1042 = arith.index_cast %add3A_1033 : i32 to index
        %swap3A_1043 = arith.constant 0 : index
        %swap3A_1044 = tpu.vector_load %arg24[%swap3A_1042, %swap3A_1043] {strides = array<i32>} : memref<128x64xf32, #tpu.memory_space<vmem>>, vector<16xf32>,
        tpu.vector_store %arg24[%swap3A_1042, %swap3A_1043], %mul3A_1041 {strides = array<i32>} : memref<128x64xf32, #tpu.memory_space<vmem>>, vector<16xf32>,
        %mul3A_1045 = arith.constant 64 : i32
        %mul3A_1046 = arith.muli %arg0, %mul3A_1045 : i32
        %add3A_1047 = arith.constant 16 : i32
        %add3A_1048 = arith.addi %mul3A_1046, %add3A_1047 : i32
        %get3A_1049 = arith.index_cast %add3A_1033 : i32 to index
        %get3A_1050 = arith.index_cast %add3A_1048 : i32 to index
        %get3A_1051 = tpu.vector_load %arg25[%get3A_1049, %get3A_1050] {strides = array<i32>} : memref<64x128xf32, #tpu.memory_space<vmem>>, vector<16xf32>,
        %mul3A_1052 = arith.mulf %get3A_1051, %broadcast_in_dim3A_1029 : vector<16xf32>
        %swap3A_1053 = arith.index_cast %add3A_1033 : i32 to index
        %swap3A_1054 = arith.constant 16 : index
        %swap3A_1055 = tpu.vector_load %arg24[%swap3A_1053, %swap3A_1054] {strides = array<i32>} : memref<128x64xf32, #tpu.memory_space<vmem>>, vector<16xf32>,
        tpu.vector_store %arg24[%swap3A_1053, %swap3A_1054], %mul3A_1052 {strides = array<i32>} : memref<128x64xf32, #tpu.memory_space<vmem>>, vector<16xf32>,
        %mul3A_1056 = arith.constant 64 : i32
        %mul3A_1057 = arith.muli %arg0, %mul3A_1056 : i32
        %add3A_1058 = arith.constant 32 : i32
        %add3A_1059 = arith.addi %mul3A_1057, %add3A_1058 : i32
        %get3A_1060 = arith.index_cast %add3A_1033 : i32 to index
        %get3A_1061 = arith.index_cast %add3A_1059 : i32 to index
        %get3A_1062 = tpu.vector_load %arg25[%get3A_1060, %get3A_1061] {strides = array<i32>} : memref<64x128xf32, #tpu.memory_space<vmem>>, vector<16xf32>,
        %mul3A_1063 = arith.mulf %get3A_1062, %broadcast_in_dim3A_1029 : vector<16xf32>
        %swap3A_1064 = arith.index_cast %add3A_1033 : i32 to index
        %swap3A_1065 = arith.constant 32 : index
        %swap3A_1066 = tpu.vector_load %arg24[%swap3A_1064, %swap3A_1065] {strides = array<i32>} : memref<128x64xf32, #tpu.memory_space<vmem>>, vector<16xf32>,
        tpu.vector_store %arg24[%swap3A_1064, %swap3A_1065], %mul3A_1063 {strides = array<i32>} : memref<128x64xf32, #tpu.memory_space<vmem>>, vector<16xf32>,
        %mul3A_1067 = arith.constant 64 : i32
        %mul3A_1068 = arith.muli %arg0, %mul3A_1067 : i32
        %add3A_1069 = arith.constant 48 : i32
        %add3A_1070 = arith.addi %mul3A_1068, %add3A_1069 : i32
        %get3A_1071 = arith.index_cast %add3A_1033 : i32 to index
        %get3A_1072 = arith.index_cast %add3A_1070 : i32 to index
        %get3A_1073 = tpu.vector_load %arg25[%get3A_1071, %get3A_1072] {strides = array<i32>} : memref<64x128xf32, #tpu.memory_space<vmem>>, vector<16xf32>,
        %mul3A_1074 = arith.mulf %get3A_1073, %broadcast_in_dim3A_1029 : vector<16xf32>
        %swap3A_1075 = arith.index_cast %add3A_1033 : i32 to index
        %swap3A_1076 = arith.constant 48 : index
        %swap3A_1077 = tpu.vector_load %arg24[%swap3A_1075, %swap3A_1076] {strides = array<i32>} : memref<128x64xf32, #tpu.memory_space<vmem>>, vector<16xf32>,
        tpu.vector_store %arg24[%swap3A_1075, %swap3A_1076], %mul3A_1074 {strides = array<i32>} : memref<128x64xf32, #tpu.memory_space<vmem>>, vector<16xf32>,
        %eq3A_1078 = arith.constant 14 : i32
        %eq3A_1079 = vector.broadcast %eq3A_1078 : i32 to vector<16xi32>
        %eq3A_1080 = arith.cmpi eq, %iota3A, %eq3A_1079 : vector<16xi32>
        %jit3A_1081 = arith.constant 0.000000e+00 : f32
        %broadcast_in_dim3A_1082 = vector.broadcast %jit3A_1081 : f32 to vector<16xf32>
        %select_n3A_1083 = arith.select %eq3A_1080, %get3A_255, %broadcast_in_dim3A_1082 : vector<16xi1>, vector<16xf32>
        %reduce_sum3A_1084 = arith.constant true
        %reduce_sum3A_1085 = vector.broadcast %reduce_sum3A_1084 : i1 to vector<16xi1>
        %reduce_sum3A_1086 = tpu.scan <sum>, %select_n3A_1083 masked %reduce_sum3A_1085 : vector<16xf32>, vector<16xi1> -> vector<16xf32>
        %reduce_sum3A_1087 = vector.extract %reduce_sum3A_1086[15] : f32 from vector<16xf32>
        %broadcast_in_dim3A_1088 = vector.broadcast %reduce_sum3A_1087 : f32 to vector<16xf32>
        %mul3A_1089 = arith.constant 16 : i32
        %mul3A_1090 = arith.muli %scan3A_248, %mul3A_1089 : i32
        %add3A_1091 = arith.constant 14 : i32
        %add3A_1092 = arith.addi %mul3A_1090, %add3A_1091 : i32
        %mul3A_1093 = arith.constant 64 : i32
        %mul3A_1094 = arith.muli %arg0, %mul3A_1093 : i32
        %add3A_1095 = arith.constant 0 : i32
        %add3A_1096 = arith.addi %mul3A_1094, %add3A_1095 : i32
        %get3A_1097 = arith.index_cast %add3A_1092 : i32 to index
        %get3A_1098 = arith.index_cast %add3A_1096 : i32 to index
        %get3A_1099 = tpu.vector_load %arg25[%get3A_1097, %get3A_1098] {strides = array<i32>} : memref<64x128xf32, #tpu.memory_space<vmem>>, vector<16xf32>,
        %mul3A_1100 = arith.mulf %get3A_1099, %broadcast_in_dim3A_1088 : vector<16xf32>
        %swap3A_1101 = arith.index_cast %add3A_1092 : i32 to index
        %swap3A_1102 = arith.constant 0 : index
        %swap3A_1103 = tpu.vector_load %arg24[%swap3A_1101, %swap3A_1102] {strides = array<i32>} : memref<128x64xf32, #tpu.memory_space<vmem>>, vector<16xf32>,
        tpu.vector_store %arg24[%swap3A_1101, %swap3A_1102], %mul3A_1100 {strides = array<i32>} : memref<128x64xf32, #tpu.memory_space<vmem>>, vector<16xf32>,
        %mul3A_1104 = arith.constant 64 : i32
        %mul3A_1105 = arith.muli %arg0, %mul3A_1104 : i32
        %add3A_1106 = arith.constant 16 : i32
        %add3A_1107 = arith.addi %mul3A_1105, %add3A_1106 : i32
        %get3A_1108 = arith.index_cast %add3A_1092 : i32 to index
        %get3A_1109 = arith.index_cast %add3A_1107 : i32 to index
        %get3A_1110 = tpu.vector_load %arg25[%get3A_1108, %get3A_1109] {strides = array<i32>} : memref<64x128xf32, #tpu.memory_space<vmem>>, vector<16xf32>,
        %mul3A_1111 = arith.mulf %get3A_1110, %broadcast_in_dim3A_1088 : vector<16xf32>
        %swap3A_1112 = arith.index_cast %add3A_1092 : i32 to index
        %swap3A_1113 = arith.constant 16 : index
        %swap3A_1114 = tpu.vector_load %arg24[%swap3A_1112, %swap3A_1113] {strides = array<i32>} : memref<128x64xf32, #tpu.memory_space<vmem>>, vector<16xf32>,
        tpu.vector_store %arg24[%swap3A_1112, %swap3A_1113], %mul3A_1111 {strides = array<i32>} : memref<128x64xf32, #tpu.memory_space<vmem>>, vector<16xf32>,
        %mul3A_1115 = arith.constant 64 : i32
        %mul3A_1116 = arith.muli %arg0, %mul3A_1115 : i32
        %add3A_1117 = arith.constant 32 : i32
        %add3A_1118 = arith.addi %mul3A_1116, %add3A_1117 : i32
        %get3A_1119 = arith.index_cast %add3A_1092 : i32 to index
        %get3A_1120 = arith.index_cast %add3A_1118 : i32 to index
        %get3A_1121 = tpu.vector_load %arg25[%get3A_1119, %get3A_1120] {strides = array<i32>} : memref<64x128xf32, #tpu.memory_space<vmem>>, vector<16xf32>,
        %mul3A_1122 = arith.mulf %get3A_1121, %broadcast_in_dim3A_1088 : vector<16xf32>
        %swap3A_1123 = arith.index_cast %add3A_1092 : i32 to index
        %swap3A_1124 = arith.constant 32 : index
        %swap3A_1125 = tpu.vector_load %arg24[%swap3A_1123, %swap3A_1124] {strides = array<i32>} : memref<128x64xf32, #tpu.memory_space<vmem>>, vector<16xf32>,
        tpu.vector_store %arg24[%swap3A_1123, %swap3A_1124], %mul3A_1122 {strides = array<i32>} : memref<128x64xf32, #tpu.memory_space<vmem>>, vector<16xf32>,
        %mul3A_1126 = arith.constant 64 : i32
        %mul3A_1127 = arith.muli %arg0, %mul3A_1126 : i32
        %add3A_1128 = arith.constant 48 : i32
        %add3A_1129 = arith.addi %mul3A_1127, %add3A_1128 : i32
        %get3A_1130 = arith.index_cast %add3A_1092 : i32 to index
        %get3A_1131 = arith.index_cast %add3A_1129 : i32 to index
        %get3A_1132 = tpu.vector_load %arg25[%get3A_1130, %get3A_1131] {strides = array<i32>} : memref<64x128xf32, #tpu.memory_space<vmem>>, vector<16xf32>,
        %mul3A_1133 = arith.mulf %get3A_1132, %broadcast_in_dim3A_1088 : vector<16xf32>
        %swap3A_1134 = arith.index_cast %add3A_1092 : i32 to index
        %swap3A_1135 = arith.constant 48 : index
        %swap3A_1136 = tpu.vector_load %arg24[%swap3A_1134, %swap3A_1135] {strides = array<i32>} : memref<128x64xf32, #tpu.memory_space<vmem>>, vector<16xf32>,
        tpu.vector_store %arg24[%swap3A_1134, %swap3A_1135], %mul3A_1133 {strides = array<i32>} : memref<128x64xf32, #tpu.memory_space<vmem>>, vector<16xf32>,
        %eq3A_1137 = arith.constant 15 : i32
        %eq3A_1138 = vector.broadcast %eq3A_1137 : i32 to vector<16xi32>
        %eq3A_1139 = arith.cmpi eq, %iota3A, %eq3A_1138 : vector<16xi32>
        %jit3A_1140 = arith.constant 0.000000e+00 : f32
        %broadcast_in_dim3A_1141 = vector.broadcast %jit3A_1140 : f32 to vector<16xf32>
        %select_n3A_1142 = arith.select %eq3A_1139, %get3A_255, %broadcast_in_dim3A_1141 : vector<16xi1>, vector<16xf32>
        %reduce_sum3A_1143 = arith.constant true
        %reduce_sum3A_1144 = vector.broadcast %reduce_sum3A_1143 : i1 to vector<16xi1>
        %reduce_sum3A_1145 = tpu.scan <sum>, %select_n3A_1142 masked %reduce_sum3A_1144 : vector<16xf32>, vector<16xi1> -> vector<16xf32>
        %reduce_sum3A_1146 = vector.extract %reduce_sum3A_1145[15] : f32 from vector<16xf32>
        %broadcast_in_dim3A_1147 = vector.broadcast %reduce_sum3A_1146 : f32 to vector<16xf32>
        %mul3A_1148 = arith.constant 16 : i32
        %mul3A_1149 = arith.muli %scan3A_248, %mul3A_1148 : i32
        %add3A_1150 = arith.constant 15 : i32
        %add3A_1151 = arith.addi %mul3A_1149, %add3A_1150 : i32
        %mul3A_1152 = arith.constant 64 : i32
        %mul3A_1153 = arith.muli %arg0, %mul3A_1152 : i32
        %add3A_1154 = arith.constant 0 : i32
        %add3A_1155 = arith.addi %mul3A_1153, %add3A_1154 : i32
        %get3A_1156 = arith.index_cast %add3A_1151 : i32 to index
        %get3A_1157 = arith.index_cast %add3A_1155 : i32 to index
        %get3A_1158 = tpu.vector_load %arg25[%get3A_1156, %get3A_1157] {strides = array<i32>} : memref<64x128xf32, #tpu.memory_space<vmem>>, vector<16xf32>,
        %mul3A_1159 = arith.mulf %get3A_1158, %broadcast_in_dim3A_1147 : vector<16xf32>
        %swap3A_1160 = arith.index_cast %add3A_1151 : i32 to index
        %swap3A_1161 = arith.constant 0 : index
        %swap3A_1162 = tpu.vector_load %arg24[%swap3A_1160, %swap3A_1161] {strides = array<i32>} : memref<128x64xf32, #tpu.memory_space<vmem>>, vector<16xf32>,
        tpu.vector_store %arg24[%swap3A_1160, %swap3A_1161], %mul3A_1159 {strides = array<i32>} : memref<128x64xf32, #tpu.memory_space<vmem>>, vector<16xf32>,
        %mul3A_1163 = arith.constant 64 : i32
        %mul3A_1164 = arith.muli %arg0, %mul3A_1163 : i32
        %add3A_1165 = arith.constant 16 : i32
        %add3A_1166 = arith.addi %mul3A_1164, %add3A_1165 : i32
        %get3A_1167 = arith.index_cast %add3A_1151 : i32 to index
        %get3A_1168 = arith.index_cast %add3A_1166 : i32 to index
        %get3A_1169 = tpu.vector_load %arg25[%get3A_1167, %get3A_1168] {strides = array<i32>} : memref<64x128xf32, #tpu.memory_space<vmem>>, vector<16xf32>,
        %mul3A_1170 = arith.mulf %get3A_1169, %broadcast_in_dim3A_1147 : vector<16xf32>
        %swap3A_1171 = arith.index_cast %add3A_1151 : i32 to index
        %swap3A_1172 = arith.constant 16 : index
        %swap3A_1173 = tpu.vector_load %arg24[%swap3A_1171, %swap3A_1172] {strides = array<i32>} : memref<128x64xf32, #tpu.memory_space<vmem>>, vector<16xf32>,
        tpu.vector_store %arg24[%swap3A_1171, %swap3A_1172], %mul3A_1170 {strides = array<i32>} : memref<128x64xf32, #tpu.memory_space<vmem>>, vector<16xf32>,
        %mul3A_1174 = arith.constant 64 : i32
        %mul3A_1175 = arith.muli %arg0, %mul3A_1174 : i32
        %add3A_1176 = arith.constant 32 : i32
        %add3A_1177 = arith.addi %mul3A_1175, %add3A_1176 : i32
        %get3A_1178 = arith.index_cast %add3A_1151 : i32 to index
        %get3A_1179 = arith.index_cast %add3A_1177 : i32 to index
        %get3A_1180 = tpu.vector_load %arg25[%get3A_1178, %get3A_1179] {strides = array<i32>} : memref<64x128xf32, #tpu.memory_space<vmem>>, vector<16xf32>,
        %mul3A_1181 = arith.mulf %get3A_1180, %broadcast_in_dim3A_1147 : vector<16xf32>
        %swap3A_1182 = arith.index_cast %add3A_1151 : i32 to index
        %swap3A_1183 = arith.constant 32 : index
        %swap3A_1184 = tpu.vector_load %arg24[%swap3A_1182, %swap3A_1183] {strides = array<i32>} : memref<128x64xf32, #tpu.memory_space<vmem>>, vector<16xf32>,
        tpu.vector_store %arg24[%swap3A_1182, %swap3A_1183], %mul3A_1181 {strides = array<i32>} : memref<128x64xf32, #tpu.memory_space<vmem>>, vector<16xf32>,
        %mul3A_1185 = arith.constant 64 : i32
        %mul3A_1186 = arith.muli %arg0, %mul3A_1185 : i32
        %add3A_1187 = arith.constant 48 : i32
        %add3A_1188 = arith.addi %mul3A_1186, %add3A_1187 : i32
        %get3A_1189 = arith.index_cast %add3A_1151 : i32 to index
        %get3A_1190 = arith.index_cast %add3A_1188 : i32 to index
        %get3A_1191 = tpu.vector_load %arg25[%get3A_1189, %get3A_1190] {strides = array<i32>} : memref<64x128xf32, #tpu.memory_space<vmem>>, vector<16xf32>,
        %mul3A_1192 = arith.mulf %get3A_1191, %broadcast_in_dim3A_1147 : vector<16xf32>
        %swap3A_1193 = arith.index_cast %add3A_1151 : i32 to index
        %swap3A_1194 = arith.constant 48 : index
        %swap3A_1195 = tpu.vector_load %arg24[%swap3A_1193, %swap3A_1194] {strides = array<i32>} : memref<128x64xf32, #tpu.memory_space<vmem>>, vector<16xf32>,
        tpu.vector_store %arg24[%swap3A_1193, %swap3A_1194], %mul3A_1192 {strides = array<i32>} : memref<128x64xf32, #tpu.memory_space<vmem>>, vector<16xf32>,
      }
      %scan3A_241 = arith.constant 4 : i32
      %mul3A_242 = arith.constant 10240 : i32
      %mul3A_243 = arith.muli %arg0, %mul3A_242 : i32
      %add3A_244 = arith.addi %mul3A_243, %mul3A_0 : i32
      %mul3A_245 = arith.constant 64 : i32
      %mul3A_246 = arith.muli %scan3A_233, %mul3A_245 : i32
      %add3A_247 = arith.addi %add3A_244, %mul3A_246 : i32
      "tpu.region"() ({
        %run_scoped3A = tpu.sem_alloc : memref<!tpu.dma_semaphore, #tpu.memory_space<semaphore_mem>>
        %dma_start3A_248 = arith.constant 0 : i32
        %dma_start3A_249 = arith.constant 0 : i32
        %dma_start3A_250 = tpu.memref_slice %arg24[%dma_start3A_248, %dma_start3A_249] : memref<128x64xf32, #tpu.memory_space<vmem>> -> memref<64x64xf32, #tpu.memory_space<vmem>>
        %dma_start3A_251 = arith.constant 0 : i32
        %dma_start3A_252 = tpu.memref_slice %arg8[%add3A_247, %dma_start3A_251] : memref<20480x64xf32, #tpu.memory_space<hbm>> -> memref<64x64xf32, #tpu.memory_space<hbm>>
        %dma_start3A_253 = arith.constant 0 : i32
        %dma_start3A_254 = tpu.memref_slice %arg8[%add3A_247, %dma_start3A_253] : memref<20480x64xf32, #tpu.memory_space<hbm>> -> memref<64x64xf32, #tpu.memory_space<hbm>>
        %dma_start3A_255 = arith.constant 0 : i32
        %dma_start3A_256 = arith.constant 0 : i32
        %dma_start3A_257 = tpu.memref_slice %arg24[%dma_start3A_255, %dma_start3A_256] : memref<128x64xf32, #tpu.memory_space<vmem>> -> memref<64x64xf32, #tpu.memory_space<vmem>>
        tpu.enqueue_dma source(%dma_start3A_257 : memref<64x64xf32, #tpu.memory_space<vmem>>) target(%dma_start3A_254 : memref<64x64xf32, #tpu.memory_space<hbm>>) target_semaphore(%run_scoped3A : memref<!tpu.dma_semaphore, #tpu.memory_space<semaphore_mem>>)
        %dma_wait3A_258 = arith.constant 0 : i32
        %dma_wait3A_259 = arith.constant 0 : i32
        %dma_wait3A_260 = tpu.memref_slice %arg24[%dma_wait3A_258, %dma_wait3A_259] : memref<128x64xf32, #tpu.memory_space<vmem>> -> memref<64x64xf32, #tpu.memory_space<vmem>>
        %dma_wait3A_261 = arith.constant 0 : i32
        %dma_wait3A_262 = tpu.memref_slice %arg8[%add3A_247, %dma_wait3A_261] : memref<20480x64xf32, #tpu.memory_space<hbm>> -> memref<64x64xf32, #tpu.memory_space<hbm>>
        %dma_wait3A_263 = arith.constant 0 : i32
        %dma_wait3A_264 = tpu.memref_slice %arg8[%add3A_247, %dma_wait3A_263] : memref<20480x64xf32, #tpu.memory_space<hbm>> -> memref<64x64xf32, #tpu.memory_space<hbm>>
        %dma_wait3A_265 = arith.constant 0 : i32
        %dma_wait3A_266 = arith.constant 0 : i32
        %dma_wait3A_267 = tpu.memref_slice %arg24[%dma_wait3A_265, %dma_wait3A_266] : memref<128x64xf32, #tpu.memory_space<vmem>> -> memref<64x64xf32, #tpu.memory_space<vmem>>
        tpu.wait_dma2 semaphore(%run_scoped3A : memref<!tpu.dma_semaphore, #tpu.memory_space<semaphore_mem>>) src(%dma_wait3A_267 : memref<64x64xf32, #tpu.memory_space<vmem>>) dst(%dma_wait3A_264 : memref<64x64xf32, #tpu.memory_space<hbm>>)
        tpu.yield
      }) : () -> ()
    }
    %scan3A_50 = arith.constant 10 : i32
    "tpu.region"() ({
      %run_scoped3A = tpu.sem_alloc : memref<!tpu.dma_semaphore, #tpu.memory_space<semaphore_mem>>
      %dma_start3A_233 = tpu.memref_slice %arg11[%mul3A_0] : memref<10240xf32, #tpu.memory_space<vmem_shared>> -> memref<640xf32, #tpu.memory_space<vmem_shared>>
      %dma_start3A_234 = tpu.memref_slice %arg11[%mul3A_0] : memref<10240xf32, #tpu.memory_space<vmem_shared>> -> memref<640xf32, #tpu.memory_space<vmem_shared>>
      tpu.enqueue_dma source(%dma_start3A_234 : memref<640xf32, #tpu.memory_space<vmem_shared>>) target(%arg21 : memref<640xf32, #tpu.memory_space<vmem>>) target_semaphore(%run_scoped3A : memref<!tpu.dma_semaphore, #tpu.memory_space<semaphore_mem>>)
      %dma_wait3A_235 = tpu.memref_slice %arg11[%mul3A_0] : memref<10240xf32, #tpu.memory_space<vmem_shared>> -> memref<640xf32, #tpu.memory_space<vmem_shared>>
      %dma_wait3A_236 = tpu.memref_slice %arg11[%mul3A_0] : memref<10240xf32, #tpu.memory_space<vmem_shared>> -> memref<640xf32, #tpu.memory_space<vmem_shared>>
      tpu.wait_dma2 semaphore(%run_scoped3A : memref<!tpu.dma_semaphore, #tpu.memory_space<semaphore_mem>>) src(%dma_wait3A_236 : memref<640xf32, #tpu.memory_space<vmem_shared>>) dst(%arg21 : memref<640xf32, #tpu.memory_space<vmem>>)
      tpu.yield
    }) : () -> ()
    %scan3A_51 = arith.constant 0 : i32
    %scan3A_52 = arith.constant 0 : i32
    %scan3A_53 = arith.constant 40 : i32
    %scan3A_54 = arith.addi %scan3A_52, %scan3A_53 : i32
    %scan3A_55 = arith.constant 1 : i32
    scf.for %scan3A_233 = %scan3A_52 to %scan3A_54 step %scan3A_55  : i32 {
      %mul3A_234 = arith.constant 16 : i32
      %mul3A_235 = arith.muli %scan3A_233, %mul3A_234 : i32
      %get3A_236 = arith.index_cast %mul3A_235 : i32 to index
      %get3A_237 = tpu.vector_load %arg21[%get3A_236] {strides = array<i32>} : memref<640xf32, #tpu.memory_space<vmem>>, vector<16xf32>,
      %max3A = arith.constant 1.000000e+00 : f32
      %max3A_238 = vector.broadcast %max3A : f32 to vector<16xf32>
      %max3A_239 = arith.maximumf %get3A_237, %max3A_238 : vector<16xf32>
      %bitcast_convert_type3A = tpu.bitcast %max3A_239 : vector<16xf32> -> vector<16xi32>
      %shift_right_arithmetic3A = arith.constant 1 : i32
      %shift_right_arithmetic3A_240 = vector.broadcast %shift_right_arithmetic3A : i32 to vector<16xi32>
      %shift_right_arithmetic3A_241 = arith.shrsi %bitcast_convert_type3A, %shift_right_arithmetic3A_240 : vector<16xi32>
      %sub3A = arith.constant 1597463007 : i32
      %sub3A_242 = vector.broadcast %sub3A : i32 to vector<16xi32>
      %sub3A_243 = arith.subi %sub3A_242, %shift_right_arithmetic3A_241 : vector<16xi32>
      %bitcast_convert_type3A_244 = tpu.bitcast %sub3A_243 : vector<16xi32> -> vector<16xf32>
      %mul3A_245 = arith.constant 5.000000e-01 : f32
      %mul3A_246 = vector.broadcast %mul3A_245 : f32 to vector<16xf32>
      %mul3A_247 = arith.mulf %mul3A_246, %max3A_239 : vector<16xf32>
      %mul3A_248 = arith.mulf %mul3A_247, %bitcast_convert_type3A_244 : vector<16xf32>
      %mul3A_249 = arith.mulf %mul3A_248, %bitcast_convert_type3A_244 : vector<16xf32>
      %sub3A_250 = arith.constant 1.500000e+00 : f32
      %sub3A_251 = vector.broadcast %sub3A_250 : f32 to vector<16xf32>
      %sub3A_252 = arith.subf %sub3A_251, %mul3A_249 : vector<16xf32>
      %mul3A_253 = arith.mulf %bitcast_convert_type3A_244, %sub3A_252 : vector<16xf32>
      %mul3A_254 = arith.constant 5.000000e-01 : f32
      %mul3A_255 = vector.broadcast %mul3A_254 : f32 to vector<16xf32>
      %mul3A_256 = arith.mulf %mul3A_255, %max3A_239 : vector<16xf32>
      %mul3A_257 = arith.mulf %mul3A_256, %mul3A_253 : vector<16xf32>
      %mul3A_258 = arith.mulf %mul3A_257, %mul3A_253 : vector<16xf32>
      %sub3A_259 = arith.constant 1.500000e+00 : f32
      %sub3A_260 = vector.broadcast %sub3A_259 : f32 to vector<16xf32>
      %sub3A_261 = arith.subf %sub3A_260, %mul3A_258 : vector<16xf32>
      %mul3A_262 = arith.mulf %mul3A_253, %sub3A_261 : vector<16xf32>
      %mul3A_263 = arith.constant 5.000000e-01 : f32
      %mul3A_264 = vector.broadcast %mul3A_263 : f32 to vector<16xf32>
      %mul3A_265 = arith.mulf %mul3A_264, %max3A_239 : vector<16xf32>
      %mul3A_266 = arith.mulf %mul3A_265, %mul3A_262 : vector<16xf32>
      %mul3A_267 = arith.mulf %mul3A_266, %mul3A_262 : vector<16xf32>
      %sub3A_268 = arith.constant 1.500000e+00 : f32
      %sub3A_269 = vector.broadcast %sub3A_268 : f32 to vector<16xf32>
      %sub3A_270 = arith.subf %sub3A_269, %mul3A_267 : vector<16xf32>
      %mul3A_271 = arith.mulf %mul3A_262, %sub3A_270 : vector<16xf32>
      %mul3A_272 = arith.constant 16 : i32
      %mul3A_273 = arith.muli %scan3A_233, %mul3A_272 : i32
      %swap3A_274 = arith.index_cast %mul3A_273 : i32 to index
      %swap3A_275 = tpu.vector_load %arg21[%swap3A_274] {strides = array<i32>} : memref<640xf32, #tpu.memory_space<vmem>>, vector<16xf32>,
      tpu.vector_store %arg21[%swap3A_274], %mul3A_271 {strides = array<i32>} : memref<640xf32, #tpu.memory_space<vmem>>, vector<16xf32>,
    }
    %scan3A_56 = arith.constant 40 : i32
    %barrier3A_57 = arith.constant 0 : index
    tpu.barrier barrier_id(%barrier3A_57)
    %mul3A_58 = arith.constant 10240 : i32
    %mul3A_59 = arith.muli %arg0, %mul3A_58 : i32
    "tpu.region"() ({
      %run_scoped3A = tpu.sem_alloc : memref<!tpu.dma_semaphore, #tpu.memory_space<semaphore_mem>>
      %dma_start3A_233 = arith.constant 0 : i32
      %dma_start3A_234 = tpu.memref_slice %arg3[%arg1, %dma_start3A_233] : memref<16x20000xi32, #tpu.memory_space<hbm>> -> memref<1x400xi32, #tpu.memory_space<hbm>>
      %dma_start3A_235 = tpu.memref_squeeze %dma_start3A_234 : memref<1x400xi32, #tpu.memory_space<hbm>> -> memref<400xi32, #tpu.memory_space<hbm>>
      %dma_start3A_236 = arith.constant 0 : i32
      %dma_start3A_237 = tpu.memref_slice %arg3[%arg1, %dma_start3A_236] : memref<16x20000xi32, #tpu.memory_space<hbm>> -> memref<1x400xi32, #tpu.memory_space<hbm>>
      %dma_start3A_238 = tpu.memref_squeeze %dma_start3A_237 : memref<1x400xi32, #tpu.memory_space<hbm>> -> memref<400xi32, #tpu.memory_space<hbm>>
      tpu.enqueue_dma source(%dma_start3A_238 : memref<400xi32, #tpu.memory_space<hbm>>) target(%arg12 : memref<400xi32, #tpu.memory_space<vmem>>) target_semaphore(%run_scoped3A : memref<!tpu.dma_semaphore, #tpu.memory_space<semaphore_mem>>)
      %dma_wait3A_239 = arith.constant 0 : i32
      %dma_wait3A_240 = tpu.memref_slice %arg3[%arg1, %dma_wait3A_239] : memref<16x20000xi32, #tpu.memory_space<hbm>> -> memref<1x400xi32, #tpu.memory_space<hbm>>
      %dma_wait3A_241 = tpu.memref_squeeze %dma_wait3A_240 : memref<1x400xi32, #tpu.memory_space<hbm>> -> memref<400xi32, #tpu.memory_space<hbm>>
      %dma_wait3A_242 = arith.constant 0 : i32
      %dma_wait3A_243 = tpu.memref_slice %arg3[%arg1, %dma_wait3A_242] : memref<16x20000xi32, #tpu.memory_space<hbm>> -> memref<1x400xi32, #tpu.memory_space<hbm>>
      %dma_wait3A_244 = tpu.memref_squeeze %dma_wait3A_243 : memref<1x400xi32, #tpu.memory_space<hbm>> -> memref<400xi32, #tpu.memory_space<hbm>>
      tpu.wait_dma2 semaphore(%run_scoped3A : memref<!tpu.dma_semaphore, #tpu.memory_space<semaphore_mem>>) src(%dma_wait3A_244 : memref<400xi32, #tpu.memory_space<hbm>>) dst(%arg12 : memref<400xi32, #tpu.memory_space<vmem>>)
      tpu.yield
    }) : () -> ()
    %get3A = arith.constant 0 : index
    %get3A_60 = tpu.vector_load %arg12[%get3A] {strides = array<i32>} : memref<400xi32, #tpu.memory_space<vmem>>, vector<16xi32>,
    %add3A_61 = vector.broadcast %mul3A_59 : i32 to vector<16xi32>
    %add3A_62 = arith.addi %get3A_60, %add3A_61 : vector<16xi32>
    %swap3A = arith.constant 0 : index
    %swap3A_63 = tpu.vector_load %arg12[%swap3A] {strides = array<i32>} : memref<400xi32, #tpu.memory_space<vmem>>, vector<16xi32>,
    tpu.vector_store %arg12[%swap3A], %add3A_62 {strides = array<i32>} : memref<400xi32, #tpu.memory_space<vmem>>, vector<16xi32>,
    %get3A_64 = arith.constant 16 : index
    %get3A_65 = tpu.vector_load %arg12[%get3A_64] {strides = array<i32>} : memref<400xi32, #tpu.memory_space<vmem>>, vector<16xi32>,
    %add3A_66 = vector.broadcast %mul3A_59 : i32 to vector<16xi32>
    %add3A_67 = arith.addi %get3A_65, %add3A_66 : vector<16xi32>
    %swap3A_68 = arith.constant 16 : index
    %swap3A_69 = tpu.vector_load %arg12[%swap3A_68] {strides = array<i32>} : memref<400xi32, #tpu.memory_space<vmem>>, vector<16xi32>,
    tpu.vector_store %arg12[%swap3A_68], %add3A_67 {strides = array<i32>} : memref<400xi32, #tpu.memory_space<vmem>>, vector<16xi32>,
    %get3A_70 = arith.constant 32 : index
    %get3A_71 = tpu.vector_load %arg12[%get3A_70] {strides = array<i32>} : memref<400xi32, #tpu.memory_space<vmem>>, vector<16xi32>,
    %add3A_72 = vector.broadcast %mul3A_59 : i32 to vector<16xi32>
    %add3A_73 = arith.addi %get3A_71, %add3A_72 : vector<16xi32>
    %swap3A_74 = arith.constant 32 : index
    %swap3A_75 = tpu.vector_load %arg12[%swap3A_74] {strides = array<i32>} : memref<400xi32, #tpu.memory_space<vmem>>, vector<16xi32>,
    tpu.vector_store %arg12[%swap3A_74], %add3A_73 {strides = array<i32>} : memref<400xi32, #tpu.memory_space<vmem>>, vector<16xi32>,
    %get3A_76 = arith.constant 48 : index
    %get3A_77 = tpu.vector_load %arg12[%get3A_76] {strides = array<i32>} : memref<400xi32, #tpu.memory_space<vmem>>, vector<16xi32>,
    %add3A_78 = vector.broadcast %mul3A_59 : i32 to vector<16xi32>
    %add3A_79 = arith.addi %get3A_77, %add3A_78 : vector<16xi32>
    %swap3A_80 = arith.constant 48 : index
    %swap3A_81 = tpu.vector_load %arg12[%swap3A_80] {strides = array<i32>} : memref<400xi32, #tpu.memory_space<vmem>>, vector<16xi32>,
    tpu.vector_store %arg12[%swap3A_80], %add3A_79 {strides = array<i32>} : memref<400xi32, #tpu.memory_space<vmem>>, vector<16xi32>,
    %get3A_82 = arith.constant 64 : index
    %get3A_83 = tpu.vector_load %arg12[%get3A_82] {strides = array<i32>} : memref<400xi32, #tpu.memory_space<vmem>>, vector<16xi32>,
    %add3A_84 = vector.broadcast %mul3A_59 : i32 to vector<16xi32>
    %add3A_85 = arith.addi %get3A_83, %add3A_84 : vector<16xi32>
    %swap3A_86 = arith.constant 64 : index
    %swap3A_87 = tpu.vector_load %arg12[%swap3A_86] {strides = array<i32>} : memref<400xi32, #tpu.memory_space<vmem>>, vector<16xi32>,
    tpu.vector_store %arg12[%swap3A_86], %add3A_85 {strides = array<i32>} : memref<400xi32, #tpu.memory_space<vmem>>, vector<16xi32>,
    %get3A_88 = arith.constant 80 : index
    %get3A_89 = tpu.vector_load %arg12[%get3A_88] {strides = array<i32>} : memref<400xi32, #tpu.memory_space<vmem>>, vector<16xi32>,
    %add3A_90 = vector.broadcast %mul3A_59 : i32 to vector<16xi32>
    %add3A_91 = arith.addi %get3A_89, %add3A_90 : vector<16xi32>
    %swap3A_92 = arith.constant 80 : index
    %swap3A_93 = tpu.vector_load %arg12[%swap3A_92] {strides = array<i32>} : memref<400xi32, #tpu.memory_space<vmem>>, vector<16xi32>,
    tpu.vector_store %arg12[%swap3A_92], %add3A_91 {strides = array<i32>} : memref<400xi32, #tpu.memory_space<vmem>>, vector<16xi32>,
    %get3A_94 = arith.constant 96 : index
    %get3A_95 = tpu.vector_load %arg12[%get3A_94] {strides = array<i32>} : memref<400xi32, #tpu.memory_space<vmem>>, vector<16xi32>,
    %add3A_96 = vector.broadcast %mul3A_59 : i32 to vector<16xi32>
    %add3A_97 = arith.addi %get3A_95, %add3A_96 : vector<16xi32>
    %swap3A_98 = arith.constant 96 : index
    %swap3A_99 = tpu.vector_load %arg12[%swap3A_98] {strides = array<i32>} : memref<400xi32, #tpu.memory_space<vmem>>, vector<16xi32>,
    tpu.vector_store %arg12[%swap3A_98], %add3A_97 {strides = array<i32>} : memref<400xi32, #tpu.memory_space<vmem>>, vector<16xi32>,
    %get3A_100 = arith.constant 112 : index
    %get3A_101 = tpu.vector_load %arg12[%get3A_100] {strides = array<i32>} : memref<400xi32, #tpu.memory_space<vmem>>, vector<16xi32>,
    %add3A_102 = vector.broadcast %mul3A_59 : i32 to vector<16xi32>
    %add3A_103 = arith.addi %get3A_101, %add3A_102 : vector<16xi32>
    %swap3A_104 = arith.constant 112 : index
    %swap3A_105 = tpu.vector_load %arg12[%swap3A_104] {strides = array<i32>} : memref<400xi32, #tpu.memory_space<vmem>>, vector<16xi32>,
    tpu.vector_store %arg12[%swap3A_104], %add3A_103 {strides = array<i32>} : memref<400xi32, #tpu.memory_space<vmem>>, vector<16xi32>,
    %get3A_106 = arith.constant 128 : index
    %get3A_107 = tpu.vector_load %arg12[%get3A_106] {strides = array<i32>} : memref<400xi32, #tpu.memory_space<vmem>>, vector<16xi32>,
    %add3A_108 = vector.broadcast %mul3A_59 : i32 to vector<16xi32>
    %add3A_109 = arith.addi %get3A_107, %add3A_108 : vector<16xi32>
    %swap3A_110 = arith.constant 128 : index
    %swap3A_111 = tpu.vector_load %arg12[%swap3A_110] {strides = array<i32>} : memref<400xi32, #tpu.memory_space<vmem>>, vector<16xi32>,
    tpu.vector_store %arg12[%swap3A_110], %add3A_109 {strides = array<i32>} : memref<400xi32, #tpu.memory_space<vmem>>, vector<16xi32>,
    %get3A_112 = arith.constant 144 : index
    %get3A_113 = tpu.vector_load %arg12[%get3A_112] {strides = array<i32>} : memref<400xi32, #tpu.memory_space<vmem>>, vector<16xi32>,
    %add3A_114 = vector.broadcast %mul3A_59 : i32 to vector<16xi32>
    %add3A_115 = arith.addi %get3A_113, %add3A_114 : vector<16xi32>
    %swap3A_116 = arith.constant 144 : index
    %swap3A_117 = tpu.vector_load %arg12[%swap3A_116] {strides = array<i32>} : memref<400xi32, #tpu.memory_space<vmem>>, vector<16xi32>,
    tpu.vector_store %arg12[%swap3A_116], %add3A_115 {strides = array<i32>} : memref<400xi32, #tpu.memory_space<vmem>>, vector<16xi32>,
    %get3A_118 = arith.constant 160 : index
    %get3A_119 = tpu.vector_load %arg12[%get3A_118] {strides = array<i32>} : memref<400xi32, #tpu.memory_space<vmem>>, vector<16xi32>,
    %add3A_120 = vector.broadcast %mul3A_59 : i32 to vector<16xi32>
    %add3A_121 = arith.addi %get3A_119, %add3A_120 : vector<16xi32>
    %swap3A_122 = arith.constant 160 : index
    %swap3A_123 = tpu.vector_load %arg12[%swap3A_122] {strides = array<i32>} : memref<400xi32, #tpu.memory_space<vmem>>, vector<16xi32>,
    tpu.vector_store %arg12[%swap3A_122], %add3A_121 {strides = array<i32>} : memref<400xi32, #tpu.memory_space<vmem>>, vector<16xi32>,
    %get3A_124 = arith.constant 176 : index
    %get3A_125 = tpu.vector_load %arg12[%get3A_124] {strides = array<i32>} : memref<400xi32, #tpu.memory_space<vmem>>, vector<16xi32>,
    %add3A_126 = vector.broadcast %mul3A_59 : i32 to vector<16xi32>
    %add3A_127 = arith.addi %get3A_125, %add3A_126 : vector<16xi32>
    %swap3A_128 = arith.constant 176 : index
    %swap3A_129 = tpu.vector_load %arg12[%swap3A_128] {strides = array<i32>} : memref<400xi32, #tpu.memory_space<vmem>>, vector<16xi32>,
    tpu.vector_store %arg12[%swap3A_128], %add3A_127 {strides = array<i32>} : memref<400xi32, #tpu.memory_space<vmem>>, vector<16xi32>,
    %get3A_130 = arith.constant 192 : index
    %get3A_131 = tpu.vector_load %arg12[%get3A_130] {strides = array<i32>} : memref<400xi32, #tpu.memory_space<vmem>>, vector<16xi32>,
    %add3A_132 = vector.broadcast %mul3A_59 : i32 to vector<16xi32>
    %add3A_133 = arith.addi %get3A_131, %add3A_132 : vector<16xi32>
    %swap3A_134 = arith.constant 192 : index
    %swap3A_135 = tpu.vector_load %arg12[%swap3A_134] {strides = array<i32>} : memref<400xi32, #tpu.memory_space<vmem>>, vector<16xi32>,
    tpu.vector_store %arg12[%swap3A_134], %add3A_133 {strides = array<i32>} : memref<400xi32, #tpu.memory_space<vmem>>, vector<16xi32>,
    %get3A_136 = arith.constant 208 : index
    %get3A_137 = tpu.vector_load %arg12[%get3A_136] {strides = array<i32>} : memref<400xi32, #tpu.memory_space<vmem>>, vector<16xi32>,
    %add3A_138 = vector.broadcast %mul3A_59 : i32 to vector<16xi32>
    %add3A_139 = arith.addi %get3A_137, %add3A_138 : vector<16xi32>
    %swap3A_140 = arith.constant 208 : index
    %swap3A_141 = tpu.vector_load %arg12[%swap3A_140] {strides = array<i32>} : memref<400xi32, #tpu.memory_space<vmem>>, vector<16xi32>,
    tpu.vector_store %arg12[%swap3A_140], %add3A_139 {strides = array<i32>} : memref<400xi32, #tpu.memory_space<vmem>>, vector<16xi32>,
    %get3A_142 = arith.constant 224 : index
    %get3A_143 = tpu.vector_load %arg12[%get3A_142] {strides = array<i32>} : memref<400xi32, #tpu.memory_space<vmem>>, vector<16xi32>,
    %add3A_144 = vector.broadcast %mul3A_59 : i32 to vector<16xi32>
    %add3A_145 = arith.addi %get3A_143, %add3A_144 : vector<16xi32>
    %swap3A_146 = arith.constant 224 : index
    %swap3A_147 = tpu.vector_load %arg12[%swap3A_146] {strides = array<i32>} : memref<400xi32, #tpu.memory_space<vmem>>, vector<16xi32>,
    tpu.vector_store %arg12[%swap3A_146], %add3A_145 {strides = array<i32>} : memref<400xi32, #tpu.memory_space<vmem>>, vector<16xi32>,
    %get3A_148 = arith.constant 240 : index
    %get3A_149 = tpu.vector_load %arg12[%get3A_148] {strides = array<i32>} : memref<400xi32, #tpu.memory_space<vmem>>, vector<16xi32>,
    %add3A_150 = vector.broadcast %mul3A_59 : i32 to vector<16xi32>
    %add3A_151 = arith.addi %get3A_149, %add3A_150 : vector<16xi32>
    %swap3A_152 = arith.constant 240 : index
    %swap3A_153 = tpu.vector_load %arg12[%swap3A_152] {strides = array<i32>} : memref<400xi32, #tpu.memory_space<vmem>>, vector<16xi32>,
    tpu.vector_store %arg12[%swap3A_152], %add3A_151 {strides = array<i32>} : memref<400xi32, #tpu.memory_space<vmem>>, vector<16xi32>,
    %get3A_154 = arith.constant 256 : index
    %get3A_155 = tpu.vector_load %arg12[%get3A_154] {strides = array<i32>} : memref<400xi32, #tpu.memory_space<vmem>>, vector<16xi32>,
    %add3A_156 = vector.broadcast %mul3A_59 : i32 to vector<16xi32>
    %add3A_157 = arith.addi %get3A_155, %add3A_156 : vector<16xi32>
    %swap3A_158 = arith.constant 256 : index
    %swap3A_159 = tpu.vector_load %arg12[%swap3A_158] {strides = array<i32>} : memref<400xi32, #tpu.memory_space<vmem>>, vector<16xi32>,
    tpu.vector_store %arg12[%swap3A_158], %add3A_157 {strides = array<i32>} : memref<400xi32, #tpu.memory_space<vmem>>, vector<16xi32>,
    %get3A_160 = arith.constant 272 : index
    %get3A_161 = tpu.vector_load %arg12[%get3A_160] {strides = array<i32>} : memref<400xi32, #tpu.memory_space<vmem>>, vector<16xi32>,
    %add3A_162 = vector.broadcast %mul3A_59 : i32 to vector<16xi32>
    %add3A_163 = arith.addi %get3A_161, %add3A_162 : vector<16xi32>
    %swap3A_164 = arith.constant 272 : index
    %swap3A_165 = tpu.vector_load %arg12[%swap3A_164] {strides = array<i32>} : memref<400xi32, #tpu.memory_space<vmem>>, vector<16xi32>,
    tpu.vector_store %arg12[%swap3A_164], %add3A_163 {strides = array<i32>} : memref<400xi32, #tpu.memory_space<vmem>>, vector<16xi32>,
    %get3A_166 = arith.constant 288 : index
    %get3A_167 = tpu.vector_load %arg12[%get3A_166] {strides = array<i32>} : memref<400xi32, #tpu.memory_space<vmem>>, vector<16xi32>,
    %add3A_168 = vector.broadcast %mul3A_59 : i32 to vector<16xi32>
    %add3A_169 = arith.addi %get3A_167, %add3A_168 : vector<16xi32>
    %swap3A_170 = arith.constant 288 : index
    %swap3A_171 = tpu.vector_load %arg12[%swap3A_170] {strides = array<i32>} : memref<400xi32, #tpu.memory_space<vmem>>, vector<16xi32>,
    tpu.vector_store %arg12[%swap3A_170], %add3A_169 {strides = array<i32>} : memref<400xi32, #tpu.memory_space<vmem>>, vector<16xi32>,
    %get3A_172 = arith.constant 304 : index
    %get3A_173 = tpu.vector_load %arg12[%get3A_172] {strides = array<i32>} : memref<400xi32, #tpu.memory_space<vmem>>, vector<16xi32>,
    %add3A_174 = vector.broadcast %mul3A_59 : i32 to vector<16xi32>
    %add3A_175 = arith.addi %get3A_173, %add3A_174 : vector<16xi32>
    %swap3A_176 = arith.constant 304 : index
    %swap3A_177 = tpu.vector_load %arg12[%swap3A_176] {strides = array<i32>} : memref<400xi32, #tpu.memory_space<vmem>>, vector<16xi32>,
    tpu.vector_store %arg12[%swap3A_176], %add3A_175 {strides = array<i32>} : memref<400xi32, #tpu.memory_space<vmem>>, vector<16xi32>,
    %get3A_178 = arith.constant 320 : index
    %get3A_179 = tpu.vector_load %arg12[%get3A_178] {strides = array<i32>} : memref<400xi32, #tpu.memory_space<vmem>>, vector<16xi32>,
    %add3A_180 = vector.broadcast %mul3A_59 : i32 to vector<16xi32>
    %add3A_181 = arith.addi %get3A_179, %add3A_180 : vector<16xi32>
    %swap3A_182 = arith.constant 320 : index
    %swap3A_183 = tpu.vector_load %arg12[%swap3A_182] {strides = array<i32>} : memref<400xi32, #tpu.memory_space<vmem>>, vector<16xi32>,
    tpu.vector_store %arg12[%swap3A_182], %add3A_181 {strides = array<i32>} : memref<400xi32, #tpu.memory_space<vmem>>, vector<16xi32>,
    %get3A_184 = arith.constant 336 : index
    %get3A_185 = tpu.vector_load %arg12[%get3A_184] {strides = array<i32>} : memref<400xi32, #tpu.memory_space<vmem>>, vector<16xi32>,
    %add3A_186 = vector.broadcast %mul3A_59 : i32 to vector<16xi32>
    %add3A_187 = arith.addi %get3A_185, %add3A_186 : vector<16xi32>
    %swap3A_188 = arith.constant 336 : index
    %swap3A_189 = tpu.vector_load %arg12[%swap3A_188] {strides = array<i32>} : memref<400xi32, #tpu.memory_space<vmem>>, vector<16xi32>,
    tpu.vector_store %arg12[%swap3A_188], %add3A_187 {strides = array<i32>} : memref<400xi32, #tpu.memory_space<vmem>>, vector<16xi32>,
    %get3A_190 = arith.constant 352 : index
    %get3A_191 = tpu.vector_load %arg12[%get3A_190] {strides = array<i32>} : memref<400xi32, #tpu.memory_space<vmem>>, vector<16xi32>,
    %add3A_192 = vector.broadcast %mul3A_59 : i32 to vector<16xi32>
    %add3A_193 = arith.addi %get3A_191, %add3A_192 : vector<16xi32>
    %swap3A_194 = arith.constant 352 : index
    %swap3A_195 = tpu.vector_load %arg12[%swap3A_194] {strides = array<i32>} : memref<400xi32, #tpu.memory_space<vmem>>, vector<16xi32>,
    tpu.vector_store %arg12[%swap3A_194], %add3A_193 {strides = array<i32>} : memref<400xi32, #tpu.memory_space<vmem>>, vector<16xi32>,
    %get3A_196 = arith.constant 368 : index
    %get3A_197 = tpu.vector_load %arg12[%get3A_196] {strides = array<i32>} : memref<400xi32, #tpu.memory_space<vmem>>, vector<16xi32>,
    %add3A_198 = vector.broadcast %mul3A_59 : i32 to vector<16xi32>
    %add3A_199 = arith.addi %get3A_197, %add3A_198 : vector<16xi32>
    %swap3A_200 = arith.constant 368 : index
    %swap3A_201 = tpu.vector_load %arg12[%swap3A_200] {strides = array<i32>} : memref<400xi32, #tpu.memory_space<vmem>>, vector<16xi32>,
    tpu.vector_store %arg12[%swap3A_200], %add3A_199 {strides = array<i32>} : memref<400xi32, #tpu.memory_space<vmem>>, vector<16xi32>,
    %get3A_202 = arith.constant 384 : index
    %get3A_203 = tpu.vector_load %arg12[%get3A_202] {strides = array<i32>} : memref<400xi32, #tpu.memory_space<vmem>>, vector<16xi32>,
    %add3A_204 = vector.broadcast %mul3A_59 : i32 to vector<16xi32>
    %add3A_205 = arith.addi %get3A_203, %add3A_204 : vector<16xi32>
    %swap3A_206 = arith.constant 384 : index
    %swap3A_207 = tpu.vector_load %arg12[%swap3A_206] {strides = array<i32>} : memref<400xi32, #tpu.memory_space<vmem>>, vector<16xi32>,
    tpu.vector_store %arg12[%swap3A_206], %add3A_205 {strides = array<i32>} : memref<400xi32, #tpu.memory_space<vmem>>, vector<16xi32>,
    %dma_start3A = arith.constant 0 : i32
    %dma_start3A_208 = arith.constant 0 : i32
    %dma_start3A_209 = tpu.memref_slice %arg8[%dma_start3A, %dma_start3A_208] : memref<20480x64xf32, #tpu.memory_space<hbm>> -> memref<20480x64xf32, #tpu.memory_space<hbm>>
    tpu.enqueue_indirect_dma source(%dma_start3A_209 : memref<20480x64xf32, #tpu.memory_space<hbm>>) target(%arg22 : memref<400x64xf32, #tpu.memory_space<vmem>>) offsets(%arg12 : memref<400xi32, #tpu.memory_space<vmem>>) semaphore(%arg28 : memref<!tpu.dma_semaphore, #tpu.memory_space<semaphore_mem>>)
    %scan3A_210 = arith.constant 0 : i32
    %scan3A_211 = arith.constant 0 : i32
    %scan3A_212 = arith.constant 25 : i32
    %scan3A_213 = arith.addi %scan3A_211, %scan3A_212 : i32
    %scan3A_214 = arith.constant 1 : i32
    scf.for %scan3A_233 = %scan3A_211 to %scan3A_213 step %scan3A_214  : i32 {
      %mul3A_234 = arith.constant 2 : i32
      %mul3A_235 = arith.muli %mul3A_234, %scan3A_233 : i32
      %add3A_236 = arith.constant 1 : i32
      %add3A_237 = arith.addi %mul3A_235, %add3A_236 : i32
      %mul3A_238 = arith.constant 400 : i32
      %mul3A_239 = arith.muli %add3A_237, %mul3A_238 : i32
      "tpu.region"() ({
        %run_scoped3A = tpu.sem_alloc : memref<!tpu.dma_semaphore, #tpu.memory_space<semaphore_mem>>
        %dma_start3A_569 = tpu.memref_slice %arg3[%arg1, %mul3A_239] : memref<16x20000xi32, #tpu.memory_space<hbm>> -> memref<1x400xi32, #tpu.memory_space<hbm>>
        %dma_start3A_570 = tpu.memref_squeeze %dma_start3A_569 : memref<1x400xi32, #tpu.memory_space<hbm>> -> memref<400xi32, #tpu.memory_space<hbm>>
        %dma_start3A_571 = tpu.memref_slice %arg3[%arg1, %mul3A_239] : memref<16x20000xi32, #tpu.memory_space<hbm>> -> memref<1x400xi32, #tpu.memory_space<hbm>>
        %dma_start3A_572 = tpu.memref_squeeze %dma_start3A_571 : memref<1x400xi32, #tpu.memory_space<hbm>> -> memref<400xi32, #tpu.memory_space<hbm>>
        tpu.enqueue_dma source(%dma_start3A_572 : memref<400xi32, #tpu.memory_space<hbm>>) target(%arg14 : memref<400xi32, #tpu.memory_space<vmem>>) target_semaphore(%run_scoped3A : memref<!tpu.dma_semaphore, #tpu.memory_space<semaphore_mem>>)
        %dma_wait3A_573 = tpu.memref_slice %arg3[%arg1, %mul3A_239] : memref<16x20000xi32, #tpu.memory_space<hbm>> -> memref<1x400xi32, #tpu.memory_space<hbm>>
        %dma_wait3A_574 = tpu.memref_squeeze %dma_wait3A_573 : memref<1x400xi32, #tpu.memory_space<hbm>> -> memref<400xi32, #tpu.memory_space<hbm>>
        %dma_wait3A_575 = tpu.memref_slice %arg3[%arg1, %mul3A_239] : memref<16x20000xi32, #tpu.memory_space<hbm>> -> memref<1x400xi32, #tpu.memory_space<hbm>>
        %dma_wait3A_576 = tpu.memref_squeeze %dma_wait3A_575 : memref<1x400xi32, #tpu.memory_space<hbm>> -> memref<400xi32, #tpu.memory_space<hbm>>
        tpu.wait_dma2 semaphore(%run_scoped3A : memref<!tpu.dma_semaphore, #tpu.memory_space<semaphore_mem>>) src(%dma_wait3A_576 : memref<400xi32, #tpu.memory_space<hbm>>) dst(%arg14 : memref<400xi32, #tpu.memory_space<vmem>>)
        tpu.yield
      }) : () -> ()
      %get3A_240 = arith.constant 0 : index
      %get3A_241 = tpu.vector_load %arg14[%get3A_240] {strides = array<i32>} : memref<400xi32, #tpu.memory_space<vmem>>, vector<16xi32>,
      %add3A_242 = vector.broadcast %mul3A_59 : i32 to vector<16xi32>
      %add3A_243 = arith.addi %get3A_241, %add3A_242 : vector<16xi32>
      %swap3A_244 = arith.constant 0 : index
      %swap3A_245 = tpu.vector_load %arg14[%swap3A_244] {strides = array<i32>} : memref<400xi32, #tpu.memory_space<vmem>>, vector<16xi32>,
      tpu.vector_store %arg14[%swap3A_244], %add3A_243 {strides = array<i32>} : memref<400xi32, #tpu.memory_space<vmem>>, vector<16xi32>,
      %get3A_246 = arith.constant 16 : index
      %get3A_247 = tpu.vector_load %arg14[%get3A_246] {strides = array<i32>} : memref<400xi32, #tpu.memory_space<vmem>>, vector<16xi32>,
      %add3A_248 = vector.broadcast %mul3A_59 : i32 to vector<16xi32>
      %add3A_249 = arith.addi %get3A_247, %add3A_248 : vector<16xi32>
      %swap3A_250 = arith.constant 16 : index
      %swap3A_251 = tpu.vector_load %arg14[%swap3A_250] {strides = array<i32>} : memref<400xi32, #tpu.memory_space<vmem>>, vector<16xi32>,
      tpu.vector_store %arg14[%swap3A_250], %add3A_249 {strides = array<i32>} : memref<400xi32, #tpu.memory_space<vmem>>, vector<16xi32>,
      %get3A_252 = arith.constant 32 : index
      %get3A_253 = tpu.vector_load %arg14[%get3A_252] {strides = array<i32>} : memref<400xi32, #tpu.memory_space<vmem>>, vector<16xi32>,
      %add3A_254 = vector.broadcast %mul3A_59 : i32 to vector<16xi32>
      %add3A_255 = arith.addi %get3A_253, %add3A_254 : vector<16xi32>
      %swap3A_256 = arith.constant 32 : index
      %swap3A_257 = tpu.vector_load %arg14[%swap3A_256] {strides = array<i32>} : memref<400xi32, #tpu.memory_space<vmem>>, vector<16xi32>,
      tpu.vector_store %arg14[%swap3A_256], %add3A_255 {strides = array<i32>} : memref<400xi32, #tpu.memory_space<vmem>>, vector<16xi32>,
      %get3A_258 = arith.constant 48 : index
      %get3A_259 = tpu.vector_load %arg14[%get3A_258] {strides = array<i32>} : memref<400xi32, #tpu.memory_space<vmem>>, vector<16xi32>,
      %add3A_260 = vector.broadcast %mul3A_59 : i32 to vector<16xi32>
      %add3A_261 = arith.addi %get3A_259, %add3A_260 : vector<16xi32>
      %swap3A_262 = arith.constant 48 : index
      %swap3A_263 = tpu.vector_load %arg14[%swap3A_262] {strides = array<i32>} : memref<400xi32, #tpu.memory_space<vmem>>, vector<16xi32>,
      tpu.vector_store %arg14[%swap3A_262], %add3A_261 {strides = array<i32>} : memref<400xi32, #tpu.memory_space<vmem>>, vector<16xi32>,
      %get3A_264 = arith.constant 64 : index
      %get3A_265 = tpu.vector_load %arg14[%get3A_264] {strides = array<i32>} : memref<400xi32, #tpu.memory_space<vmem>>, vector<16xi32>,
      %add3A_266 = vector.broadcast %mul3A_59 : i32 to vector<16xi32>
      %add3A_267 = arith.addi %get3A_265, %add3A_266 : vector<16xi32>
      %swap3A_268 = arith.constant 64 : index
      %swap3A_269 = tpu.vector_load %arg14[%swap3A_268] {strides = array<i32>} : memref<400xi32, #tpu.memory_space<vmem>>, vector<16xi32>,
      tpu.vector_store %arg14[%swap3A_268], %add3A_267 {strides = array<i32>} : memref<400xi32, #tpu.memory_space<vmem>>, vector<16xi32>,
      %get3A_270 = arith.constant 80 : index
      %get3A_271 = tpu.vector_load %arg14[%get3A_270] {strides = array<i32>} : memref<400xi32, #tpu.memory_space<vmem>>, vector<16xi32>,
      %add3A_272 = vector.broadcast %mul3A_59 : i32 to vector<16xi32>
      %add3A_273 = arith.addi %get3A_271, %add3A_272 : vector<16xi32>
      %swap3A_274 = arith.constant 80 : index
      %swap3A_275 = tpu.vector_load %arg14[%swap3A_274] {strides = array<i32>} : memref<400xi32, #tpu.memory_space<vmem>>, vector<16xi32>,
      tpu.vector_store %arg14[%swap3A_274], %add3A_273 {strides = array<i32>} : memref<400xi32, #tpu.memory_space<vmem>>, vector<16xi32>,
      %get3A_276 = arith.constant 96 : index
      %get3A_277 = tpu.vector_load %arg14[%get3A_276] {strides = array<i32>} : memref<400xi32, #tpu.memory_space<vmem>>, vector<16xi32>,
      %add3A_278 = vector.broadcast %mul3A_59 : i32 to vector<16xi32>
      %add3A_279 = arith.addi %get3A_277, %add3A_278 : vector<16xi32>
      %swap3A_280 = arith.constant 96 : index
      %swap3A_281 = tpu.vector_load %arg14[%swap3A_280] {strides = array<i32>} : memref<400xi32, #tpu.memory_space<vmem>>, vector<16xi32>,
      tpu.vector_store %arg14[%swap3A_280], %add3A_279 {strides = array<i32>} : memref<400xi32, #tpu.memory_space<vmem>>, vector<16xi32>,
      %get3A_282 = arith.constant 112 : index
      %get3A_283 = tpu.vector_load %arg14[%get3A_282] {strides = array<i32>} : memref<400xi32, #tpu.memory_space<vmem>>, vector<16xi32>,
      %add3A_284 = vector.broadcast %mul3A_59 : i32 to vector<16xi32>
      %add3A_285 = arith.addi %get3A_283, %add3A_284 : vector<16xi32>
      %swap3A_286 = arith.constant 112 : index
      %swap3A_287 = tpu.vector_load %arg14[%swap3A_286] {strides = array<i32>} : memref<400xi32, #tpu.memory_space<vmem>>, vector<16xi32>,
      tpu.vector_store %arg14[%swap3A_286], %add3A_285 {strides = array<i32>} : memref<400xi32, #tpu.memory_space<vmem>>, vector<16xi32>,
      %get3A_288 = arith.constant 128 : index
      %get3A_289 = tpu.vector_load %arg14[%get3A_288] {strides = array<i32>} : memref<400xi32, #tpu.memory_space<vmem>>, vector<16xi32>,
      %add3A_290 = vector.broadcast %mul3A_59 : i32 to vector<16xi32>
      %add3A_291 = arith.addi %get3A_289, %add3A_290 : vector<16xi32>
      %swap3A_292 = arith.constant 128 : index
      %swap3A_293 = tpu.vector_load %arg14[%swap3A_292] {strides = array<i32>} : memref<400xi32, #tpu.memory_space<vmem>>, vector<16xi32>,
      tpu.vector_store %arg14[%swap3A_292], %add3A_291 {strides = array<i32>} : memref<400xi32, #tpu.memory_space<vmem>>, vector<16xi32>,
      %get3A_294 = arith.constant 144 : index
      %get3A_295 = tpu.vector_load %arg14[%get3A_294] {strides = array<i32>} : memref<400xi32, #tpu.memory_space<vmem>>, vector<16xi32>,
      %add3A_296 = vector.broadcast %mul3A_59 : i32 to vector<16xi32>
      %add3A_297 = arith.addi %get3A_295, %add3A_296 : vector<16xi32>
      %swap3A_298 = arith.constant 144 : index
      %swap3A_299 = tpu.vector_load %arg14[%swap3A_298] {strides = array<i32>} : memref<400xi32, #tpu.memory_space<vmem>>, vector<16xi32>,
      tpu.vector_store %arg14[%swap3A_298], %add3A_297 {strides = array<i32>} : memref<400xi32, #tpu.memory_space<vmem>>, vector<16xi32>,
      %get3A_300 = arith.constant 160 : index
      %get3A_301 = tpu.vector_load %arg14[%get3A_300] {strides = array<i32>} : memref<400xi32, #tpu.memory_space<vmem>>, vector<16xi32>,
      %add3A_302 = vector.broadcast %mul3A_59 : i32 to vector<16xi32>
      %add3A_303 = arith.addi %get3A_301, %add3A_302 : vector<16xi32>
      %swap3A_304 = arith.constant 160 : index
      %swap3A_305 = tpu.vector_load %arg14[%swap3A_304] {strides = array<i32>} : memref<400xi32, #tpu.memory_space<vmem>>, vector<16xi32>,
      tpu.vector_store %arg14[%swap3A_304], %add3A_303 {strides = array<i32>} : memref<400xi32, #tpu.memory_space<vmem>>, vector<16xi32>,
      %get3A_306 = arith.constant 176 : index
      %get3A_307 = tpu.vector_load %arg14[%get3A_306] {strides = array<i32>} : memref<400xi32, #tpu.memory_space<vmem>>, vector<16xi32>,
      %add3A_308 = vector.broadcast %mul3A_59 : i32 to vector<16xi32>
      %add3A_309 = arith.addi %get3A_307, %add3A_308 : vector<16xi32>
      %swap3A_310 = arith.constant 176 : index
      %swap3A_311 = tpu.vector_load %arg14[%swap3A_310] {strides = array<i32>} : memref<400xi32, #tpu.memory_space<vmem>>, vector<16xi32>,
      tpu.vector_store %arg14[%swap3A_310], %add3A_309 {strides = array<i32>} : memref<400xi32, #tpu.memory_space<vmem>>, vector<16xi32>,
      %get3A_312 = arith.constant 192 : index
      %get3A_313 = tpu.vector_load %arg14[%get3A_312] {strides = array<i32>} : memref<400xi32, #tpu.memory_space<vmem>>, vector<16xi32>,
      %add3A_314 = vector.broadcast %mul3A_59 : i32 to vector<16xi32>
      %add3A_315 = arith.addi %get3A_313, %add3A_314 : vector<16xi32>
      %swap3A_316 = arith.constant 192 : index
      %swap3A_317 = tpu.vector_load %arg14[%swap3A_316] {strides = array<i32>} : memref<400xi32, #tpu.memory_space<vmem>>, vector<16xi32>,
      tpu.vector_store %arg14[%swap3A_316], %add3A_315 {strides = array<i32>} : memref<400xi32, #tpu.memory_space<vmem>>, vector<16xi32>,
      %get3A_318 = arith.constant 208 : index
      %get3A_319 = tpu.vector_load %arg14[%get3A_318] {strides = array<i32>} : memref<400xi32, #tpu.memory_space<vmem>>, vector<16xi32>,
      %add3A_320 = vector.broadcast %mul3A_59 : i32 to vector<16xi32>
      %add3A_321 = arith.addi %get3A_319, %add3A_320 : vector<16xi32>
      %swap3A_322 = arith.constant 208 : index
      %swap3A_323 = tpu.vector_load %arg14[%swap3A_322] {strides = array<i32>} : memref<400xi32, #tpu.memory_space<vmem>>, vector<16xi32>,
      tpu.vector_store %arg14[%swap3A_322], %add3A_321 {strides = array<i32>} : memref<400xi32, #tpu.memory_space<vmem>>, vector<16xi32>,
      %get3A_324 = arith.constant 224 : index
      %get3A_325 = tpu.vector_load %arg14[%get3A_324] {strides = array<i32>} : memref<400xi32, #tpu.memory_space<vmem>>, vector<16xi32>,
      %add3A_326 = vector.broadcast %mul3A_59 : i32 to vector<16xi32>
      %add3A_327 = arith.addi %get3A_325, %add3A_326 : vector<16xi32>
      %swap3A_328 = arith.constant 224 : index
      %swap3A_329 = tpu.vector_load %arg14[%swap3A_328] {strides = array<i32>} : memref<400xi32, #tpu.memory_space<vmem>>, vector<16xi32>,
      tpu.vector_store %arg14[%swap3A_328], %add3A_327 {strides = array<i32>} : memref<400xi32, #tpu.memory_space<vmem>>, vector<16xi32>,
      %get3A_330 = arith.constant 240 : index
      %get3A_331 = tpu.vector_load %arg14[%get3A_330] {strides = array<i32>} : memref<400xi32, #tpu.memory_space<vmem>>, vector<16xi32>,
      %add3A_332 = vector.broadcast %mul3A_59 : i32 to vector<16xi32>
      %add3A_333 = arith.addi %get3A_331, %add3A_332 : vector<16xi32>
      %swap3A_334 = arith.constant 240 : index
      %swap3A_335 = tpu.vector_load %arg14[%swap3A_334] {strides = array<i32>} : memref<400xi32, #tpu.memory_space<vmem>>, vector<16xi32>,
      tpu.vector_store %arg14[%swap3A_334], %add3A_333 {strides = array<i32>} : memref<400xi32, #tpu.memory_space<vmem>>, vector<16xi32>,
      %get3A_336 = arith.constant 256 : index
      %get3A_337 = tpu.vector_load %arg14[%get3A_336] {strides = array<i32>} : memref<400xi32, #tpu.memory_space<vmem>>, vector<16xi32>,
      %add3A_338 = vector.broadcast %mul3A_59 : i32 to vector<16xi32>
      %add3A_339 = arith.addi %get3A_337, %add3A_338 : vector<16xi32>
      %swap3A_340 = arith.constant 256 : index
      %swap3A_341 = tpu.vector_load %arg14[%swap3A_340] {strides = array<i32>} : memref<400xi32, #tpu.memory_space<vmem>>, vector<16xi32>,
      tpu.vector_store %arg14[%swap3A_340], %add3A_339 {strides = array<i32>} : memref<400xi32, #tpu.memory_space<vmem>>, vector<16xi32>,
      %get3A_342 = arith.constant 272 : index
      %get3A_343 = tpu.vector_load %arg14[%get3A_342] {strides = array<i32>} : memref<400xi32, #tpu.memory_space<vmem>>, vector<16xi32>,
      %add3A_344 = vector.broadcast %mul3A_59 : i32 to vector<16xi32>
      %add3A_345 = arith.addi %get3A_343, %add3A_344 : vector<16xi32>
      %swap3A_346 = arith.constant 272 : index
      %swap3A_347 = tpu.vector_load %arg14[%swap3A_346] {strides = array<i32>} : memref<400xi32, #tpu.memory_space<vmem>>, vector<16xi32>,
      tpu.vector_store %arg14[%swap3A_346], %add3A_345 {strides = array<i32>} : memref<400xi32, #tpu.memory_space<vmem>>, vector<16xi32>,
      %get3A_348 = arith.constant 288 : index
      %get3A_349 = tpu.vector_load %arg14[%get3A_348] {strides = array<i32>} : memref<400xi32, #tpu.memory_space<vmem>>, vector<16xi32>,
      %add3A_350 = vector.broadcast %mul3A_59 : i32 to vector<16xi32>
      %add3A_351 = arith.addi %get3A_349, %add3A_350 : vector<16xi32>
      %swap3A_352 = arith.constant 288 : index
      %swap3A_353 = tpu.vector_load %arg14[%swap3A_352] {strides = array<i32>} : memref<400xi32, #tpu.memory_space<vmem>>, vector<16xi32>,
      tpu.vector_store %arg14[%swap3A_352], %add3A_351 {strides = array<i32>} : memref<400xi32, #tpu.memory_space<vmem>>, vector<16xi32>,
      %get3A_354 = arith.constant 304 : index
      %get3A_355 = tpu.vector_load %arg14[%get3A_354] {strides = array<i32>} : memref<400xi32, #tpu.memory_space<vmem>>, vector<16xi32>,
      %add3A_356 = vector.broadcast %mul3A_59 : i32 to vector<16xi32>
      %add3A_357 = arith.addi %get3A_355, %add3A_356 : vector<16xi32>
      %swap3A_358 = arith.constant 304 : index
      %swap3A_359 = tpu.vector_load %arg14[%swap3A_358] {strides = array<i32>} : memref<400xi32, #tpu.memory_space<vmem>>, vector<16xi32>,
      tpu.vector_store %arg14[%swap3A_358], %add3A_357 {strides = array<i32>} : memref<400xi32, #tpu.memory_space<vmem>>, vector<16xi32>,
      %get3A_360 = arith.constant 320 : index
      %get3A_361 = tpu.vector_load %arg14[%get3A_360] {strides = array<i32>} : memref<400xi32, #tpu.memory_space<vmem>>, vector<16xi32>,
      %add3A_362 = vector.broadcast %mul3A_59 : i32 to vector<16xi32>
      %add3A_363 = arith.addi %get3A_361, %add3A_362 : vector<16xi32>
      %swap3A_364 = arith.constant 320 : index
      %swap3A_365 = tpu.vector_load %arg14[%swap3A_364] {strides = array<i32>} : memref<400xi32, #tpu.memory_space<vmem>>, vector<16xi32>,
      tpu.vector_store %arg14[%swap3A_364], %add3A_363 {strides = array<i32>} : memref<400xi32, #tpu.memory_space<vmem>>, vector<16xi32>,
      %get3A_366 = arith.constant 336 : index
      %get3A_367 = tpu.vector_load %arg14[%get3A_366] {strides = array<i32>} : memref<400xi32, #tpu.memory_space<vmem>>, vector<16xi32>,
      %add3A_368 = vector.broadcast %mul3A_59 : i32 to vector<16xi32>
      %add3A_369 = arith.addi %get3A_367, %add3A_368 : vector<16xi32>
      %swap3A_370 = arith.constant 336 : index
      %swap3A_371 = tpu.vector_load %arg14[%swap3A_370] {strides = array<i32>} : memref<400xi32, #tpu.memory_space<vmem>>, vector<16xi32>,
      tpu.vector_store %arg14[%swap3A_370], %add3A_369 {strides = array<i32>} : memref<400xi32, #tpu.memory_space<vmem>>, vector<16xi32>,
      %get3A_372 = arith.constant 352 : index
      %get3A_373 = tpu.vector_load %arg14[%get3A_372] {strides = array<i32>} : memref<400xi32, #tpu.memory_space<vmem>>, vector<16xi32>,
      %add3A_374 = vector.broadcast %mul3A_59 : i32 to vector<16xi32>
      %add3A_375 = arith.addi %get3A_373, %add3A_374 : vector<16xi32>
      %swap3A_376 = arith.constant 352 : index
      %swap3A_377 = tpu.vector_load %arg14[%swap3A_376] {strides = array<i32>} : memref<400xi32, #tpu.memory_space<vmem>>, vector<16xi32>,
      tpu.vector_store %arg14[%swap3A_376], %add3A_375 {strides = array<i32>} : memref<400xi32, #tpu.memory_space<vmem>>, vector<16xi32>,
      %get3A_378 = arith.constant 368 : index
      %get3A_379 = tpu.vector_load %arg14[%get3A_378] {strides = array<i32>} : memref<400xi32, #tpu.memory_space<vmem>>, vector<16xi32>,
      %add3A_380 = vector.broadcast %mul3A_59 : i32 to vector<16xi32>
      %add3A_381 = arith.addi %get3A_379, %add3A_380 : vector<16xi32>
      %swap3A_382 = arith.constant 368 : index
      %swap3A_383 = tpu.vector_load %arg14[%swap3A_382] {strides = array<i32>} : memref<400xi32, #tpu.memory_space<vmem>>, vector<16xi32>,
      tpu.vector_store %arg14[%swap3A_382], %add3A_381 {strides = array<i32>} : memref<400xi32, #tpu.memory_space<vmem>>, vector<16xi32>,
      %get3A_384 = arith.constant 384 : index
      %get3A_385 = tpu.vector_load %arg14[%get3A_384] {strides = array<i32>} : memref<400xi32, #tpu.memory_space<vmem>>, vector<16xi32>,
      %add3A_386 = vector.broadcast %mul3A_59 : i32 to vector<16xi32>
      %add3A_387 = arith.addi %get3A_385, %add3A_386 : vector<16xi32>
      %swap3A_388 = arith.constant 384 : index
      %swap3A_389 = tpu.vector_load %arg14[%swap3A_388] {strides = array<i32>} : memref<400xi32, #tpu.memory_space<vmem>>, vector<16xi32>,
      tpu.vector_store %arg14[%swap3A_388], %add3A_387 {strides = array<i32>} : memref<400xi32, #tpu.memory_space<vmem>>, vector<16xi32>,
      %dma_start3A_390 = arith.constant 0 : i32
      %dma_start3A_391 = arith.constant 0 : i32
      %dma_start3A_392 = tpu.memref_slice %arg8[%dma_start3A_390, %dma_start3A_391] : memref<20480x64xf32, #tpu.memory_space<hbm>> -> memref<20480x64xf32, #tpu.memory_space<hbm>>
      tpu.enqueue_indirect_dma source(%dma_start3A_392 : memref<20480x64xf32, #tpu.memory_space<hbm>>) target(%arg23 : memref<400x64xf32, #tpu.memory_space<vmem>>) offsets(%arg14 : memref<400xi32, #tpu.memory_space<vmem>>) semaphore(%arg29 : memref<!tpu.dma_semaphore, #tpu.memory_space<semaphore_mem>>)
      %mul3A_393 = arith.constant 2 : i32
      %mul3A_394 = arith.muli %mul3A_393, %scan3A_233 : i32
      %mul3A_395 = arith.constant 400 : i32
      %mul3A_396 = arith.muli %mul3A_394, %mul3A_395 : i32
      "tpu.region"() ({
        %run_scoped3A = tpu.sem_alloc : memref<!tpu.dma_semaphore, #tpu.memory_space<semaphore_mem>>
        %dma_start3A_569 = tpu.memref_slice %arg4[%arg1, %mul3A_396] : memref<16x20000xi32, #tpu.memory_space<hbm>> -> memref<1x400xi32, #tpu.memory_space<hbm>>
        %dma_start3A_570 = tpu.memref_squeeze %dma_start3A_569 : memref<1x400xi32, #tpu.memory_space<hbm>> -> memref<400xi32, #tpu.memory_space<hbm>>
        %dma_start3A_571 = tpu.memref_slice %arg4[%arg1, %mul3A_396] : memref<16x20000xi32, #tpu.memory_space<hbm>> -> memref<1x400xi32, #tpu.memory_space<hbm>>
        %dma_start3A_572 = tpu.memref_squeeze %dma_start3A_571 : memref<1x400xi32, #tpu.memory_space<hbm>> -> memref<400xi32, #tpu.memory_space<hbm>>
        tpu.enqueue_dma source(%dma_start3A_572 : memref<400xi32, #tpu.memory_space<hbm>>) target(%arg13 : memref<400xi32, #tpu.memory_space<vmem>>) target_semaphore(%run_scoped3A : memref<!tpu.dma_semaphore, #tpu.memory_space<semaphore_mem>>)
        %dma_wait3A_573 = tpu.memref_slice %arg4[%arg1, %mul3A_396] : memref<16x20000xi32, #tpu.memory_space<hbm>> -> memref<1x400xi32, #tpu.memory_space<hbm>>
        %dma_wait3A_574 = tpu.memref_squeeze %dma_wait3A_573 : memref<1x400xi32, #tpu.memory_space<hbm>> -> memref<400xi32, #tpu.memory_space<hbm>>
        %dma_wait3A_575 = tpu.memref_slice %arg4[%arg1, %mul3A_396] : memref<16x20000xi32, #tpu.memory_space<hbm>> -> memref<1x400xi32, #tpu.memory_space<hbm>>
        %dma_wait3A_576 = tpu.memref_squeeze %dma_wait3A_575 : memref<1x400xi32, #tpu.memory_space<hbm>> -> memref<400xi32, #tpu.memory_space<hbm>>
        tpu.wait_dma2 semaphore(%run_scoped3A : memref<!tpu.dma_semaphore, #tpu.memory_space<semaphore_mem>>) src(%dma_wait3A_576 : memref<400xi32, #tpu.memory_space<hbm>>) dst(%arg13 : memref<400xi32, #tpu.memory_space<vmem>>)
        tpu.yield
      }) : () -> ()
      %dma_wait3A_397 = arith.constant 0 : i32
      %dma_wait3A_398 = arith.constant 0 : i32
      %dma_wait3A_399 = tpu.memref_slice %arg8[%dma_wait3A_397, %dma_wait3A_398] : memref<20480x64xf32, #tpu.memory_space<hbm>> -> memref<20480x64xf32, #tpu.memory_space<hbm>>
      tpu.wait_indirect_dma semaphore(%arg28 : memref<!tpu.dma_semaphore, #tpu.memory_space<semaphore_mem>>) src(%dma_wait3A_399 : memref<20480x64xf32, #tpu.memory_space<hbm>>) dst(%arg22 : memref<400x64xf32, #tpu.memory_space<vmem>>)
      "tpu.region"() ({
        %run_scoped3A = tpu.sem_alloc : memref<!tpu.dma_semaphore, #tpu.memory_space<semaphore_mem>>
        %dma_start3A_569 = arith.constant 0 : i32
        %dma_start3A_570 = arith.constant 0 : i32
        %dma_start3A_571 = tpu.memref_slice %arg9[%dma_start3A_569, %dma_start3A_570] : memref<10240x64xf32, #tpu.memory_space<vmem_shared>> -> memref<10240x64xf32, #tpu.memory_space<vmem_shared>>
        tpu.enqueue_indirect_dma source(%arg22 : memref<400x64xf32, #tpu.memory_space<vmem>>) target(%dma_start3A_571 : memref<10240x64xf32, #tpu.memory_space<vmem_shared>>) offsets(%arg13 : memref<400xi32, #tpu.memory_space<vmem>>) semaphore(%run_scoped3A : memref<!tpu.dma_semaphore, #tpu.memory_space<semaphore_mem>>) {add = true}
        %dma_wait3A_572 = arith.constant 0 : i32
        %dma_wait3A_573 = arith.constant 0 : i32
        %dma_wait3A_574 = tpu.memref_slice %arg9[%dma_wait3A_572, %dma_wait3A_573] : memref<10240x64xf32, #tpu.memory_space<vmem_shared>> -> memref<10240x64xf32, #tpu.memory_space<vmem_shared>>
        tpu.wait_indirect_dma semaphore(%run_scoped3A : memref<!tpu.dma_semaphore, #tpu.memory_space<semaphore_mem>>) src(%arg22 : memref<400x64xf32, #tpu.memory_space<vmem>>) dst(%dma_wait3A_574 : memref<10240x64xf32, #tpu.memory_space<vmem_shared>>)
        tpu.yield
      }) : () -> ()
      %mul3A_400 = arith.constant 2 : i32
      %mul3A_401 = arith.muli %mul3A_400, %scan3A_233 : i32
      %add3A_402 = arith.constant 2 : i32
      %add3A_403 = arith.addi %mul3A_401, %add3A_402 : i32
      %min3A = arith.constant 49 : i32
      %min3A_404 = arith.minsi %add3A_403, %min3A : i32
      %mul3A_405 = arith.constant 400 : i32
      %mul3A_406 = arith.muli %min3A_404, %mul3A_405 : i32
      "tpu.region"() ({
        %run_scoped3A = tpu.sem_alloc : memref<!tpu.dma_semaphore, #tpu.memory_space<semaphore_mem>>
        %dma_start3A_569 = tpu.memref_slice %arg3[%arg1, %mul3A_406] : memref<16x20000xi32, #tpu.memory_space<hbm>> -> memref<1x400xi32, #tpu.memory_space<hbm>>
        %dma_start3A_570 = tpu.memref_squeeze %dma_start3A_569 : memref<1x400xi32, #tpu.memory_space<hbm>> -> memref<400xi32, #tpu.memory_space<hbm>>
        %dma_start3A_571 = tpu.memref_slice %arg3[%arg1, %mul3A_406] : memref<16x20000xi32, #tpu.memory_space<hbm>> -> memref<1x400xi32, #tpu.memory_space<hbm>>
        %dma_start3A_572 = tpu.memref_squeeze %dma_start3A_571 : memref<1x400xi32, #tpu.memory_space<hbm>> -> memref<400xi32, #tpu.memory_space<hbm>>
        tpu.enqueue_dma source(%dma_start3A_572 : memref<400xi32, #tpu.memory_space<hbm>>) target(%arg12 : memref<400xi32, #tpu.memory_space<vmem>>) target_semaphore(%run_scoped3A : memref<!tpu.dma_semaphore, #tpu.memory_space<semaphore_mem>>)
        %dma_wait3A_573 = tpu.memref_slice %arg3[%arg1, %mul3A_406] : memref<16x20000xi32, #tpu.memory_space<hbm>> -> memref<1x400xi32, #tpu.memory_space<hbm>>
        %dma_wait3A_574 = tpu.memref_squeeze %dma_wait3A_573 : memref<1x400xi32, #tpu.memory_space<hbm>> -> memref<400xi32, #tpu.memory_space<hbm>>
        %dma_wait3A_575 = tpu.memref_slice %arg3[%arg1, %mul3A_406] : memref<16x20000xi32, #tpu.memory_space<hbm>> -> memref<1x400xi32, #tpu.memory_space<hbm>>
        %dma_wait3A_576 = tpu.memref_squeeze %dma_wait3A_575 : memref<1x400xi32, #tpu.memory_space<hbm>> -> memref<400xi32, #tpu.memory_space<hbm>>
        tpu.wait_dma2 semaphore(%run_scoped3A : memref<!tpu.dma_semaphore, #tpu.memory_space<semaphore_mem>>) src(%dma_wait3A_576 : memref<400xi32, #tpu.memory_space<hbm>>) dst(%arg12 : memref<400xi32, #tpu.memory_space<vmem>>)
        tpu.yield
      }) : () -> ()
      %get3A_407 = arith.constant 0 : index
      %get3A_408 = tpu.vector_load %arg12[%get3A_407] {strides = array<i32>} : memref<400xi32, #tpu.memory_space<vmem>>, vector<16xi32>,
      %add3A_409 = vector.broadcast %mul3A_59 : i32 to vector<16xi32>
      %add3A_410 = arith.addi %get3A_408, %add3A_409 : vector<16xi32>
      %swap3A_411 = arith.constant 0 : index
      %swap3A_412 = tpu.vector_load %arg12[%swap3A_411] {strides = array<i32>} : memref<400xi32, #tpu.memory_space<vmem>>, vector<16xi32>,
      tpu.vector_store %arg12[%swap3A_411], %add3A_410 {strides = array<i32>} : memref<400xi32, #tpu.memory_space<vmem>>, vector<16xi32>,
      %get3A_413 = arith.constant 16 : index
      %get3A_414 = tpu.vector_load %arg12[%get3A_413] {strides = array<i32>} : memref<400xi32, #tpu.memory_space<vmem>>, vector<16xi32>,
      %add3A_415 = vector.broadcast %mul3A_59 : i32 to vector<16xi32>
      %add3A_416 = arith.addi %get3A_414, %add3A_415 : vector<16xi32>
      %swap3A_417 = arith.constant 16 : index
      %swap3A_418 = tpu.vector_load %arg12[%swap3A_417] {strides = array<i32>} : memref<400xi32, #tpu.memory_space<vmem>>, vector<16xi32>,
      tpu.vector_store %arg12[%swap3A_417], %add3A_416 {strides = array<i32>} : memref<400xi32, #tpu.memory_space<vmem>>, vector<16xi32>,
      %get3A_419 = arith.constant 32 : index
      %get3A_420 = tpu.vector_load %arg12[%get3A_419] {strides = array<i32>} : memref<400xi32, #tpu.memory_space<vmem>>, vector<16xi32>,
      %add3A_421 = vector.broadcast %mul3A_59 : i32 to vector<16xi32>
      %add3A_422 = arith.addi %get3A_420, %add3A_421 : vector<16xi32>
      %swap3A_423 = arith.constant 32 : index
      %swap3A_424 = tpu.vector_load %arg12[%swap3A_423] {strides = array<i32>} : memref<400xi32, #tpu.memory_space<vmem>>, vector<16xi32>,
      tpu.vector_store %arg12[%swap3A_423], %add3A_422 {strides = array<i32>} : memref<400xi32, #tpu.memory_space<vmem>>, vector<16xi32>,
      %get3A_425 = arith.constant 48 : index
      %get3A_426 = tpu.vector_load %arg12[%get3A_425] {strides = array<i32>} : memref<400xi32, #tpu.memory_space<vmem>>, vector<16xi32>,
      %add3A_427 = vector.broadcast %mul3A_59 : i32 to vector<16xi32>
      %add3A_428 = arith.addi %get3A_426, %add3A_427 : vector<16xi32>
      %swap3A_429 = arith.constant 48 : index
      %swap3A_430 = tpu.vector_load %arg12[%swap3A_429] {strides = array<i32>} : memref<400xi32, #tpu.memory_space<vmem>>, vector<16xi32>,
      tpu.vector_store %arg12[%swap3A_429], %add3A_428 {strides = array<i32>} : memref<400xi32, #tpu.memory_space<vmem>>, vector<16xi32>,
      %get3A_431 = arith.constant 64 : index
      %get3A_432 = tpu.vector_load %arg12[%get3A_431] {strides = array<i32>} : memref<400xi32, #tpu.memory_space<vmem>>, vector<16xi32>,
      %add3A_433 = vector.broadcast %mul3A_59 : i32 to vector<16xi32>
      %add3A_434 = arith.addi %get3A_432, %add3A_433 : vector<16xi32>
      %swap3A_435 = arith.constant 64 : index
      %swap3A_436 = tpu.vector_load %arg12[%swap3A_435] {strides = array<i32>} : memref<400xi32, #tpu.memory_space<vmem>>, vector<16xi32>,
      tpu.vector_store %arg12[%swap3A_435], %add3A_434 {strides = array<i32>} : memref<400xi32, #tpu.memory_space<vmem>>, vector<16xi32>,
      %get3A_437 = arith.constant 80 : index
      %get3A_438 = tpu.vector_load %arg12[%get3A_437] {strides = array<i32>} : memref<400xi32, #tpu.memory_space<vmem>>, vector<16xi32>,
      %add3A_439 = vector.broadcast %mul3A_59 : i32 to vector<16xi32>
      %add3A_440 = arith.addi %get3A_438, %add3A_439 : vector<16xi32>
      %swap3A_441 = arith.constant 80 : index
      %swap3A_442 = tpu.vector_load %arg12[%swap3A_441] {strides = array<i32>} : memref<400xi32, #tpu.memory_space<vmem>>, vector<16xi32>,
      tpu.vector_store %arg12[%swap3A_441], %add3A_440 {strides = array<i32>} : memref<400xi32, #tpu.memory_space<vmem>>, vector<16xi32>,
      %get3A_443 = arith.constant 96 : index
      %get3A_444 = tpu.vector_load %arg12[%get3A_443] {strides = array<i32>} : memref<400xi32, #tpu.memory_space<vmem>>, vector<16xi32>,
      %add3A_445 = vector.broadcast %mul3A_59 : i32 to vector<16xi32>
      %add3A_446 = arith.addi %get3A_444, %add3A_445 : vector<16xi32>
      %swap3A_447 = arith.constant 96 : index
      %swap3A_448 = tpu.vector_load %arg12[%swap3A_447] {strides = array<i32>} : memref<400xi32, #tpu.memory_space<vmem>>, vector<16xi32>,
      tpu.vector_store %arg12[%swap3A_447], %add3A_446 {strides = array<i32>} : memref<400xi32, #tpu.memory_space<vmem>>, vector<16xi32>,
      %get3A_449 = arith.constant 112 : index
      %get3A_450 = tpu.vector_load %arg12[%get3A_449] {strides = array<i32>} : memref<400xi32, #tpu.memory_space<vmem>>, vector<16xi32>,
      %add3A_451 = vector.broadcast %mul3A_59 : i32 to vector<16xi32>
      %add3A_452 = arith.addi %get3A_450, %add3A_451 : vector<16xi32>
      %swap3A_453 = arith.constant 112 : index
      %swap3A_454 = tpu.vector_load %arg12[%swap3A_453] {strides = array<i32>} : memref<400xi32, #tpu.memory_space<vmem>>, vector<16xi32>,
      tpu.vector_store %arg12[%swap3A_453], %add3A_452 {strides = array<i32>} : memref<400xi32, #tpu.memory_space<vmem>>, vector<16xi32>,
      %get3A_455 = arith.constant 128 : index
      %get3A_456 = tpu.vector_load %arg12[%get3A_455] {strides = array<i32>} : memref<400xi32, #tpu.memory_space<vmem>>, vector<16xi32>,
      %add3A_457 = vector.broadcast %mul3A_59 : i32 to vector<16xi32>
      %add3A_458 = arith.addi %get3A_456, %add3A_457 : vector<16xi32>
      %swap3A_459 = arith.constant 128 : index
      %swap3A_460 = tpu.vector_load %arg12[%swap3A_459] {strides = array<i32>} : memref<400xi32, #tpu.memory_space<vmem>>, vector<16xi32>,
      tpu.vector_store %arg12[%swap3A_459], %add3A_458 {strides = array<i32>} : memref<400xi32, #tpu.memory_space<vmem>>, vector<16xi32>,
      %get3A_461 = arith.constant 144 : index
      %get3A_462 = tpu.vector_load %arg12[%get3A_461] {strides = array<i32>} : memref<400xi32, #tpu.memory_space<vmem>>, vector<16xi32>,
      %add3A_463 = vector.broadcast %mul3A_59 : i32 to vector<16xi32>
      %add3A_464 = arith.addi %get3A_462, %add3A_463 : vector<16xi32>
      %swap3A_465 = arith.constant 144 : index
      %swap3A_466 = tpu.vector_load %arg12[%swap3A_465] {strides = array<i32>} : memref<400xi32, #tpu.memory_space<vmem>>, vector<16xi32>,
      tpu.vector_store %arg12[%swap3A_465], %add3A_464 {strides = array<i32>} : memref<400xi32, #tpu.memory_space<vmem>>, vector<16xi32>,
      %get3A_467 = arith.constant 160 : index
      %get3A_468 = tpu.vector_load %arg12[%get3A_467] {strides = array<i32>} : memref<400xi32, #tpu.memory_space<vmem>>, vector<16xi32>,
      %add3A_469 = vector.broadcast %mul3A_59 : i32 to vector<16xi32>
      %add3A_470 = arith.addi %get3A_468, %add3A_469 : vector<16xi32>
      %swap3A_471 = arith.constant 160 : index
      %swap3A_472 = tpu.vector_load %arg12[%swap3A_471] {strides = array<i32>} : memref<400xi32, #tpu.memory_space<vmem>>, vector<16xi32>,
      tpu.vector_store %arg12[%swap3A_471], %add3A_470 {strides = array<i32>} : memref<400xi32, #tpu.memory_space<vmem>>, vector<16xi32>,
      %get3A_473 = arith.constant 176 : index
      %get3A_474 = tpu.vector_load %arg12[%get3A_473] {strides = array<i32>} : memref<400xi32, #tpu.memory_space<vmem>>, vector<16xi32>,
      %add3A_475 = vector.broadcast %mul3A_59 : i32 to vector<16xi32>
      %add3A_476 = arith.addi %get3A_474, %add3A_475 : vector<16xi32>
      %swap3A_477 = arith.constant 176 : index
      %swap3A_478 = tpu.vector_load %arg12[%swap3A_477] {strides = array<i32>} : memref<400xi32, #tpu.memory_space<vmem>>, vector<16xi32>,
      tpu.vector_store %arg12[%swap3A_477], %add3A_476 {strides = array<i32>} : memref<400xi32, #tpu.memory_space<vmem>>, vector<16xi32>,
      %get3A_479 = arith.constant 192 : index
      %get3A_480 = tpu.vector_load %arg12[%get3A_479] {strides = array<i32>} : memref<400xi32, #tpu.memory_space<vmem>>, vector<16xi32>,
      %add3A_481 = vector.broadcast %mul3A_59 : i32 to vector<16xi32>
      %add3A_482 = arith.addi %get3A_480, %add3A_481 : vector<16xi32>
      %swap3A_483 = arith.constant 192 : index
      %swap3A_484 = tpu.vector_load %arg12[%swap3A_483] {strides = array<i32>} : memref<400xi32, #tpu.memory_space<vmem>>, vector<16xi32>,
      tpu.vector_store %arg12[%swap3A_483], %add3A_482 {strides = array<i32>} : memref<400xi32, #tpu.memory_space<vmem>>, vector<16xi32>,
      %get3A_485 = arith.constant 208 : index
      %get3A_486 = tpu.vector_load %arg12[%get3A_485] {strides = array<i32>} : memref<400xi32, #tpu.memory_space<vmem>>, vector<16xi32>,
      %add3A_487 = vector.broadcast %mul3A_59 : i32 to vector<16xi32>
      %add3A_488 = arith.addi %get3A_486, %add3A_487 : vector<16xi32>
      %swap3A_489 = arith.constant 208 : index
      %swap3A_490 = tpu.vector_load %arg12[%swap3A_489] {strides = array<i32>} : memref<400xi32, #tpu.memory_space<vmem>>, vector<16xi32>,
      tpu.vector_store %arg12[%swap3A_489], %add3A_488 {strides = array<i32>} : memref<400xi32, #tpu.memory_space<vmem>>, vector<16xi32>,
      %get3A_491 = arith.constant 224 : index
      %get3A_492 = tpu.vector_load %arg12[%get3A_491] {strides = array<i32>} : memref<400xi32, #tpu.memory_space<vmem>>, vector<16xi32>,
      %add3A_493 = vector.broadcast %mul3A_59 : i32 to vector<16xi32>
      %add3A_494 = arith.addi %get3A_492, %add3A_493 : vector<16xi32>
      %swap3A_495 = arith.constant 224 : index
      %swap3A_496 = tpu.vector_load %arg12[%swap3A_495] {strides = array<i32>} : memref<400xi32, #tpu.memory_space<vmem>>, vector<16xi32>,
      tpu.vector_store %arg12[%swap3A_495], %add3A_494 {strides = array<i32>} : memref<400xi32, #tpu.memory_space<vmem>>, vector<16xi32>,
      %get3A_497 = arith.constant 240 : index
      %get3A_498 = tpu.vector_load %arg12[%get3A_497] {strides = array<i32>} : memref<400xi32, #tpu.memory_space<vmem>>, vector<16xi32>,
      %add3A_499 = vector.broadcast %mul3A_59 : i32 to vector<16xi32>
      %add3A_500 = arith.addi %get3A_498, %add3A_499 : vector<16xi32>
      %swap3A_501 = arith.constant 240 : index
      %swap3A_502 = tpu.vector_load %arg12[%swap3A_501] {strides = array<i32>} : memref<400xi32, #tpu.memory_space<vmem>>, vector<16xi32>,
      tpu.vector_store %arg12[%swap3A_501], %add3A_500 {strides = array<i32>} : memref<400xi32, #tpu.memory_space<vmem>>, vector<16xi32>,
      %get3A_503 = arith.constant 256 : index
      %get3A_504 = tpu.vector_load %arg12[%get3A_503] {strides = array<i32>} : memref<400xi32, #tpu.memory_space<vmem>>, vector<16xi32>,
      %add3A_505 = vector.broadcast %mul3A_59 : i32 to vector<16xi32>
      %add3A_506 = arith.addi %get3A_504, %add3A_505 : vector<16xi32>
      %swap3A_507 = arith.constant 256 : index
      %swap3A_508 = tpu.vector_load %arg12[%swap3A_507] {strides = array<i32>} : memref<400xi32, #tpu.memory_space<vmem>>, vector<16xi32>,
      tpu.vector_store %arg12[%swap3A_507], %add3A_506 {strides = array<i32>} : memref<400xi32, #tpu.memory_space<vmem>>, vector<16xi32>,
      %get3A_509 = arith.constant 272 : index
      %get3A_510 = tpu.vector_load %arg12[%get3A_509] {strides = array<i32>} : memref<400xi32, #tpu.memory_space<vmem>>, vector<16xi32>,
      %add3A_511 = vector.broadcast %mul3A_59 : i32 to vector<16xi32>
      %add3A_512 = arith.addi %get3A_510, %add3A_511 : vector<16xi32>
      %swap3A_513 = arith.constant 272 : index
      %swap3A_514 = tpu.vector_load %arg12[%swap3A_513] {strides = array<i32>} : memref<400xi32, #tpu.memory_space<vmem>>, vector<16xi32>,
      tpu.vector_store %arg12[%swap3A_513], %add3A_512 {strides = array<i32>} : memref<400xi32, #tpu.memory_space<vmem>>, vector<16xi32>,
      %get3A_515 = arith.constant 288 : index
      %get3A_516 = tpu.vector_load %arg12[%get3A_515] {strides = array<i32>} : memref<400xi32, #tpu.memory_space<vmem>>, vector<16xi32>,
      %add3A_517 = vector.broadcast %mul3A_59 : i32 to vector<16xi32>
      %add3A_518 = arith.addi %get3A_516, %add3A_517 : vector<16xi32>
      %swap3A_519 = arith.constant 288 : index
      %swap3A_520 = tpu.vector_load %arg12[%swap3A_519] {strides = array<i32>} : memref<400xi32, #tpu.memory_space<vmem>>, vector<16xi32>,
      tpu.vector_store %arg12[%swap3A_519], %add3A_518 {strides = array<i32>} : memref<400xi32, #tpu.memory_space<vmem>>, vector<16xi32>,
      %get3A_521 = arith.constant 304 : index
      %get3A_522 = tpu.vector_load %arg12[%get3A_521] {strides = array<i32>} : memref<400xi32, #tpu.memory_space<vmem>>, vector<16xi32>,
      %add3A_523 = vector.broadcast %mul3A_59 : i32 to vector<16xi32>
      %add3A_524 = arith.addi %get3A_522, %add3A_523 : vector<16xi32>
      %swap3A_525 = arith.constant 304 : index
      %swap3A_526 = tpu.vector_load %arg12[%swap3A_525] {strides = array<i32>} : memref<400xi32, #tpu.memory_space<vmem>>, vector<16xi32>,
      tpu.vector_store %arg12[%swap3A_525], %add3A_524 {strides = array<i32>} : memref<400xi32, #tpu.memory_space<vmem>>, vector<16xi32>,
      %get3A_527 = arith.constant 320 : index
      %get3A_528 = tpu.vector_load %arg12[%get3A_527] {strides = array<i32>} : memref<400xi32, #tpu.memory_space<vmem>>, vector<16xi32>,
      %add3A_529 = vector.broadcast %mul3A_59 : i32 to vector<16xi32>
      %add3A_530 = arith.addi %get3A_528, %add3A_529 : vector<16xi32>
      %swap3A_531 = arith.constant 320 : index
      %swap3A_532 = tpu.vector_load %arg12[%swap3A_531] {strides = array<i32>} : memref<400xi32, #tpu.memory_space<vmem>>, vector<16xi32>,
      tpu.vector_store %arg12[%swap3A_531], %add3A_530 {strides = array<i32>} : memref<400xi32, #tpu.memory_space<vmem>>, vector<16xi32>,
      %get3A_533 = arith.constant 336 : index
      %get3A_534 = tpu.vector_load %arg12[%get3A_533] {strides = array<i32>} : memref<400xi32, #tpu.memory_space<vmem>>, vector<16xi32>,
      %add3A_535 = vector.broadcast %mul3A_59 : i32 to vector<16xi32>
      %add3A_536 = arith.addi %get3A_534, %add3A_535 : vector<16xi32>
      %swap3A_537 = arith.constant 336 : index
      %swap3A_538 = tpu.vector_load %arg12[%swap3A_537] {strides = array<i32>} : memref<400xi32, #tpu.memory_space<vmem>>, vector<16xi32>,
      tpu.vector_store %arg12[%swap3A_537], %add3A_536 {strides = array<i32>} : memref<400xi32, #tpu.memory_space<vmem>>, vector<16xi32>,
      %get3A_539 = arith.constant 352 : index
      %get3A_540 = tpu.vector_load %arg12[%get3A_539] {strides = array<i32>} : memref<400xi32, #tpu.memory_space<vmem>>, vector<16xi32>,
      %add3A_541 = vector.broadcast %mul3A_59 : i32 to vector<16xi32>
      %add3A_542 = arith.addi %get3A_540, %add3A_541 : vector<16xi32>
      %swap3A_543 = arith.constant 352 : index
      %swap3A_544 = tpu.vector_load %arg12[%swap3A_543] {strides = array<i32>} : memref<400xi32, #tpu.memory_space<vmem>>, vector<16xi32>,
      tpu.vector_store %arg12[%swap3A_543], %add3A_542 {strides = array<i32>} : memref<400xi32, #tpu.memory_space<vmem>>, vector<16xi32>,
      %get3A_545 = arith.constant 368 : index
      %get3A_546 = tpu.vector_load %arg12[%get3A_545] {strides = array<i32>} : memref<400xi32, #tpu.memory_space<vmem>>, vector<16xi32>,
      %add3A_547 = vector.broadcast %mul3A_59 : i32 to vector<16xi32>
      %add3A_548 = arith.addi %get3A_546, %add3A_547 : vector<16xi32>
      %swap3A_549 = arith.constant 368 : index
      %swap3A_550 = tpu.vector_load %arg12[%swap3A_549] {strides = array<i32>} : memref<400xi32, #tpu.memory_space<vmem>>, vector<16xi32>,
      tpu.vector_store %arg12[%swap3A_549], %add3A_548 {strides = array<i32>} : memref<400xi32, #tpu.memory_space<vmem>>, vector<16xi32>,
      %get3A_551 = arith.constant 384 : index
      %get3A_552 = tpu.vector_load %arg12[%get3A_551] {strides = array<i32>} : memref<400xi32, #tpu.memory_space<vmem>>, vector<16xi32>,
      %add3A_553 = vector.broadcast %mul3A_59 : i32 to vector<16xi32>
      %add3A_554 = arith.addi %get3A_552, %add3A_553 : vector<16xi32>
      %swap3A_555 = arith.constant 384 : index
      %swap3A_556 = tpu.vector_load %arg12[%swap3A_555] {strides = array<i32>} : memref<400xi32, #tpu.memory_space<vmem>>, vector<16xi32>,
      tpu.vector_store %arg12[%swap3A_555], %add3A_554 {strides = array<i32>} : memref<400xi32, #tpu.memory_space<vmem>>, vector<16xi32>,
      %dma_start3A_557 = arith.constant 0 : i32
      %dma_start3A_558 = arith.constant 0 : i32
      %dma_start3A_559 = tpu.memref_slice %arg8[%dma_start3A_557, %dma_start3A_558] : memref<20480x64xf32, #tpu.memory_space<hbm>> -> memref<20480x64xf32, #tpu.memory_space<hbm>>
      tpu.enqueue_indirect_dma source(%dma_start3A_559 : memref<20480x64xf32, #tpu.memory_space<hbm>>) target(%arg22 : memref<400x64xf32, #tpu.memory_space<vmem>>) offsets(%arg12 : memref<400xi32, #tpu.memory_space<vmem>>) semaphore(%arg28 : memref<!tpu.dma_semaphore, #tpu.memory_space<semaphore_mem>>)
      %mul3A_560 = arith.constant 2 : i32
      %mul3A_561 = arith.muli %mul3A_560, %scan3A_233 : i32
      %add3A_562 = arith.constant 1 : i32
      %add3A_563 = arith.addi %mul3A_561, %add3A_562 : i32
      %mul3A_564 = arith.constant 400 : i32
      %mul3A_565 = arith.muli %add3A_563, %mul3A_564 : i32
      "tpu.region"() ({
        %run_scoped3A = tpu.sem_alloc : memref<!tpu.dma_semaphore, #tpu.memory_space<semaphore_mem>>
        %dma_start3A_569 = tpu.memref_slice %arg4[%arg1, %mul3A_565] : memref<16x20000xi32, #tpu.memory_space<hbm>> -> memref<1x400xi32, #tpu.memory_space<hbm>>
        %dma_start3A_570 = tpu.memref_squeeze %dma_start3A_569 : memref<1x400xi32, #tpu.memory_space<hbm>> -> memref<400xi32, #tpu.memory_space<hbm>>
        %dma_start3A_571 = tpu.memref_slice %arg4[%arg1, %mul3A_565] : memref<16x20000xi32, #tpu.memory_space<hbm>> -> memref<1x400xi32, #tpu.memory_space<hbm>>
        %dma_start3A_572 = tpu.memref_squeeze %dma_start3A_571 : memref<1x400xi32, #tpu.memory_space<hbm>> -> memref<400xi32, #tpu.memory_space<hbm>>
        tpu.enqueue_dma source(%dma_start3A_572 : memref<400xi32, #tpu.memory_space<hbm>>) target(%arg15 : memref<400xi32, #tpu.memory_space<vmem>>) target_semaphore(%run_scoped3A : memref<!tpu.dma_semaphore, #tpu.memory_space<semaphore_mem>>)
        %dma_wait3A_573 = tpu.memref_slice %arg4[%arg1, %mul3A_565] : memref<16x20000xi32, #tpu.memory_space<hbm>> -> memref<1x400xi32, #tpu.memory_space<hbm>>
        %dma_wait3A_574 = tpu.memref_squeeze %dma_wait3A_573 : memref<1x400xi32, #tpu.memory_space<hbm>> -> memref<400xi32, #tpu.memory_space<hbm>>
        %dma_wait3A_575 = tpu.memref_slice %arg4[%arg1, %mul3A_565] : memref<16x20000xi32, #tpu.memory_space<hbm>> -> memref<1x400xi32, #tpu.memory_space<hbm>>
        %dma_wait3A_576 = tpu.memref_squeeze %dma_wait3A_575 : memref<1x400xi32, #tpu.memory_space<hbm>> -> memref<400xi32, #tpu.memory_space<hbm>>
        tpu.wait_dma2 semaphore(%run_scoped3A : memref<!tpu.dma_semaphore, #tpu.memory_space<semaphore_mem>>) src(%dma_wait3A_576 : memref<400xi32, #tpu.memory_space<hbm>>) dst(%arg15 : memref<400xi32, #tpu.memory_space<vmem>>)
        tpu.yield
      }) : () -> ()
      %dma_wait3A_566 = arith.constant 0 : i32
      %dma_wait3A_567 = arith.constant 0 : i32
      %dma_wait3A_568 = tpu.memref_slice %arg8[%dma_wait3A_566, %dma_wait3A_567] : memref<20480x64xf32, #tpu.memory_space<hbm>> -> memref<20480x64xf32, #tpu.memory_space<hbm>>
      tpu.wait_indirect_dma semaphore(%arg29 : memref<!tpu.dma_semaphore, #tpu.memory_space<semaphore_mem>>) src(%dma_wait3A_568 : memref<20480x64xf32, #tpu.memory_space<hbm>>) dst(%arg23 : memref<400x64xf32, #tpu.memory_space<vmem>>)
      "tpu.region"() ({
        %run_scoped3A = tpu.sem_alloc : memref<!tpu.dma_semaphore, #tpu.memory_space<semaphore_mem>>
        %dma_start3A_569 = arith.constant 0 : i32
        %dma_start3A_570 = arith.constant 0 : i32
        %dma_start3A_571 = tpu.memref_slice %arg9[%dma_start3A_569, %dma_start3A_570] : memref<10240x64xf32, #tpu.memory_space<vmem_shared>> -> memref<10240x64xf32, #tpu.memory_space<vmem_shared>>
        tpu.enqueue_indirect_dma source(%arg23 : memref<400x64xf32, #tpu.memory_space<vmem>>) target(%dma_start3A_571 : memref<10240x64xf32, #tpu.memory_space<vmem_shared>>) offsets(%arg15 : memref<400xi32, #tpu.memory_space<vmem>>) semaphore(%run_scoped3A : memref<!tpu.dma_semaphore, #tpu.memory_space<semaphore_mem>>) {add = true}
        %dma_wait3A_572 = arith.constant 0 : i32
        %dma_wait3A_573 = arith.constant 0 : i32
        %dma_wait3A_574 = tpu.memref_slice %arg9[%dma_wait3A_572, %dma_wait3A_573] : memref<10240x64xf32, #tpu.memory_space<vmem_shared>> -> memref<10240x64xf32, #tpu.memory_space<vmem_shared>>
        tpu.wait_indirect_dma semaphore(%run_scoped3A : memref<!tpu.dma_semaphore, #tpu.memory_space<semaphore_mem>>) src(%arg23 : memref<400x64xf32, #tpu.memory_space<vmem>>) dst(%dma_wait3A_574 : memref<10240x64xf32, #tpu.memory_space<vmem_shared>>)
        tpu.yield
      }) : () -> ()
    }
    %scan3A_215 = arith.constant 25 : i32
    %dma_wait3A = arith.constant 0 : i32
    %dma_wait3A_216 = arith.constant 0 : i32
    %dma_wait3A_217 = tpu.memref_slice %arg8[%dma_wait3A, %dma_wait3A_216] : memref<20480x64xf32, #tpu.memory_space<hbm>> -> memref<20480x64xf32, #tpu.memory_space<hbm>>
    tpu.wait_indirect_dma semaphore(%arg28 : memref<!tpu.dma_semaphore, #tpu.memory_space<semaphore_mem>>) src(%dma_wait3A_217 : memref<20480x64xf32, #tpu.memory_space<hbm>>) dst(%arg22 : memref<400x64xf32, #tpu.memory_space<vmem>>)
    %barrier3A_218 = arith.constant 0 : index
    tpu.barrier barrier_id(%barrier3A_218)
    %get3A_219 = arith.constant 0 : index
    %get3A_220 = tpu.vector_load %arg27[%get3A_219] {strides = array<i32>} : memref<64xf32, #tpu.memory_space<vmem>>, vector<16xf32>,
    %get3A_221 = arith.constant 16 : index
    %get3A_222 = tpu.vector_load %arg27[%get3A_221] {strides = array<i32>} : memref<64xf32, #tpu.memory_space<vmem>>, vector<16xf32>,
    %get3A_223 = arith.constant 32 : index
    %get3A_224 = tpu.vector_load %arg27[%get3A_223] {strides = array<i32>} : memref<64xf32, #tpu.memory_space<vmem>>, vector<16xf32>,
    %get3A_225 = arith.constant 48 : index
    %get3A_226 = tpu.vector_load %arg27[%get3A_225] {strides = array<i32>} : memref<64xf32, #tpu.memory_space<vmem>>, vector<16xf32>,
    %scan3A_227 = arith.constant 0 : i32
    %scan3A_228 = arith.constant 0 : i32
    %scan3A_229 = arith.constant 5 : i32
    %scan3A_230 = arith.addi %scan3A_228, %scan3A_229 : i32
    %scan3A_231 = arith.constant 1 : i32
    scf.for %scan3A_233 = %scan3A_228 to %scan3A_230 step %scan3A_231  : i32 {
      %mul3A_234 = arith.constant 128 : i32
      %mul3A_235 = arith.muli %scan3A_233, %mul3A_234 : i32
      %add3A_236 = arith.addi %mul3A_0, %mul3A_235 : i32
      "tpu.region"() ({
        %run_scoped3A = tpu.sem_alloc : memref<!tpu.dma_semaphore, #tpu.memory_space<semaphore_mem>>
        %dma_start3A_248 = arith.constant 0 : i32
        %dma_start3A_249 = tpu.memref_slice %arg9[%add3A_236, %dma_start3A_248] : memref<10240x64xf32, #tpu.memory_space<vmem_shared>> -> memref<128x64xf32, #tpu.memory_space<vmem_shared>>
        %dma_start3A_250 = arith.constant 0 : i32
        %dma_start3A_251 = tpu.memref_slice %arg9[%add3A_236, %dma_start3A_250] : memref<10240x64xf32, #tpu.memory_space<vmem_shared>> -> memref<128x64xf32, #tpu.memory_space<vmem_shared>>
        tpu.enqueue_dma source(%dma_start3A_251 : memref<128x64xf32, #tpu.memory_space<vmem_shared>>) target(%arg24 : memref<128x64xf32, #tpu.memory_space<vmem>>) target_semaphore(%run_scoped3A : memref<!tpu.dma_semaphore, #tpu.memory_space<semaphore_mem>>)
        %dma_wait3A_252 = arith.constant 0 : i32
        %dma_wait3A_253 = tpu.memref_slice %arg9[%add3A_236, %dma_wait3A_252] : memref<10240x64xf32, #tpu.memory_space<vmem_shared>> -> memref<128x64xf32, #tpu.memory_space<vmem_shared>>
        %dma_wait3A_254 = arith.constant 0 : i32
        %dma_wait3A_255 = tpu.memref_slice %arg9[%add3A_236, %dma_wait3A_254] : memref<10240x64xf32, #tpu.memory_space<vmem_shared>> -> memref<128x64xf32, #tpu.memory_space<vmem_shared>>
        tpu.wait_dma2 semaphore(%run_scoped3A : memref<!tpu.dma_semaphore, #tpu.memory_space<semaphore_mem>>) src(%dma_wait3A_255 : memref<128x64xf32, #tpu.memory_space<vmem_shared>>) dst(%arg24 : memref<128x64xf32, #tpu.memory_space<vmem>>)
        tpu.yield
      }) : () -> ()
      %scan3A_237 = arith.constant 0 : i32
      %scan3A_238 = arith.constant 0 : i32
      %scan3A_239 = arith.constant 8 : i32
      %scan3A_240 = arith.addi %scan3A_238, %scan3A_239 : i32
      %scan3A_241 = arith.constant 1 : i32
      scf.for %scan3A_248 = %scan3A_238 to %scan3A_240 step %scan3A_241  : i32 {
        %mul3A_249 = arith.constant 128 : i32
        %mul3A_250 = arith.muli %scan3A_233, %mul3A_249 : i32
        %mul3A_251 = arith.constant 16 : i32
        %mul3A_252 = arith.muli %scan3A_248, %mul3A_251 : i32
        %add3A_253 = arith.addi %mul3A_250, %mul3A_252 : i32
        %get3A_254 = arith.index_cast %add3A_253 : i32 to index
        %get3A_255 = tpu.vector_load %arg21[%get3A_254] {strides = array<i32>} : memref<640xf32, #tpu.memory_space<vmem>>, vector<16xf32>,
        %eq3A = arith.constant 0 : i32
        %eq3A_256 = vector.broadcast %eq3A : i32 to vector<16xi32>
        %eq3A_257 = arith.cmpi eq, %iota3A, %eq3A_256 : vector<16xi32>
        %jit3A = arith.constant 0.000000e+00 : f32
        %broadcast_in_dim3A_258 = vector.broadcast %jit3A : f32 to vector<16xf32>
        %select_n3A = arith.select %eq3A_257, %get3A_255, %broadcast_in_dim3A_258 : vector<16xi1>, vector<16xf32>
        %reduce_sum3A = arith.constant true
        %reduce_sum3A_259 = vector.broadcast %reduce_sum3A : i1 to vector<16xi1>
        %reduce_sum3A_260 = tpu.scan <sum>, %select_n3A masked %reduce_sum3A_259 : vector<16xf32>, vector<16xi1> -> vector<16xf32>
        %reduce_sum3A_261 = vector.extract %reduce_sum3A_260[15] : f32 from vector<16xf32>
        %broadcast_in_dim3A_262 = vector.broadcast %reduce_sum3A_261 : f32 to vector<16xf32>
        %mul3A_263 = arith.constant 16 : i32
        %mul3A_264 = arith.muli %scan3A_248, %mul3A_263 : i32
        %add3A_265 = arith.constant 0 : i32
        %add3A_266 = arith.addi %mul3A_264, %add3A_265 : i32
        %get3A_267 = arith.index_cast %add3A_266 : i32 to index
        %get3A_268 = arith.constant 0 : index
        %get3A_269 = tpu.vector_load %arg24[%get3A_267, %get3A_268] {strides = array<i32>} : memref<128x64xf32, #tpu.memory_space<vmem>>, vector<16xf32>,
        %mul3A_270 = arith.mulf %get3A_269, %broadcast_in_dim3A_262 : vector<16xf32>
        %add3A_271 = arith.addf %mul3A_270, %get3A_220 : vector<16xf32>
        %swap3A_272 = arith.index_cast %add3A_266 : i32 to index
        %swap3A_273 = arith.constant 0 : index
        %swap3A_274 = tpu.vector_load %arg24[%swap3A_272, %swap3A_273] {strides = array<i32>} : memref<128x64xf32, #tpu.memory_space<vmem>>, vector<16xf32>,
        tpu.vector_store %arg24[%swap3A_272, %swap3A_273], %add3A_271 {strides = array<i32>} : memref<128x64xf32, #tpu.memory_space<vmem>>, vector<16xf32>,
        %get3A_275 = arith.index_cast %add3A_266 : i32 to index
        %get3A_276 = arith.constant 16 : index
        %get3A_277 = tpu.vector_load %arg24[%get3A_275, %get3A_276] {strides = array<i32>} : memref<128x64xf32, #tpu.memory_space<vmem>>, vector<16xf32>,
        %mul3A_278 = arith.mulf %get3A_277, %broadcast_in_dim3A_262 : vector<16xf32>
        %add3A_279 = arith.addf %mul3A_278, %get3A_222 : vector<16xf32>
        %swap3A_280 = arith.index_cast %add3A_266 : i32 to index
        %swap3A_281 = arith.constant 16 : index
        %swap3A_282 = tpu.vector_load %arg24[%swap3A_280, %swap3A_281] {strides = array<i32>} : memref<128x64xf32, #tpu.memory_space<vmem>>, vector<16xf32>,
        tpu.vector_store %arg24[%swap3A_280, %swap3A_281], %add3A_279 {strides = array<i32>} : memref<128x64xf32, #tpu.memory_space<vmem>>, vector<16xf32>,
        %get3A_283 = arith.index_cast %add3A_266 : i32 to index
        %get3A_284 = arith.constant 32 : index
        %get3A_285 = tpu.vector_load %arg24[%get3A_283, %get3A_284] {strides = array<i32>} : memref<128x64xf32, #tpu.memory_space<vmem>>, vector<16xf32>,
        %mul3A_286 = arith.mulf %get3A_285, %broadcast_in_dim3A_262 : vector<16xf32>
        %add3A_287 = arith.addf %mul3A_286, %get3A_224 : vector<16xf32>
        %swap3A_288 = arith.index_cast %add3A_266 : i32 to index
        %swap3A_289 = arith.constant 32 : index
        %swap3A_290 = tpu.vector_load %arg24[%swap3A_288, %swap3A_289] {strides = array<i32>} : memref<128x64xf32, #tpu.memory_space<vmem>>, vector<16xf32>,
        tpu.vector_store %arg24[%swap3A_288, %swap3A_289], %add3A_287 {strides = array<i32>} : memref<128x64xf32, #tpu.memory_space<vmem>>, vector<16xf32>,
        %get3A_291 = arith.index_cast %add3A_266 : i32 to index
        %get3A_292 = arith.constant 48 : index
        %get3A_293 = tpu.vector_load %arg24[%get3A_291, %get3A_292] {strides = array<i32>} : memref<128x64xf32, #tpu.memory_space<vmem>>, vector<16xf32>,
        %mul3A_294 = arith.mulf %get3A_293, %broadcast_in_dim3A_262 : vector<16xf32>
        %add3A_295 = arith.addf %mul3A_294, %get3A_226 : vector<16xf32>
        %swap3A_296 = arith.index_cast %add3A_266 : i32 to index
        %swap3A_297 = arith.constant 48 : index
        %swap3A_298 = tpu.vector_load %arg24[%swap3A_296, %swap3A_297] {strides = array<i32>} : memref<128x64xf32, #tpu.memory_space<vmem>>, vector<16xf32>,
        tpu.vector_store %arg24[%swap3A_296, %swap3A_297], %add3A_295 {strides = array<i32>} : memref<128x64xf32, #tpu.memory_space<vmem>>, vector<16xf32>,
        %eq3A_299 = arith.constant 1 : i32
        %eq3A_300 = vector.broadcast %eq3A_299 : i32 to vector<16xi32>
        %eq3A_301 = arith.cmpi eq, %iota3A, %eq3A_300 : vector<16xi32>
        %jit3A_302 = arith.constant 0.000000e+00 : f32
        %broadcast_in_dim3A_303 = vector.broadcast %jit3A_302 : f32 to vector<16xf32>
        %select_n3A_304 = arith.select %eq3A_301, %get3A_255, %broadcast_in_dim3A_303 : vector<16xi1>, vector<16xf32>
        %reduce_sum3A_305 = arith.constant true
        %reduce_sum3A_306 = vector.broadcast %reduce_sum3A_305 : i1 to vector<16xi1>
        %reduce_sum3A_307 = tpu.scan <sum>, %select_n3A_304 masked %reduce_sum3A_306 : vector<16xf32>, vector<16xi1> -> vector<16xf32>
        %reduce_sum3A_308 = vector.extract %reduce_sum3A_307[15] : f32 from vector<16xf32>
        %broadcast_in_dim3A_309 = vector.broadcast %reduce_sum3A_308 : f32 to vector<16xf32>
        %mul3A_310 = arith.constant 16 : i32
        %mul3A_311 = arith.muli %scan3A_248, %mul3A_310 : i32
        %add3A_312 = arith.constant 1 : i32
        %add3A_313 = arith.addi %mul3A_311, %add3A_312 : i32
        %get3A_314 = arith.index_cast %add3A_313 : i32 to index
        %get3A_315 = arith.constant 0 : index
        %get3A_316 = tpu.vector_load %arg24[%get3A_314, %get3A_315] {strides = array<i32>} : memref<128x64xf32, #tpu.memory_space<vmem>>, vector<16xf32>,
        %mul3A_317 = arith.mulf %get3A_316, %broadcast_in_dim3A_309 : vector<16xf32>
        %add3A_318 = arith.addf %mul3A_317, %get3A_220 : vector<16xf32>
        %swap3A_319 = arith.index_cast %add3A_313 : i32 to index
        %swap3A_320 = arith.constant 0 : index
        %swap3A_321 = tpu.vector_load %arg24[%swap3A_319, %swap3A_320] {strides = array<i32>} : memref<128x64xf32, #tpu.memory_space<vmem>>, vector<16xf32>,
        tpu.vector_store %arg24[%swap3A_319, %swap3A_320], %add3A_318 {strides = array<i32>} : memref<128x64xf32, #tpu.memory_space<vmem>>, vector<16xf32>,
        %get3A_322 = arith.index_cast %add3A_313 : i32 to index
        %get3A_323 = arith.constant 16 : index
        %get3A_324 = tpu.vector_load %arg24[%get3A_322, %get3A_323] {strides = array<i32>} : memref<128x64xf32, #tpu.memory_space<vmem>>, vector<16xf32>,
        %mul3A_325 = arith.mulf %get3A_324, %broadcast_in_dim3A_309 : vector<16xf32>
        %add3A_326 = arith.addf %mul3A_325, %get3A_222 : vector<16xf32>
        %swap3A_327 = arith.index_cast %add3A_313 : i32 to index
        %swap3A_328 = arith.constant 16 : index
        %swap3A_329 = tpu.vector_load %arg24[%swap3A_327, %swap3A_328] {strides = array<i32>} : memref<128x64xf32, #tpu.memory_space<vmem>>, vector<16xf32>,
        tpu.vector_store %arg24[%swap3A_327, %swap3A_328], %add3A_326 {strides = array<i32>} : memref<128x64xf32, #tpu.memory_space<vmem>>, vector<16xf32>,
        %get3A_330 = arith.index_cast %add3A_313 : i32 to index
        %get3A_331 = arith.constant 32 : index
        %get3A_332 = tpu.vector_load %arg24[%get3A_330, %get3A_331] {strides = array<i32>} : memref<128x64xf32, #tpu.memory_space<vmem>>, vector<16xf32>,
        %mul3A_333 = arith.mulf %get3A_332, %broadcast_in_dim3A_309 : vector<16xf32>
        %add3A_334 = arith.addf %mul3A_333, %get3A_224 : vector<16xf32>
        %swap3A_335 = arith.index_cast %add3A_313 : i32 to index
        %swap3A_336 = arith.constant 32 : index
        %swap3A_337 = tpu.vector_load %arg24[%swap3A_335, %swap3A_336] {strides = array<i32>} : memref<128x64xf32, #tpu.memory_space<vmem>>, vector<16xf32>,
        tpu.vector_store %arg24[%swap3A_335, %swap3A_336], %add3A_334 {strides = array<i32>} : memref<128x64xf32, #tpu.memory_space<vmem>>, vector<16xf32>,
        %get3A_338 = arith.index_cast %add3A_313 : i32 to index
        %get3A_339 = arith.constant 48 : index
        %get3A_340 = tpu.vector_load %arg24[%get3A_338, %get3A_339] {strides = array<i32>} : memref<128x64xf32, #tpu.memory_space<vmem>>, vector<16xf32>,
        %mul3A_341 = arith.mulf %get3A_340, %broadcast_in_dim3A_309 : vector<16xf32>
        %add3A_342 = arith.addf %mul3A_341, %get3A_226 : vector<16xf32>
        %swap3A_343 = arith.index_cast %add3A_313 : i32 to index
        %swap3A_344 = arith.constant 48 : index
        %swap3A_345 = tpu.vector_load %arg24[%swap3A_343, %swap3A_344] {strides = array<i32>} : memref<128x64xf32, #tpu.memory_space<vmem>>, vector<16xf32>,
        tpu.vector_store %arg24[%swap3A_343, %swap3A_344], %add3A_342 {strides = array<i32>} : memref<128x64xf32, #tpu.memory_space<vmem>>, vector<16xf32>,
        %eq3A_346 = arith.constant 2 : i32
        %eq3A_347 = vector.broadcast %eq3A_346 : i32 to vector<16xi32>
        %eq3A_348 = arith.cmpi eq, %iota3A, %eq3A_347 : vector<16xi32>
        %jit3A_349 = arith.constant 0.000000e+00 : f32
        %broadcast_in_dim3A_350 = vector.broadcast %jit3A_349 : f32 to vector<16xf32>
        %select_n3A_351 = arith.select %eq3A_348, %get3A_255, %broadcast_in_dim3A_350 : vector<16xi1>, vector<16xf32>
        %reduce_sum3A_352 = arith.constant true
        %reduce_sum3A_353 = vector.broadcast %reduce_sum3A_352 : i1 to vector<16xi1>
        %reduce_sum3A_354 = tpu.scan <sum>, %select_n3A_351 masked %reduce_sum3A_353 : vector<16xf32>, vector<16xi1> -> vector<16xf32>
        %reduce_sum3A_355 = vector.extract %reduce_sum3A_354[15] : f32 from vector<16xf32>
        %broadcast_in_dim3A_356 = vector.broadcast %reduce_sum3A_355 : f32 to vector<16xf32>
        %mul3A_357 = arith.constant 16 : i32
        %mul3A_358 = arith.muli %scan3A_248, %mul3A_357 : i32
        %add3A_359 = arith.constant 2 : i32
        %add3A_360 = arith.addi %mul3A_358, %add3A_359 : i32
        %get3A_361 = arith.index_cast %add3A_360 : i32 to index
        %get3A_362 = arith.constant 0 : index
        %get3A_363 = tpu.vector_load %arg24[%get3A_361, %get3A_362] {strides = array<i32>} : memref<128x64xf32, #tpu.memory_space<vmem>>, vector<16xf32>,
        %mul3A_364 = arith.mulf %get3A_363, %broadcast_in_dim3A_356 : vector<16xf32>
        %add3A_365 = arith.addf %mul3A_364, %get3A_220 : vector<16xf32>
        %swap3A_366 = arith.index_cast %add3A_360 : i32 to index
        %swap3A_367 = arith.constant 0 : index
        %swap3A_368 = tpu.vector_load %arg24[%swap3A_366, %swap3A_367] {strides = array<i32>} : memref<128x64xf32, #tpu.memory_space<vmem>>, vector<16xf32>,
        tpu.vector_store %arg24[%swap3A_366, %swap3A_367], %add3A_365 {strides = array<i32>} : memref<128x64xf32, #tpu.memory_space<vmem>>, vector<16xf32>,
        %get3A_369 = arith.index_cast %add3A_360 : i32 to index
        %get3A_370 = arith.constant 16 : index
        %get3A_371 = tpu.vector_load %arg24[%get3A_369, %get3A_370] {strides = array<i32>} : memref<128x64xf32, #tpu.memory_space<vmem>>, vector<16xf32>,
        %mul3A_372 = arith.mulf %get3A_371, %broadcast_in_dim3A_356 : vector<16xf32>
        %add3A_373 = arith.addf %mul3A_372, %get3A_222 : vector<16xf32>
        %swap3A_374 = arith.index_cast %add3A_360 : i32 to index
        %swap3A_375 = arith.constant 16 : index
        %swap3A_376 = tpu.vector_load %arg24[%swap3A_374, %swap3A_375] {strides = array<i32>} : memref<128x64xf32, #tpu.memory_space<vmem>>, vector<16xf32>,
        tpu.vector_store %arg24[%swap3A_374, %swap3A_375], %add3A_373 {strides = array<i32>} : memref<128x64xf32, #tpu.memory_space<vmem>>, vector<16xf32>,
        %get3A_377 = arith.index_cast %add3A_360 : i32 to index
        %get3A_378 = arith.constant 32 : index
        %get3A_379 = tpu.vector_load %arg24[%get3A_377, %get3A_378] {strides = array<i32>} : memref<128x64xf32, #tpu.memory_space<vmem>>, vector<16xf32>,
        %mul3A_380 = arith.mulf %get3A_379, %broadcast_in_dim3A_356 : vector<16xf32>
        %add3A_381 = arith.addf %mul3A_380, %get3A_224 : vector<16xf32>
        %swap3A_382 = arith.index_cast %add3A_360 : i32 to index
        %swap3A_383 = arith.constant 32 : index
        %swap3A_384 = tpu.vector_load %arg24[%swap3A_382, %swap3A_383] {strides = array<i32>} : memref<128x64xf32, #tpu.memory_space<vmem>>, vector<16xf32>,
        tpu.vector_store %arg24[%swap3A_382, %swap3A_383], %add3A_381 {strides = array<i32>} : memref<128x64xf32, #tpu.memory_space<vmem>>, vector<16xf32>,
        %get3A_385 = arith.index_cast %add3A_360 : i32 to index
        %get3A_386 = arith.constant 48 : index
        %get3A_387 = tpu.vector_load %arg24[%get3A_385, %get3A_386] {strides = array<i32>} : memref<128x64xf32, #tpu.memory_space<vmem>>, vector<16xf32>,
        %mul3A_388 = arith.mulf %get3A_387, %broadcast_in_dim3A_356 : vector<16xf32>
        %add3A_389 = arith.addf %mul3A_388, %get3A_226 : vector<16xf32>
        %swap3A_390 = arith.index_cast %add3A_360 : i32 to index
        %swap3A_391 = arith.constant 48 : index
        %swap3A_392 = tpu.vector_load %arg24[%swap3A_390, %swap3A_391] {strides = array<i32>} : memref<128x64xf32, #tpu.memory_space<vmem>>, vector<16xf32>,
        tpu.vector_store %arg24[%swap3A_390, %swap3A_391], %add3A_389 {strides = array<i32>} : memref<128x64xf32, #tpu.memory_space<vmem>>, vector<16xf32>,
        %eq3A_393 = arith.constant 3 : i32
        %eq3A_394 = vector.broadcast %eq3A_393 : i32 to vector<16xi32>
        %eq3A_395 = arith.cmpi eq, %iota3A, %eq3A_394 : vector<16xi32>
        %jit3A_396 = arith.constant 0.000000e+00 : f32
        %broadcast_in_dim3A_397 = vector.broadcast %jit3A_396 : f32 to vector<16xf32>
        %select_n3A_398 = arith.select %eq3A_395, %get3A_255, %broadcast_in_dim3A_397 : vector<16xi1>, vector<16xf32>
        %reduce_sum3A_399 = arith.constant true
        %reduce_sum3A_400 = vector.broadcast %reduce_sum3A_399 : i1 to vector<16xi1>
        %reduce_sum3A_401 = tpu.scan <sum>, %select_n3A_398 masked %reduce_sum3A_400 : vector<16xf32>, vector<16xi1> -> vector<16xf32>
        %reduce_sum3A_402 = vector.extract %reduce_sum3A_401[15] : f32 from vector<16xf32>
        %broadcast_in_dim3A_403 = vector.broadcast %reduce_sum3A_402 : f32 to vector<16xf32>
        %mul3A_404 = arith.constant 16 : i32
        %mul3A_405 = arith.muli %scan3A_248, %mul3A_404 : i32
        %add3A_406 = arith.constant 3 : i32
        %add3A_407 = arith.addi %mul3A_405, %add3A_406 : i32
        %get3A_408 = arith.index_cast %add3A_407 : i32 to index
        %get3A_409 = arith.constant 0 : index
        %get3A_410 = tpu.vector_load %arg24[%get3A_408, %get3A_409] {strides = array<i32>} : memref<128x64xf32, #tpu.memory_space<vmem>>, vector<16xf32>,
        %mul3A_411 = arith.mulf %get3A_410, %broadcast_in_dim3A_403 : vector<16xf32>
        %add3A_412 = arith.addf %mul3A_411, %get3A_220 : vector<16xf32>
        %swap3A_413 = arith.index_cast %add3A_407 : i32 to index
        %swap3A_414 = arith.constant 0 : index
        %swap3A_415 = tpu.vector_load %arg24[%swap3A_413, %swap3A_414] {strides = array<i32>} : memref<128x64xf32, #tpu.memory_space<vmem>>, vector<16xf32>,
        tpu.vector_store %arg24[%swap3A_413, %swap3A_414], %add3A_412 {strides = array<i32>} : memref<128x64xf32, #tpu.memory_space<vmem>>, vector<16xf32>,
        %get3A_416 = arith.index_cast %add3A_407 : i32 to index
        %get3A_417 = arith.constant 16 : index
        %get3A_418 = tpu.vector_load %arg24[%get3A_416, %get3A_417] {strides = array<i32>} : memref<128x64xf32, #tpu.memory_space<vmem>>, vector<16xf32>,
        %mul3A_419 = arith.mulf %get3A_418, %broadcast_in_dim3A_403 : vector<16xf32>
        %add3A_420 = arith.addf %mul3A_419, %get3A_222 : vector<16xf32>
        %swap3A_421 = arith.index_cast %add3A_407 : i32 to index
        %swap3A_422 = arith.constant 16 : index
        %swap3A_423 = tpu.vector_load %arg24[%swap3A_421, %swap3A_422] {strides = array<i32>} : memref<128x64xf32, #tpu.memory_space<vmem>>, vector<16xf32>,
        tpu.vector_store %arg24[%swap3A_421, %swap3A_422], %add3A_420 {strides = array<i32>} : memref<128x64xf32, #tpu.memory_space<vmem>>, vector<16xf32>,
        %get3A_424 = arith.index_cast %add3A_407 : i32 to index
        %get3A_425 = arith.constant 32 : index
        %get3A_426 = tpu.vector_load %arg24[%get3A_424, %get3A_425] {strides = array<i32>} : memref<128x64xf32, #tpu.memory_space<vmem>>, vector<16xf32>,
        %mul3A_427 = arith.mulf %get3A_426, %broadcast_in_dim3A_403 : vector<16xf32>
        %add3A_428 = arith.addf %mul3A_427, %get3A_224 : vector<16xf32>
        %swap3A_429 = arith.index_cast %add3A_407 : i32 to index
        %swap3A_430 = arith.constant 32 : index
        %swap3A_431 = tpu.vector_load %arg24[%swap3A_429, %swap3A_430] {strides = array<i32>} : memref<128x64xf32, #tpu.memory_space<vmem>>, vector<16xf32>,
        tpu.vector_store %arg24[%swap3A_429, %swap3A_430], %add3A_428 {strides = array<i32>} : memref<128x64xf32, #tpu.memory_space<vmem>>, vector<16xf32>,
        %get3A_432 = arith.index_cast %add3A_407 : i32 to index
        %get3A_433 = arith.constant 48 : index
        %get3A_434 = tpu.vector_load %arg24[%get3A_432, %get3A_433] {strides = array<i32>} : memref<128x64xf32, #tpu.memory_space<vmem>>, vector<16xf32>,
        %mul3A_435 = arith.mulf %get3A_434, %broadcast_in_dim3A_403 : vector<16xf32>
        %add3A_436 = arith.addf %mul3A_435, %get3A_226 : vector<16xf32>
        %swap3A_437 = arith.index_cast %add3A_407 : i32 to index
        %swap3A_438 = arith.constant 48 : index
        %swap3A_439 = tpu.vector_load %arg24[%swap3A_437, %swap3A_438] {strides = array<i32>} : memref<128x64xf32, #tpu.memory_space<vmem>>, vector<16xf32>,
        tpu.vector_store %arg24[%swap3A_437, %swap3A_438], %add3A_436 {strides = array<i32>} : memref<128x64xf32, #tpu.memory_space<vmem>>, vector<16xf32>,
        %eq3A_440 = arith.constant 4 : i32
        %eq3A_441 = vector.broadcast %eq3A_440 : i32 to vector<16xi32>
        %eq3A_442 = arith.cmpi eq, %iota3A, %eq3A_441 : vector<16xi32>
        %jit3A_443 = arith.constant 0.000000e+00 : f32
        %broadcast_in_dim3A_444 = vector.broadcast %jit3A_443 : f32 to vector<16xf32>
        %select_n3A_445 = arith.select %eq3A_442, %get3A_255, %broadcast_in_dim3A_444 : vector<16xi1>, vector<16xf32>
        %reduce_sum3A_446 = arith.constant true
        %reduce_sum3A_447 = vector.broadcast %reduce_sum3A_446 : i1 to vector<16xi1>
        %reduce_sum3A_448 = tpu.scan <sum>, %select_n3A_445 masked %reduce_sum3A_447 : vector<16xf32>, vector<16xi1> -> vector<16xf32>
        %reduce_sum3A_449 = vector.extract %reduce_sum3A_448[15] : f32 from vector<16xf32>
        %broadcast_in_dim3A_450 = vector.broadcast %reduce_sum3A_449 : f32 to vector<16xf32>
        %mul3A_451 = arith.constant 16 : i32
        %mul3A_452 = arith.muli %scan3A_248, %mul3A_451 : i32
        %add3A_453 = arith.constant 4 : i32
        %add3A_454 = arith.addi %mul3A_452, %add3A_453 : i32
        %get3A_455 = arith.index_cast %add3A_454 : i32 to index
        %get3A_456 = arith.constant 0 : index
        %get3A_457 = tpu.vector_load %arg24[%get3A_455, %get3A_456] {strides = array<i32>} : memref<128x64xf32, #tpu.memory_space<vmem>>, vector<16xf32>,
        %mul3A_458 = arith.mulf %get3A_457, %broadcast_in_dim3A_450 : vector<16xf32>
        %add3A_459 = arith.addf %mul3A_458, %get3A_220 : vector<16xf32>
        %swap3A_460 = arith.index_cast %add3A_454 : i32 to index
        %swap3A_461 = arith.constant 0 : index
        %swap3A_462 = tpu.vector_load %arg24[%swap3A_460, %swap3A_461] {strides = array<i32>} : memref<128x64xf32, #tpu.memory_space<vmem>>, vector<16xf32>,
        tpu.vector_store %arg24[%swap3A_460, %swap3A_461], %add3A_459 {strides = array<i32>} : memref<128x64xf32, #tpu.memory_space<vmem>>, vector<16xf32>,
        %get3A_463 = arith.index_cast %add3A_454 : i32 to index
        %get3A_464 = arith.constant 16 : index
        %get3A_465 = tpu.vector_load %arg24[%get3A_463, %get3A_464] {strides = array<i32>} : memref<128x64xf32, #tpu.memory_space<vmem>>, vector<16xf32>,
        %mul3A_466 = arith.mulf %get3A_465, %broadcast_in_dim3A_450 : vector<16xf32>
        %add3A_467 = arith.addf %mul3A_466, %get3A_222 : vector<16xf32>
        %swap3A_468 = arith.index_cast %add3A_454 : i32 to index
        %swap3A_469 = arith.constant 16 : index
        %swap3A_470 = tpu.vector_load %arg24[%swap3A_468, %swap3A_469] {strides = array<i32>} : memref<128x64xf32, #tpu.memory_space<vmem>>, vector<16xf32>,
        tpu.vector_store %arg24[%swap3A_468, %swap3A_469], %add3A_467 {strides = array<i32>} : memref<128x64xf32, #tpu.memory_space<vmem>>, vector<16xf32>,
        %get3A_471 = arith.index_cast %add3A_454 : i32 to index
        %get3A_472 = arith.constant 32 : index
        %get3A_473 = tpu.vector_load %arg24[%get3A_471, %get3A_472] {strides = array<i32>} : memref<128x64xf32, #tpu.memory_space<vmem>>, vector<16xf32>,
        %mul3A_474 = arith.mulf %get3A_473, %broadcast_in_dim3A_450 : vector<16xf32>
        %add3A_475 = arith.addf %mul3A_474, %get3A_224 : vector<16xf32>
        %swap3A_476 = arith.index_cast %add3A_454 : i32 to index
        %swap3A_477 = arith.constant 32 : index
        %swap3A_478 = tpu.vector_load %arg24[%swap3A_476, %swap3A_477] {strides = array<i32>} : memref<128x64xf32, #tpu.memory_space<vmem>>, vector<16xf32>,
        tpu.vector_store %arg24[%swap3A_476, %swap3A_477], %add3A_475 {strides = array<i32>} : memref<128x64xf32, #tpu.memory_space<vmem>>, vector<16xf32>,
        %get3A_479 = arith.index_cast %add3A_454 : i32 to index
        %get3A_480 = arith.constant 48 : index
        %get3A_481 = tpu.vector_load %arg24[%get3A_479, %get3A_480] {strides = array<i32>} : memref<128x64xf32, #tpu.memory_space<vmem>>, vector<16xf32>,
        %mul3A_482 = arith.mulf %get3A_481, %broadcast_in_dim3A_450 : vector<16xf32>
        %add3A_483 = arith.addf %mul3A_482, %get3A_226 : vector<16xf32>
        %swap3A_484 = arith.index_cast %add3A_454 : i32 to index
        %swap3A_485 = arith.constant 48 : index
        %swap3A_486 = tpu.vector_load %arg24[%swap3A_484, %swap3A_485] {strides = array<i32>} : memref<128x64xf32, #tpu.memory_space<vmem>>, vector<16xf32>,
        tpu.vector_store %arg24[%swap3A_484, %swap3A_485], %add3A_483 {strides = array<i32>} : memref<128x64xf32, #tpu.memory_space<vmem>>, vector<16xf32>,
        %eq3A_487 = arith.constant 5 : i32
        %eq3A_488 = vector.broadcast %eq3A_487 : i32 to vector<16xi32>
        %eq3A_489 = arith.cmpi eq, %iota3A, %eq3A_488 : vector<16xi32>
        %jit3A_490 = arith.constant 0.000000e+00 : f32
        %broadcast_in_dim3A_491 = vector.broadcast %jit3A_490 : f32 to vector<16xf32>
        %select_n3A_492 = arith.select %eq3A_489, %get3A_255, %broadcast_in_dim3A_491 : vector<16xi1>, vector<16xf32>
        %reduce_sum3A_493 = arith.constant true
        %reduce_sum3A_494 = vector.broadcast %reduce_sum3A_493 : i1 to vector<16xi1>
        %reduce_sum3A_495 = tpu.scan <sum>, %select_n3A_492 masked %reduce_sum3A_494 : vector<16xf32>, vector<16xi1> -> vector<16xf32>
        %reduce_sum3A_496 = vector.extract %reduce_sum3A_495[15] : f32 from vector<16xf32>
        %broadcast_in_dim3A_497 = vector.broadcast %reduce_sum3A_496 : f32 to vector<16xf32>
        %mul3A_498 = arith.constant 16 : i32
        %mul3A_499 = arith.muli %scan3A_248, %mul3A_498 : i32
        %add3A_500 = arith.constant 5 : i32
        %add3A_501 = arith.addi %mul3A_499, %add3A_500 : i32
        %get3A_502 = arith.index_cast %add3A_501 : i32 to index
        %get3A_503 = arith.constant 0 : index
        %get3A_504 = tpu.vector_load %arg24[%get3A_502, %get3A_503] {strides = array<i32>} : memref<128x64xf32, #tpu.memory_space<vmem>>, vector<16xf32>,
        %mul3A_505 = arith.mulf %get3A_504, %broadcast_in_dim3A_497 : vector<16xf32>
        %add3A_506 = arith.addf %mul3A_505, %get3A_220 : vector<16xf32>
        %swap3A_507 = arith.index_cast %add3A_501 : i32 to index
        %swap3A_508 = arith.constant 0 : index
        %swap3A_509 = tpu.vector_load %arg24[%swap3A_507, %swap3A_508] {strides = array<i32>} : memref<128x64xf32, #tpu.memory_space<vmem>>, vector<16xf32>,
        tpu.vector_store %arg24[%swap3A_507, %swap3A_508], %add3A_506 {strides = array<i32>} : memref<128x64xf32, #tpu.memory_space<vmem>>, vector<16xf32>,
        %get3A_510 = arith.index_cast %add3A_501 : i32 to index
        %get3A_511 = arith.constant 16 : index
        %get3A_512 = tpu.vector_load %arg24[%get3A_510, %get3A_511] {strides = array<i32>} : memref<128x64xf32, #tpu.memory_space<vmem>>, vector<16xf32>,
        %mul3A_513 = arith.mulf %get3A_512, %broadcast_in_dim3A_497 : vector<16xf32>
        %add3A_514 = arith.addf %mul3A_513, %get3A_222 : vector<16xf32>
        %swap3A_515 = arith.index_cast %add3A_501 : i32 to index
        %swap3A_516 = arith.constant 16 : index
        %swap3A_517 = tpu.vector_load %arg24[%swap3A_515, %swap3A_516] {strides = array<i32>} : memref<128x64xf32, #tpu.memory_space<vmem>>, vector<16xf32>,
        tpu.vector_store %arg24[%swap3A_515, %swap3A_516], %add3A_514 {strides = array<i32>} : memref<128x64xf32, #tpu.memory_space<vmem>>, vector<16xf32>,
        %get3A_518 = arith.index_cast %add3A_501 : i32 to index
        %get3A_519 = arith.constant 32 : index
        %get3A_520 = tpu.vector_load %arg24[%get3A_518, %get3A_519] {strides = array<i32>} : memref<128x64xf32, #tpu.memory_space<vmem>>, vector<16xf32>,
        %mul3A_521 = arith.mulf %get3A_520, %broadcast_in_dim3A_497 : vector<16xf32>
        %add3A_522 = arith.addf %mul3A_521, %get3A_224 : vector<16xf32>
        %swap3A_523 = arith.index_cast %add3A_501 : i32 to index
        %swap3A_524 = arith.constant 32 : index
        %swap3A_525 = tpu.vector_load %arg24[%swap3A_523, %swap3A_524] {strides = array<i32>} : memref<128x64xf32, #tpu.memory_space<vmem>>, vector<16xf32>,
        tpu.vector_store %arg24[%swap3A_523, %swap3A_524], %add3A_522 {strides = array<i32>} : memref<128x64xf32, #tpu.memory_space<vmem>>, vector<16xf32>,
        %get3A_526 = arith.index_cast %add3A_501 : i32 to index
        %get3A_527 = arith.constant 48 : index
        %get3A_528 = tpu.vector_load %arg24[%get3A_526, %get3A_527] {strides = array<i32>} : memref<128x64xf32, #tpu.memory_space<vmem>>, vector<16xf32>,
        %mul3A_529 = arith.mulf %get3A_528, %broadcast_in_dim3A_497 : vector<16xf32>
        %add3A_530 = arith.addf %mul3A_529, %get3A_226 : vector<16xf32>
        %swap3A_531 = arith.index_cast %add3A_501 : i32 to index
        %swap3A_532 = arith.constant 48 : index
        %swap3A_533 = tpu.vector_load %arg24[%swap3A_531, %swap3A_532] {strides = array<i32>} : memref<128x64xf32, #tpu.memory_space<vmem>>, vector<16xf32>,
        tpu.vector_store %arg24[%swap3A_531, %swap3A_532], %add3A_530 {strides = array<i32>} : memref<128x64xf32, #tpu.memory_space<vmem>>, vector<16xf32>,
        %eq3A_534 = arith.constant 6 : i32
        %eq3A_535 = vector.broadcast %eq3A_534 : i32 to vector<16xi32>
        %eq3A_536 = arith.cmpi eq, %iota3A, %eq3A_535 : vector<16xi32>
        %jit3A_537 = arith.constant 0.000000e+00 : f32
        %broadcast_in_dim3A_538 = vector.broadcast %jit3A_537 : f32 to vector<16xf32>
        %select_n3A_539 = arith.select %eq3A_536, %get3A_255, %broadcast_in_dim3A_538 : vector<16xi1>, vector<16xf32>
        %reduce_sum3A_540 = arith.constant true
        %reduce_sum3A_541 = vector.broadcast %reduce_sum3A_540 : i1 to vector<16xi1>
        %reduce_sum3A_542 = tpu.scan <sum>, %select_n3A_539 masked %reduce_sum3A_541 : vector<16xf32>, vector<16xi1> -> vector<16xf32>
        %reduce_sum3A_543 = vector.extract %reduce_sum3A_542[15] : f32 from vector<16xf32>
        %broadcast_in_dim3A_544 = vector.broadcast %reduce_sum3A_543 : f32 to vector<16xf32>
        %mul3A_545 = arith.constant 16 : i32
        %mul3A_546 = arith.muli %scan3A_248, %mul3A_545 : i32
        %add3A_547 = arith.constant 6 : i32
        %add3A_548 = arith.addi %mul3A_546, %add3A_547 : i32
        %get3A_549 = arith.index_cast %add3A_548 : i32 to index
        %get3A_550 = arith.constant 0 : index
        %get3A_551 = tpu.vector_load %arg24[%get3A_549, %get3A_550] {strides = array<i32>} : memref<128x64xf32, #tpu.memory_space<vmem>>, vector<16xf32>,
        %mul3A_552 = arith.mulf %get3A_551, %broadcast_in_dim3A_544 : vector<16xf32>
        %add3A_553 = arith.addf %mul3A_552, %get3A_220 : vector<16xf32>
        %swap3A_554 = arith.index_cast %add3A_548 : i32 to index
        %swap3A_555 = arith.constant 0 : index
        %swap3A_556 = tpu.vector_load %arg24[%swap3A_554, %swap3A_555] {strides = array<i32>} : memref<128x64xf32, #tpu.memory_space<vmem>>, vector<16xf32>,
        tpu.vector_store %arg24[%swap3A_554, %swap3A_555], %add3A_553 {strides = array<i32>} : memref<128x64xf32, #tpu.memory_space<vmem>>, vector<16xf32>,
        %get3A_557 = arith.index_cast %add3A_548 : i32 to index
        %get3A_558 = arith.constant 16 : index
        %get3A_559 = tpu.vector_load %arg24[%get3A_557, %get3A_558] {strides = array<i32>} : memref<128x64xf32, #tpu.memory_space<vmem>>, vector<16xf32>,
        %mul3A_560 = arith.mulf %get3A_559, %broadcast_in_dim3A_544 : vector<16xf32>
        %add3A_561 = arith.addf %mul3A_560, %get3A_222 : vector<16xf32>
        %swap3A_562 = arith.index_cast %add3A_548 : i32 to index
        %swap3A_563 = arith.constant 16 : index
        %swap3A_564 = tpu.vector_load %arg24[%swap3A_562, %swap3A_563] {strides = array<i32>} : memref<128x64xf32, #tpu.memory_space<vmem>>, vector<16xf32>,
        tpu.vector_store %arg24[%swap3A_562, %swap3A_563], %add3A_561 {strides = array<i32>} : memref<128x64xf32, #tpu.memory_space<vmem>>, vector<16xf32>,
        %get3A_565 = arith.index_cast %add3A_548 : i32 to index
        %get3A_566 = arith.constant 32 : index
        %get3A_567 = tpu.vector_load %arg24[%get3A_565, %get3A_566] {strides = array<i32>} : memref<128x64xf32, #tpu.memory_space<vmem>>, vector<16xf32>,
        %mul3A_568 = arith.mulf %get3A_567, %broadcast_in_dim3A_544 : vector<16xf32>
        %add3A_569 = arith.addf %mul3A_568, %get3A_224 : vector<16xf32>
        %swap3A_570 = arith.index_cast %add3A_548 : i32 to index
        %swap3A_571 = arith.constant 32 : index
        %swap3A_572 = tpu.vector_load %arg24[%swap3A_570, %swap3A_571] {strides = array<i32>} : memref<128x64xf32, #tpu.memory_space<vmem>>, vector<16xf32>,
        tpu.vector_store %arg24[%swap3A_570, %swap3A_571], %add3A_569 {strides = array<i32>} : memref<128x64xf32, #tpu.memory_space<vmem>>, vector<16xf32>,
        %get3A_573 = arith.index_cast %add3A_548 : i32 to index
        %get3A_574 = arith.constant 48 : index
        %get3A_575 = tpu.vector_load %arg24[%get3A_573, %get3A_574] {strides = array<i32>} : memref<128x64xf32, #tpu.memory_space<vmem>>, vector<16xf32>,
        %mul3A_576 = arith.mulf %get3A_575, %broadcast_in_dim3A_544 : vector<16xf32>
        %add3A_577 = arith.addf %mul3A_576, %get3A_226 : vector<16xf32>
        %swap3A_578 = arith.index_cast %add3A_548 : i32 to index
        %swap3A_579 = arith.constant 48 : index
        %swap3A_580 = tpu.vector_load %arg24[%swap3A_578, %swap3A_579] {strides = array<i32>} : memref<128x64xf32, #tpu.memory_space<vmem>>, vector<16xf32>,
        tpu.vector_store %arg24[%swap3A_578, %swap3A_579], %add3A_577 {strides = array<i32>} : memref<128x64xf32, #tpu.memory_space<vmem>>, vector<16xf32>,
        %eq3A_581 = arith.constant 7 : i32
        %eq3A_582 = vector.broadcast %eq3A_581 : i32 to vector<16xi32>
        %eq3A_583 = arith.cmpi eq, %iota3A, %eq3A_582 : vector<16xi32>
        %jit3A_584 = arith.constant 0.000000e+00 : f32
        %broadcast_in_dim3A_585 = vector.broadcast %jit3A_584 : f32 to vector<16xf32>
        %select_n3A_586 = arith.select %eq3A_583, %get3A_255, %broadcast_in_dim3A_585 : vector<16xi1>, vector<16xf32>
        %reduce_sum3A_587 = arith.constant true
        %reduce_sum3A_588 = vector.broadcast %reduce_sum3A_587 : i1 to vector<16xi1>
        %reduce_sum3A_589 = tpu.scan <sum>, %select_n3A_586 masked %reduce_sum3A_588 : vector<16xf32>, vector<16xi1> -> vector<16xf32>
        %reduce_sum3A_590 = vector.extract %reduce_sum3A_589[15] : f32 from vector<16xf32>
        %broadcast_in_dim3A_591 = vector.broadcast %reduce_sum3A_590 : f32 to vector<16xf32>
        %mul3A_592 = arith.constant 16 : i32
        %mul3A_593 = arith.muli %scan3A_248, %mul3A_592 : i32
        %add3A_594 = arith.constant 7 : i32
        %add3A_595 = arith.addi %mul3A_593, %add3A_594 : i32
        %get3A_596 = arith.index_cast %add3A_595 : i32 to index
        %get3A_597 = arith.constant 0 : index
        %get3A_598 = tpu.vector_load %arg24[%get3A_596, %get3A_597] {strides = array<i32>} : memref<128x64xf32, #tpu.memory_space<vmem>>, vector<16xf32>,
        %mul3A_599 = arith.mulf %get3A_598, %broadcast_in_dim3A_591 : vector<16xf32>
        %add3A_600 = arith.addf %mul3A_599, %get3A_220 : vector<16xf32>
        %swap3A_601 = arith.index_cast %add3A_595 : i32 to index
        %swap3A_602 = arith.constant 0 : index
        %swap3A_603 = tpu.vector_load %arg24[%swap3A_601, %swap3A_602] {strides = array<i32>} : memref<128x64xf32, #tpu.memory_space<vmem>>, vector<16xf32>,
        tpu.vector_store %arg24[%swap3A_601, %swap3A_602], %add3A_600 {strides = array<i32>} : memref<128x64xf32, #tpu.memory_space<vmem>>, vector<16xf32>,
        %get3A_604 = arith.index_cast %add3A_595 : i32 to index
        %get3A_605 = arith.constant 16 : index
        %get3A_606 = tpu.vector_load %arg24[%get3A_604, %get3A_605] {strides = array<i32>} : memref<128x64xf32, #tpu.memory_space<vmem>>, vector<16xf32>,
        %mul3A_607 = arith.mulf %get3A_606, %broadcast_in_dim3A_591 : vector<16xf32>
        %add3A_608 = arith.addf %mul3A_607, %get3A_222 : vector<16xf32>
        %swap3A_609 = arith.index_cast %add3A_595 : i32 to index
        %swap3A_610 = arith.constant 16 : index
        %swap3A_611 = tpu.vector_load %arg24[%swap3A_609, %swap3A_610] {strides = array<i32>} : memref<128x64xf32, #tpu.memory_space<vmem>>, vector<16xf32>,
        tpu.vector_store %arg24[%swap3A_609, %swap3A_610], %add3A_608 {strides = array<i32>} : memref<128x64xf32, #tpu.memory_space<vmem>>, vector<16xf32>,
        %get3A_612 = arith.index_cast %add3A_595 : i32 to index
        %get3A_613 = arith.constant 32 : index
        %get3A_614 = tpu.vector_load %arg24[%get3A_612, %get3A_613] {strides = array<i32>} : memref<128x64xf32, #tpu.memory_space<vmem>>, vector<16xf32>,
        %mul3A_615 = arith.mulf %get3A_614, %broadcast_in_dim3A_591 : vector<16xf32>
        %add3A_616 = arith.addf %mul3A_615, %get3A_224 : vector<16xf32>
        %swap3A_617 = arith.index_cast %add3A_595 : i32 to index
        %swap3A_618 = arith.constant 32 : index
        %swap3A_619 = tpu.vector_load %arg24[%swap3A_617, %swap3A_618] {strides = array<i32>} : memref<128x64xf32, #tpu.memory_space<vmem>>, vector<16xf32>,
        tpu.vector_store %arg24[%swap3A_617, %swap3A_618], %add3A_616 {strides = array<i32>} : memref<128x64xf32, #tpu.memory_space<vmem>>, vector<16xf32>,
        %get3A_620 = arith.index_cast %add3A_595 : i32 to index
        %get3A_621 = arith.constant 48 : index
        %get3A_622 = tpu.vector_load %arg24[%get3A_620, %get3A_621] {strides = array<i32>} : memref<128x64xf32, #tpu.memory_space<vmem>>, vector<16xf32>,
        %mul3A_623 = arith.mulf %get3A_622, %broadcast_in_dim3A_591 : vector<16xf32>
        %add3A_624 = arith.addf %mul3A_623, %get3A_226 : vector<16xf32>
        %swap3A_625 = arith.index_cast %add3A_595 : i32 to index
        %swap3A_626 = arith.constant 48 : index
        %swap3A_627 = tpu.vector_load %arg24[%swap3A_625, %swap3A_626] {strides = array<i32>} : memref<128x64xf32, #tpu.memory_space<vmem>>, vector<16xf32>,
        tpu.vector_store %arg24[%swap3A_625, %swap3A_626], %add3A_624 {strides = array<i32>} : memref<128x64xf32, #tpu.memory_space<vmem>>, vector<16xf32>,
        %eq3A_628 = arith.constant 8 : i32
        %eq3A_629 = vector.broadcast %eq3A_628 : i32 to vector<16xi32>
        %eq3A_630 = arith.cmpi eq, %iota3A, %eq3A_629 : vector<16xi32>
        %jit3A_631 = arith.constant 0.000000e+00 : f32
        %broadcast_in_dim3A_632 = vector.broadcast %jit3A_631 : f32 to vector<16xf32>
        %select_n3A_633 = arith.select %eq3A_630, %get3A_255, %broadcast_in_dim3A_632 : vector<16xi1>, vector<16xf32>
        %reduce_sum3A_634 = arith.constant true
        %reduce_sum3A_635 = vector.broadcast %reduce_sum3A_634 : i1 to vector<16xi1>
        %reduce_sum3A_636 = tpu.scan <sum>, %select_n3A_633 masked %reduce_sum3A_635 : vector<16xf32>, vector<16xi1> -> vector<16xf32>
        %reduce_sum3A_637 = vector.extract %reduce_sum3A_636[15] : f32 from vector<16xf32>
        %broadcast_in_dim3A_638 = vector.broadcast %reduce_sum3A_637 : f32 to vector<16xf32>
        %mul3A_639 = arith.constant 16 : i32
        %mul3A_640 = arith.muli %scan3A_248, %mul3A_639 : i32
        %add3A_641 = arith.constant 8 : i32
        %add3A_642 = arith.addi %mul3A_640, %add3A_641 : i32
        %get3A_643 = arith.index_cast %add3A_642 : i32 to index
        %get3A_644 = arith.constant 0 : index
        %get3A_645 = tpu.vector_load %arg24[%get3A_643, %get3A_644] {strides = array<i32>} : memref<128x64xf32, #tpu.memory_space<vmem>>, vector<16xf32>,
        %mul3A_646 = arith.mulf %get3A_645, %broadcast_in_dim3A_638 : vector<16xf32>
        %add3A_647 = arith.addf %mul3A_646, %get3A_220 : vector<16xf32>
        %swap3A_648 = arith.index_cast %add3A_642 : i32 to index
        %swap3A_649 = arith.constant 0 : index
        %swap3A_650 = tpu.vector_load %arg24[%swap3A_648, %swap3A_649] {strides = array<i32>} : memref<128x64xf32, #tpu.memory_space<vmem>>, vector<16xf32>,
        tpu.vector_store %arg24[%swap3A_648, %swap3A_649], %add3A_647 {strides = array<i32>} : memref<128x64xf32, #tpu.memory_space<vmem>>, vector<16xf32>,
        %get3A_651 = arith.index_cast %add3A_642 : i32 to index
        %get3A_652 = arith.constant 16 : index
        %get3A_653 = tpu.vector_load %arg24[%get3A_651, %get3A_652] {strides = array<i32>} : memref<128x64xf32, #tpu.memory_space<vmem>>, vector<16xf32>,
        %mul3A_654 = arith.mulf %get3A_653, %broadcast_in_dim3A_638 : vector<16xf32>
        %add3A_655 = arith.addf %mul3A_654, %get3A_222 : vector<16xf32>
        %swap3A_656 = arith.index_cast %add3A_642 : i32 to index
        %swap3A_657 = arith.constant 16 : index
        %swap3A_658 = tpu.vector_load %arg24[%swap3A_656, %swap3A_657] {strides = array<i32>} : memref<128x64xf32, #tpu.memory_space<vmem>>, vector<16xf32>,
        tpu.vector_store %arg24[%swap3A_656, %swap3A_657], %add3A_655 {strides = array<i32>} : memref<128x64xf32, #tpu.memory_space<vmem>>, vector<16xf32>,
        %get3A_659 = arith.index_cast %add3A_642 : i32 to index
        %get3A_660 = arith.constant 32 : index
        %get3A_661 = tpu.vector_load %arg24[%get3A_659, %get3A_660] {strides = array<i32>} : memref<128x64xf32, #tpu.memory_space<vmem>>, vector<16xf32>,
        %mul3A_662 = arith.mulf %get3A_661, %broadcast_in_dim3A_638 : vector<16xf32>
        %add3A_663 = arith.addf %mul3A_662, %get3A_224 : vector<16xf32>
        %swap3A_664 = arith.index_cast %add3A_642 : i32 to index
        %swap3A_665 = arith.constant 32 : index
        %swap3A_666 = tpu.vector_load %arg24[%swap3A_664, %swap3A_665] {strides = array<i32>} : memref<128x64xf32, #tpu.memory_space<vmem>>, vector<16xf32>,
        tpu.vector_store %arg24[%swap3A_664, %swap3A_665], %add3A_663 {strides = array<i32>} : memref<128x64xf32, #tpu.memory_space<vmem>>, vector<16xf32>,
        %get3A_667 = arith.index_cast %add3A_642 : i32 to index
        %get3A_668 = arith.constant 48 : index
        %get3A_669 = tpu.vector_load %arg24[%get3A_667, %get3A_668] {strides = array<i32>} : memref<128x64xf32, #tpu.memory_space<vmem>>, vector<16xf32>,
        %mul3A_670 = arith.mulf %get3A_669, %broadcast_in_dim3A_638 : vector<16xf32>
        %add3A_671 = arith.addf %mul3A_670, %get3A_226 : vector<16xf32>
        %swap3A_672 = arith.index_cast %add3A_642 : i32 to index
        %swap3A_673 = arith.constant 48 : index
        %swap3A_674 = tpu.vector_load %arg24[%swap3A_672, %swap3A_673] {strides = array<i32>} : memref<128x64xf32, #tpu.memory_space<vmem>>, vector<16xf32>,
        tpu.vector_store %arg24[%swap3A_672, %swap3A_673], %add3A_671 {strides = array<i32>} : memref<128x64xf32, #tpu.memory_space<vmem>>, vector<16xf32>,
        %eq3A_675 = arith.constant 9 : i32
        %eq3A_676 = vector.broadcast %eq3A_675 : i32 to vector<16xi32>
        %eq3A_677 = arith.cmpi eq, %iota3A, %eq3A_676 : vector<16xi32>
        %jit3A_678 = arith.constant 0.000000e+00 : f32
        %broadcast_in_dim3A_679 = vector.broadcast %jit3A_678 : f32 to vector<16xf32>
        %select_n3A_680 = arith.select %eq3A_677, %get3A_255, %broadcast_in_dim3A_679 : vector<16xi1>, vector<16xf32>
        %reduce_sum3A_681 = arith.constant true
        %reduce_sum3A_682 = vector.broadcast %reduce_sum3A_681 : i1 to vector<16xi1>
        %reduce_sum3A_683 = tpu.scan <sum>, %select_n3A_680 masked %reduce_sum3A_682 : vector<16xf32>, vector<16xi1> -> vector<16xf32>
        %reduce_sum3A_684 = vector.extract %reduce_sum3A_683[15] : f32 from vector<16xf32>
        %broadcast_in_dim3A_685 = vector.broadcast %reduce_sum3A_684 : f32 to vector<16xf32>
        %mul3A_686 = arith.constant 16 : i32
        %mul3A_687 = arith.muli %scan3A_248, %mul3A_686 : i32
        %add3A_688 = arith.constant 9 : i32
        %add3A_689 = arith.addi %mul3A_687, %add3A_688 : i32
        %get3A_690 = arith.index_cast %add3A_689 : i32 to index
        %get3A_691 = arith.constant 0 : index
        %get3A_692 = tpu.vector_load %arg24[%get3A_690, %get3A_691] {strides = array<i32>} : memref<128x64xf32, #tpu.memory_space<vmem>>, vector<16xf32>,
        %mul3A_693 = arith.mulf %get3A_692, %broadcast_in_dim3A_685 : vector<16xf32>
        %add3A_694 = arith.addf %mul3A_693, %get3A_220 : vector<16xf32>
        %swap3A_695 = arith.index_cast %add3A_689 : i32 to index
        %swap3A_696 = arith.constant 0 : index
        %swap3A_697 = tpu.vector_load %arg24[%swap3A_695, %swap3A_696] {strides = array<i32>} : memref<128x64xf32, #tpu.memory_space<vmem>>, vector<16xf32>,
        tpu.vector_store %arg24[%swap3A_695, %swap3A_696], %add3A_694 {strides = array<i32>} : memref<128x64xf32, #tpu.memory_space<vmem>>, vector<16xf32>,
        %get3A_698 = arith.index_cast %add3A_689 : i32 to index
        %get3A_699 = arith.constant 16 : index
        %get3A_700 = tpu.vector_load %arg24[%get3A_698, %get3A_699] {strides = array<i32>} : memref<128x64xf32, #tpu.memory_space<vmem>>, vector<16xf32>,
        %mul3A_701 = arith.mulf %get3A_700, %broadcast_in_dim3A_685 : vector<16xf32>
        %add3A_702 = arith.addf %mul3A_701, %get3A_222 : vector<16xf32>
        %swap3A_703 = arith.index_cast %add3A_689 : i32 to index
        %swap3A_704 = arith.constant 16 : index
        %swap3A_705 = tpu.vector_load %arg24[%swap3A_703, %swap3A_704] {strides = array<i32>} : memref<128x64xf32, #tpu.memory_space<vmem>>, vector<16xf32>,
        tpu.vector_store %arg24[%swap3A_703, %swap3A_704], %add3A_702 {strides = array<i32>} : memref<128x64xf32, #tpu.memory_space<vmem>>, vector<16xf32>,
        %get3A_706 = arith.index_cast %add3A_689 : i32 to index
        %get3A_707 = arith.constant 32 : index
        %get3A_708 = tpu.vector_load %arg24[%get3A_706, %get3A_707] {strides = array<i32>} : memref<128x64xf32, #tpu.memory_space<vmem>>, vector<16xf32>,
        %mul3A_709 = arith.mulf %get3A_708, %broadcast_in_dim3A_685 : vector<16xf32>
        %add3A_710 = arith.addf %mul3A_709, %get3A_224 : vector<16xf32>
        %swap3A_711 = arith.index_cast %add3A_689 : i32 to index
        %swap3A_712 = arith.constant 32 : index
        %swap3A_713 = tpu.vector_load %arg24[%swap3A_711, %swap3A_712] {strides = array<i32>} : memref<128x64xf32, #tpu.memory_space<vmem>>, vector<16xf32>,
        tpu.vector_store %arg24[%swap3A_711, %swap3A_712], %add3A_710 {strides = array<i32>} : memref<128x64xf32, #tpu.memory_space<vmem>>, vector<16xf32>,
        %get3A_714 = arith.index_cast %add3A_689 : i32 to index
        %get3A_715 = arith.constant 48 : index
        %get3A_716 = tpu.vector_load %arg24[%get3A_714, %get3A_715] {strides = array<i32>} : memref<128x64xf32, #tpu.memory_space<vmem>>, vector<16xf32>,
        %mul3A_717 = arith.mulf %get3A_716, %broadcast_in_dim3A_685 : vector<16xf32>
        %add3A_718 = arith.addf %mul3A_717, %get3A_226 : vector<16xf32>
        %swap3A_719 = arith.index_cast %add3A_689 : i32 to index
        %swap3A_720 = arith.constant 48 : index
        %swap3A_721 = tpu.vector_load %arg24[%swap3A_719, %swap3A_720] {strides = array<i32>} : memref<128x64xf32, #tpu.memory_space<vmem>>, vector<16xf32>,
        tpu.vector_store %arg24[%swap3A_719, %swap3A_720], %add3A_718 {strides = array<i32>} : memref<128x64xf32, #tpu.memory_space<vmem>>, vector<16xf32>,
        %eq3A_722 = arith.constant 10 : i32
        %eq3A_723 = vector.broadcast %eq3A_722 : i32 to vector<16xi32>
        %eq3A_724 = arith.cmpi eq, %iota3A, %eq3A_723 : vector<16xi32>
        %jit3A_725 = arith.constant 0.000000e+00 : f32
        %broadcast_in_dim3A_726 = vector.broadcast %jit3A_725 : f32 to vector<16xf32>
        %select_n3A_727 = arith.select %eq3A_724, %get3A_255, %broadcast_in_dim3A_726 : vector<16xi1>, vector<16xf32>
        %reduce_sum3A_728 = arith.constant true
        %reduce_sum3A_729 = vector.broadcast %reduce_sum3A_728 : i1 to vector<16xi1>
        %reduce_sum3A_730 = tpu.scan <sum>, %select_n3A_727 masked %reduce_sum3A_729 : vector<16xf32>, vector<16xi1> -> vector<16xf32>
        %reduce_sum3A_731 = vector.extract %reduce_sum3A_730[15] : f32 from vector<16xf32>
        %broadcast_in_dim3A_732 = vector.broadcast %reduce_sum3A_731 : f32 to vector<16xf32>
        %mul3A_733 = arith.constant 16 : i32
        %mul3A_734 = arith.muli %scan3A_248, %mul3A_733 : i32
        %add3A_735 = arith.constant 10 : i32
        %add3A_736 = arith.addi %mul3A_734, %add3A_735 : i32
        %get3A_737 = arith.index_cast %add3A_736 : i32 to index
        %get3A_738 = arith.constant 0 : index
        %get3A_739 = tpu.vector_load %arg24[%get3A_737, %get3A_738] {strides = array<i32>} : memref<128x64xf32, #tpu.memory_space<vmem>>, vector<16xf32>,
        %mul3A_740 = arith.mulf %get3A_739, %broadcast_in_dim3A_732 : vector<16xf32>
        %add3A_741 = arith.addf %mul3A_740, %get3A_220 : vector<16xf32>
        %swap3A_742 = arith.index_cast %add3A_736 : i32 to index
        %swap3A_743 = arith.constant 0 : index
        %swap3A_744 = tpu.vector_load %arg24[%swap3A_742, %swap3A_743] {strides = array<i32>} : memref<128x64xf32, #tpu.memory_space<vmem>>, vector<16xf32>,
        tpu.vector_store %arg24[%swap3A_742, %swap3A_743], %add3A_741 {strides = array<i32>} : memref<128x64xf32, #tpu.memory_space<vmem>>, vector<16xf32>,
        %get3A_745 = arith.index_cast %add3A_736 : i32 to index
        %get3A_746 = arith.constant 16 : index
        %get3A_747 = tpu.vector_load %arg24[%get3A_745, %get3A_746] {strides = array<i32>} : memref<128x64xf32, #tpu.memory_space<vmem>>, vector<16xf32>,
        %mul3A_748 = arith.mulf %get3A_747, %broadcast_in_dim3A_732 : vector<16xf32>
        %add3A_749 = arith.addf %mul3A_748, %get3A_222 : vector<16xf32>
        %swap3A_750 = arith.index_cast %add3A_736 : i32 to index
        %swap3A_751 = arith.constant 16 : index
        %swap3A_752 = tpu.vector_load %arg24[%swap3A_750, %swap3A_751] {strides = array<i32>} : memref<128x64xf32, #tpu.memory_space<vmem>>, vector<16xf32>,
        tpu.vector_store %arg24[%swap3A_750, %swap3A_751], %add3A_749 {strides = array<i32>} : memref<128x64xf32, #tpu.memory_space<vmem>>, vector<16xf32>,
        %get3A_753 = arith.index_cast %add3A_736 : i32 to index
        %get3A_754 = arith.constant 32 : index
        %get3A_755 = tpu.vector_load %arg24[%get3A_753, %get3A_754] {strides = array<i32>} : memref<128x64xf32, #tpu.memory_space<vmem>>, vector<16xf32>,
        %mul3A_756 = arith.mulf %get3A_755, %broadcast_in_dim3A_732 : vector<16xf32>
        %add3A_757 = arith.addf %mul3A_756, %get3A_224 : vector<16xf32>
        %swap3A_758 = arith.index_cast %add3A_736 : i32 to index
        %swap3A_759 = arith.constant 32 : index
        %swap3A_760 = tpu.vector_load %arg24[%swap3A_758, %swap3A_759] {strides = array<i32>} : memref<128x64xf32, #tpu.memory_space<vmem>>, vector<16xf32>,
        tpu.vector_store %arg24[%swap3A_758, %swap3A_759], %add3A_757 {strides = array<i32>} : memref<128x64xf32, #tpu.memory_space<vmem>>, vector<16xf32>,
        %get3A_761 = arith.index_cast %add3A_736 : i32 to index
        %get3A_762 = arith.constant 48 : index
        %get3A_763 = tpu.vector_load %arg24[%get3A_761, %get3A_762] {strides = array<i32>} : memref<128x64xf32, #tpu.memory_space<vmem>>, vector<16xf32>,
        %mul3A_764 = arith.mulf %get3A_763, %broadcast_in_dim3A_732 : vector<16xf32>
        %add3A_765 = arith.addf %mul3A_764, %get3A_226 : vector<16xf32>
        %swap3A_766 = arith.index_cast %add3A_736 : i32 to index
        %swap3A_767 = arith.constant 48 : index
        %swap3A_768 = tpu.vector_load %arg24[%swap3A_766, %swap3A_767] {strides = array<i32>} : memref<128x64xf32, #tpu.memory_space<vmem>>, vector<16xf32>,
        tpu.vector_store %arg24[%swap3A_766, %swap3A_767], %add3A_765 {strides = array<i32>} : memref<128x64xf32, #tpu.memory_space<vmem>>, vector<16xf32>,
        %eq3A_769 = arith.constant 11 : i32
        %eq3A_770 = vector.broadcast %eq3A_769 : i32 to vector<16xi32>
        %eq3A_771 = arith.cmpi eq, %iota3A, %eq3A_770 : vector<16xi32>
        %jit3A_772 = arith.constant 0.000000e+00 : f32
        %broadcast_in_dim3A_773 = vector.broadcast %jit3A_772 : f32 to vector<16xf32>
        %select_n3A_774 = arith.select %eq3A_771, %get3A_255, %broadcast_in_dim3A_773 : vector<16xi1>, vector<16xf32>
        %reduce_sum3A_775 = arith.constant true
        %reduce_sum3A_776 = vector.broadcast %reduce_sum3A_775 : i1 to vector<16xi1>
        %reduce_sum3A_777 = tpu.scan <sum>, %select_n3A_774 masked %reduce_sum3A_776 : vector<16xf32>, vector<16xi1> -> vector<16xf32>
        %reduce_sum3A_778 = vector.extract %reduce_sum3A_777[15] : f32 from vector<16xf32>
        %broadcast_in_dim3A_779 = vector.broadcast %reduce_sum3A_778 : f32 to vector<16xf32>
        %mul3A_780 = arith.constant 16 : i32
        %mul3A_781 = arith.muli %scan3A_248, %mul3A_780 : i32
        %add3A_782 = arith.constant 11 : i32
        %add3A_783 = arith.addi %mul3A_781, %add3A_782 : i32
        %get3A_784 = arith.index_cast %add3A_783 : i32 to index
        %get3A_785 = arith.constant 0 : index
        %get3A_786 = tpu.vector_load %arg24[%get3A_784, %get3A_785] {strides = array<i32>} : memref<128x64xf32, #tpu.memory_space<vmem>>, vector<16xf32>,
        %mul3A_787 = arith.mulf %get3A_786, %broadcast_in_dim3A_779 : vector<16xf32>
        %add3A_788 = arith.addf %mul3A_787, %get3A_220 : vector<16xf32>
        %swap3A_789 = arith.index_cast %add3A_783 : i32 to index
        %swap3A_790 = arith.constant 0 : index
        %swap3A_791 = tpu.vector_load %arg24[%swap3A_789, %swap3A_790] {strides = array<i32>} : memref<128x64xf32, #tpu.memory_space<vmem>>, vector<16xf32>,
        tpu.vector_store %arg24[%swap3A_789, %swap3A_790], %add3A_788 {strides = array<i32>} : memref<128x64xf32, #tpu.memory_space<vmem>>, vector<16xf32>,
        %get3A_792 = arith.index_cast %add3A_783 : i32 to index
        %get3A_793 = arith.constant 16 : index
        %get3A_794 = tpu.vector_load %arg24[%get3A_792, %get3A_793] {strides = array<i32>} : memref<128x64xf32, #tpu.memory_space<vmem>>, vector<16xf32>,
        %mul3A_795 = arith.mulf %get3A_794, %broadcast_in_dim3A_779 : vector<16xf32>
        %add3A_796 = arith.addf %mul3A_795, %get3A_222 : vector<16xf32>
        %swap3A_797 = arith.index_cast %add3A_783 : i32 to index
        %swap3A_798 = arith.constant 16 : index
        %swap3A_799 = tpu.vector_load %arg24[%swap3A_797, %swap3A_798] {strides = array<i32>} : memref<128x64xf32, #tpu.memory_space<vmem>>, vector<16xf32>,
        tpu.vector_store %arg24[%swap3A_797, %swap3A_798], %add3A_796 {strides = array<i32>} : memref<128x64xf32, #tpu.memory_space<vmem>>, vector<16xf32>,
        %get3A_800 = arith.index_cast %add3A_783 : i32 to index
        %get3A_801 = arith.constant 32 : index
        %get3A_802 = tpu.vector_load %arg24[%get3A_800, %get3A_801] {strides = array<i32>} : memref<128x64xf32, #tpu.memory_space<vmem>>, vector<16xf32>,
        %mul3A_803 = arith.mulf %get3A_802, %broadcast_in_dim3A_779 : vector<16xf32>
        %add3A_804 = arith.addf %mul3A_803, %get3A_224 : vector<16xf32>
        %swap3A_805 = arith.index_cast %add3A_783 : i32 to index
        %swap3A_806 = arith.constant 32 : index
        %swap3A_807 = tpu.vector_load %arg24[%swap3A_805, %swap3A_806] {strides = array<i32>} : memref<128x64xf32, #tpu.memory_space<vmem>>, vector<16xf32>,
        tpu.vector_store %arg24[%swap3A_805, %swap3A_806], %add3A_804 {strides = array<i32>} : memref<128x64xf32, #tpu.memory_space<vmem>>, vector<16xf32>,
        %get3A_808 = arith.index_cast %add3A_783 : i32 to index
        %get3A_809 = arith.constant 48 : index
        %get3A_810 = tpu.vector_load %arg24[%get3A_808, %get3A_809] {strides = array<i32>} : memref<128x64xf32, #tpu.memory_space<vmem>>, vector<16xf32>,
        %mul3A_811 = arith.mulf %get3A_810, %broadcast_in_dim3A_779 : vector<16xf32>
        %add3A_812 = arith.addf %mul3A_811, %get3A_226 : vector<16xf32>
        %swap3A_813 = arith.index_cast %add3A_783 : i32 to index
        %swap3A_814 = arith.constant 48 : index
        %swap3A_815 = tpu.vector_load %arg24[%swap3A_813, %swap3A_814] {strides = array<i32>} : memref<128x64xf32, #tpu.memory_space<vmem>>, vector<16xf32>,
        tpu.vector_store %arg24[%swap3A_813, %swap3A_814], %add3A_812 {strides = array<i32>} : memref<128x64xf32, #tpu.memory_space<vmem>>, vector<16xf32>,
        %eq3A_816 = arith.constant 12 : i32
        %eq3A_817 = vector.broadcast %eq3A_816 : i32 to vector<16xi32>
        %eq3A_818 = arith.cmpi eq, %iota3A, %eq3A_817 : vector<16xi32>
        %jit3A_819 = arith.constant 0.000000e+00 : f32
        %broadcast_in_dim3A_820 = vector.broadcast %jit3A_819 : f32 to vector<16xf32>
        %select_n3A_821 = arith.select %eq3A_818, %get3A_255, %broadcast_in_dim3A_820 : vector<16xi1>, vector<16xf32>
        %reduce_sum3A_822 = arith.constant true
        %reduce_sum3A_823 = vector.broadcast %reduce_sum3A_822 : i1 to vector<16xi1>
        %reduce_sum3A_824 = tpu.scan <sum>, %select_n3A_821 masked %reduce_sum3A_823 : vector<16xf32>, vector<16xi1> -> vector<16xf32>
        %reduce_sum3A_825 = vector.extract %reduce_sum3A_824[15] : f32 from vector<16xf32>
        %broadcast_in_dim3A_826 = vector.broadcast %reduce_sum3A_825 : f32 to vector<16xf32>
        %mul3A_827 = arith.constant 16 : i32
        %mul3A_828 = arith.muli %scan3A_248, %mul3A_827 : i32
        %add3A_829 = arith.constant 12 : i32
        %add3A_830 = arith.addi %mul3A_828, %add3A_829 : i32
        %get3A_831 = arith.index_cast %add3A_830 : i32 to index
        %get3A_832 = arith.constant 0 : index
        %get3A_833 = tpu.vector_load %arg24[%get3A_831, %get3A_832] {strides = array<i32>} : memref<128x64xf32, #tpu.memory_space<vmem>>, vector<16xf32>,
        %mul3A_834 = arith.mulf %get3A_833, %broadcast_in_dim3A_826 : vector<16xf32>
        %add3A_835 = arith.addf %mul3A_834, %get3A_220 : vector<16xf32>
        %swap3A_836 = arith.index_cast %add3A_830 : i32 to index
        %swap3A_837 = arith.constant 0 : index
        %swap3A_838 = tpu.vector_load %arg24[%swap3A_836, %swap3A_837] {strides = array<i32>} : memref<128x64xf32, #tpu.memory_space<vmem>>, vector<16xf32>,
        tpu.vector_store %arg24[%swap3A_836, %swap3A_837], %add3A_835 {strides = array<i32>} : memref<128x64xf32, #tpu.memory_space<vmem>>, vector<16xf32>,
        %get3A_839 = arith.index_cast %add3A_830 : i32 to index
        %get3A_840 = arith.constant 16 : index
        %get3A_841 = tpu.vector_load %arg24[%get3A_839, %get3A_840] {strides = array<i32>} : memref<128x64xf32, #tpu.memory_space<vmem>>, vector<16xf32>,
        %mul3A_842 = arith.mulf %get3A_841, %broadcast_in_dim3A_826 : vector<16xf32>
        %add3A_843 = arith.addf %mul3A_842, %get3A_222 : vector<16xf32>
        %swap3A_844 = arith.index_cast %add3A_830 : i32 to index
        %swap3A_845 = arith.constant 16 : index
        %swap3A_846 = tpu.vector_load %arg24[%swap3A_844, %swap3A_845] {strides = array<i32>} : memref<128x64xf32, #tpu.memory_space<vmem>>, vector<16xf32>,
        tpu.vector_store %arg24[%swap3A_844, %swap3A_845], %add3A_843 {strides = array<i32>} : memref<128x64xf32, #tpu.memory_space<vmem>>, vector<16xf32>,
        %get3A_847 = arith.index_cast %add3A_830 : i32 to index
        %get3A_848 = arith.constant 32 : index
        %get3A_849 = tpu.vector_load %arg24[%get3A_847, %get3A_848] {strides = array<i32>} : memref<128x64xf32, #tpu.memory_space<vmem>>, vector<16xf32>,
        %mul3A_850 = arith.mulf %get3A_849, %broadcast_in_dim3A_826 : vector<16xf32>
        %add3A_851 = arith.addf %mul3A_850, %get3A_224 : vector<16xf32>
        %swap3A_852 = arith.index_cast %add3A_830 : i32 to index
        %swap3A_853 = arith.constant 32 : index
        %swap3A_854 = tpu.vector_load %arg24[%swap3A_852, %swap3A_853] {strides = array<i32>} : memref<128x64xf32, #tpu.memory_space<vmem>>, vector<16xf32>,
        tpu.vector_store %arg24[%swap3A_852, %swap3A_853], %add3A_851 {strides = array<i32>} : memref<128x64xf32, #tpu.memory_space<vmem>>, vector<16xf32>,
        %get3A_855 = arith.index_cast %add3A_830 : i32 to index
        %get3A_856 = arith.constant 48 : index
        %get3A_857 = tpu.vector_load %arg24[%get3A_855, %get3A_856] {strides = array<i32>} : memref<128x64xf32, #tpu.memory_space<vmem>>, vector<16xf32>,
        %mul3A_858 = arith.mulf %get3A_857, %broadcast_in_dim3A_826 : vector<16xf32>
        %add3A_859 = arith.addf %mul3A_858, %get3A_226 : vector<16xf32>
        %swap3A_860 = arith.index_cast %add3A_830 : i32 to index
        %swap3A_861 = arith.constant 48 : index
        %swap3A_862 = tpu.vector_load %arg24[%swap3A_860, %swap3A_861] {strides = array<i32>} : memref<128x64xf32, #tpu.memory_space<vmem>>, vector<16xf32>,
        tpu.vector_store %arg24[%swap3A_860, %swap3A_861], %add3A_859 {strides = array<i32>} : memref<128x64xf32, #tpu.memory_space<vmem>>, vector<16xf32>,
        %eq3A_863 = arith.constant 13 : i32
        %eq3A_864 = vector.broadcast %eq3A_863 : i32 to vector<16xi32>
        %eq3A_865 = arith.cmpi eq, %iota3A, %eq3A_864 : vector<16xi32>
        %jit3A_866 = arith.constant 0.000000e+00 : f32
        %broadcast_in_dim3A_867 = vector.broadcast %jit3A_866 : f32 to vector<16xf32>
        %select_n3A_868 = arith.select %eq3A_865, %get3A_255, %broadcast_in_dim3A_867 : vector<16xi1>, vector<16xf32>
        %reduce_sum3A_869 = arith.constant true
        %reduce_sum3A_870 = vector.broadcast %reduce_sum3A_869 : i1 to vector<16xi1>
        %reduce_sum3A_871 = tpu.scan <sum>, %select_n3A_868 masked %reduce_sum3A_870 : vector<16xf32>, vector<16xi1> -> vector<16xf32>
        %reduce_sum3A_872 = vector.extract %reduce_sum3A_871[15] : f32 from vector<16xf32>
        %broadcast_in_dim3A_873 = vector.broadcast %reduce_sum3A_872 : f32 to vector<16xf32>
        %mul3A_874 = arith.constant 16 : i32
        %mul3A_875 = arith.muli %scan3A_248, %mul3A_874 : i32
        %add3A_876 = arith.constant 13 : i32
        %add3A_877 = arith.addi %mul3A_875, %add3A_876 : i32
        %get3A_878 = arith.index_cast %add3A_877 : i32 to index
        %get3A_879 = arith.constant 0 : index
        %get3A_880 = tpu.vector_load %arg24[%get3A_878, %get3A_879] {strides = array<i32>} : memref<128x64xf32, #tpu.memory_space<vmem>>, vector<16xf32>,
        %mul3A_881 = arith.mulf %get3A_880, %broadcast_in_dim3A_873 : vector<16xf32>
        %add3A_882 = arith.addf %mul3A_881, %get3A_220 : vector<16xf32>
        %swap3A_883 = arith.index_cast %add3A_877 : i32 to index
        %swap3A_884 = arith.constant 0 : index
        %swap3A_885 = tpu.vector_load %arg24[%swap3A_883, %swap3A_884] {strides = array<i32>} : memref<128x64xf32, #tpu.memory_space<vmem>>, vector<16xf32>,
        tpu.vector_store %arg24[%swap3A_883, %swap3A_884], %add3A_882 {strides = array<i32>} : memref<128x64xf32, #tpu.memory_space<vmem>>, vector<16xf32>,
        %get3A_886 = arith.index_cast %add3A_877 : i32 to index
        %get3A_887 = arith.constant 16 : index
        %get3A_888 = tpu.vector_load %arg24[%get3A_886, %get3A_887] {strides = array<i32>} : memref<128x64xf32, #tpu.memory_space<vmem>>, vector<16xf32>,
        %mul3A_889 = arith.mulf %get3A_888, %broadcast_in_dim3A_873 : vector<16xf32>
        %add3A_890 = arith.addf %mul3A_889, %get3A_222 : vector<16xf32>
        %swap3A_891 = arith.index_cast %add3A_877 : i32 to index
        %swap3A_892 = arith.constant 16 : index
        %swap3A_893 = tpu.vector_load %arg24[%swap3A_891, %swap3A_892] {strides = array<i32>} : memref<128x64xf32, #tpu.memory_space<vmem>>, vector<16xf32>,
        tpu.vector_store %arg24[%swap3A_891, %swap3A_892], %add3A_890 {strides = array<i32>} : memref<128x64xf32, #tpu.memory_space<vmem>>, vector<16xf32>,
        %get3A_894 = arith.index_cast %add3A_877 : i32 to index
        %get3A_895 = arith.constant 32 : index
        %get3A_896 = tpu.vector_load %arg24[%get3A_894, %get3A_895] {strides = array<i32>} : memref<128x64xf32, #tpu.memory_space<vmem>>, vector<16xf32>,
        %mul3A_897 = arith.mulf %get3A_896, %broadcast_in_dim3A_873 : vector<16xf32>
        %add3A_898 = arith.addf %mul3A_897, %get3A_224 : vector<16xf32>
        %swap3A_899 = arith.index_cast %add3A_877 : i32 to index
        %swap3A_900 = arith.constant 32 : index
        %swap3A_901 = tpu.vector_load %arg24[%swap3A_899, %swap3A_900] {strides = array<i32>} : memref<128x64xf32, #tpu.memory_space<vmem>>, vector<16xf32>,
        tpu.vector_store %arg24[%swap3A_899, %swap3A_900], %add3A_898 {strides = array<i32>} : memref<128x64xf32, #tpu.memory_space<vmem>>, vector<16xf32>,
        %get3A_902 = arith.index_cast %add3A_877 : i32 to index
        %get3A_903 = arith.constant 48 : index
        %get3A_904 = tpu.vector_load %arg24[%get3A_902, %get3A_903] {strides = array<i32>} : memref<128x64xf32, #tpu.memory_space<vmem>>, vector<16xf32>,
        %mul3A_905 = arith.mulf %get3A_904, %broadcast_in_dim3A_873 : vector<16xf32>
        %add3A_906 = arith.addf %mul3A_905, %get3A_226 : vector<16xf32>
        %swap3A_907 = arith.index_cast %add3A_877 : i32 to index
        %swap3A_908 = arith.constant 48 : index
        %swap3A_909 = tpu.vector_load %arg24[%swap3A_907, %swap3A_908] {strides = array<i32>} : memref<128x64xf32, #tpu.memory_space<vmem>>, vector<16xf32>,
        tpu.vector_store %arg24[%swap3A_907, %swap3A_908], %add3A_906 {strides = array<i32>} : memref<128x64xf32, #tpu.memory_space<vmem>>, vector<16xf32>,
        %eq3A_910 = arith.constant 14 : i32
        %eq3A_911 = vector.broadcast %eq3A_910 : i32 to vector<16xi32>
        %eq3A_912 = arith.cmpi eq, %iota3A, %eq3A_911 : vector<16xi32>
        %jit3A_913 = arith.constant 0.000000e+00 : f32
        %broadcast_in_dim3A_914 = vector.broadcast %jit3A_913 : f32 to vector<16xf32>
        %select_n3A_915 = arith.select %eq3A_912, %get3A_255, %broadcast_in_dim3A_914 : vector<16xi1>, vector<16xf32>
        %reduce_sum3A_916 = arith.constant true
        %reduce_sum3A_917 = vector.broadcast %reduce_sum3A_916 : i1 to vector<16xi1>
        %reduce_sum3A_918 = tpu.scan <sum>, %select_n3A_915 masked %reduce_sum3A_917 : vector<16xf32>, vector<16xi1> -> vector<16xf32>
        %reduce_sum3A_919 = vector.extract %reduce_sum3A_918[15] : f32 from vector<16xf32>
        %broadcast_in_dim3A_920 = vector.broadcast %reduce_sum3A_919 : f32 to vector<16xf32>
        %mul3A_921 = arith.constant 16 : i32
        %mul3A_922 = arith.muli %scan3A_248, %mul3A_921 : i32
        %add3A_923 = arith.constant 14 : i32
        %add3A_924 = arith.addi %mul3A_922, %add3A_923 : i32
        %get3A_925 = arith.index_cast %add3A_924 : i32 to index
        %get3A_926 = arith.constant 0 : index
        %get3A_927 = tpu.vector_load %arg24[%get3A_925, %get3A_926] {strides = array<i32>} : memref<128x64xf32, #tpu.memory_space<vmem>>, vector<16xf32>,
        %mul3A_928 = arith.mulf %get3A_927, %broadcast_in_dim3A_920 : vector<16xf32>
        %add3A_929 = arith.addf %mul3A_928, %get3A_220 : vector<16xf32>
        %swap3A_930 = arith.index_cast %add3A_924 : i32 to index
        %swap3A_931 = arith.constant 0 : index
        %swap3A_932 = tpu.vector_load %arg24[%swap3A_930, %swap3A_931] {strides = array<i32>} : memref<128x64xf32, #tpu.memory_space<vmem>>, vector<16xf32>,
        tpu.vector_store %arg24[%swap3A_930, %swap3A_931], %add3A_929 {strides = array<i32>} : memref<128x64xf32, #tpu.memory_space<vmem>>, vector<16xf32>,
        %get3A_933 = arith.index_cast %add3A_924 : i32 to index
        %get3A_934 = arith.constant 16 : index
        %get3A_935 = tpu.vector_load %arg24[%get3A_933, %get3A_934] {strides = array<i32>} : memref<128x64xf32, #tpu.memory_space<vmem>>, vector<16xf32>,
        %mul3A_936 = arith.mulf %get3A_935, %broadcast_in_dim3A_920 : vector<16xf32>
        %add3A_937 = arith.addf %mul3A_936, %get3A_222 : vector<16xf32>
        %swap3A_938 = arith.index_cast %add3A_924 : i32 to index
        %swap3A_939 = arith.constant 16 : index
        %swap3A_940 = tpu.vector_load %arg24[%swap3A_938, %swap3A_939] {strides = array<i32>} : memref<128x64xf32, #tpu.memory_space<vmem>>, vector<16xf32>,
        tpu.vector_store %arg24[%swap3A_938, %swap3A_939], %add3A_937 {strides = array<i32>} : memref<128x64xf32, #tpu.memory_space<vmem>>, vector<16xf32>,
        %get3A_941 = arith.index_cast %add3A_924 : i32 to index
        %get3A_942 = arith.constant 32 : index
        %get3A_943 = tpu.vector_load %arg24[%get3A_941, %get3A_942] {strides = array<i32>} : memref<128x64xf32, #tpu.memory_space<vmem>>, vector<16xf32>,
        %mul3A_944 = arith.mulf %get3A_943, %broadcast_in_dim3A_920 : vector<16xf32>
        %add3A_945 = arith.addf %mul3A_944, %get3A_224 : vector<16xf32>
        %swap3A_946 = arith.index_cast %add3A_924 : i32 to index
        %swap3A_947 = arith.constant 32 : index
        %swap3A_948 = tpu.vector_load %arg24[%swap3A_946, %swap3A_947] {strides = array<i32>} : memref<128x64xf32, #tpu.memory_space<vmem>>, vector<16xf32>,
        tpu.vector_store %arg24[%swap3A_946, %swap3A_947], %add3A_945 {strides = array<i32>} : memref<128x64xf32, #tpu.memory_space<vmem>>, vector<16xf32>,
        %get3A_949 = arith.index_cast %add3A_924 : i32 to index
        %get3A_950 = arith.constant 48 : index
        %get3A_951 = tpu.vector_load %arg24[%get3A_949, %get3A_950] {strides = array<i32>} : memref<128x64xf32, #tpu.memory_space<vmem>>, vector<16xf32>,
        %mul3A_952 = arith.mulf %get3A_951, %broadcast_in_dim3A_920 : vector<16xf32>
        %add3A_953 = arith.addf %mul3A_952, %get3A_226 : vector<16xf32>
        %swap3A_954 = arith.index_cast %add3A_924 : i32 to index
        %swap3A_955 = arith.constant 48 : index
        %swap3A_956 = tpu.vector_load %arg24[%swap3A_954, %swap3A_955] {strides = array<i32>} : memref<128x64xf32, #tpu.memory_space<vmem>>, vector<16xf32>,
        tpu.vector_store %arg24[%swap3A_954, %swap3A_955], %add3A_953 {strides = array<i32>} : memref<128x64xf32, #tpu.memory_space<vmem>>, vector<16xf32>,
        %eq3A_957 = arith.constant 15 : i32
        %eq3A_958 = vector.broadcast %eq3A_957 : i32 to vector<16xi32>
        %eq3A_959 = arith.cmpi eq, %iota3A, %eq3A_958 : vector<16xi32>
        %jit3A_960 = arith.constant 0.000000e+00 : f32
        %broadcast_in_dim3A_961 = vector.broadcast %jit3A_960 : f32 to vector<16xf32>
        %select_n3A_962 = arith.select %eq3A_959, %get3A_255, %broadcast_in_dim3A_961 : vector<16xi1>, vector<16xf32>
        %reduce_sum3A_963 = arith.constant true
        %reduce_sum3A_964 = vector.broadcast %reduce_sum3A_963 : i1 to vector<16xi1>
        %reduce_sum3A_965 = tpu.scan <sum>, %select_n3A_962 masked %reduce_sum3A_964 : vector<16xf32>, vector<16xi1> -> vector<16xf32>
        %reduce_sum3A_966 = vector.extract %reduce_sum3A_965[15] : f32 from vector<16xf32>
        %broadcast_in_dim3A_967 = vector.broadcast %reduce_sum3A_966 : f32 to vector<16xf32>
        %mul3A_968 = arith.constant 16 : i32
        %mul3A_969 = arith.muli %scan3A_248, %mul3A_968 : i32
        %add3A_970 = arith.constant 15 : i32
        %add3A_971 = arith.addi %mul3A_969, %add3A_970 : i32
        %get3A_972 = arith.index_cast %add3A_971 : i32 to index
        %get3A_973 = arith.constant 0 : index
        %get3A_974 = tpu.vector_load %arg24[%get3A_972, %get3A_973] {strides = array<i32>} : memref<128x64xf32, #tpu.memory_space<vmem>>, vector<16xf32>,
        %mul3A_975 = arith.mulf %get3A_974, %broadcast_in_dim3A_967 : vector<16xf32>
        %add3A_976 = arith.addf %mul3A_975, %get3A_220 : vector<16xf32>
        %swap3A_977 = arith.index_cast %add3A_971 : i32 to index
        %swap3A_978 = arith.constant 0 : index
        %swap3A_979 = tpu.vector_load %arg24[%swap3A_977, %swap3A_978] {strides = array<i32>} : memref<128x64xf32, #tpu.memory_space<vmem>>, vector<16xf32>,
        tpu.vector_store %arg24[%swap3A_977, %swap3A_978], %add3A_976 {strides = array<i32>} : memref<128x64xf32, #tpu.memory_space<vmem>>, vector<16xf32>,
        %get3A_980 = arith.index_cast %add3A_971 : i32 to index
        %get3A_981 = arith.constant 16 : index
        %get3A_982 = tpu.vector_load %arg24[%get3A_980, %get3A_981] {strides = array<i32>} : memref<128x64xf32, #tpu.memory_space<vmem>>, vector<16xf32>,
        %mul3A_983 = arith.mulf %get3A_982, %broadcast_in_dim3A_967 : vector<16xf32>
        %add3A_984 = arith.addf %mul3A_983, %get3A_222 : vector<16xf32>
        %swap3A_985 = arith.index_cast %add3A_971 : i32 to index
        %swap3A_986 = arith.constant 16 : index
        %swap3A_987 = tpu.vector_load %arg24[%swap3A_985, %swap3A_986] {strides = array<i32>} : memref<128x64xf32, #tpu.memory_space<vmem>>, vector<16xf32>,
        tpu.vector_store %arg24[%swap3A_985, %swap3A_986], %add3A_984 {strides = array<i32>} : memref<128x64xf32, #tpu.memory_space<vmem>>, vector<16xf32>,
        %get3A_988 = arith.index_cast %add3A_971 : i32 to index
        %get3A_989 = arith.constant 32 : index
        %get3A_990 = tpu.vector_load %arg24[%get3A_988, %get3A_989] {strides = array<i32>} : memref<128x64xf32, #tpu.memory_space<vmem>>, vector<16xf32>,
        %mul3A_991 = arith.mulf %get3A_990, %broadcast_in_dim3A_967 : vector<16xf32>
        %add3A_992 = arith.addf %mul3A_991, %get3A_224 : vector<16xf32>
        %swap3A_993 = arith.index_cast %add3A_971 : i32 to index
        %swap3A_994 = arith.constant 32 : index
        %swap3A_995 = tpu.vector_load %arg24[%swap3A_993, %swap3A_994] {strides = array<i32>} : memref<128x64xf32, #tpu.memory_space<vmem>>, vector<16xf32>,
        tpu.vector_store %arg24[%swap3A_993, %swap3A_994], %add3A_992 {strides = array<i32>} : memref<128x64xf32, #tpu.memory_space<vmem>>, vector<16xf32>,
        %get3A_996 = arith.index_cast %add3A_971 : i32 to index
        %get3A_997 = arith.constant 48 : index
        %get3A_998 = tpu.vector_load %arg24[%get3A_996, %get3A_997] {strides = array<i32>} : memref<128x64xf32, #tpu.memory_space<vmem>>, vector<16xf32>,
        %mul3A_999 = arith.mulf %get3A_998, %broadcast_in_dim3A_967 : vector<16xf32>
        %add3A_1000 = arith.addf %mul3A_999, %get3A_226 : vector<16xf32>
        %swap3A_1001 = arith.index_cast %add3A_971 : i32 to index
        %swap3A_1002 = arith.constant 48 : index
        %swap3A_1003 = tpu.vector_load %arg24[%swap3A_1001, %swap3A_1002] {strides = array<i32>} : memref<128x64xf32, #tpu.memory_space<vmem>>, vector<16xf32>,
        tpu.vector_store %arg24[%swap3A_1001, %swap3A_1002], %add3A_1000 {strides = array<i32>} : memref<128x64xf32, #tpu.memory_space<vmem>>, vector<16xf32>,
      }
      %scan3A_242 = arith.constant 8 : i32
      %mul3A_243 = arith.constant 128 : i32
      %mul3A_244 = arith.muli %scan3A_233, %mul3A_243 : i32
      %add3A_245 = arith.addi %mul3A_0, %mul3A_244 : i32
      %mul3A_246 = arith.constant 64 : i32
      %mul3A_247 = arith.muli %arg0, %mul3A_246 : i32
      "tpu.region"() ({
        %run_scoped3A = tpu.sem_alloc : memref<!tpu.dma_semaphore, #tpu.memory_space<semaphore_mem>>
        %dma_start3A_248 = tpu.memref_slice %arg7[%add3A_245, %mul3A_247] : memref<10240x128xf32, #tpu.memory_space<hbm>> -> memref<128x64xf32, #tpu.memory_space<hbm>>
        %dma_start3A_249 = tpu.memref_slice %arg7[%add3A_245, %mul3A_247] : memref<10240x128xf32, #tpu.memory_space<hbm>> -> memref<128x64xf32, #tpu.memory_space<hbm>>
        tpu.enqueue_dma source(%arg24 : memref<128x64xf32, #tpu.memory_space<vmem>>) target(%dma_start3A_249 : memref<128x64xf32, #tpu.memory_space<hbm>>) target_semaphore(%run_scoped3A : memref<!tpu.dma_semaphore, #tpu.memory_space<semaphore_mem>>)
        %dma_wait3A_250 = tpu.memref_slice %arg7[%add3A_245, %mul3A_247] : memref<10240x128xf32, #tpu.memory_space<hbm>> -> memref<128x64xf32, #tpu.memory_space<hbm>>
        %dma_wait3A_251 = tpu.memref_slice %arg7[%add3A_245, %mul3A_247] : memref<10240x128xf32, #tpu.memory_space<hbm>> -> memref<128x64xf32, #tpu.memory_space<hbm>>
        tpu.wait_dma2 semaphore(%run_scoped3A : memref<!tpu.dma_semaphore, #tpu.memory_space<semaphore_mem>>) src(%arg24 : memref<128x64xf32, #tpu.memory_space<vmem>>) dst(%dma_wait3A_251 : memref<128x64xf32, #tpu.memory_space<hbm>>)
        tpu.yield
      }) : () -> ()
    }
    %scan3A_232 = arith.constant 5 : i32
    return
  }
}

</mosaic_0001>

<sc_bundles>
// kernel: kernel.3.cloned.1.call-start
scs
__scs_entry_jumppad:
0x0: {  	(pc) =	sbr.rel $0x88, $3  }
0x1: {  	(tag) =	ssettag $0x0;
	lr =	simm.s32 $0x1  }
0x2: {  	[smem:$0x3F9D] =	sst lr;
	_ =	strace $0xD0000000  }
0x3: {  	_ = 	snop  }
0x4: {  	_ = 	snop  }
0x5: {  	_ = 	snop  }
0x6: {  	_ = 	snop  }
0x7: {  	_ = 	snop  }
__scs_overlays_trampoline_lowered:
0x8: {  	[smem:$0x3FAC] =	sst s0  }
0x9: {  	[smem:$0x3FAD] =	sst s1  }
0xa: {  	[smem:$0x3FAE] =	sst s2  }
0xb: {  	[smem:$0x3FAF] =	sst s3  }
0xc: {  	[smem:$0x3FB0] =	sst s4  }
0xd: {  	[smem:$0x3FB1] =	sst s5  }
0xe: {  	[smem:$0x3FB2] =	sst s6  }
0xf: {  	[smem:$0x3FB3] =	sst s7  }
0x10: {  	[smem:$0x3FB4] =	sst s8  }
0x11: {  	[smem:$0x3FB5] =	sst s9;
	s0 =	simm.s32 @!p0 $0x0  }
0x12: {  	s1 =	sld [smem:$0x3F9B];
	s0 =	simm.s32 @p0 $0x1  }
0x13: {  	[smem:$0x3FB6] =	sst s0;
	s0 =	simm.s32 @!p1 $0x0  }
0x14: {  	s2 =	sld [smem:$0x3F9A];
	s0 =	simm.s32 @p1 $0x1  }
0x15: {  	[smem:$0x3FB7] =	sst s0;
	s0 =	simm.s32 @!p2 $0x0  }
0x16: {  	s3 =	sld [smem:$0x3FDB];
	s0 =	simm.s32 @p2 $0x1  }
0x17: {  	s4 =	simm.s32 $0x1BF5;
	[smem:$0x3FB9] =	sst s0  }
0x18: {  	s0 =	sld [smem:$0x3F9C];
	_ =	swait.ge [sflag:s4], $0x0  }
0x19: {  	s7 =	sld [smem:$0x3F9D]  }
0x1a: {  	s8 =	sadd.s32 $0xFFFFE003, lr  }
0x1b: {  	s9 =	sadd.s32 $0xFFFFFEF7, lr;
	s5 =	simm.s32 $0xFFFFFFFF;
	p2 =	slt.u32 s8, $0xFFFFF086  }
0x1c: {  	p1 =	slt.u32 s9, $0xF7A;
	s5 =	simm.s32 @!p2 $0x0  }
0x1d: {  	s5 =	simm.s32 @p1 $0x1;
	p0 =	seq.s32 s7, s2  }
0x1e: {  	s7 =	smul.u32 @!p0 $0xF7A, s2;
	p2 =	seq.s32 @!p0 s5, $0x0  }
0x1f: {  	s9 =	smul.u32 $0xF7A, s1;
	s8 =	simm.s32 @!p0 $0x1BF5;
	p2 =	por !p2, p0  }
0x20: {  	[sflag:s8] =	ssyncset.s32 @!p0 $0xFFFFF086;
	s6 =	sadd.s32 @!p0 s3, s7;
	s7 =	simm.s32 @!p0 $0x108  }
0x21: {  	s3 =	sadd.s32 s3, s9;
	s6 =	sadd.s32 @!p0 $0x88, s6;
	s7 =	simm.s32 @p2 $0x1082  }
0x22: {  	[simem:s7], [sflag:s8] =	dma.local @!p0 [hbm:s6], $0xF7A  }
0x23: {  	s9 =	sor.u32 $0xD0000000, s2;
	s6 =	simm.s32 $0x108;
	_ =	swait.ge @!p0 [sflag:s8], $0x0  }
0x24: {  	s3 =	sadd.s32 $0x88, s3;
	s6 =	simm.s32 @!p1 $0x1082;
	[sflag:s4] =	ssyncset.s32 $0xFFFFF086  }
0x25: {  	[simem:s6], [sflag:s4] =	dma.local [hbm:s3], $0xF7A  }
0x26: {  	[smem:$0x3F9D] =	sst s1;
	(tag) =	ssettag s2;
	_ =	strace s9  }
0x27: {  	s1 =	sld [smem:$0x3FAD]  }
0x28: {  	s2 =	sld [smem:$0x3FAE]  }
0x29: {  	s4 =	sld [smem:$0x3FB0]  }
0x2a: {  	p0 =	seq.s32 s5, $0x0;
	s5 =	sld [smem:$0x3FB1]  }
0x2b: {  	s6 =	sld [smem:$0x3FB2]  }
0x2c: {  	s7 =	sld [smem:$0x3FB3]  }
0x2d: {  	s3 =	simm.s32 $0x108;
	s8 =	sld [smem:$0x3FB4]  }
0x2e: {  	s3 =	simm.s32 @!p0 $0x1082;
	s9 =	sld [smem:$0x3FB5]  }
0x2f: {  	lr =	sadd.s32 s0, s3;
	s0 =	sld [smem:$0x3FAC]  }
0x30: {  	s3 =	sld [smem:$0x3FAF]  }
0x31: {  	[smem:$0x3FB8] =	sst s10  }
0x32: {  	s10 =	sld [smem:$0x3FB6];
	_ =	sdelay $0x3  }
0x33: {  	p0 =	seq.s32 s10, $0x1;
	s10 =	sld [smem:$0x3FB8];
	_ =	sdelay $0x3  }
0x34: {  	[smem:$0x3FB8] =	sst s10  }
0x35: {  	s10 =	sld [smem:$0x3FB7];
	_ =	sdelay $0x3  }
0x36: {  	p1 =	seq.s32 s10, $0x1;
	s10 =	sld [smem:$0x3FB8];
	_ =	sdelay $0x3  }
0x37: {  	[smem:$0x3FB8] =	sst s10  }
0x38: {  	s10 =	sld [smem:$0x3FB9]  }
0x39: {  	_ = 	snop;
	(pc) =	sbr.ind lr, $3  }
0x3a: {  	_ = 	snop  }
0x3b: {  	_ = 	snop  }
0x3c: {  	p2 =	seq.s32 s10, $0x1;
	s10 =	sld [smem:$0x3FB8]  }
0x3d: {  	_ =	shalt  }
0x3e: {  	_ =	shalt  }
0x3f: {  	_ =	shalt  }
0x40: {  	_ =	shalt  }
0x41: {  	_ =	shalt  }
0x42: {  	_ =	shalt  }
0x43: {  	_ =	shalt  }
0x44: {  	_ =	shalt  }
0x45: {  	_ =	shalt  }
0x46: {  	_ =	shalt  }
0x47: {  	_ =	shalt  }
0x48: {  	_ =	shalt  }
0x49: {  	_ =	shalt  }
0x4a: {  	_ =	shalt  }
0x4b: {  	_ =	shalt  }
0x4c: {  	_ =	shalt  }
0x4d: {  	_ =	shalt  }
0x4e: {  	_ =	shalt  }
0x4f: {  	_ =	shalt  }
0x50: {  	_ =	shalt  }
0x51: {  	_ =	shalt  }
0x52: {  	_ =	shalt  }
0x53: {  	_ =	shalt  }
0x54: {  	_ =	shalt  }
0x55: {  	_ =	shalt  }
0x56: {  	_ =	shalt  }
0x57: {  	_ =	shalt  }
0x58: {  	_ =	shalt  }
0x59: {  	_ =	shalt  }
0x5a: {  	_ =	shalt  }
0x5b: {  	_ =	shalt  }
0x5c: {  	_ =	shalt  }
0x5d: {  	_ =	shalt  }
0x5e: {  	_ =	shalt  }
0x5f: {  	_ =	shalt  }
0x60: {  	_ =	shalt  }
0x61: {  	_ =	shalt  }
0x62: {  	_ =	shalt  }
0x63: {  	_ =	shalt  }
0x64: {  	_ =	shalt  }
0x65: {  	_ =	shalt  }
0x66: {  	_ =	shalt  }
0x67: {  	_ =	shalt  }
0x68: {  	_ =	shalt  }
0x69: {  	_ =	shalt  }
0x6a: {  	_ =	shalt  }
0x6b: {  	_ =	shalt  }
0x6c: {  	_ =	shalt  }
0x6d: {  	_ =	shalt  }
0x6e: {  	_ =	shalt  }
0x6f: {  	_ =	shalt  }
0x70: {  	_ =	shalt  }
0x71: {  	_ =	shalt  }
0x72: {  	_ =	shalt  }
0x73: {  	_ =	shalt  }
0x74: {  	_ =	shalt  }
0x75: {  	_ =	shalt  }
0x76: {  	_ =	shalt  }
0x77: {  	_ =	shalt  }
0x78: {  	_ =	shalt  }
0x79: {  	_ =	shalt  }
0x7a: {  	_ =	shalt  }
0x7b: {  	_ =	shalt  }
0x7c: {  	_ =	shalt  }
0x7d: {  	_ =	shalt  }
0x7e: {  	_ =	shalt  }
0x7f: {  	_ =	shalt  }
0x80: {  	_ =	shalt  }
0x81: {  	_ =	shalt  }
0x82: {  	_ =	shalt  }
0x83: {  	_ =	shalt  }
0x84: {  	_ =	shalt  }
0x85: {  	_ =	shalt  }
0x86: {  	_ =	shalt  }
0x87: {  	_ =	shalt  }
.Lfunc_end0:
.L_simem_size_0:
called_computation_lowered:
.L_overlay_start_0:
0x88: {  	s2 =	sld [smem:$0x3FD9]  }
0x89: {  	s3 =	sld [smem:$0x3FFE];
	_ =	sdelay $0x1  }
0x8a: {  	s1 =	srdreg.scid  }
0x8b: {  	s0 =	sand.u32 $0x1, s1  }
0x8c: {  	s18 =	sshll.u32 s0, $0xA;
	s2 =	sadd.s32 s3, s2  }
0x8d: {  	s3 =	sadd.s32 s2, s18  }
0x8e: {  	[smem:$0x3FC4] =	sst s3  }
0x8f: {  	_ = 	snop  }
0x90: {  	s3 =	sld [smem:$0x3FC7]  }
0x91: {  	s4 =	sld [smem:$0x3FC6]  }
0x92: {  	s5 =	sld [smem:$0x3FD0];
	(tm) =	ssettm $0x1  }
0x93: {  	s6 =	sld [smem:$0x3FFB];
	_ =	sdelay $0x3  }
0x94: {  	_ =	strace s6  }
0x95: {  	s6 =	sld [smem:$0x3FFC];
	_ =	sdelay $0x3  }
0x96: {  	_ =	strace s6  }
0x97: {  	s6 =	sld [smem:$0x3FFD];
	_ =	sdelay $0x3  }
0x98: {  	_ =	strace s6  }
0x99: {  	_ =	strace $0x8FFFFFFF  }
0x9a: {  	s19 =	sld [smem:$0x3FDB];
	_ =	sdelay $0x1  }
0x9b: {  	s7 =	simm.s32 $_scs_section_size  }
0x9c: {  	s8 =	simm.s32 $_size__tile_overlayer_lowered;
	s9 =	simm.s32 $_tile_overlayer_lowered  }
0x9d: {  	s22 =	simm.s32 $0x1BFF;
	s21 =	sshll.u32 s9, $0x1;
	s6 =	sadd.s32 s7, s19  }
0x9e: {  	s10 =	simm.s32 $0x0;
	s20 =	sshll.u32 s8, $0x1;
	s8 =	sadd.s32 s21, s6  }
0x9f: {  	[timem:s10], [sflag:s22] =	dma.local [hbm:s8], s20  }
0xa0: {  	_ =	swait.ge [sflag:s22], s20  }
0xa1: {  	s7 =	ssub.s32 $0x0, s20;
	[sflag:s22] =	ssyncset.done $0x0  }
0xa2: {  	[sflag:s22] =	ssyncadd.s32 s7;
	_ =	sdelay $0x1  }
0xa3: {  	s23 =	simm.s32 $0x1B8B  }
0xa4: {  	_ =	swait.ge [sflag:s23], $0x1  }
0xa5: {  	[sflag:s23] =	ssyncset.done $0x0  }
0xa6: {  	s25 =	simm.s32 $0x1B8E;
	s24 =	sld [smem:$0x3FFE];
	[sflag:s23] =	ssyncadd.s32 $0xFFFFFFFF  }
0xa7: {  	s26 =	simm.s32 $execute0_lowered;
	[smem:$0x3FD2] =	sst s25  }
0xa8: {  	s8 =	sshll.u32 s26, $0x1;
	_ =	strace $0x80000046;
	[dreg:$0x1] =	wrdreg $0xFFFFFFFF  }
0xa9: {  	s28 =	simm.s32 $_size_execute0_lowered;
	s6 =	sadd.s32 s6, s8;
	[dreg:$0x0] =	wrdreg $0x0  }
0xaa: {  	s8 =	sshll.u32 s28, $0x1;
	[dreg:$0x2] =	wrdreg s6  }
0xab: {  	[dreg:$0x3] =	wrdreg s8  }
0xac: {  	[dreg:$0x4] =	wrdreg $0xC0  }
0xad: {  	_ =	task [dreg:s10], $0x5FFFF  }
0xae: {  	[dreg:$0x1] =	wrdreg $0xFFFFFFFF  }
0xaf: {  	[dreg:$0x0] =	wrdreg $0x60  }
0xb0: {  	[dreg:$0x2] =	wrdreg s24  }
0xb1: {  	[dreg:$0x3] =	wrdreg s5  }
0xb2: {  	[dreg:$0x4] =	wrdreg s3  }
0xb3: {  	[dreg:$0x5] =	wrdreg s4  }
0xb4: {  	[dreg:$0x6] =	wrdreg $0x0  }
0xb5: {  	[dreg:$0x7] =	wrdreg $0xA0000  }
0xb6: {  	s2 =	sadd.s32 $0x800, s2;
	[dreg:$0x8] =	wrdreg $0xA2800  }
0xb7: {  	[dreg:$0x9] =	wrdreg s2  }
0xb8: {  	[dreg:$0xa] =	wrdreg $0x9  }
0xb9: {  	_ =	task.clear_ibuf [dreg:s10], $0xBFFFF;
	_ =	strace $0x90000046  }
0xba: {  	s29 =	simm.s32 $0x9;
	_ =	strace $0x80000048  }
0xbb: {  	_ =	swait.ge [sflag:s29], $0x1  }
0xbc: {  	[sflag:s29] =	ssyncadd.s32 $0xFFFFFFFF  }
0xbd: {  	_ =	strace $0x90000048  }
0xbe: {  	_ =	sfence  }
0xbf: {  	s30 =	sld [smem:$0x0];
	_ =	sdelay $0x2  }
0xc0: {  	s31 =	sshll.u32 s1, $0xD;
	s1 =	sshrl.u32 s1, $0x2  }
0xc1: {  	s3 =	sand.u32 $0x4000, s31;
	s1 =	sadd.s32 s1, s30  }
0xc2: {  	s0 =	sor.u32 s3, s0;
	s1 =	sshll.u32 s1, $0x11  }
0xc3: {  	s0 =	sor.u32 s1, s0  }
0xc4: {  	s0 =	sadd.s32 $0x8F2B, s0  }
0xc5: {  	[sflag:s0] =	ssyncadd.remote.s32 $0x1  }
0xc6: {  	_ =	sfence.sel $0xFFFF  }
0xc7: {  	[dreg:$0x0] =	wrdreg $0xFFFFFFFF;
	(pc) =	sbr.abs _section_cstart, $3  }
0xc8: {  	[dreg:$0x1] =	wrdreg $0xFFFFFFFF  }
0xc9: {  	_ =	task.clear_ibuf [dreg:s10], $0x2FFFF;
	_ =	strace $0x9FFFFFFF  }
0xca: {  	(tm) =	ssettm $0x7FFFFFFF  }
0xcb: {  	_ =	shalt  }
tec
execute0_lowered:
.L_overlay_start_1:
0x0: {  	(tag) =	ssettag $0x1  }
0x1: {  	s12 =	rddreg [dreg:$0x0]  }
0x2: {  	s0 =	rddreg [dreg:$0x1]  }
0x3: {  	s1 =	rddreg [dreg:$0x3]  }
0x4: {  	s3 =	rddreg [dreg:$0x4]  }
0x5: {  	s4 =	rddreg [dreg:$0x5]  }
0x6: {  	s6 =	rddreg [dreg:$0x6]  }
0x7: {  	s7 =	rddreg [dreg:$0x7]  }
0x8: {  	s8 =	simm.s32 $0x0;
	s13 =	stileid.u32;
	s2 =	srdreg.scid  }
0x9: {  	s30 =	simm.s32 $0x2;
	s31 =	simm.s32 $0x1;
	s14 =	smul.u32 $0x280, s13  }
0xa: {  	[smem:$0x7FF] =	sst s8;
	s5 =	smul.u32 $0x28000, s13;
	s2 =	sand.u32 $0x1, s2  }
0xb: {  	s22 =	sadd.s32 $0xA400, s12;
	s18 =	smul.u32 $0x9C4, s13;
	_ =	strace $0x80000047  }
0xc: {  	s10 =	ssub.s32 $0x2, s2;
	[dreg:$0xb] =	wrdreg s22;
	s16 =	sshll.u32 s2, $0x3  }
0xd: {  	s9 =	sshrl.u32 s14, $0x3;
	s5 =	sshrl.u32 s5, $0x2;
	s11 =	sshrl.u32 s10, $0x1  }
0xe: {  	s29 =	sadd.s32 s14, s4;
	s1 =	sadd.s32 s1, s16;
	[dreg:$0x9] =	wrdreg s14  }
0xf: {  	s21 =	sadd.s32 s14, s6;
	s16 =	simm.s32 $0x190;
	[dreg:$0x13] =	wrdreg s1  }
0x10: {  	s9 =	sadd.s32 s9, s12;
	s15 =	sadd.s32 s5, s3;
	[dreg:$0x17] =	wrdreg s21  }
0x11: {  	s23 =	ssub.s32 s10, s11;
	s11 =	smul.u32 $0x4E20, s13;
	[dreg:$0x10] =	wrdreg s29  }
0x12: {  	s13 =	simm.s32 $0xB310;
	s24 =	sadd.s32 $0x2000, s15;
	[dreg:$0xa] =	wrdreg s15  }
0x13: {  	s5 =	simm.s32 $0xA500;
	s25 =	sadd.s32 $0x4000, s15;
	[dreg:$0xc] =	wrdreg s24  }
0x14: {  	s10 =	simm.s32 $0x0;
	s26 =	sadd.s32 $0x6000, s15;
	[dreg:$0xd] =	wrdreg s25  }
0x15: {  	s28 =	sadd.s32 $0x8000, s15;
	s9 =	sadd.s32 $0x9E00, s9;
	[dreg:$0xe] =	wrdreg s26  }
0x16: {  	s15 =	sshll.u32 s2, $0x6;
	s2 =	smul.u32 $0x2800, s2;
	[dreg:$0xf] =	wrdreg s28  }
0x17: {  	s20 =	smax.u32 s23, $0x1;
	s23 =	sadd.s32 s18, s0;
	[dreg:$0x11] =	wrdreg s9  }
0x18: {  	s0 =	simm.s32 $0xCF80;
	s17 =	sshrl.u32 s11, $0x3;
	[dreg:$0x16] =	wrdreg s20  }
0x19: {  	s19 =	sadd.s32 $0x320, s11;
	s24 =	sadd.s32 s18, s12;
	[dreg:$0x12] =	wrdreg s15  }
0x1a: {  	v1 =	vimm.f32 $0.0e+00;
	s25 =	sor.u32 $0x1BB80, s15;
	s26 =	sadd.s32 $0x32, s23;
	s9 =	simm.s32 $0x19780  }
0x1b: {  	v2 =	vimm.f32 $1.000000000e+00;
	vm0 =	vmmov $0x1;
	vm1 =	vcmask $0x308;
	s15 =	simm.s32 $0x1D780;
	s20 =	simm.s32 $0x3;
	[dreg:$0x15] =	wrdreg s19  }
0x1c: {  	vm2 =	vcmask $0x70C;
	vm3 =	vcmask $0xB10;
	vm4 =	vcmask $0xF14;
	s11 =	simm.s32 $0xA500;
	s1 =	sadd.s32 s12, s17;
	[dreg:$0x19] =	wrdreg s25  }
0x1d: {  	vm5 =	vcmask $0x1318;
	vm6 =	vcmask $0x171C;
	vm7 =	vcmask $0x1B20;
	s22 =	sadd.s32 s14, s2;
	[dreg:$0x1a] =	wrdreg s26;
	s28 =	sadd.s32 $0x32, s24  }
0x1e: {  	vm8 =	vcmask $0x1F24;
	vm9 =	vcmask $0x2328;
	vm10 =	vcmask $0x272C;
	s12 =	simm.s32 $0xAB40;
	s14 =	simm.s32 $0x7D0;
	[dreg:$0x14] =	wrdreg s1  }
0x1f: {  	vm11 =	vcmask $0x2B30;
	vm12 =	vcmask $0x2F34;
	vm13 =	vcmask $0x3338;
	s17 =	simm.s32 $0xBAE0;
	s19 =	simm.s32 $0xC2B0;
	[dreg:$0x18] =	wrdreg s22  }
0x20: {  	vm14 =	vcmask $0x373C;
	vm15 =	vmmov $0x7fff;
	v0 =	vmov s2;
	[dreg:$0x1b] =	wrdreg s28;
	s1 =	simm.s32 $0x5;
	s22 =	simm.s32 $0x4  }
.LBB2_1:
0x21: {  	s21 =	simm.s32 $0x100;
	s18 =	simm.s32 $0x0  }
.LBB2_2:
0x22: {  	p0 =	sne.s32 s21, $0x7F00;
	[tilespmem:s18+$0x197B0] =	vst v1;
	s25 =	smov.u32 s21;
	s21 =	sadd.s32 $0x100, s21  }
.Ltmp0:
0x23: {  	[tilespmem:s18+$0x197A0] =	vst v1;
	(pc) =	sbr.rel @p0 .LBB2_2-.Ltmp0, $3  }
0x24: {  	[tilespmem:s18+$0x19780] =	vst v1  }
0x25: {  	[tilespmem:s18+$0x19790] =	vst v1;
	_ =	sdelay $0x1  }
0x26: {  	s18 =	sshra.s32 s25, $0x2  }
0x27: {  	[tilespmem:s18+$0x197B0] =	vst v1  }
0x28: {  	[tilespmem:s18+$0x197A0] =	vst v1  }
0x29: {  	[tilespmem:s18+$0x19780] =	vst v1  }
0x2a: {  	[tilespmem:s18+$0x19790] =	vst v1  }
0x2b: {  	[tilespmem:$0xCD00] =	vst v1  }
0x2c: {  	[tilespmem:$0xCD10] =	vst v1  }
0x2d: {  	[tilespmem:$0xCD20] =	vst v1  }
0x2e: {  	[tilespmem:$0xCD30] =	vst v1  }
0x2f: {  	[tilespmem:$0xCD40] =	vst v1  }
0x30: {  	[tilespmem:$0xCD50] =	vst v1  }
0x31: {  	[tilespmem:$0xCD60] =	vst v1  }
0x32: {  	[tilespmem:$0xCD70] =	vst v1  }
0x33: {  	[tilespmem:$0xCD80] =	vst v1  }
0x34: {  	[tilespmem:$0xCD90] =	vst v1  }
0x35: {  	[tilespmem:$0xCDA0] =	vst v1  }
0x36: {  	[tilespmem:$0xCDB0] =	vst v1  }
0x37: {  	[tilespmem:$0xCDC0] =	vst v1  }
0x38: {  	[tilespmem:$0xCDD0] =	vst v1  }
0x39: {  	[tilespmem:$0xCDE0] =	vst v1  }
0x3a: {  	[tilespmem:$0xCDF0] =	vst v1  }
0x3b: {  	[tilespmem:$0xCE00] =	vst v1  }
0x3c: {  	[tilespmem:$0xCE10] =	vst v1  }
0x3d: {  	[tilespmem:$0xCE20] =	vst v1  }
0x3e: {  	[tilespmem:$0xCE30] =	vst v1  }
0x3f: {  	[tilespmem:$0xCE40] =	vst v1  }
0x40: {  	[tilespmem:$0xCE50] =	vst v1  }
0x41: {  	[tilespmem:$0xCE60] =	vst v1  }
0x42: {  	[tilespmem:$0xCE70] =	vst v1  }
0x43: {  	[tilespmem:$0xCE80] =	vst v1  }
0x44: {  	[tilespmem:$0xCE90] =	vst v1  }
0x45: {  	[tilespmem:$0xCEA0] =	vst v1  }
0x46: {  	[tilespmem:$0xCEB0] =	vst v1  }
0x47: {  	[tilespmem:$0xCEC0] =	vst v1  }
0x48: {  	[tilespmem:$0xCED0] =	vst v1  }
0x49: {  	[tilespmem:$0xCEE0] =	vst v1  }
0x4a: {  	[tilespmem:$0xCEF0] =	vst v1  }
0x4b: {  	[tilespmem:$0xCF00] =	vst v1  }
0x4c: {  	[tilespmem:$0xCF10] =	vst v1  }
0x4d: {  	[tilespmem:$0xCF20] =	vst v1  }
0x4e: {  	[tilespmem:$0xCF30] =	vst v1  }
0x4f: {  	[tilespmem:$0xCF40] =	vst v1  }
0x50: {  	[tilespmem:$0xCF50] =	vst v1  }
0x51: {  	[tilespmem:$0xCF60] =	vst v1  }
0x52: {  	s18 =	simm.s32 $0x40;
	s21 =	simm.s32 $0x0;
	[tilespmem:$0xCF70] =	vst v1  }
.LBB2_4:
0x53: {  	p0 =	sne.s32 s18, $0x1F00;
	[tilespmem:s21+$0x1D780] =	vst v2;
	s21 =	smov.u32 s18;
	s18 =	sadd.s32 $0x40, s18  }
.Ltmp1:
0x54: {  	(pc) =	sbr.rel @p0 .LBB2_4-.Ltmp1, $2  }
0x55: {  	_ =	sdelay $0x2  }
0x56: {  	s21 =	sshra.s32 s21, $0x2  }
0x57: {  	[tilespmem:s21+$0x1D780] =	vst v2;
	s2 =	rddreg [dreg:$0xa]  }
0x58: {  	[spmem:s2] =	stream.linear.scatter [tilespmem:s9], [sflag:$0x5], $0x2000, $0x38;
	[tilespmem:$0x1DF90] =	vst v63  }
0x59: {  	_ =	swait.ge [sflag:s1], $0x2000  }
0x5a: {  	[sflag:s1] =	ssyncset.done $0x0  }
0x5b: {  	s18 =	rddreg [dreg:$0xc];
	[sflag:s1] =	ssyncadd.s32 $0xFFFFE000  }
0x5c: {  	[spmem:s18] =	stream.linear.scatter [tilespmem:s9], [sflag:$0x5], $0x2000, $0x38;
	[tilespmem:$0x1DF90] =	vst v63  }
0x5d: {  	_ =	swait.ge [sflag:s1], $0x2000  }
0x5e: {  	[sflag:s1] =	ssyncset.done $0x0  }
0x5f: {  	s21 =	rddreg [dreg:$0xd];
	[sflag:s1] =	ssyncadd.s32 $0xFFFFE000  }
0x60: {  	[spmem:s21] =	stream.linear.scatter [tilespmem:s9], [sflag:$0x5], $0x2000, $0x38;
	[tilespmem:$0x1DF90] =	vst v63  }
0x61: {  	_ =	swait.ge [sflag:s1], $0x2000  }
0x62: {  	[sflag:s1] =	ssyncset.done $0x0  }
0x63: {  	s25 =	rddreg [dreg:$0xe];
	[sflag:s1] =	ssyncadd.s32 $0xFFFFE000  }
0x64: {  	[spmem:s25] =	stream.linear.scatter [tilespmem:s9], [sflag:$0x5], $0x2000, $0x38;
	[tilespmem:$0x1DF90] =	vst v63  }
0x65: {  	_ =	swait.ge [sflag:s1], $0x2000  }
0x66: {  	[sflag:s1] =	ssyncset.done $0x0  }
0x67: {  	s26 =	rddreg [dreg:$0xf];
	[sflag:s1] =	ssyncadd.s32 $0xFFFFE000  }
0x68: {  	[spmem:s26] =	stream.linear.scatter [tilespmem:s9], [sflag:$0x5], $0x2000, $0x38;
	[tilespmem:$0x1DF90] =	vst v63  }
0x69: {  	_ =	swait.ge [sflag:s1], $0x2000  }
0x6a: {  	[sflag:s1] =	ssyncset.done $0x0  }
0x6b: {  	s18 =	simm.s32 $0xCD00;
	[sflag:s1] =	ssyncadd.s32 $0xFFFFE000  }
0x6c: {  	[spmem:s29] =	stream.linear.scatter [tilespmem:s18], [sflag:$0x5], $0x280, $0x38;
	[tilespmem:$0x1DF90] =	vst v63  }
0x6d: {  	_ =	swait.ge [sflag:s1], $0x280  }
0x6e: {  	[sflag:s1] =	ssyncset.done $0x0  }
0x6f: {  	s28 =	rddreg [dreg:$0x17];
	[sflag:s1] =	ssyncadd.s32 $0xFFFFFD80  }
0x70: {  	[spmem:s28] =	stream.linear.scatter [tilespmem:s18], [sflag:$0x5], $0x280, $0x38;
	[tilespmem:$0x1DF90] =	vst v63  }
0x71: {  	_ =	swait.ge [sflag:s1], $0x280  }
0x72: {  	s25 =	simm.s32 $0xCA80;
	[sflag:s1] =	ssyncset.done $0x0  }
0x73: {  	s18 =	simm.s32 $0x0;
	s21 =	rddreg [dreg:$0x11];
	[sflag:s1] =	ssyncadd.s32 $0xFFFFFD80  }
0x74: {  	[tilespmem:s25], [sflag:$0x5] =	stream.linear.gather [hbm4b:s21+s18], $0x280, $0x38;
	[tilespmem:$0x1DF90] =	vst v63  }
0x75: {  	_ =	swait.ge [sflag:s1], $0x280  }
0x76: {  	[sflag:s1] =	ssyncset.done $0x0  }
0x77: {  	s28 =	simm.s32 $0x1DF50;
	s26 =	rddreg [dreg:$0x13];
	[sflag:s1] =	ssyncadd.s32 $0xFFFFFD80  }
0x78: {  	[tilespmem:s28], [sflag:$0x5] =	stream.linear.gather [hbm4b:s26+s18], $0x40, $0x38;
	[tilespmem:$0x1DF90] =	vst v63  }
0x79: {  	_ =	swait.ge [sflag:s1], $0x40  }
0x7a: {  	[sflag:s1] =	ssyncset.done $0x0  }
0x7b: {  	[sflag:s1] =	ssyncadd.s32 $0xFFFFFFC0  }
0x7c: {  	s25 =	sadd.s32 $0x0, s24;
	[bflag:$0x0] =	sbarrier.arrive $0xFFFF  }
0x7d: {  	[tilespmem:s12], [sflag:$0x5] =	stream.linear.gather [hbm4b:s25+s8], $0x7D0, $0x38;
	[tilespmem:$0x1DF90] =	vst v63  }
0x7e: {  	_ =	swait.ge [sflag:s1], $0x7D0  }
0x7f: {  	[sflag:s1] =	ssyncset.done $0x0  }
0x80: {  	s26 =	sadd.s32 $0x0, s23;
	[sflag:s1] =	ssyncadd.s32 $0xFFFFF830  }
0x81: {  	[tilespmem:s13], [sflag:$0x5] =	stream.linear.gather [hbm4b:s26+s8], $0x7D0, $0x38;
	[tilespmem:$0x1DF90] =	vst v63  }
0x82: {  	_ =	swait.ge [sflag:s1], $0x7D0  }
0x83: {  	[sflag:s1] =	ssyncset.done $0x0  }
0x84: {  	[sflag:s1] =	ssyncadd.s32 $0xFFFFF830  }
0x85: {  	[spmem:s4] =	stream.indirect.scatter.add.f32 [tilespmem:s15], [sflag:$0x3], $0x1, s12, s14, $0xb8;
	[tilespmem:$0x1DF90] =	vst v63  }
0x86: {  	_ = 	snop  }
0x87: {  	[spmem:s6] =	stream.indirect.scatter.add.f32 [tilespmem:s15], [sflag:$0x4], $0x1, s13, s14, $0xb8;
	[tilespmem:$0x1DF90] =	vst v63  }
0x88: {  	s18 =	sadd.s32 $0xFA, s25  }
0x89: {  	[tilespmem:s17], [sflag:$0x5] =	stream.linear.gather [hbm4b:s18+s8], $0x7D0, $0x38;
	[tilespmem:$0x1DF90] =	vst v63  }
0x8a: {  	_ =	swait.ge [sflag:s1], $0x7D0  }
0x8b: {  	[sflag:s1] =	ssyncset.done $0x0  }
0x8c: {  	s28 =	sadd.s32 $0xFA, s26;
	[sflag:s1] =	ssyncadd.s32 $0xFFFFF830  }
0x8d: {  	[tilespmem:s19], [sflag:$0x5] =	stream.linear.gather [hbm4b:s28+s8], $0x7D0, $0x38;
	[tilespmem:$0x1DF90] =	vst v63  }
0x8e: {  	_ =	swait.ge [sflag:s1], $0x7D0  }
0x8f: {  	[sflag:s1] =	ssyncset.done $0x0  }
0x90: {  	[sflag:s1] =	ssyncadd.s32 $0xFFFFF830  }
0x91: {  	_ =	swait.ge [sflag:s20], $0x7D0  }
0x92: {  	[sflag:s20] =	ssyncset.done $0x0  }
0x93: {  	[sflag:s20] =	ssyncadd.s32 $0xFFFFF830  }
0x94: {  	_ =	swait.ge [sflag:s22], $0x7D0  }
0x95: {  	[sflag:s22] =	ssyncset.done $0x0  }
0x96: {  	[sflag:s22] =	ssyncadd.s32 $0xFFFFF830  }
0x97: {  	[spmem:s4] =	stream.indirect.scatter.add.f32 [tilespmem:s15], [sflag:$0x3], $0x1, s17, s14, $0xb8;
	[tilespmem:$0x1DF90] =	vst v63  }
0x98: {  	_ = 	snop  }
0x99: {  	[spmem:s6] =	stream.indirect.scatter.add.f32 [tilespmem:s15], [sflag:$0x4], $0x1, s19, s14, $0xb8;
	[tilespmem:$0x1DF90] =	vst v63  }
0x9a: {  	_ =	swait.ge [sflag:s20], $0x7D0  }
0x9b: {  	[sflag:s20] =	ssyncset.done $0x0  }
0x9c: {  	[sflag:s20] =	ssyncadd.s32 $0xFFFFF830  }
0x9d: {  	_ =	swait.ge [sflag:s22], $0x7D0  }
0x9e: {  	s25 =	simm.s32 $0x3E8;
	s18 =	simm.s32 $0x1F4;
	[sflag:s22] =	ssyncset.done $0x0  }
.LBB2_6:
0x9f: {  	s26 =	sadd.s32 s18, s24  }
0xa0: {  	[sflag:s22] =	ssyncadd.s32 $0xFFFFF830;
	s28 =	smov.u32 s25;
	s21 =	sadd.s32 $0x1F4, s25  }
0xa1: {  	[tilespmem:s12], [sflag:$0x5] =	stream.linear.gather [hbm4b:s26+s8], $0x7D0, $0x38;
	[tilespmem:$0x1DF90] =	vst v63  }
0xa2: {  	p0 =	sne.s32 s25, $0x7D0;
	_ =	swait.ge [sflag:s1], $0x7D0  }
0xa3: {  	[sflag:s1] =	ssyncset.done $0x0  }
0xa4: {  	s25 =	sadd.s32 s18, s23;
	s18 =	smov.u32 s28;
	[sflag:s1] =	ssyncadd.s32 $0xFFFFF830  }
0xa5: {  	[tilespmem:s13], [sflag:$0x5] =	stream.linear.gather [hbm4b:s25+s8], $0x7D0, $0x38;
	[tilespmem:$0x1DF90] =	vst v63  }
0xa6: {  	_ =	swait.ge [sflag:s1], $0x7D0  }
0xa7: {  	[sflag:s1] =	ssyncset.done $0x0  }
0xa8: {  	[sflag:s1] =	ssyncadd.s32 $0xFFFFF830  }
0xa9: {  	[spmem:s4] =	stream.indirect.scatter.add.f32 [tilespmem:s15], [sflag:$0x3], $0x1, s12, s14, $0xb8;
	[tilespmem:$0x1DF90] =	vst v63  }
0xaa: {  	_ = 	snop  }
0xab: {  	[spmem:s6] =	stream.indirect.scatter.add.f32 [tilespmem:s15], [sflag:$0x4], $0x1, s13, s14, $0xb8;
	[tilespmem:$0x1DF90] =	vst v63  }
0xac: {  	s26 =	sadd.s32 $0xFA, s26  }
0xad: {  	[tilespmem:s17], [sflag:$0x5] =	stream.linear.gather [hbm4b:s26+s8], $0x7D0, $0x38;
	[tilespmem:$0x1DF90] =	vst v63  }
0xae: {  	_ =	swait.ge [sflag:s1], $0x7D0  }
0xaf: {  	[sflag:s1] =	ssyncset.done $0x0  }
0xb0: {  	s25 =	sadd.s32 $0xFA, s25;
	[sflag:s1] =	ssyncadd.s32 $0xFFFFF830  }
0xb1: {  	[tilespmem:s19], [sflag:$0x5] =	stream.linear.gather [hbm4b:s25+s8], $0x7D0, $0x38;
	[tilespmem:$0x1DF90] =	vst v63  }
0xb2: {  	_ =	swait.ge [sflag:s1], $0x7D0  }
0xb3: {  	[sflag:s1] =	ssyncset.done $0x0  }
0xb4: {  	[sflag:s1] =	ssyncadd.s32 $0xFFFFF830  }
0xb5: {  	_ =	swait.ge [sflag:s20], $0x7D0  }
0xb6: {  	[sflag:s20] =	ssyncset.done $0x0  }
0xb7: {  	[sflag:s20] =	ssyncadd.s32 $0xFFFFF830  }
0xb8: {  	_ =	swait.ge [sflag:s22], $0x7D0  }
0xb9: {  	[sflag:s22] =	ssyncset.done $0x0  }
0xba: {  	[sflag:s22] =	ssyncadd.s32 $0xFFFFF830  }
0xbb: {  	[spmem:s4] =	stream.indirect.scatter.add.f32 [tilespmem:s15], [sflag:$0x3], $0x1, s17, s14, $0xb8;
	[tilespmem:$0x1DF90] =	vst v63  }
0xbc: {  	_ = 	snop  }
0xbd: {  	[spmem:s6] =	stream.indirect.scatter.add.f32 [tilespmem:s15], [sflag:$0x4], $0x1, s19, s14, $0xb8;
	[tilespmem:$0x1DF90] =	vst v63  }
.Ltmp2:
0xbe: {  	_ =	swait.ge [sflag:s20], $0x7D0;
	(pc) =	sbr.rel @p0 .LBB2_6-.Ltmp2, $4  }
0xbf: {  	[sflag:s20] =	ssyncset.done $0x0  }
0xc0: {  	[sflag:s20] =	ssyncadd.s32 $0xFFFFF830  }
0xc1: {  	_ =	swait.ge [sflag:s22], $0x7D0  }
0xc2: {  	s25 =	smov.u32 s21;
	[sflag:s22] =	ssyncset.done $0x0  }
0xc3: {  	s21 =	sadd.s32 s18, s24;
	[sflag:s22] =	ssyncadd.s32 $0xFFFFF830  }
0xc4: {  	[tilespmem:s12], [sflag:$0x5] =	stream.linear.gather [hbm4b:s21+s8], $0x7D0, $0x38;
	[tilespmem:$0x1DF90] =	vst v63  }
0xc5: {  	_ =	swait.ge [sflag:s1], $0x7D0  }
0xc6: {  	[sflag:s1] =	ssyncset.done $0x0  }
0xc7: {  	s28 =	sadd.s32 s18, s23;
	[sflag:s1] =	ssyncadd.s32 $0xFFFFF830  }
0xc8: {  	[tilespmem:s13], [sflag:$0x5] =	stream.linear.gather [hbm4b:s28+s8], $0x7D0, $0x38;
	[tilespmem:$0x1DF90] =	vst v63  }
0xc9: {  	_ =	swait.ge [sflag:s1], $0x7D0  }
0xca: {  	[sflag:s1] =	ssyncset.done $0x0  }
0xcb: {  	[sflag:s1] =	ssyncadd.s32 $0xFFFFF830  }
0xcc: {  	[spmem:s4] =	stream.indirect.scatter.add.f32 [tilespmem:s15], [sflag:$0x3], $0x1, s12, s14, $0xb8;
	[tilespmem:$0x1DF90] =	vst v63  }
0xcd: {  	_ = 	snop  }
0xce: {  	[spmem:s6] =	stream.indirect.scatter.add.f32 [tilespmem:s15], [sflag:$0x4], $0x1, s13, s14, $0xb8;
	[tilespmem:$0x1DF90] =	vst v63  }
0xcf: {  	s21 =	sadd.s32 $0xFA, s21  }
0xd0: {  	[tilespmem:s17], [sflag:$0x5] =	stream.linear.gather [hbm4b:s21+s8], $0x7D0, $0x38;
	[tilespmem:$0x1DF90] =	vst v63  }
0xd1: {  	_ =	swait.ge [sflag:s1], $0x7D0  }
0xd2: {  	[sflag:s1] =	ssyncset.done $0x0  }
0xd3: {  	s18 =	sadd.s32 $0xFA, s28;
	[sflag:s1] =	ssyncadd.s32 $0xFFFFF830  }
0xd4: {  	[tilespmem:s19], [sflag:$0x5] =	stream.linear.gather [hbm4b:s18+s8], $0x7D0, $0x38;
	[tilespmem:$0x1DF90] =	vst v63  }
0xd5: {  	_ =	swait.ge [sflag:s1], $0x7D0  }
0xd6: {  	[sflag:s1] =	ssyncset.done $0x0  }
0xd7: {  	[sflag:s1] =	ssyncadd.s32 $0xFFFFF830  }
0xd8: {  	_ =	swait.ge [sflag:s20], $0x7D0  }
0xd9: {  	[sflag:s20] =	ssyncset.done $0x0  }
0xda: {  	[sflag:s20] =	ssyncadd.s32 $0xFFFFF830  }
0xdb: {  	_ =	swait.ge [sflag:s22], $0x7D0  }
0xdc: {  	[sflag:s22] =	ssyncset.done $0x0  }
0xdd: {  	[sflag:s22] =	ssyncadd.s32 $0xFFFFF830  }
0xde: {  	[spmem:s4] =	stream.indirect.scatter.add.f32 [tilespmem:s15], [sflag:$0x3], $0x1, s17, s14, $0xb8;
	[tilespmem:$0x1DF90] =	vst v63  }
0xdf: {  	_ = 	snop  }
0xe0: {  	[spmem:s6] =	stream.indirect.scatter.add.f32 [tilespmem:s15], [sflag:$0x4], $0x1, s19, s14, $0xb8;
	[tilespmem:$0x1DF90] =	vst v63  }
0xe1: {  	_ =	swait.ge [sflag:s20], $0x7D0  }
0xe2: {  	[sflag:s20] =	ssyncset.done $0x0  }
0xe3: {  	[sflag:s20] =	ssyncadd.s32 $0xFFFFF830  }
0xe4: {  	_ =	swait.ge [sflag:s22], $0x7D0  }
0xe5: {  	[sflag:s22] =	ssyncset.done $0x0  }
0xe6: {  	[sflag:s22] =	ssyncadd.s32 $0xFFFFF830  }
0xe7: {  	s2 =	simm.s32 $0xCD00;
	[bflag:$0x0] =	sbarrier.arrive $0xFFFF  }
0xe8: {  	[tilespmem:s2], [sflag:$0x5] =	stream.linear.gather [spmem:s29], $0x280, $0x38;
	[tilespmem:$0x1DF90] =	vst v63  }
0xe9: {  	_ =	swait.ge [sflag:s1], $0x280  }
0xea: {  	s25 =	simm.s32 $0x40;
	[sflag:s1] =	ssyncset.done $0x0  }
0xeb: {  	s21 =	simm.s32 $0x0;
	s18 =	simm.s32 $0x0;
	[sflag:s1] =	ssyncadd.s32 $0xFFFFFD80  }
.LBB2_8:
0xec: {  	p0 =	sne.s32 s25, $0x9C0;
	v3 =	vld [tilespmem:s21+$0xCD00];
	_ =	sdelay $0x4  }
0xed: {  	v3 =	vmax.f32 v3, $1.000000000e+00  }
0xee: {  	v4 =	vshra.s32 v3, $0x1;
	v3 =	vmul.f32 $5.000000000e-01, v3  }
0xef: {  	v4 =	vsub.s32 $0x5F3759DF, v4  }
0xf0: {  	v5 =	vmul.f32 v4, v3;
	_ =	sdelay $0x1  }
0xf1: {  	v5 =	vmul.f32 v4, v5;
	_ =	sdelay $0x1  }
0xf2: {  	v5 =	vsub.f32 $1.500000000e+00, v5;
	_ =	sdelay $0x1  }
0xf3: {  	v4 =	vmul.f32 v4, v5;
	_ =	sdelay $0x1  }
0xf4: {  	v5 =	vmul.f32 v4, v3;
	_ =	sdelay $0x1  }
0xf5: {  	v5 =	vmul.f32 v5, v4;
	_ =	sdelay $0x1  }
0xf6: {  	v5 =	vsub.f32 $1.500000000e+00, v5;
	_ =	sdelay $0x1  }
0xf7: {  	v4 =	vmul.f32 v5, v4;
	_ =	sdelay $0x1  }
0xf8: {  	v3 =	vmul.f32 v4, v3;
	_ =	sdelay $0x1  }
0xf9: {  	v3 =	vmul.f32 v3, v4;
	_ =	sdelay $0x1  }
.Ltmp3:
0xfa: {  	v3 =	vsub.f32 $1.500000000e+00, v3;
	(pc) =	sbr.rel @p0 .LBB2_8-.Ltmp3, $3  }
0xfb: {  	_ = 	snop  }
0xfc: {  	v3 =	vmul.f32 v3, v4;
	_ =	sdelay $0x1  }
0xfd: {  	[tilespmem:s21+$0xCD00] =	vst v3;
	s21 =	sshra.s32 s25, $0x2;
	s25 =	sadd.s32 $0x40, s25  }
0xfe: {  	v3 =	vld [tilespmem:s21+$0xCD00];
	_ =	sdelay $0x4  }
0xff: {  	v3 =	vmax.f32 v3, $1.000000000e+00  }
0x100: {  	v4 =	vshra.s32 v3, $0x1;
	v3 =	vmul.f32 $5.000000000e-01, v3  }
0x101: {  	v4 =	vsub.s32 $0x5F3759DF, v4  }
0x102: {  	v5 =	vmul.f32 v4, v3;
	_ =	sdelay $0x1  }
0x103: {  	v5 =	vmul.f32 v4, v5;
	_ =	sdelay $0x1  }
0x104: {  	v5 =	vsub.f32 $1.500000000e+00, v5;
	_ =	sdelay $0x1  }
0x105: {  	v4 =	vmul.f32 v4, v5;
	_ =	sdelay $0x1  }
0x106: {  	v5 =	vmul.f32 v4, v3;
	_ =	sdelay $0x1  }
0x107: {  	v5 =	vmul.f32 v5, v4;
	_ =	sdelay $0x1  }
0x108: {  	v5 =	vsub.f32 $1.500000000e+00, v5;
	_ =	sdelay $0x1  }
0x109: {  	v4 =	vmul.f32 v5, v4;
	_ =	sdelay $0x1  }
0x10a: {  	v3 =	vmul.f32 v4, v3;
	_ =	sdelay $0x1  }
0x10b: {  	v3 =	vmul.f32 v3, v4;
	_ =	sdelay $0x1  }
0x10c: {  	v3 =	vsub.f32 $1.500000000e+00, v3;
	_ =	sdelay $0x1  }
0x10d: {  	v3 =	vmul.f32 v3, v4;
	_ =	sdelay $0x1  }
0x10e: {  	[tilespmem:s21+$0xCD00] =	vst v3;
	s21 =	simm.s32 $0xCD00  }
.LBB2_10:
0x10f: {  	s26 =	sshll.u32 s18, $0x6;
	s2 =	rddreg [dreg:$0x2]  }
0x110: {  	s28 =	simm.s32 $0x40;
	s29 =	simm.s32 $0x1B780;
	s25 =	sadd.s32 $0xCA80, s26  }
0x111: {  	v3 =	vmov s21;
	[tilespmem:s29], [sflag:$0x5] =	stream.indirect.gather [hbm4b:s2+s28], $0x80, s25, s28, $0xb8;
	[tilespmem:$0x1DF90] =	vst v63  }
0x112: {  	_ =	swait.ge [sflag:s1], $0x2000  }
0x113: {  	s28 =	simm.s32 $0x0;
	[sflag:s1] =	ssyncset.done $0x0  }
0x114: {  	s29 =	simm.s32 $0x19980;
	s25 =	rddreg [dreg:$0x19];
	[sflag:s1] =	ssyncadd.s32 $0xFFFFE000  }
.LBB2_11:
0x115: {  	s2 =	sshra.s32 s28, $0x2  }
0x116: {  	v4 =	vld.idx.msk [tilespmem:v3+s2+$0x0 ss:$0x1], $0xffff;
	_ =	sdelay $0x4  }
0x117: {  	v5 =	vnsel vm0, $0x0, v4  }
0x118: {  	(xrf2) =	vadd.scan.msk.f32 $0xffff, v5;
	_ =	sdelay $0x7  }
0x119: {  	v5 =	vld [tilespmem:s25+$0xFFFFFC00];
	_ =	sdelay $0x1  }
0x11a: {  	v6, _, _ =	vpop (xrf2)  }
0x11b: {  	v6 =	vbroadcast v6, $0xF;
	_ =	sdelay $0x1  }
0x11c: {  	v5 =	vmul.f32 v6, v5;
	_ =	sdelay $0x1  }
0x11d: {  	[tilespmem:s29+$0xFFFFFE00] =	vst v5  }
0x11e: {  	v5 =	vld [tilespmem:s25+$0xFFFFFC10];
	_ =	sdelay $0x4  }
0x11f: {  	v5 =	vmul.f32 v6, v5;
	_ =	sdelay $0x1  }
0x120: {  	[tilespmem:s29+$0xFFFFFE10] =	vst v5  }
0x121: {  	v5 =	vld [tilespmem:s25+$0xFFFFFC20];
	_ =	sdelay $0x4  }
0x122: {  	v5 =	vmul.f32 v5, v6;
	_ =	sdelay $0x1  }
0x123: {  	[tilespmem:s29+$0xFFFFFE20] =	vst v5;
	v5 =	vsel vm1, $0x0, v4  }
0x124: {  	(xrf2) =	vadd.scan.msk.f32 $0xffff, v5;
	v5 =	vld [tilespmem:s25+$0xFFFFFC30];
	_ =	sdelay $0x4  }
0x125: {  	v5 =	vmul.f32 v5, v6;
	_ =	sdelay $0x1  }
0x126: {  	[tilespmem:s29+$0xFFFFFE30] =	vst v5  }
0x127: {  	v5 =	vld [tilespmem:s25+$0xFFFFFC80];
	_ =	sdelay $0x1  }
0x128: {  	v50, _, _ =	vpop (xrf2)  }
0x129: {  	v6 =	vbroadcast v50, $0xF;
	_ =	sdelay $0x1  }
0x12a: {  	v5 =	vmul.f32 v5, v6;
	_ =	sdelay $0x1  }
0x12b: {  	[tilespmem:s29+$0xFFFFFE40] =	vst v5  }
0x12c: {  	v5 =	vld [tilespmem:s25+$0xFFFFFC90];
	_ =	sdelay $0x4  }
0x12d: {  	v5 =	vmul.f32 v5, v6;
	_ =	sdelay $0x1  }
0x12e: {  	[tilespmem:s29+$0xFFFFFE50] =	vst v5  }
0x12f: {  	v5 =	vld [tilespmem:s25+$0xFFFFFCA0];
	_ =	sdelay $0x4  }
0x130: {  	v5 =	vmul.f32 v5, v6;
	_ =	sdelay $0x1  }
0x131: {  	[tilespmem:s29+$0xFFFFFE60] =	vst v5;
	v5 =	vsel vm2, $0x0, v4  }
0x132: {  	(xrf2) =	vadd.scan.msk.f32 $0xffff, v5;
	v5 =	vld [tilespmem:s25+$0xFFFFFCB0];
	_ =	sdelay $0x4  }
0x133: {  	v5 =	vmul.f32 v5, v6;
	_ =	sdelay $0x1  }
0x134: {  	[tilespmem:s29+$0xFFFFFE70] =	vst v5  }
0x135: {  	v5 =	vld [tilespmem:s25+$0xFFFFFD00];
	_ =	sdelay $0x1  }
0x136: {  	v51, _, _ =	vpop (xrf2)  }
0x137: {  	v6 =	vbroadcast v51, $0xF;
	_ =	sdelay $0x1  }
0x138: {  	v5 =	vmul.f32 v5, v6;
	_ =	sdelay $0x1  }
0x139: {  	[tilespmem:s29+$0xFFFFFE80] =	vst v5  }
0x13a: {  	v5 =	vld [tilespmem:s25+$0xFFFFFD10];
	_ =	sdelay $0x4  }
0x13b: {  	v5 =	vmul.f32 v5, v6;
	_ =	sdelay $0x1  }
0x13c: {  	[tilespmem:s29+$0xFFFFFE90] =	vst v5  }
0x13d: {  	v5 =	vld [tilespmem:s25+$0xFFFFFD20];
	_ =	sdelay $0x4  }
0x13e: {  	v5 =	vmul.f32 v5, v6;
	_ =	sdelay $0x1  }
0x13f: {  	[tilespmem:s29+$0xFFFFFEA0] =	vst v5;
	v5 =	vsel vm3, $0x0, v4  }
0x140: {  	(xrf2) =	vadd.scan.msk.f32 $0xffff, v5;
	v5 =	vld [tilespmem:s25+$0xFFFFFD30];
	_ =	sdelay $0x4  }
0x141: {  	v5 =	vmul.f32 v5, v6;
	_ =	sdelay $0x1  }
0x142: {  	[tilespmem:s29+$0xFFFFFEB0] =	vst v5  }
0x143: {  	v5 =	vld [tilespmem:s25+$0xFFFFFD80];
	_ =	sdelay $0x1  }
0x144: {  	v52, _, _ =	vpop (xrf2)  }
0x145: {  	v6 =	vbroadcast v52, $0xF;
	_ =	sdelay $0x1  }
0x146: {  	v5 =	vmul.f32 v5, v6;
	_ =	sdelay $0x1  }
0x147: {  	[tilespmem:s29+$0xFFFFFEC0] =	vst v5  }
0x148: {  	v5 =	vld [tilespmem:s25+$0xFFFFFD90];
	_ =	sdelay $0x4  }
0x149: {  	v5 =	vmul.f32 v5, v6;
	_ =	sdelay $0x1  }
0x14a: {  	[tilespmem:s29+$0xFFFFFED0] =	vst v5  }
0x14b: {  	v5 =	vld [tilespmem:s25+$0xFFFFFDA0];
	_ =	sdelay $0x4  }
0x14c: {  	v5 =	vmul.f32 v5, v6;
	_ =	sdelay $0x1  }
0x14d: {  	[tilespmem:s29+$0xFFFFFEE0] =	vst v5;
	v5 =	vsel vm4, $0x0, v4  }
0x14e: {  	(xrf2) =	vadd.scan.msk.f32 $0xffff, v5;
	v5 =	vld [tilespmem:s25+$0xFFFFFDB0];
	_ =	sdelay $0x4  }
0x14f: {  	v5 =	vmul.f32 v5, v6;
	_ =	sdelay $0x1  }
0x150: {  	[tilespmem:s29+$0xFFFFFEF0] =	vst v5  }
0x151: {  	v5 =	vld [tilespmem:s25+$0xFFFFFE00];
	_ =	sdelay $0x1  }
0x152: {  	v53, _, _ =	vpop (xrf2)  }
0x153: {  	v6 =	vbroadcast v53, $0xF;
	_ =	sdelay $0x1  }
0x154: {  	v5 =	vmul.f32 v5, v6;
	_ =	sdelay $0x1  }
0x155: {  	[tilespmem:s29+$0xFFFFFF00] =	vst v5  }
0x156: {  	v5 =	vld [tilespmem:s25+$0xFFFFFE10];
	_ =	sdelay $0x4  }
0x157: {  	v5 =	vmul.f32 v5, v6;
	_ =	sdelay $0x1  }
0x158: {  	[tilespmem:s29+$0xFFFFFF10] =	vst v5  }
0x159: {  	v5 =	vld [tilespmem:s25+$0xFFFFFE20];
	_ =	sdelay $0x4  }
0x15a: {  	v5 =	vmul.f32 v5, v6;
	_ =	sdelay $0x1  }
0x15b: {  	[tilespmem:s29+$0xFFFFFF20] =	vst v5;
	v5 =	vsel vm5, $0x0, v4  }
0x15c: {  	(xrf2) =	vadd.scan.msk.f32 $0xffff, v5;
	v5 =	vld [tilespmem:s25+$0xFFFFFE30];
	_ =	sdelay $0x4  }
0x15d: {  	v5 =	vmul.f32 v5, v6;
	_ =	sdelay $0x1  }
0x15e: {  	[tilespmem:s29+$0xFFFFFF30] =	vst v5  }
0x15f: {  	v5 =	vld [tilespmem:s25+$0xFFFFFE80];
	_ =	sdelay $0x1  }
0x160: {  	v54, _, _ =	vpop (xrf2)  }
0x161: {  	v6 =	vbroadcast v54, $0xF;
	_ =	sdelay $0x1  }
0x162: {  	v5 =	vmul.f32 v5, v6;
	_ =	sdelay $0x1  }
0x163: {  	[tilespmem:s29+$0xFFFFFF40] =	vst v5  }
0x164: {  	v5 =	vld [tilespmem:s25+$0xFFFFFE90];
	_ =	sdelay $0x4  }
0x165: {  	v5 =	vmul.f32 v5, v6;
	_ =	sdelay $0x1  }
0x166: {  	[tilespmem:s29+$0xFFFFFF50] =	vst v5  }
0x167: {  	v5 =	vld [tilespmem:s25+$0xFFFFFEA0];
	_ =	sdelay $0x4  }
0x168: {  	v5 =	vmul.f32 v5, v6;
	_ =	sdelay $0x1  }
0x169: {  	[tilespmem:s29+$0xFFFFFF60] =	vst v5;
	v5 =	vsel vm6, $0x0, v4  }
0x16a: {  	(xrf2) =	vadd.scan.msk.f32 $0xffff, v5;
	v5 =	vld [tilespmem:s25+$0xFFFFFEB0];
	_ =	sdelay $0x4  }
0x16b: {  	v5 =	vmul.f32 v5, v6;
	_ =	sdelay $0x1  }
0x16c: {  	[tilespmem:s29+$0xFFFFFF70] =	vst v5  }
0x16d: {  	v5 =	vld [tilespmem:s25+$0xFFFFFF00];
	_ =	sdelay $0x1  }
0x16e: {  	v55, _, _ =	vpop (xrf2)  }
0x16f: {  	v6 =	vbroadcast v55, $0xF;
	_ =	sdelay $0x1  }
0x170: {  	v5 =	vmul.f32 v5, v6;
	_ =	sdelay $0x1  }
0x171: {  	[tilespmem:s29+$0xFFFFFF80] =	vst v5  }
0x172: {  	v5 =	vld [tilespmem:s25+$0xFFFFFF10];
	_ =	sdelay $0x4  }
0x173: {  	v5 =	vmul.f32 v5, v6;
	_ =	sdelay $0x1  }
0x174: {  	[tilespmem:s29+$0xFFFFFF90] =	vst v5  }
0x175: {  	v5 =	vld [tilespmem:s25+$0xFFFFFF20];
	_ =	sdelay $0x4  }
0x176: {  	v5 =	vmul.f32 v5, v6;
	_ =	sdelay $0x1  }
0x177: {  	[tilespmem:s29+$0xFFFFFFA0] =	vst v5;
	v5 =	vsel vm7, $0x0, v4  }
0x178: {  	(xrf2) =	vadd.scan.msk.f32 $0xffff, v5;
	v5 =	vld [tilespmem:s25+$0xFFFFFF30];
	_ =	sdelay $0x4  }
0x179: {  	v5 =	vmul.f32 v5, v6;
	_ =	sdelay $0x1  }
0x17a: {  	[tilespmem:s29+$0xFFFFFFB0] =	vst v5  }
0x17b: {  	v5 =	vld [tilespmem:s25+$0xFFFFFF80];
	_ =	sdelay $0x1  }
0x17c: {  	v56, _, _ =	vpop (xrf2)  }
0x17d: {  	v6 =	vbroadcast v56, $0xF;
	_ =	sdelay $0x1  }
0x17e: {  	v5 =	vmul.f32 v5, v6;
	_ =	sdelay $0x1  }
0x17f: {  	[tilespmem:s29+$0xFFFFFFC0] =	vst v5  }
0x180: {  	v5 =	vld [tilespmem:s25+$0xFFFFFF90];
	_ =	sdelay $0x4  }
0x181: {  	v5 =	vmul.f32 v5, v6;
	_ =	sdelay $0x1  }
0x182: {  	[tilespmem:s29+$0xFFFFFFD0] =	vst v5  }
0x183: {  	v5 =	vld [tilespmem:s25+$0xFFFFFFA0];
	_ =	sdelay $0x4  }
0x184: {  	v5 =	vmul.f32 v5, v6;
	_ =	sdelay $0x1  }
0x185: {  	[tilespmem:s29+$0xFFFFFFE0] =	vst v5;
	v5 =	vsel vm8, $0x0, v4  }
0x186: {  	(xrf2) =	vadd.scan.msk.f32 $0xffff, v5;
	v5 =	vld [tilespmem:s25+$0xFFFFFFB0];
	_ =	sdelay $0x4  }
0x187: {  	v5 =	vmul.f32 v5, v6;
	_ =	sdelay $0x1  }
0x188: {  	[tilespmem:s29+$0xFFFFFFF0] =	vst v5  }
0x189: {  	v5 =	vld [tilespmem:s25+$0x0];
	_ =	sdelay $0x1  }
0x18a: {  	v57, _, _ =	vpop (xrf2)  }
0x18b: {  	v6 =	vbroadcast v57, $0xF;
	_ =	sdelay $0x1  }
0x18c: {  	v5 =	vmul.f32 v5, v6;
	_ =	sdelay $0x1  }
0x18d: {  	[tilespmem:s29+$0x0] =	vst v5  }
0x18e: {  	v5 =	vld [tilespmem:s25+$0x10];
	_ =	sdelay $0x4  }
0x18f: {  	v5 =	vmul.f32 v5, v6;
	_ =	sdelay $0x1  }
0x190: {  	[tilespmem:s29+$0x10] =	vst v5  }
0x191: {  	v5 =	vld [tilespmem:s25+$0x20];
	_ =	sdelay $0x4  }
0x192: {  	v5 =	vmul.f32 v5, v6;
	_ =	sdelay $0x1  }
0x193: {  	[tilespmem:s29+$0x20] =	vst v5;
	v5 =	vsel vm9, $0x0, v4  }
0x194: {  	(xrf2) =	vadd.scan.msk.f32 $0xffff, v5;
	v5 =	vld [tilespmem:s25+$0x30];
	_ =	sdelay $0x4  }
0x195: {  	v5 =	vmul.f32 v5, v6;
	_ =	sdelay $0x1  }
0x196: {  	[tilespmem:s29+$0x30] =	vst v5  }
0x197: {  	v5 =	vld [tilespmem:s25+$0x80];
	_ =	sdelay $0x1  }
0x198: {  	v58, _, _ =	vpop (xrf2)  }
0x199: {  	v6 =	vbroadcast v58, $0xF;
	_ =	sdelay $0x1  }
0x19a: {  	v5 =	vmul.f32 v5, v6;
	_ =	sdelay $0x1  }
0x19b: {  	[tilespmem:s29+$0x40] =	vst v5  }
0x19c: {  	v5 =	vld [tilespmem:s25+$0x90];
	_ =	sdelay $0x4  }
0x19d: {  	v5 =	vmul.f32 v5, v6;
	_ =	sdelay $0x1  }
0x19e: {  	[tilespmem:s29+$0x50] =	vst v5  }
0x19f: {  	v5 =	vld [tilespmem:s25+$0xA0];
	_ =	sdelay $0x4  }
0x1a0: {  	v5 =	vmul.f32 v5, v6;
	_ =	sdelay $0x1  }
0x1a1: {  	[tilespmem:s29+$0x60] =	vst v5;
	v5 =	vsel vm10, $0x0, v4  }
0x1a2: {  	(xrf2) =	vadd.scan.msk.f32 $0xffff, v5;
	v5 =	vld [tilespmem:s25+$0xB0];
	_ =	sdelay $0x4  }
0x1a3: {  	v5 =	vmul.f32 v5, v6;
	_ =	sdelay $0x1  }
0x1a4: {  	[tilespmem:s29+$0x70] =	vst v5  }
0x1a5: {  	v5 =	vld [tilespmem:s25+$0x100];
	_ =	sdelay $0x1  }
0x1a6: {  	v59, _, _ =	vpop (xrf2)  }
0x1a7: {  	v6 =	vbroadcast v59, $0xF;
	_ =	sdelay $0x1  }
0x1a8: {  	v5 =	vmul.f32 v5, v6;
	_ =	sdelay $0x1  }
0x1a9: {  	[tilespmem:s29+$0x80] =	vst v5  }
0x1aa: {  	v5 =	vld [tilespmem:s25+$0x110];
	_ =	sdelay $0x4  }
0x1ab: {  	v5 =	vmul.f32 v5, v6;
	_ =	sdelay $0x1  }
0x1ac: {  	[tilespmem:s29+$0x90] =	vst v5  }
0x1ad: {  	v5 =	vld [tilespmem:s25+$0x120];
	_ =	sdelay $0x4  }
0x1ae: {  	v5 =	vmul.f32 v5, v6;
	_ =	sdelay $0x1  }
0x1af: {  	[tilespmem:s29+$0xA0] =	vst v5;
	v5 =	vsel vm11, $0x0, v4  }
0x1b0: {  	(xrf2) =	vadd.scan.msk.f32 $0xffff, v5;
	v5 =	vld [tilespmem:s25+$0x130];
	_ =	sdelay $0x4  }
0x1b1: {  	v5 =	vmul.f32 v5, v6;
	_ =	sdelay $0x1  }
0x1b2: {  	[tilespmem:s29+$0xB0] =	vst v5  }
0x1b3: {  	v5 =	vld [tilespmem:s25+$0x180];
	_ =	sdelay $0x1  }
0x1b4: {  	v60, _, _ =	vpop (xrf2)  }
0x1b5: {  	v6 =	vbroadcast v60, $0xF;
	_ =	sdelay $0x1  }
0x1b6: {  	v5 =	vmul.f32 v5, v6;
	_ =	sdelay $0x1  }
0x1b7: {  	[tilespmem:s29+$0xC0] =	vst v5  }
0x1b8: {  	v5 =	vld [tilespmem:s25+$0x190];
	_ =	sdelay $0x4  }
0x1b9: {  	v5 =	vmul.f32 v5, v6;
	_ =	sdelay $0x1  }
0x1ba: {  	[tilespmem:s29+$0xD0] =	vst v5  }
0x1bb: {  	v5 =	vld [tilespmem:s25+$0x1A0];
	_ =	sdelay $0x4  }
0x1bc: {  	v5 =	vmul.f32 v5, v6;
	_ =	sdelay $0x1  }
0x1bd: {  	[tilespmem:s29+$0xE0] =	vst v5;
	v5 =	vsel vm12, $0x0, v4  }
0x1be: {  	(xrf2) =	vadd.scan.msk.f32 $0xffff, v5;
	v5 =	vld [tilespmem:s25+$0x1B0];
	_ =	sdelay $0x4  }
0x1bf: {  	v5 =	vmul.f32 v5, v6;
	_ =	sdelay $0x1  }
0x1c0: {  	[tilespmem:s29+$0xF0] =	vst v5  }
0x1c1: {  	v5 =	vld [tilespmem:s25+$0x200];
	_ =	sdelay $0x1  }
0x1c2: {  	v61, _, _ =	vpop (xrf2)  }
0x1c3: {  	v6 =	vbroadcast v61, $0xF;
	_ =	sdelay $0x1  }
0x1c4: {  	v5 =	vmul.f32 v5, v6;
	_ =	sdelay $0x1  }
0x1c5: {  	[tilespmem:s29+$0x100] =	vst v5  }
0x1c6: {  	v5 =	vld [tilespmem:s25+$0x210];
	_ =	sdelay $0x4  }
0x1c7: {  	v5 =	vmul.f32 v5, v6;
	_ =	sdelay $0x1  }
0x1c8: {  	[tilespmem:s29+$0x110] =	vst v5  }
0x1c9: {  	v5 =	vld [tilespmem:s25+$0x220];
	_ =	sdelay $0x4  }
0x1ca: {  	v5 =	vmul.f32 v5, v6;
	_ =	sdelay $0x1  }
0x1cb: {  	[tilespmem:s29+$0x120] =	vst v5;
	v5 =	vsel vm13, $0x0, v4  }
0x1cc: {  	(xrf2) =	vadd.scan.msk.f32 $0xffff, v5;
	v5 =	vld [tilespmem:s25+$0x230];
	_ =	sdelay $0x4  }
0x1cd: {  	v5 =	vmul.f32 v5, v6;
	_ =	sdelay $0x1  }
0x1ce: {  	[tilespmem:s29+$0x130] =	vst v5  }
0x1cf: {  	v5 =	vld [tilespmem:s25+$0x280];
	_ =	sdelay $0x1  }
0x1d0: {  	v62, _, _ =	vpop (xrf2)  }
0x1d1: {  	v6 =	vbroadcast v62, $0xF;
	_ =	sdelay $0x1  }
0x1d2: {  	v5 =	vmul.f32 v5, v6;
	_ =	sdelay $0x1  }
0x1d3: {  	[tilespmem:s29+$0x140] =	vst v5  }
0x1d4: {  	v5 =	vld [tilespmem:s25+$0x290];
	_ =	sdelay $0x4  }
0x1d5: {  	v5 =	vmul.f32 v5, v6;
	_ =	sdelay $0x1  }
0x1d6: {  	[tilespmem:s29+$0x150] =	vst v5  }
0x1d7: {  	v5 =	vld [tilespmem:s25+$0x2A0];
	_ =	sdelay $0x4  }
0x1d8: {  	v5 =	vmul.f32 v5, v6;
	_ =	sdelay $0x1  }
0x1d9: {  	[tilespmem:s29+$0x160] =	vst v5;
	v5 =	vsel vm14, $0x0, v4  }
0x1da: {  	(xrf2) =	vadd.scan.msk.f32 $0xffff, v5;
	v5 =	vld [tilespmem:s25+$0x2B0];
	_ =	sdelay $0x4  }
0x1db: {  	v5 =	vmul.f32 v5, v6;
	_ =	sdelay $0x1  }
0x1dc: {  	[tilespmem:s29+$0x170] =	vst v5  }
0x1dd: {  	v5 =	vld [tilespmem:s25+$0x300];
	_ =	sdelay $0x1  }
0x1de: {  	v63, _, _ =	vpop (xrf2)  }
0x1df: {  	v6 =	vbroadcast v63, $0xF;
	_ =	sdelay $0x1  }
0x1e0: {  	v5 =	vmul.f32 v5, v6;
	_ =	sdelay $0x1  }
0x1e1: {  	[tilespmem:s29+$0x180] =	vst v5  }
0x1e2: {  	v5 =	vld [tilespmem:s25+$0x310];
	_ =	sdelay $0x4  }
0x1e3: {  	v5 =	vmul.f32 v5, v6;
	_ =	sdelay $0x1  }
0x1e4: {  	[tilespmem:s29+$0x190] =	vst v5  }
0x1e5: {  	v5 =	vld [tilespmem:s25+$0x320];
	_ =	sdelay $0x4  }
0x1e6: {  	v5 =	vmul.f32 v5, v6;
	_ =	sdelay $0x1  }
0x1e7: {  	v4 =	vsel vm15, $0x0, v4;
	[tilespmem:s29+$0x1A0] =	vst v5  }
0x1e8: {  	(xrf2) =	vadd.scan.msk.f32 $0xffff, v4;
	v5 =	vld [tilespmem:s25+$0x330];
	_ =	sdelay $0x4  }
0x1e9: {  	v4 =	vmul.f32 v5, v6;
	_ =	sdelay $0x1  }
0x1ea: {  	[tilespmem:s29+$0x1B0] =	vst v4  }
0x1eb: {  	v4 =	vld [tilespmem:s25+$0x380];
	_ =	sdelay $0x1  }
0x1ec: {  	v5, _, _ =	vpop (xrf2)  }
0x1ed: {  	v5 =	vbroadcast v5, $0xF;
	_ =	sdelay $0x1  }
0x1ee: {  	v4 =	vmul.f32 v4, v5;
	_ =	sdelay $0x1  }
0x1ef: {  	[tilespmem:s29+$0x1C0] =	vst v4  }
0x1f0: {  	v4 =	vld [tilespmem:s25+$0x390];
	_ =	sdelay $0x4  }
0x1f1: {  	v4 =	vmul.f32 v4, v5;
	_ =	sdelay $0x1  }
0x1f2: {  	[tilespmem:s29+$0x1D0] =	vst v4  }
0x1f3: {  	v4 =	vld [tilespmem:s25+$0x3A0];
	_ =	sdelay $0x4  }
0x1f4: {  	v4 =	vmul.f32 v4, v5;
	_ =	sdelay $0x1  }
0x1f5: {  	[tilespmem:s29+$0x1E0] =	vst v4  }
0x1f6: {  	v4 =	vld [tilespmem:s25+$0x3B0];
	_ =	sdelay $0x1  }
0x1f7: {  	p0 =	sne.s32 s28, $0xC0  }
.Ltmp4:
0x1f8: {  	_ = 	snop;
	(pc) =	sbr.rel @p0 .LBB2_11-.Ltmp4, $3  }
0x1f9: {  	_ = 	snop  }
0x1fa: {  	v4 =	vmul.f32 v4, v5;
	_ =	sdelay $0x1  }
0x1fb: {  	s28 =	sadd.s32 $0x40, s28;
	s25 =	sadd.s32 $0x800, s25;
	[tilespmem:s29+$0x1F0] =	vst v4;
	s29 =	sadd.s32 $0x400, s29  }
0x1fc: {  	s2 =	rddreg [dreg:$0x18]  }
0x1fd: {  	s18 =	sadd.s32 $0x1, s18;
	s2 =	sadd.s32 s26, s2  }
0x1fe: {  	p0 =	sne.s32 s18, $0xA;
	s2 =	sshll.u32 s2, $0x3  }
.Ltmp5:
0x1ff: {  	s2 =	sadd.s32 s2, s7;
	(pc) =	sbr.rel @p0 .LBB2_10-.Ltmp5, $4  }
0x200: {  	[hbm4b:s2+s8] =	stream.linear.scatter [tilespmem:s9], [sflag:$0x5], $0x1000, $0x38;
	[tilespmem:$0x1DF90] =	vst v63  }
0x201: {  	_ =	swait.ge [sflag:s1], $0x1000  }
0x202: {  	[sflag:s1] =	ssyncset.done $0x0  }
0x203: {  	s21 =	sadd.s32 $0x40, s21;
	[sflag:s1] =	ssyncadd.s32 $0xFFFFF000  }
0x204: {  	[dreg:$0x1c] =	wrdreg s10  }
0x205: {  	s2 =	rddreg [dreg:$0x17];
	s18 =	simm.s32 $0xCD00  }
0x206: {  	[tilespmem:s18], [sflag:$0x5] =	stream.linear.gather [spmem:s2], $0x280, $0x38;
	[tilespmem:$0x1DF90] =	vst v63  }
0x207: {  	_ =	swait.ge [sflag:s1], $0x280  }
0x208: {  	[sflag:s1] =	ssyncset.done $0x0  }
0x209: {  	s21 =	simm.s32 $0x40;
	s18 =	simm.s32 $0x0;
	[sflag:s1] =	ssyncadd.s32 $0xFFFFFD80  }
.LBB2_14:
0x20a: {  	p0 =	sne.s32 s21, $0x9C0;
	v3 =	vld [tilespmem:s18+$0xCD00];
	_ =	sdelay $0x4  }
0x20b: {  	v3 =	vmax.f32 v3, $1.000000000e+00  }
0x20c: {  	v4 =	vshra.s32 v3, $0x1;
	v3 =	vmul.f32 $5.000000000e-01, v3  }
0x20d: {  	v4 =	vsub.s32 $0x5F3759DF, v4  }
0x20e: {  	v5 =	vmul.f32 v4, v3;
	_ =	sdelay $0x1  }
0x20f: {  	v5 =	vmul.f32 v4, v5;
	_ =	sdelay $0x1  }
0x210: {  	v5 =	vsub.f32 $1.500000000e+00, v5;
	_ =	sdelay $0x1  }
0x211: {  	v4 =	vmul.f32 v4, v5;
	_ =	sdelay $0x1  }
0x212: {  	v5 =	vmul.f32 v4, v3;
	_ =	sdelay $0x1  }
0x213: {  	v5 =	vmul.f32 v5, v4;
	_ =	sdelay $0x1  }
0x214: {  	v5 =	vsub.f32 $1.500000000e+00, v5;
	_ =	sdelay $0x1  }
0x215: {  	v4 =	vmul.f32 v5, v4;
	_ =	sdelay $0x1  }
0x216: {  	v3 =	vmul.f32 v4, v3;
	_ =	sdelay $0x1  }
0x217: {  	v3 =	vmul.f32 v3, v4;
	_ =	sdelay $0x1  }
.Ltmp6:
0x218: {  	v3 =	vsub.f32 $1.500000000e+00, v3;
	(pc) =	sbr.rel @p0 .LBB2_14-.Ltmp6, $3  }
0x219: {  	_ = 	snop  }
0x21a: {  	v3 =	vmul.f32 v3, v4;
	_ =	sdelay $0x1  }
0x21b: {  	[tilespmem:s18+$0xCD00] =	vst v3;
	s18 =	sshra.s32 s21, $0x2;
	s21 =	sadd.s32 $0x40, s21  }
0x21c: {  	v3 =	vld [tilespmem:s18+$0xCD00];
	_ =	sdelay $0x4  }
0x21d: {  	v3 =	vmax.f32 v3, $1.000000000e+00  }
0x21e: {  	v4 =	vshra.s32 v3, $0x1;
	v3 =	vmul.f32 $5.000000000e-01, v3  }
0x21f: {  	v4 =	vsub.s32 $0x5F3759DF, v4  }
0x220: {  	v5 =	vmul.f32 v4, v3;
	_ =	sdelay $0x1  }
0x221: {  	v5 =	vmul.f32 v4, v5;
	_ =	sdelay $0x1  }
0x222: {  	v5 =	vsub.f32 $1.500000000e+00, v5;
	_ =	sdelay $0x1  }
0x223: {  	v4 =	vmul.f32 v4, v5;
	_ =	sdelay $0x1  }
0x224: {  	v5 =	vmul.f32 v4, v3;
	_ =	sdelay $0x1  }
0x225: {  	v5 =	vmul.f32 v5, v4;
	_ =	sdelay $0x1  }
0x226: {  	v5 =	vsub.f32 $1.500000000e+00, v5;
	_ =	sdelay $0x1  }
0x227: {  	v4 =	vmul.f32 v5, v4;
	_ =	sdelay $0x1  }
0x228: {  	v3 =	vmul.f32 v4, v3;
	_ =	sdelay $0x1  }
0x229: {  	v3 =	vmul.f32 v3, v4;
	_ =	sdelay $0x1  }
0x22a: {  	v3 =	vsub.f32 $1.500000000e+00, v3;
	_ =	sdelay $0x1  }
0x22b: {  	v3 =	vmul.f32 v3, v4;
	_ =	sdelay $0x1  }
0x22c: {  	[tilespmem:s18+$0xCD00] =	vst v3  }
0x22d: {  	[bflag:$0x0] =	sbarrier.arrive $0xFFFF  }
0x22e: {  	s18 =	simm.s32 $0x0;
	s2 =	rddreg [dreg:$0x14]  }
0x22f: {  	[tilespmem:s5], [sflag:$0x5] =	stream.linear.gather [hbm4b:s2+s18], $0x190, $0x38;
	[tilespmem:$0x1DF90] =	vst v63  }
0x230: {  	_ =	swait.ge [sflag:s1], $0x190  }
0x231: {  	[sflag:s1] =	ssyncset.done $0x0  }
0x232: {  	[sflag:s1] =	ssyncadd.s32 $0xFFFFFE70  }
0x233: {  	v3 =	vld [tilespmem:$0xA500]  }
0x234: {  	v43 =	vld [tilespmem:$0xA510]  }
0x235: {  	v44 =	vld [tilespmem:$0xA520]  }
0x236: {  	v6 =	vld [tilespmem:$0xA530]  }
0x237: {  	v7 =	vld [tilespmem:$0xA540]  }
0x238: {  	v8 =	vld [tilespmem:$0xA550];
	v3 =	vadd.s32 v0, v3  }
0x239: {  	v45 =	vld [tilespmem:$0xA560];
	[tilespmem:$0xA500] =	vst v3;
	v3 =	vadd.s32 v0, v43  }
0x23a: {  	v46 =	vld [tilespmem:$0xA570];
	[tilespmem:$0xA510] =	vst v3;
	v3 =	vadd.s32 v0, v44  }
0x23b: {  	v47 =	vld [tilespmem:$0xA580];
	[tilespmem:$0xA520] =	vst v3;
	v3 =	vadd.s32 v0, v6  }
0x23c: {  	v48 =	vld [tilespmem:$0xA590];
	[tilespmem:$0xA530] =	vst v3;
	v3 =	vadd.s32 v0, v7  }
0x23d: {  	v49 =	vld [tilespmem:$0xA5A0];
	[tilespmem:$0xA540] =	vst v3;
	v3 =	vadd.s32 v0, v8  }
0x23e: {  	v50 =	vld [tilespmem:$0xA5B0];
	[tilespmem:$0xA550] =	vst v3;
	v3 =	vadd.s32 v0, v45  }
0x23f: {  	v51 =	vld [tilespmem:$0xA5C0];
	[tilespmem:$0xA560] =	vst v3;
	v3 =	vadd.s32 v0, v46  }
0x240: {  	v52 =	vld [tilespmem:$0xA5D0];
	[tilespmem:$0xA570] =	vst v3;
	v3 =	vadd.s32 v0, v47  }
0x241: {  	v53 =	vld [tilespmem:$0xA5E0];
	[tilespmem:$0xA580] =	vst v3;
	v3 =	vadd.s32 v0, v48  }
0x242: {  	v54 =	vld [tilespmem:$0xA5F0];
	[tilespmem:$0xA590] =	vst v3;
	v3 =	vadd.s32 v0, v49  }
0x243: {  	v55 =	vld [tilespmem:$0xA600];
	[tilespmem:$0xA5A0] =	vst v3;
	v3 =	vadd.s32 v0, v50  }
0x244: {  	v56 =	vld [tilespmem:$0xA610];
	[tilespmem:$0xA5B0] =	vst v3;
	v3 =	vadd.s32 v0, v51  }
0x245: {  	v57 =	vld [tilespmem:$0xA620];
	[tilespmem:$0xA5C0] =	vst v3;
	v3 =	vadd.s32 v0, v52  }
0x246: {  	v58 =	vld [tilespmem:$0xA630];
	[tilespmem:$0xA5D0] =	vst v3;
	v3 =	vadd.s32 v0, v53  }
0x247: {  	v59 =	vld [tilespmem:$0xA640];
	[tilespmem:$0xA5E0] =	vst v3;
	v3 =	vadd.s32 v0, v54  }
0x248: {  	v60 =	vld [tilespmem:$0xA650];
	[tilespmem:$0xA5F0] =	vst v3;
	v3 =	vadd.s32 v0, v55  }
0x249: {  	v61 =	vld [tilespmem:$0xA660];
	[tilespmem:$0xA600] =	vst v3;
	v3 =	vadd.s32 v0, v56  }
0x24a: {  	v62 =	vld [tilespmem:$0xA670];
	[tilespmem:$0xA610] =	vst v3;
	v3 =	vadd.s32 v0, v57  }
0x24b: {  	v63 =	vld [tilespmem:$0xA680];
	[tilespmem:$0xA620] =	vst v3;
	v3 =	vadd.s32 v0, v58  }
0x24c: {  	[tilespmem:$0xA630] =	vst v3;
	v3 =	vadd.s32 v0, v59  }
0x24d: {  	[tilespmem:$0xA640] =	vst v3;
	v3 =	vadd.s32 v0, v60  }
0x24e: {  	[tilespmem:$0xA650] =	vst v3;
	v3 =	vadd.s32 v0, v61  }
0x24f: {  	s21 =	rddreg [dreg:$0x1b];
	[tilespmem:$0xA660] =	vst v3;
	v3 =	vadd.s32 v0, v62  }
0x250: {  	s29 =	simm.s32 $0xA820;
	s25 =	rddreg [dreg:$0x1a];
	[tilespmem:$0xA670] =	vst v3;
	v3 =	vadd.s32 v0, v63  }
0x251: {  	s10 =	simm.s32 $0xCF80;
	s9 =	simm.s32 $0xA690;
	s28 =	rddreg [dreg:$0x15];
	[tilespmem:$0xA680] =	vst v3  }
0x252: {  	[tilespmem:s0], [sflag:$0x1] =	stream.indirect.gather [hbm4b:s7+s16], $0x40, s5, s16, $0xb8;
	[tilespmem:$0x1DF90] =	vst v63  }
0x253: {  	s26 =	rddreg [dreg:$0x0];
	s0 =	simm.s32 $0x13380;
	s5 =	simm.s32 $0xA9B0  }
.LBB2_16:
0x254: {  	[tilespmem:s29], [sflag:$0x5] =	stream.linear.gather [hbm4b:s21+s8], $0x190, $0x38;
	[tilespmem:$0x1DF90] =	vst v63  }
0x255: {  	_ =	swait.ge [sflag:s1], $0x190  }
0x256: {  	[sflag:s1] =	ssyncset.done $0x0  }
0x257: {  	[sflag:s1] =	ssyncadd.s32 $0xFFFFFE70  }
0x258: {  	v3 =	vld [tilespmem:$0xA820]  }
0x259: {  	v4 =	vld [tilespmem:$0xA830]  }
0x25a: {  	v5 =	vld [tilespmem:$0xA840]  }
0x25b: {  	v6 =	vld [tilespmem:$0xA850]  }
0x25c: {  	v7 =	vld [tilespmem:$0xA860]  }
0x25d: {  	v8 =	vld [tilespmem:$0xA870];
	v3 =	vadd.s32 v0, v3  }
0x25e: {  	v21 =	vld [tilespmem:$0xA880];
	[tilespmem:$0xA820] =	vst v3;
	v3 =	vadd.s32 v0, v4  }
0x25f: {  	v22 =	vld [tilespmem:$0xA890];
	[tilespmem:$0xA830] =	vst v3;
	v3 =	vadd.s32 v0, v5  }
0x260: {  	v23 =	vld [tilespmem:$0xA8A0];
	[tilespmem:$0xA840] =	vst v3;
	v3 =	vadd.s32 v0, v6  }
0x261: {  	v24 =	vld [tilespmem:$0xA8B0];
	[tilespmem:$0xA850] =	vst v3;
	v3 =	vadd.s32 v0, v7  }
0x262: {  	v25 =	vld [tilespmem:$0xA8C0];
	[tilespmem:$0xA860] =	vst v3;
	v3 =	vadd.s32 v0, v8  }
0x263: {  	v26 =	vld [tilespmem:$0xA8D0];
	[tilespmem:$0xA870] =	vst v3;
	v3 =	vadd.s32 v0, v21  }
0x264: {  	v27 =	vld [tilespmem:$0xA8E0];
	[tilespmem:$0xA880] =	vst v3;
	v3 =	vadd.s32 v0, v22  }
0x265: {  	v28 =	vld [tilespmem:$0xA8F0];
	[tilespmem:$0xA890] =	vst v3;
	v3 =	vadd.s32 v0, v23  }
0x266: {  	v29 =	vld [tilespmem:$0xA900];
	[tilespmem:$0xA8A0] =	vst v3;
	v3 =	vadd.s32 v0, v24  }
0x267: {  	v30 =	vld [tilespmem:$0xA910];
	[tilespmem:$0xA8B0] =	vst v3;
	v3 =	vadd.s32 v0, v25  }
0x268: {  	v31 =	vld [tilespmem:$0xA920];
	[tilespmem:$0xA8C0] =	vst v3;
	v3 =	vadd.s32 v0, v26  }
0x269: {  	v32 =	vld [tilespmem:$0xA930];
	[tilespmem:$0xA8D0] =	vst v3;
	v3 =	vadd.s32 v0, v27  }
0x26a: {  	v33 =	vld [tilespmem:$0xA940];
	[tilespmem:$0xA8E0] =	vst v3;
	v3 =	vadd.s32 v0, v28  }
0x26b: {  	v34 =	vld [tilespmem:$0xA950];
	[tilespmem:$0xA8F0] =	vst v3;
	v3 =	vadd.s32 v0, v29  }
0x26c: {  	v35 =	vld [tilespmem:$0xA960];
	[tilespmem:$0xA900] =	vst v3;
	v3 =	vadd.s32 v0, v30  }
0x26d: {  	v36 =	vld [tilespmem:$0xA970];
	[tilespmem:$0xA910] =	vst v3;
	v3 =	vadd.s32 v0, v31  }
0x26e: {  	v37 =	vld [tilespmem:$0xA980];
	[tilespmem:$0xA920] =	vst v3;
	v3 =	vadd.s32 v0, v32  }
0x26f: {  	v38 =	vld [tilespmem:$0xA990];
	[tilespmem:$0xA930] =	vst v3;
	v3 =	vadd.s32 v0, v33  }
0x270: {  	v39 =	vld [tilespmem:$0xA9A0];
	[tilespmem:$0xA940] =	vst v3;
	v3 =	vadd.s32 v0, v34  }
0x271: {  	[tilespmem:$0xA950] =	vst v3;
	v3 =	vadd.s32 v0, v35  }
0x272: {  	[tilespmem:$0xA960] =	vst v3;
	v3 =	vadd.s32 v0, v36  }
0x273: {  	[tilespmem:$0xA970] =	vst v3;
	v3 =	vadd.s32 v0, v37  }
0x274: {  	[tilespmem:$0xA980] =	vst v3;
	v3 =	vadd.s32 v0, v38  }
0x275: {  	[tilespmem:$0xA990] =	vst v3;
	v3 =	vadd.s32 v0, v39  }
0x276: {  	[tilespmem:$0xA9A0] =	vst v3  }
0x277: {  	[tilespmem:s0], [sflag:$0x2] =	stream.indirect.gather [hbm4b:s7+s16], $0x40, s29, s16, $0xb8;
	[tilespmem:$0x1DF90] =	vst v63  }
0x278: {  	s2 =	sadd.s32 $0xFFFFFFCE, s25  }
0x279: {  	[tilespmem:s9], [sflag:$0x5] =	stream.linear.gather [hbm4b:s2+s8], $0x190, $0x38;
	[tilespmem:$0x1DF90] =	vst v63  }
0x27a: {  	_ =	swait.ge [sflag:s1], $0x190  }
0x27b: {  	[sflag:s1] =	ssyncset.done $0x0  }
0x27c: {  	[sflag:s1] =	ssyncadd.s32 $0xFFFFFE70  }
0x27d: {  	_ =	swait.ge [sflag:s31], $0x6400  }
0x27e: {  	s2 =	smin.u32 s18, $0x2F;
	[sflag:s31] =	ssyncset.done $0x0  }
0x27f: {  	s2 =	smul.u32 $0x190, s2;
	[sflag:s31] =	ssyncadd.s32 $0xFFFF9C00  }
0x280: {  	[spmem:s3] =	stream.indirect.scatter.add.f32 [tilespmem:s10], [sflag:$0x5], $0x40, s9, s16, $0xb8;
	[tilespmem:$0x1DF90] =	vst v63  }
0x281: {  	s2 =	sadd.s32 s2, s28;
	_ =	swait.ge [sflag:s1], $0x6400  }
0x282: {  	s2 =	sshrl.u32 s2, $0x3;
	[sflag:s1] =	ssyncset.done $0x0  }
0x283: {  	s2 =	sadd.s32 s26, s2;
	[sflag:s1] =	ssyncadd.s32 $0xFFFF9C00  }
0x284: {  	[tilespmem:s11], [sflag:$0x5] =	stream.linear.gather [hbm4b:s2+s8], $0x190, $0x38;
	[tilespmem:$0x1DF90] =	vst v63  }
0x285: {  	_ =	swait.ge [sflag:s1], $0x190  }
0x286: {  	[sflag:s1] =	ssyncset.done $0x0  }
0x287: {  	[sflag:s1] =	ssyncadd.s32 $0xFFFFFE70  }
0x288: {  	v3 =	vld [tilespmem:$0xA500]  }
0x289: {  	v40 =	vld [tilespmem:$0xA510]  }
0x28a: {  	v41 =	vld [tilespmem:$0xA520]  }
0x28b: {  	v42 =	vld [tilespmem:$0xA530]  }
0x28c: {  	v43 =	vld [tilespmem:$0xA540]  }
0x28d: {  	v44 =	vld [tilespmem:$0xA550];
	v3 =	vadd.s32 v0, v3  }
0x28e: {  	v45 =	vld [tilespmem:$0xA560];
	[tilespmem:$0xA500] =	vst v3;
	v3 =	vadd.s32 v0, v40  }
0x28f: {  	v46 =	vld [tilespmem:$0xA570];
	[tilespmem:$0xA510] =	vst v3;
	v3 =	vadd.s32 v0, v41  }
0x290: {  	v47 =	vld [tilespmem:$0xA580];
	[tilespmem:$0xA520] =	vst v3;
	v3 =	vadd.s32 v0, v42  }
0x291: {  	v48 =	vld [tilespmem:$0xA590];
	[tilespmem:$0xA530] =	vst v3;
	v3 =	vadd.s32 v0, v43  }
0x292: {  	v49 =	vld [tilespmem:$0xA5A0];
	[tilespmem:$0xA540] =	vst v3;
	v3 =	vadd.s32 v0, v44  }
0x293: {  	v50 =	vld [tilespmem:$0xA5B0];
	[tilespmem:$0xA550] =	vst v3;
	v3 =	vadd.s32 v0, v45  }
0x294: {  	v51 =	vld [tilespmem:$0xA5C0];
	[tilespmem:$0xA560] =	vst v3;
	v3 =	vadd.s32 v0, v46  }
0x295: {  	v52 =	vld [tilespmem:$0xA5D0];
	[tilespmem:$0xA570] =	vst v3;
	v3 =	vadd.s32 v0, v47  }
0x296: {  	v53 =	vld [tilespmem:$0xA5E0];
	[tilespmem:$0xA580] =	vst v3;
	v3 =	vadd.s32 v0, v48  }
0x297: {  	v54 =	vld [tilespmem:$0xA5F0];
	[tilespmem:$0xA590] =	vst v3;
	v3 =	vadd.s32 v0, v49  }
0x298: {  	v55 =	vld [tilespmem:$0xA600];
	[tilespmem:$0xA5A0] =	vst v3;
	v3 =	vadd.s32 v0, v50  }
0x299: {  	v56 =	vld [tilespmem:$0xA610];
	[tilespmem:$0xA5B0] =	vst v3;
	v3 =	vadd.s32 v0, v51  }
0x29a: {  	v57 =	vld [tilespmem:$0xA620];
	[tilespmem:$0xA5C0] =	vst v3;
	v3 =	vadd.s32 v0, v52  }
0x29b: {  	v58 =	vld [tilespmem:$0xA630];
	[tilespmem:$0xA5D0] =	vst v3;
	v3 =	vadd.s32 v0, v53  }
0x29c: {  	v59 =	vld [tilespmem:$0xA640];
	[tilespmem:$0xA5E0] =	vst v3;
	v3 =	vadd.s32 v0, v54  }
0x29d: {  	v60 =	vld [tilespmem:$0xA650];
	[tilespmem:$0xA5F0] =	vst v3;
	v3 =	vadd.s32 v0, v55  }
0x29e: {  	v61 =	vld [tilespmem:$0xA660];
	[tilespmem:$0xA600] =	vst v3;
	v3 =	vadd.s32 v0, v56  }
0x29f: {  	v62 =	vld [tilespmem:$0xA670];
	[tilespmem:$0xA610] =	vst v3;
	v3 =	vadd.s32 v0, v57  }
0x2a0: {  	v63 =	vld [tilespmem:$0xA680];
	[tilespmem:$0xA620] =	vst v3;
	v3 =	vadd.s32 v0, v58  }
0x2a1: {  	[tilespmem:$0xA630] =	vst v3;
	v3 =	vadd.s32 v0, v59  }
0x2a2: {  	[tilespmem:$0xA640] =	vst v3;
	v3 =	vadd.s32 v0, v60  }
0x2a3: {  	[tilespmem:$0xA650] =	vst v3;
	v3 =	vadd.s32 v0, v61  }
0x2a4: {  	[tilespmem:$0xA660] =	vst v3;
	v3 =	vadd.s32 v0, v62  }
0x2a5: {  	[tilespmem:$0xA670] =	vst v3;
	v3 =	vadd.s32 v0, v63  }
0x2a6: {  	[tilespmem:$0xA680] =	vst v3  }
0x2a7: {  	[tilespmem:s10], [sflag:$0x1] =	stream.indirect.gather [hbm4b:s7+s16], $0x40, s11, s16, $0xb8;
	[tilespmem:$0x1DF90] =	vst v63  }
0x2a8: {  	_ = 	snop  }
0x2a9: {  	[tilespmem:s5], [sflag:$0x5] =	stream.linear.gather [hbm4b:s25+s8], $0x190, $0x38;
	[tilespmem:$0x1DF90] =	vst v63  }
0x2aa: {  	_ =	swait.ge [sflag:s1], $0x190  }
0x2ab: {  	[sflag:s1] =	ssyncset.done $0x0  }
0x2ac: {  	[sflag:s1] =	ssyncadd.s32 $0xFFFFFE70  }
0x2ad: {  	_ =	swait.ge [sflag:s30], $0x6400  }
0x2ae: {  	p0 =	sne.s32 s18, $0x30;
	[sflag:s30] =	ssyncset.done $0x0  }
.Ltmp7:
0x2af: {  	[sflag:s30] =	ssyncadd.s32 $0xFFFF9C00;
	(pc) =	sbr.rel @p0 .LBB2_16-.Ltmp7, $4  }
0x2b0: {  	[spmem:s3] =	stream.indirect.scatter.add.f32 [tilespmem:s0], [sflag:$0x5], $0x40, s5, s16, $0xb8;
	[tilespmem:$0x1DF90] =	vst v63  }
0x2b1: {  	_ =	swait.ge [sflag:s1], $0x6400  }
0x2b2: {  	s21 =	sadd.s32 $0x64, s21;
	[sflag:s1] =	ssyncset.done $0x0  }
0x2b3: {  	s18 =	sadd.s32 $0x2, s18;
	s25 =	sadd.s32 $0x64, s25;
	[sflag:s1] =	ssyncadd.s32 $0xFFFF9C00  }
0x2b4: {  	_ =	swait.ge [sflag:s31], $0x6400  }
0x2b5: {  	[sflag:s31] =	ssyncset.done $0x0  }
0x2b6: {  	[sflag:s31] =	ssyncadd.s32 $0xFFFF9C00  }
0x2b7: {  	[bflag:$0x0] =	sbarrier.arrive $0xFFFF  }
0x2b8: {  	v3 =	vld [tilespmem:$0x1DF50]  }
0x2b9: {  	v4 =	vld [tilespmem:$0x1DF60]  }
0x2ba: {  	s18 =	simm.s32 $0x0;
	s21 =	simm.s32 $0xCD00;
	s0 =	simm.s32 $0xCF80;
	v5 =	vld [tilespmem:$0x1DF70]  }
0x2bb: {  	s5 =	simm.s32 $0xA500;
	s9 =	simm.s32 $0x19780;
	s10 =	simm.s32 $0x80;
	v6 =	vld [tilespmem:$0x1DF80]  }
.LBB2_18:
0x2bc: {  	s2 =	sshll.u32 s18, $0x7;
	s25 =	rddreg [dreg:$0x9]  }
0x2bd: {  	s26 =	sadd.s32 s25, s2  }
0x2be: {  	s2 =	sshll.u32 s26, $0x6  }
0x2bf: {  	s2 =	sand.u32 $0x3FFFFFC0, s2  }
0x2c0: {  	v7 =	vmov s21;
	s2 =	sadd.s32 s2, s3  }
0x2c1: {  	[tilespmem:s9], [sflag:$0x5] =	stream.linear.gather [spmem:s2], $0x2000, $0x38;
	[tilespmem:$0x1DF90] =	vst v63  }
0x2c2: {  	_ =	swait.ge [sflag:s1], $0x2000  }
0x2c3: {  	[sflag:s1] =	ssyncset.done $0x0  }
0x2c4: {  	s25 =	simm.s32 $0x0;
	[sflag:s1] =	ssyncadd.s32 $0xFFFFE000  }
0x2c5: {  	v8 =	vld.idx.msk [tilespmem:v7+s25+$0x0 ss:$0x1], $0xffff;
	_ =	sdelay $0x4  }
0x2c6: {  	v9 =	vnsel vm0, $0x0, v8  }
0x2c7: {  	(xrf2) =	vadd.scan.msk.f32 $0xffff, v9;
	_ =	sdelay $0x2  }
0x2c8: {  	v31 =	vsel vm1, $0x0, v8  }
0x2c9: {  	(xrf2) =	vadd.scan.msk.f32 $0xffff, v31;
	_ =	sdelay $0x2  }
0x2ca: {  	s28 =	simm.s32 $0x19980;
	v32 =	vsel vm2, $0x0, v8  }
0x2cb: {  	v33 =	vld [tilespmem:s28+$0xFFFFFE00];
	(xrf2) =	vadd.scan.msk.f32 $0xffff, v32  }
0x2cc: {  	v10 =	vld [tilespmem:s28+$0xFFFFFE10]  }
0x2cd: {  	v11 =	vld [tilespmem:s28+$0xFFFFFE20];
	v12, _, _ =	vpop (xrf2)  }
0x2ce: {  	v14 =	vld [tilespmem:s28+$0xFFFFFE30];
	v13 =	vsel vm3, $0x0, v8;
	v12 =	vbroadcast v12, $0xF  }
0x2cf: {  	v15 =	vld [tilespmem:s28+$0xFFFFFE50];
	(xrf2) =	vadd.scan.msk.f32 $0xffff, v13  }
0x2d0: {  	v17 =	vld [tilespmem:s28+$0xFFFFFE60];
	v9 =	vmul.f32 v12, v33  }
0x2d1: {  	v19 =	vld [tilespmem:s28+$0xFFFFFE70];
	v16 =	vsel vm4, $0x0, v8;
	v18, _, _ =	vpop (xrf2);
	v10 =	vmul.f32 v12, v10  }
0x2d2: {  	v34 =	vld [tilespmem:s28+$0xFFFFFE40];
	v18 =	vbroadcast v18, $0xF;
	v11 =	vmul.f32 v11, v12;
	v9 =	vadd.f32 v9, v3  }
0x2d3: {  	v36 =	vld [tilespmem:s28+$0xFFFFFE90];
	(xrf2) =	vadd.scan.msk.f32 $0xffff, v16;
	v12 =	vmul.f32 v14, v12;
	v10 =	vadd.f32 v10, v4  }
0x2d4: {  	v21 =	vld [tilespmem:s28+$0xFFFFFEA0];
	v15 =	vmul.f32 v15, v18;
	v11 =	vadd.f32 v11, v5;
	[tilespmem:s28+$0xFFFFFE00] =	vst v9  }
0x2d5: {  	v35 =	vld [tilespmem:s28+$0xFFFFFE80];
	v38 =	vsel vm5, $0x0, v8;
	v20, _, _ =	vpop (xrf2);
	v17 =	vmul.f32 v17, v18;
	v12 =	vadd.f32 v12, v6;
	[tilespmem:s28+$0xFFFFFE10] =	vst v10  }
0x2d6: {  	v39 =	vld [tilespmem:s28+$0xFFFFFEB0];
	v40 =	vbroadcast v20, $0xF;
	v41 =	vmul.f32 v19, v18;
	v15 =	vadd.f32 v15, v4;
	[tilespmem:s28+$0xFFFFFE20] =	vst v11  }
0x2d7: {  	v42 =	vld [tilespmem:s28+$0xFFFFFEC0];
	(xrf2) =	vadd.scan.msk.f32 $0xffff, v38;
	v37 =	vmul.f32 v34, v18;
	v17 =	vadd.f32 v17, v5;
	[tilespmem:s28+$0xFFFFFE30] =	vst v12  }
0x2d8: {  	v43 =	vld [tilespmem:s28+$0xFFFFFED0];
	v16 =	vmul.f32 v36, v40;
	v13 =	vadd.f32 v41, v6;
	[tilespmem:s28+$0xFFFFFE50] =	vst v15  }
0x2d9: {  	v47 =	vld [tilespmem:s28+$0xFFFFFEE0];
	v45 =	vsel vm6, $0x0, v8;
	v21 =	vmul.f32 v21, v40;
	v9 =	vadd.f32 v37, v3;
	[tilespmem:s28+$0xFFFFFE60] =	vst v17;
	v46, _, _ =	vpop (xrf2)  }
0x2da: {  	v48 =	vld [tilespmem:s28+$0xFFFFFEF0];
	v44 =	vmul.f32 v35, v40;
	v49 =	vadd.f32 v16, v4;
	[tilespmem:s28+$0xFFFFFE70] =	vst v13;
	v19 =	vbroadcast v46, $0xF  }
0x2db: {  	v50 =	vld [tilespmem:s28+$0xFFFFFF00];
	v10 =	vmul.f32 v39, v40;
	v53 =	vadd.f32 v21, v5;
	[tilespmem:s28+$0xFFFFFE40] =	vst v9;
	(xrf2) =	vadd.scan.msk.f32 $0xffff, v45  }
0x2dc: {  	v51 =	vld [tilespmem:s28+$0xFFFFFF10];
	v9 =	vadd.f32 v44, v3;
	[tilespmem:s28+$0xFFFFFE90] =	vst v49;
	v52 =	vmul.f32 v42, v19  }
0x2dd: {  	v56 =	vld [tilespmem:s28+$0xFFFFFF20];
	v54 =	vsel vm7, $0x0, v8;
	v10 =	vadd.f32 v10, v6;
	[tilespmem:s28+$0xFFFFFEA0] =	vst v53;
	v55, _, _ =	vpop (xrf2);
	v12 =	vmul.f32 v43, v19  }
0x2de: {  	v57 =	vld [tilespmem:s28+$0xFFFFFF30];
	[tilespmem:s28+$0xFFFFFE80] =	vst v9;
	v18 =	vbroadcast v55, $0xF;
	v20 =	vmul.f32 v47, v19;
	v16 =	vadd.f32 v52, v3  }
0x2df: {  	v59 =	vld [tilespmem:s28+$0xFFFFFF40];
	(xrf2) =	vadd.scan.msk.f32 $0xffff, v54;
	[tilespmem:s28+$0xFFFFFEB0] =	vst v10;
	v58 =	vmul.f32 v48, v19;
	v12 =	vadd.f32 v12, v4  }
0x2e0: {  	v60 =	vld [tilespmem:s28+$0xFFFFFF50];
	v14 =	vmul.f32 v50, v18;
	v61 =	vadd.f32 v20, v5;
	[tilespmem:s28+$0xFFFFFEC0] =	vst v16  }
0x2e1: {  	v24 =	vld [tilespmem:s28+$0xFFFFFF60];
	v62 =	vsel vm8, $0x0, v8;
	v63, _, _ =	vpop (xrf2);
	v13 =	vmul.f32 v51, v18;
	v9 =	vadd.f32 v58, v6;
	[tilespmem:s28+$0xFFFFFED0] =	vst v12  }
0x2e2: {  	v25 =	vld [tilespmem:s28+$0xFFFFFF70];
	v19 =	vbroadcast v63, $0xF;
	v21 =	vmul.f32 v56, v18;
	v14 =	vadd.f32 v14, v3;
	[tilespmem:s28+$0xFFFFFEE0] =	vst v61  }
0x2e3: {  	v26 =	vld [tilespmem:s28+$0xFFFFFF80];
	(xrf2) =	vadd.scan.msk.f32 $0xffff, v62;
	v11 =	vmul.f32 v57, v18;
	v13 =	vadd.f32 v13, v4;
	[tilespmem:s28+$0xFFFFFEF0] =	vst v9  }
0x2e4: {  	v27 =	vld [tilespmem:s28+$0xFFFFFF90];
	v15 =	vmul.f32 v59, v19;
	v28 =	vadd.f32 v21, v5;
	[tilespmem:s28+$0xFFFFFF00] =	vst v14  }
0x2e5: {  	v29 =	vsel vm9, $0x0, v8;
	v31 =	vld [tilespmem:s28+$0xFFFFFFA0];
	v10 =	vmul.f32 v60, v19;
	v11 =	vadd.f32 v11, v6;
	[tilespmem:s28+$0xFFFFFF10] =	vst v13;
	v30, _, _ =	vpop (xrf2)  }
0x2e6: {  	v32 =	vld [tilespmem:s28+$0xFFFFFFB0];
	v20 =	vmul.f32 v24, v19;
	v15 =	vadd.f32 v15, v3;
	[tilespmem:s28+$0xFFFFFF20] =	vst v28;
	v18 =	vbroadcast v30, $0xF  }
0x2e7: {  	v33 =	vld [tilespmem:s28+$0xFFFFFFC0];
	v12 =	vmul.f32 v25, v19;
	v10 =	vadd.f32 v10, v4;
	[tilespmem:s28+$0xFFFFFF30] =	vst v11;
	(xrf2) =	vadd.scan.msk.f32 $0xffff, v29  }
0x2e8: {  	v34 =	vld [tilespmem:s28+$0xFFFFFFD0];
	v35 =	vadd.f32 v20, v5;
	[tilespmem:s28+$0xFFFFFF40] =	vst v15;
	v16 =	vmul.f32 v26, v18  }
0x2e9: {  	v38 =	vld [tilespmem:s28+$0xFFFFFFE0];
	v36 =	vsel vm10, $0x0, v8;
	v12 =	vadd.f32 v12, v6;
	[tilespmem:s28+$0xFFFFFF50] =	vst v10;
	v37, _, _ =	vpop (xrf2);
	v9 =	vmul.f32 v27, v18  }
0x2ea: {  	v39 =	vld [tilespmem:s28+$0xFFFFFFF0];
	[tilespmem:s28+$0xFFFFFF60] =	vst v35;
	v19 =	vbroadcast v37, $0xF;
	v21 =	vmul.f32 v31, v18;
	v16 =	vadd.f32 v16, v3  }
0x2eb: {  	v40 =	vld [tilespmem:s28+$0x0];
	[tilespmem:s28+$0xFFFFFF70] =	vst v12;
	(xrf2) =	vadd.scan.msk.f32 $0xffff, v36;
	v13 =	vmul.f32 v32, v18;
	v9 =	vadd.f32 v9, v4  }
0x2ec: {  	v41 =	vld [tilespmem:s28+$0x10];
	v42 =	vmul.f32 v33, v19;
	v43 =	vadd.f32 v21, v5;
	[tilespmem:s28+$0xFFFFFF80] =	vst v16  }
0x2ed: {  	v44 =	vsel vm11, $0x0, v8;
	v46 =	vld [tilespmem:s28+$0x20];
	v45, _, _ =	vpop (xrf2);
	v11 =	vmul.f32 v34, v19;
	v13 =	vadd.f32 v13, v6;
	[tilespmem:s28+$0xFFFFFF90] =	vst v9  }
0x2ee: {  	v47 =	vld [tilespmem:s28+$0x30];
	v18 =	vbroadcast v45, $0xF;
	v20 =	vmul.f32 v38, v19;
	v15 =	vadd.f32 v42, v3;
	[tilespmem:s28+$0xFFFFFFA0] =	vst v43  }
0x2ef: {  	v48 =	vld [tilespmem:s28+$0x40];
	(xrf2) =	vadd.scan.msk.f32 $0xffff, v44;
	v10 =	vmul.f32 v39, v19;
	v11 =	vadd.f32 v11, v4;
	[tilespmem:s28+$0xFFFFFFB0] =	vst v13  }
0x2f0: {  	v50 =	vld [tilespmem:s28+$0x50];
	v14 =	vmul.f32 v40, v18;
	v49 =	vadd.f32 v20, v5;
	[tilespmem:s28+$0xFFFFFFC0] =	vst v15  }
0x2f1: {  	v51 =	vsel vm12, $0x0, v8;
	v52 =	vld [tilespmem:s28+$0x60];
	v12 =	vmul.f32 v41, v18;
	v10 =	vadd.f32 v10, v6;
	[tilespmem:s28+$0xFFFFFFD0] =	vst v11;
	v53, _, _ =	vpop (xrf2)  }
0x2f2: {  	v54 =	vld [tilespmem:s28+$0x70];
	v21 =	vmul.f32 v46, v18;
	v14 =	vadd.f32 v14, v3;
	[tilespmem:s28+$0xFFFFFFE0] =	vst v49;
	v20 =	vbroadcast v53, $0xF  }
0x2f3: {  	v55 =	vld [tilespmem:s28+$0x80];
	v9 =	vmul.f32 v47, v18;
	v12 =	vadd.f32 v12, v4;
	[tilespmem:s28+$0xFFFFFFF0] =	vst v10;
	(xrf2) =	vadd.scan.msk.f32 $0xffff, v51  }
0x2f4: {  	v58 =	vld [tilespmem:s28+$0x90];
	v56 =	vadd.f32 v21, v5;
	[tilespmem:s28+$0x0] =	vst v14;
	v57 =	vmul.f32 v48, v20  }
0x2f5: {  	v59 =	vsel vm13, $0x0, v8;
	v60 =	vld [tilespmem:s28+$0xA0];
	v9 =	vadd.f32 v9, v6;
	[tilespmem:s28+$0x10] =	vst v12;
	v61, _, _ =	vpop (xrf2);
	v16 =	vmul.f32 v50, v20  }
0x2f6: {  	v62 =	vld [tilespmem:s28+$0xB0];
	[tilespmem:s28+$0x20] =	vst v56;
	v12 =	vbroadcast v61, $0xF;
	v19 =	vmul.f32 v52, v20;
	v15 =	vadd.f32 v57, v3  }
0x2f7: {  	v24 =	vld [tilespmem:s28+$0xC0];
	(xrf2) =	vadd.scan.msk.f32 $0xffff, v59;
	[tilespmem:s28+$0x30] =	vst v9;
	v11 =	vmul.f32 v54, v20;
	v63 =	vadd.f32 v16, v4  }
0x2f8: {  	v26 =	vld [tilespmem:s28+$0xD0];
	v10 =	vmul.f32 v55, v12;
	v25 =	vadd.f32 v19, v5;
	[tilespmem:s28+$0x40] =	vst v15  }
0x2f9: {  	v28 =	vld [tilespmem:s28+$0xE0];
	v27 =	vsel vm14, $0x0, v8;
	v29, _, _ =	vpop (xrf2);
	v17 =	vmul.f32 v58, v12;
	v11 =	vadd.f32 v11, v6;
	[tilespmem:s28+$0x50] =	vst v63  }
0x2fa: {  	v30 =	vld [tilespmem:s28+$0xF0];
	v31 =	vbroadcast v29, $0xF;
	v18 =	vmul.f32 v60, v12;
	v10 =	vadd.f32 v10, v3;
	[tilespmem:s28+$0x60] =	vst v25  }
0x2fb: {  	v33 =	vld [tilespmem:s28+$0x100];
	(xrf2) =	vadd.scan.msk.f32 $0xffff, v27;
	v12 =	vmul.f32 v62, v12;
	v32 =	vadd.f32 v17, v4;
	[tilespmem:s28+$0x70] =	vst v11  }
0x2fc: {  	v34 =	vld [tilespmem:s28+$0x110];
	v9 =	vmul.f32 v24, v31;
	v18 =	vadd.f32 v18, v5;
	[tilespmem:s28+$0x80] =	vst v10  }
0x2fd: {  	v37 =	vld [tilespmem:s28+$0x120];
	v8 =	vsel vm15, $0x0, v8;
	v16 =	vmul.f32 v26, v31;
	v35 =	vadd.f32 v12, v6;
	[tilespmem:s28+$0x90] =	vst v32;
	v36, _, _ =	vpop (xrf2)  }
0x2fe: {  	v38 =	vld [tilespmem:s28+$0x130];
	v19 =	vmul.f32 v28, v31;
	v9 =	vadd.f32 v9, v3;
	[tilespmem:s28+$0xA0] =	vst v18;
	v12 =	vbroadcast v36, $0xF  }
0x2ff: {  	v39 =	vld [tilespmem:s28+$0x140];
	v40 =	vadd.f32 v16, v4;
	[tilespmem:s28+$0xB0] =	vst v35;
	(xrf2) =	vadd.scan.msk.f32 $0xffff, v8;
	v8 =	vmul.f32 v30, v31  }
0x300: {  	v41 =	vld [tilespmem:s28+$0x150];
	v42 =	vadd.f32 v19, v5;
	[tilespmem:s28+$0xC0] =	vst v9;
	v43 =	vmul.f32 v33, v12  }
0x301: {  	v45 =	vld [tilespmem:s28+$0x160];
	[tilespmem:s28+$0xD0] =	vst v40;
	v44, _, _ =	vpop (xrf2);
	v8 =	vadd.f32 v8, v6;
	v17 =	vmul.f32 v34, v12  }
0x302: {  	v46 =	vld [tilespmem:s28+$0x170];
	[tilespmem:s28+$0xE0] =	vst v42;
	v11 =	vbroadcast v44, $0xF;
	v47 =	vmul.f32 v37, v12;
	v9 =	vadd.f32 v43, v3  }
0x303: {  	v49 =	vld [tilespmem:s28+$0x180];
	v12 =	vmul.f32 v38, v12;
	[tilespmem:s28+$0xF0] =	vst v8;
	v48 =	vadd.f32 v17, v4  }
0x304: {  	v8 =	vld [tilespmem:s28+$0x190];
	v13 =	vmul.f32 v39, v11;
	v50 =	vadd.f32 v47, v5;
	[tilespmem:s28+$0x100] =	vst v9  }
0x305: {  	v52 =	vld [tilespmem:s28+$0x1A0];
	v51, _, _ =	vpop (xrf2);
	v10 =	vmul.f32 v41, v11;
	v12 =	vadd.f32 v12, v6;
	[tilespmem:s28+$0x110] =	vst v48  }
0x306: {  	v53 =	vld [tilespmem:s28+$0x1B0];
	v18 =	vmul.f32 v45, v11;
	v13 =	vadd.f32 v13, v3;
	v9 =	vbroadcast v51, $0xF;
	[tilespmem:s28+$0x120] =	vst v50  }
0x307: {  	v54 =	vld [tilespmem:s28+$0x1C0];
	v11 =	vmul.f32 v46, v11;
	v10 =	vadd.f32 v10, v4;
	[tilespmem:s28+$0x130] =	vst v12  }
0x308: {  	v55 =	vld [tilespmem:s28+$0x1D0];
	v56 =	vadd.f32 v18, v5;
	[tilespmem:s28+$0x140] =	vst v13;
	v16 =	vmul.f32 v49, v9  }
0x309: {  	v58 =	vld [tilespmem:s28+$0x1E0];
	v11 =	vadd.f32 v11, v6;
	[tilespmem:s28+$0x150] =	vst v10;
	v8 =	vmul.f32 v8, v9;
	v57, _, _ =	vpop (xrf2)  }
0x30a: {  	v59 =	vld [tilespmem:s28+$0x1F0];
	[tilespmem:s28+$0x160] =	vst v56;
	v19 =	vmul.f32 v52, v9;
	v13 =	vbroadcast v57, $0xF;
	v16 =	vadd.f32 v16, v3  }
0x30b: {  	[tilespmem:s28+$0x170] =	vst v11;
	v9 =	vmul.f32 v53, v9;
	v8 =	vadd.f32 v8, v4  }
0x30c: {  	v61 =	vadd.f32 v19, v5;
	v60 =	vmul.f32 v54, v13;
	[tilespmem:s28+$0x180] =	vst v16  }
0x30d: {  	v9 =	vadd.f32 v9, v6;
	v12 =	vmul.f32 v55, v13;
	[tilespmem:s28+$0x190] =	vst v8  }
0x30e: {  	v62 =	vmul.f32 v58, v13;
	[tilespmem:s28+$0x1A0] =	vst v61;
	v8 =	vadd.f32 v60, v3  }
0x30f: {  	v10 =	vmul.f32 v59, v13;
	[tilespmem:s28+$0x1B0] =	vst v9;
	v12 =	vadd.f32 v12, v4  }
0x310: {  	v63 =	vadd.f32 v62, v5;
	[tilespmem:s28+$0x1C0] =	vst v8  }
0x311: {  	v8 =	vadd.f32 v10, v6;
	[tilespmem:s28+$0x1D0] =	vst v12  }
0x312: {  	[tilespmem:s28+$0x1E0] =	vst v63  }
0x313: {  	s29 =	simm.s32 $0x80;
	s25 =	simm.s32 $0x10;
	[tilespmem:s28+$0x1F0] =	vst v8  }
.LBB2_19:
0x314: {  	p0 =	sne.s32 s29, $0x1C0;
	v8 =	vld.idx.msk [tilespmem:v7+s25+$0x0 ss:$0x1], $0xffff;
	_ =	sdelay $0x5  }
0x315: {  	v9 =	vnsel vm0, $0x0, v8;
	v16 =	vsel vm1, $0x0, v8;
	v17 =	vsel vm2, $0x0, v8  }
0x316: {  	v18 =	vsel vm3, $0x0, v8;
	v19 =	vsel vm4, $0x0, v8;
	v20 =	vsel vm5, $0x0, v8;
	(xrf2) =	vadd.scan.msk.f32 $0xffff, v9  }
0x317: {  	v21 =	vsel vm6, $0x0, v8;
	v22 =	vsel vm7, $0x0, v8;
	v23 =	vsel vm8, $0x0, v8  }
0x318: {  	s28 =	sadd.s32 $0x400, s28;
	v15 =	vsel vm9, $0x0, v8;
	v13 =	vsel vm10, $0x0, v8;
	v12 =	vsel vm11, $0x0, v8  }
0x319: {  	v11 =	vsel vm12, $0x0, v8;
	v10 =	vsel vm13, $0x0, v8;
	v9 =	vsel vm14, $0x0, v8;
	v14 =	vld [tilespmem:s28+$0xFFFFFFF0];
	(xrf2) =	vadd.scan.msk.f32 $0xffff, v16  }
0x31a: {  	v8 =	vsel vm15, $0x0, v8;
	v16 =	vld [tilespmem:s28+$0xFFFFFF70]  }
0x31b: {  	v24 =	vld [tilespmem:s28+$0xFFFFFEF0]  }
0x31c: {  	v25 =	vld [tilespmem:s28+$0xFFFFFE30];
	(xrf2) =	vadd.scan.msk.f32 $0xffff, v17  }
0x31d: {  	v17 =	vld [tilespmem:s28+$0xFFFFFE10]  }
0x31e: {  	v26 =	vld [tilespmem:s28+$0xFFFFFE00]  }
0x31f: {  	v27 =	vld [tilespmem:s28+$0xFFFFFE20];
	(xrf2) =	vadd.scan.msk.f32 $0xffff, v18  }
0x320: {  	v18 =	vld [tilespmem:s28+$0xFFFFFE70];
	v28, _, _ =	vpop (xrf2)  }
0x321: {  	v28 =	vbroadcast v28, $0xF;
	v29 =	vld [tilespmem:s28+$0xFFFFFE50]  }
0x322: {  	v30 =	vld [tilespmem:s28+$0xFFFFFE40];
	(xrf2) =	vadd.scan.msk.f32 $0xffff, v19  }
0x323: {  	v19 =	vmul.f32 v28, v26;
	v17 =	vmul.f32 v28, v17;
	v26 =	vld [tilespmem:s28+$0xFFFFFE60];
	v31, _, _ =	vpop (xrf2)  }
0x324: {  	v25 =	vmul.f32 v25, v28;
	v27 =	vmul.f32 v27, v28;
	v28 =	vld [tilespmem:s28+$0xFFFFFEB0]  }
0x325: {  	v31 =	vbroadcast v31, $0xF;
	v19 =	vadd.f32 v19, v3;
	v17 =	vadd.f32 v17, v4;
	v32 =	vld [tilespmem:s28+$0xFFFFFE90];
	(xrf2) =	vadd.scan.msk.f32 $0xffff, v20  }
0x326: {  	v25 =	vadd.f32 v25, v6;
	v20 =	vadd.f32 v27, v5;
	v27 =	vld [tilespmem:s28+$0xFFFFFE80];
	v33, _, _ =	vpop (xrf2)  }
0x327: {  	v29 =	vmul.f32 v29, v31;
	[tilespmem:s28+$0xFFFFFE00] =	vst v19;
	v19 =	vmul.f32 v30, v31;
	v30 =	vld [tilespmem:s28+$0xFFFFFEA0]  }
0x328: {  	v18 =	vmul.f32 v18, v31;
	[tilespmem:s28+$0xFFFFFE10] =	vst v17;
	v17 =	vmul.f32 v26, v31;
	v26 =	vld [tilespmem:s28+$0xFFFFFEC0];
	(xrf2) =	vadd.scan.msk.f32 $0xffff, v21  }
0x329: {  	v21 =	vbroadcast v33, $0xF;
	[tilespmem:s28+$0xFFFFFE20] =	vst v20;
	v19 =	vadd.f32 v19, v3;
	v20 =	vadd.f32 v29, v4;
	v29 =	vld [tilespmem:s28+$0xFFFFFED0];
	v31, _, _ =	vpop (xrf2)  }
0x32a: {  	v18 =	vadd.f32 v18, v6;
	[tilespmem:s28+$0xFFFFFE30] =	vst v25;
	v17 =	vadd.f32 v17, v5;
	v25 =	vbroadcast v31, $0xF;
	v31 =	vld [tilespmem:s28+$0xFFFFFEE0]  }
0x32b: {  	[tilespmem:s28+$0xFFFFFE40] =	vst v19;
	v19 =	vmul.f32 v27, v21;
	v27 =	vmul.f32 v32, v21;
	v32 =	vld [tilespmem:s28+$0xFFFFFF30];
	(xrf2) =	vadd.scan.msk.f32 $0xffff, v22  }
0x32c: {  	[tilespmem:s28+$0xFFFFFE50] =	vst v20;
	v20 =	vmul.f32 v30, v21;
	v21 =	vmul.f32 v28, v21;
	v22 =	vld [tilespmem:s28+$0xFFFFFF10];
	v28, _, _ =	vpop (xrf2)  }
0x32d: {  	[tilespmem:s28+$0xFFFFFE60] =	vst v17;
	v17 =	vadd.f32 v19, v3;
	v19 =	vadd.f32 v27, v4;
	v26 =	vmul.f32 v26, v25;
	v27 =	vld [tilespmem:s28+$0xFFFFFF00]  }
0x32e: {  	[tilespmem:s28+$0xFFFFFE70] =	vst v18;
	v18 =	vadd.f32 v20, v5;
	v20 =	vadd.f32 v21, v6;
	v21 =	vmul.f32 v29, v25;
	v29 =	vld [tilespmem:s28+$0xFFFFFF20]  }
0x32f: {  	v24 =	vmul.f32 v24, v25;
	[tilespmem:s28+$0xFFFFFE80] =	vst v17;
	v17 =	vadd.f32 v26, v3;
	v26 =	vmul.f32 v31, v25;
	v25 =	vld [tilespmem:s28+$0xFFFFFF40];
	v30, _, _ =	vpop (xrf2)  }
0x330: {  	[tilespmem:s28+$0xFFFFFE90] =	vst v19;
	v19 =	vadd.f32 v21, v4;
	v21 =	vbroadcast v28, $0xF;
	v28 =	vbroadcast v30, $0xF;
	v30 =	vld [tilespmem:s28+$0xFFFFFF50]  }
0x331: {  	v24 =	vadd.f32 v24, v6;
	[tilespmem:s28+$0xFFFFFEA0] =	vst v18;
	v18 =	vadd.f32 v26, v5;
	v26 =	vld [tilespmem:s28+$0xFFFFFF60];
	(xrf2) =	vadd.scan.msk.f32 $0xffff, v23  }
0x332: {  	[tilespmem:s28+$0xFFFFFEB0] =	vst v20;
	v20 =	vmul.f32 v27, v21;
	v22 =	vmul.f32 v22, v21;
	v23 =	vld [tilespmem:s28+$0xFFFFFFB0];
	v27, _, _ =	vpop (xrf2)  }
0x333: {  	[tilespmem:s28+$0xFFFFFEC0] =	vst v17;
	v17 =	vmul.f32 v29, v21;
	v21 =	vmul.f32 v32, v21;
	v29 =	vld [tilespmem:s28+$0xFFFFFF90]  }
0x334: {  	[tilespmem:s28+$0xFFFFFED0] =	vst v19;
	v19 =	vadd.f32 v20, v3;
	v20 =	vadd.f32 v22, v4;
	v22 =	vmul.f32 v25, v28;
	v25 =	vld [tilespmem:s28+$0xFFFFFF80]  }
0x335: {  	[tilespmem:s28+$0xFFFFFEE0] =	vst v18;
	v17 =	vadd.f32 v17, v5;
	v18 =	vadd.f32 v21, v6;
	v21 =	vmul.f32 v30, v28;
	v30 =	vld [tilespmem:s28+$0xFFFFFFA0];
	v31, _, _ =	vpop (xrf2)  }
0x336: {  	v16 =	vmul.f32 v16, v28;
	[tilespmem:s28+$0xFFFFFEF0] =	vst v24;
	v22 =	vadd.f32 v22, v3;
	v24 =	vmul.f32 v26, v28;
	v26 =	vld [tilespmem:s28+$0xFFFFFFC0]  }
0x337: {  	[tilespmem:s28+$0xFFFFFF00] =	vst v19;
	v19 =	vadd.f32 v21, v4;
	v21 =	vbroadcast v27, $0xF;
	v27 =	vbroadcast v31, $0xF;
	v28 =	vld [tilespmem:s28+$0xFFFFFFD0]  }
0x338: {  	v16 =	vadd.f32 v16, v6;
	[tilespmem:s28+$0xFFFFFF10] =	vst v20;
	v20 =	vadd.f32 v24, v5;
	v24 =	vld [tilespmem:s28+$0xFFFFFFE0];
	(xrf2) =	vadd.scan.msk.f32 $0xffff, v15  }
0x339: {  	[tilespmem:s28+$0xFFFFFF20] =	vst v17;
	v15 =	vmul.f32 v25, v21;
	v17 =	vmul.f32 v29, v21;
	v25 =	vld [tilespmem:s28+$0x30]  }
0x33a: {  	[tilespmem:s28+$0xFFFFFF30] =	vst v18;
	v18 =	vmul.f32 v30, v21;
	v21 =	vmul.f32 v23, v21;
	v23 =	vld [tilespmem:s28+$0x10]  }
0x33b: {  	[tilespmem:s28+$0xFFFFFF40] =	vst v22;
	v15 =	vadd.f32 v15, v3;
	v17 =	vadd.f32 v17, v4;
	v22 =	vmul.f32 v26, v27;
	v26 =	vld [tilespmem:s28+$0x0];
	v29, _, _ =	vpop (xrf2)  }
0x33c: {  	[tilespmem:s28+$0xFFFFFF50] =	vst v19;
	v18 =	vadd.f32 v18, v5;
	v19 =	vadd.f32 v21, v6;
	v21 =	vmul.f32 v28, v27;
	v28 =	vld [tilespmem:s28+$0x20]  }
0x33d: {  	v14 =	vmul.f32 v14, v27;
	[tilespmem:s28+$0xFFFFFF60] =	vst v20;
	v20 =	vadd.f32 v22, v3;
	v22 =	vmul.f32 v24, v27  }
0x33e: {  	[tilespmem:s28+$0xFFFFFF70] =	vst v16;
	v16 =	vadd.f32 v21, v4;
	v21 =	vbroadcast v29, $0xF;
	v24 =	vld [tilespmem:s28+$0x70];
	(xrf2) =	vadd.scan.msk.f32 $0xffff, v13  }
0x33f: {  	v14 =	vadd.f32 v14, v6;
	[tilespmem:s28+$0xFFFFFF80] =	vst v15;
	v13 =	vadd.f32 v22, v5;
	v15 =	vld [tilespmem:s28+$0x50]  }
0x340: {  	[tilespmem:s28+$0xFFFFFF90] =	vst v17;
	v17 =	vmul.f32 v26, v21;
	v26 =	vmul.f32 v23, v21;
	v23 =	vld [tilespmem:s28+$0x40]  }
0x341: {  	[tilespmem:s28+$0xFFFFFFA0] =	vst v18;
	v18 =	vmul.f32 v28, v21;
	v21 =	vmul.f32 v25, v21;
	v25 =	vld [tilespmem:s28+$0x60];
	(xrf2) =	vadd.scan.msk.f32 $0xffff, v12  }
0x342: {  	[tilespmem:s28+$0xFFFFFFB0] =	vst v19;
	v17 =	vadd.f32 v17, v3;
	v19 =	vadd.f32 v26, v4;
	v12 =	vld [tilespmem:s28+$0x1F0];
	v22, _, _ =	vpop (xrf2)  }
0x343: {  	[tilespmem:s28+$0xFFFFFFC0] =	vst v20;
	v18 =	vadd.f32 v18, v5;
	v20 =	vadd.f32 v21, v6;
	v21 =	vbroadcast v22, $0xF;
	v22 =	vld [tilespmem:s28+$0x170]  }
0x344: {  	[tilespmem:s28+$0xFFFFFFD0] =	vst v16;
	v16 =	vld [tilespmem:s28+$0xB0];
	(xrf2) =	vadd.scan.msk.f32 $0xffff, v11  }
0x345: {  	[tilespmem:s28+$0xFFFFFFE0] =	vst v13;
	v11 =	vmul.f32 v23, v21;
	v13 =	vmul.f32 v15, v21;
	v15 =	vld [tilespmem:s28+$0x90]  }
0x346: {  	v24 =	vmul.f32 v24, v21;
	[tilespmem:s28+$0xFFFFFFF0] =	vst v14;
	v14 =	vmul.f32 v25, v21;
	v23 =	vld [tilespmem:s28+$0x80]  }
0x347: {  	[tilespmem:s28+$0x0] =	vst v17;
	v11 =	vadd.f32 v11, v3;
	v13 =	vadd.f32 v13, v4;
	v17 =	vld [tilespmem:s28+$0xA0];
	(xrf2) =	vadd.scan.msk.f32 $0xffff, v10  }
0x348: {  	[tilespmem:s28+$0x10] =	vst v19;
	v10 =	vadd.f32 v14, v5;
	v14 =	vadd.f32 v24, v6;
	v19 =	vld [tilespmem:s28+$0xF0];
	v21, _, _ =	vpop (xrf2)  }
0x349: {  	[tilespmem:s28+$0x20] =	vst v18;
	v18 =	vbroadcast v21, $0xF;
	v21 =	vld [tilespmem:s28+$0xD0]  }
0x34a: {  	[tilespmem:s28+$0x30] =	vst v20;
	v20 =	vld [tilespmem:s28+$0xC0];
	(xrf2) =	vadd.scan.msk.f32 $0xffff, v9  }
0x34b: {  	[tilespmem:s28+$0x40] =	vst v11;
	v9 =	vmul.f32 v23, v18;
	v11 =	vmul.f32 v15, v18;
	v15 =	vld [tilespmem:s28+$0xE0];
	v23, _, _ =	vpop (xrf2)  }
0x34c: {  	v16 =	vmul.f32 v16, v18;
	[tilespmem:s28+$0x50] =	vst v13;
	v13 =	vmul.f32 v17, v18;
	v17 =	vld [tilespmem:s28+$0x130]  }
0x34d: {  	[tilespmem:s28+$0x60] =	vst v10;
	v9 =	vadd.f32 v9, v3;
	v10 =	vadd.f32 v11, v4;
	v11 =	vbroadcast v23, $0xF;
	v18 =	vld [tilespmem:s28+$0x110]  }
0x34e: {  	[tilespmem:s28+$0x70] =	vst v14;
	v13 =	vadd.f32 v13, v5;
	v14 =	vadd.f32 v16, v6;
	v16 =	vld [tilespmem:s28+$0x100];
	v23, _, _ =	vpop (xrf2);
	(xrf2) =	vadd.scan.msk.f32 $0xffff, v8  }
0x34f: {  	[tilespmem:s28+$0x80] =	vst v9;
	v8 =	vmul.f32 v20, v11;
	v9 =	vmul.f32 v21, v11;
	v20 =	vld [tilespmem:s28+$0x120]  }
0x350: {  	[tilespmem:s28+$0x90] =	vst v10;
	v10 =	vmul.f32 v15, v11;
	v11 =	vmul.f32 v19, v11;
	v15 =	vld [tilespmem:s28+$0x140]  }
0x351: {  	[tilespmem:s28+$0xA0] =	vst v13;
	v8 =	vadd.f32 v8, v3;
	v9 =	vadd.f32 v9, v4;
	v13 =	vbroadcast v23, $0xF;
	v19 =	vld [tilespmem:s28+$0x150];
	v21, _, _ =	vpop (xrf2)  }
0x352: {  	[tilespmem:s28+$0xB0] =	vst v14;
	v10 =	vadd.f32 v10, v5;
	v11 =	vadd.f32 v11, v6;
	v14 =	vbroadcast v21, $0xF;
	v21 =	vld [tilespmem:s28+$0x160]  }
0x353: {  	[tilespmem:s28+$0xC0] =	vst v8;
	v8 =	vmul.f32 v16, v13;
	v16 =	vmul.f32 v18, v13;
	v18 =	vld [tilespmem:s28+$0x1B0]  }
0x354: {  	[tilespmem:s28+$0xD0] =	vst v9;
	v9 =	vmul.f32 v20, v13;
	v13 =	vmul.f32 v17, v13;
	v17 =	vld [tilespmem:s28+$0x190];
	v20, _, _ =	vpop (xrf2)  }
0x355: {  	[tilespmem:s28+$0xE0] =	vst v10;
	v8 =	vadd.f32 v8, v3;
	v10 =	vadd.f32 v16, v4;
	v15 =	vmul.f32 v15, v14;
	v16 =	vld [tilespmem:s28+$0x180]  }
0x356: {  	[tilespmem:s28+$0xF0] =	vst v11;
	v9 =	vadd.f32 v9, v5;
	v11 =	vadd.f32 v13, v6;
	v13 =	vmul.f32 v19, v14;
	v19 =	vld [tilespmem:s28+$0x1A0]  }
0x357: {  	[tilespmem:s28+$0x100] =	vst v8;
	v8 =	vadd.f32 v15, v3;
	v15 =	vmul.f32 v21, v14;
	v14 =	vmul.f32 v22, v14;
	v21 =	vld [tilespmem:s28+$0x1C0]  }
0x358: {  	[tilespmem:s28+$0x110] =	vst v10;
	v10 =	vadd.f32 v13, v4;
	v13 =	vbroadcast v20, $0xF;
	v20 =	vld [tilespmem:s28+$0x1D0];
	v22, _, _ =	vpop (xrf2)  }
0x359: {  	[tilespmem:s28+$0x120] =	vst v9;
	v9 =	vadd.f32 v15, v5;
	v14 =	vadd.f32 v14, v6;
	v15 =	vbroadcast v22, $0xF;
	v22 =	vld [tilespmem:s28+$0x1E0]  }
0x35a: {  	[tilespmem:s28+$0x130] =	vst v11;
	v11 =	vmul.f32 v16, v13;
	v16 =	vmul.f32 v17, v13  }
0x35b: {  	[tilespmem:s28+$0x140] =	vst v8;
	v8 =	vmul.f32 v19, v13;
	v13 =	vmul.f32 v18, v13  }
0x35c: {  	[tilespmem:s28+$0x150] =	vst v10;
	v10 =	vadd.f32 v11, v3;
	v11 =	vadd.f32 v16, v4;
	v16 =	vmul.f32 v21, v15  }
0x35d: {  	[tilespmem:s28+$0x160] =	vst v9;
	v8 =	vadd.f32 v8, v5;
	v9 =	vadd.f32 v13, v6;
	v13 =	vmul.f32 v20, v15  }
0x35e: {  	v12 =	vmul.f32 v12, v15;
	[tilespmem:s28+$0x170] =	vst v14;
	v14 =	vadd.f32 v16, v3;
	v16 =	vmul.f32 v22, v15  }
0x35f: {  	[tilespmem:s28+$0x180] =	vst v10;
	v10 =	vadd.f32 v13, v4  }
0x360: {  	v12 =	vadd.f32 v12, v6;
	[tilespmem:s28+$0x190] =	vst v11;
	v11 =	vadd.f32 v16, v5  }
0x361: {  	[tilespmem:s28+$0x1A0] =	vst v8  }
.Ltmp8:
0x362: {  	[tilespmem:s28+$0x1B0] =	vst v9;
	(pc) =	sbr.rel @p0 .LBB2_19-.Ltmp8, $4  }
0x363: {  	[tilespmem:s28+$0x1C0] =	vst v14  }
0x364: {  	[tilespmem:s28+$0x1D0] =	vst v10  }
0x365: {  	[tilespmem:s28+$0x1E0] =	vst v11  }
0x366: {  	s25 =	sshra.s32 s29, $0x2;
	s29 =	sadd.s32 $0x40, s29;
	[tilespmem:s28+$0x1F0] =	vst v12  }
0x367: {  	_ =	sdelay $0x3  }
0x368: {  	v7 =	vld.idx.msk [tilespmem:v7+s25+$0x0 ss:$0x1], $0xffff;
	_ =	sdelay $0x4  }
0x369: {  	v8 =	vnsel vm0, $0x0, v7  }
0x36a: {  	(xrf2) =	vadd.scan.msk.f32 $0xffff, v8;
	_ =	sdelay $0x2  }
0x36b: {  	v8 =	vsel vm1, $0x0, v7  }
0x36c: {  	(xrf2) =	vadd.scan.msk.f32 $0xffff, v8;
	_ =	sdelay $0x2  }
0x36d: {  	s28 =	sadd.s32 $0x400, s28;
	v8 =	vsel vm2, $0x0, v7  }
0x36e: {  	(xrf2) =	vadd.scan.msk.f32 $0xffff, v8;
	v8 =	vld [tilespmem:s28+$0xFFFFFE00]  }
0x36f: {  	v9 =	vld [tilespmem:s28+$0xFFFFFE10]  }
0x370: {  	v10 =	vld [tilespmem:s28+$0xFFFFFE20];
	v11, _, _ =	vpop (xrf2)  }
0x371: {  	v13 =	vld [tilespmem:s28+$0xFFFFFE30];
	v12 =	vsel vm3, $0x0, v7;
	v11 =	vbroadcast v11, $0xF  }
0x372: {  	v14 =	vld [tilespmem:s28+$0xFFFFFE50];
	(xrf2) =	vadd.scan.msk.f32 $0xffff, v12  }
0x373: {  	v16 =	vld [tilespmem:s28+$0xFFFFFE60];
	v8 =	vmul.f32 v11, v8  }
0x374: {  	v18 =	vld [tilespmem:s28+$0xFFFFFE70];
	v15 =	vsel vm4, $0x0, v7;
	v17, _, _ =	vpop (xrf2);
	v9 =	vmul.f32 v11, v9  }
0x375: {  	v44 =	vld [tilespmem:s28+$0xFFFFFE40];
	(xrf2) =	vadd.scan.msk.f32 $0xffff, v15;
	v17 =	vbroadcast v17, $0xF;
	v10 =	vmul.f32 v10, v11;
	v8 =	vadd.f32 v8, v3  }
0x376: {  	v46 =	vld [tilespmem:s28+$0xFFFFFE90];
	v11 =	vmul.f32 v13, v11;
	v9 =	vadd.f32 v9, v4  }
0x377: {  	v20 =	vld [tilespmem:s28+$0xFFFFFEA0];
	v14 =	vmul.f32 v14, v17;
	v10 =	vadd.f32 v10, v5;
	[tilespmem:s28+$0xFFFFFE00] =	vst v8  }
0x378: {  	v48 =	vld [tilespmem:s28+$0xFFFFFEB0];
	v47 =	vsel vm5, $0x0, v7;
	v19, _, _ =	vpop (xrf2);
	v16 =	vmul.f32 v16, v17;
	v11 =	vadd.f32 v11, v6;
	[tilespmem:s28+$0xFFFFFE10] =	vst v9  }
0x379: {  	v45 =	vld [tilespmem:s28+$0xFFFFFE80];
	v49 =	vbroadcast v19, $0xF;
	v50 =	vmul.f32 v18, v17;
	v14 =	vadd.f32 v14, v4;
	[tilespmem:s28+$0xFFFFFE20] =	vst v10  }
0x37a: {  	v51 =	vld [tilespmem:s28+$0xFFFFFEC0];
	(xrf2) =	vadd.scan.msk.f32 $0xffff, v47;
	v16 =	vadd.f32 v16, v5;
	v8 =	vmul.f32 v44, v17;
	[tilespmem:s28+$0xFFFFFE30] =	vst v11  }
0x37b: {  	v52 =	vld [tilespmem:s28+$0xFFFFFED0];
	v15 =	vmul.f32 v46, v49;
	v12 =	vadd.f32 v50, v6;
	[tilespmem:s28+$0xFFFFFE50] =	vst v14  }
0x37c: {  	v55 =	vld [tilespmem:s28+$0xFFFFFEE0];
	v53 =	vsel vm6, $0x0, v7;
	v20 =	vmul.f32 v20, v49;
	[tilespmem:s28+$0xFFFFFE60] =	vst v16;
	v8 =	vadd.f32 v8, v3;
	v54, _, _ =	vpop (xrf2)  }
0x37d: {  	v58 =	vld [tilespmem:s28+$0xFFFFFF00];
	v9 =	vmul.f32 v48, v49;
	v57 =	vadd.f32 v15, v4;
	[tilespmem:s28+$0xFFFFFE70] =	vst v12;
	v18 =	vbroadcast v54, $0xF  }
0x37e: {  	v59 =	vld [tilespmem:s28+$0xFFFFFF10];
	v61 =	vadd.f32 v20, v5;
	(xrf2) =	vadd.scan.msk.f32 $0xffff, v53;
	[tilespmem:s28+$0xFFFFFE40] =	vst v8;
	v8 =	vmul.f32 v45, v49  }
0x37f: {  	v56 =	vld [tilespmem:s28+$0xFFFFFEF0];
	v9 =	vadd.f32 v9, v6;
	[tilespmem:s28+$0xFFFFFE90] =	vst v57;
	v62, _, _ =	vpop (xrf2);
	v60 =	vmul.f32 v51, v18  }
0x380: {  	v63 =	vld [tilespmem:s28+$0xFFFFFF20];
	[tilespmem:s28+$0xFFFFFEA0] =	vst v61;
	v17 =	vbroadcast v62, $0xF;
	v8 =	vadd.f32 v8, v3;
	v11 =	vmul.f32 v52, v18  }
0x381: {  	v24 =	vld [tilespmem:s28+$0xFFFFFF30];
	[tilespmem:s28+$0xFFFFFEB0] =	vst v9;
	v19 =	vmul.f32 v55, v18;
	v15 =	vadd.f32 v60, v3  }
0x382: {  	v25 =	vld [tilespmem:s28+$0xFFFFFF40];
	v13 =	vmul.f32 v58, v17;
	[tilespmem:s28+$0xFFFFFE80] =	vst v8;
	v8 =	vsel vm7, $0x0, v7;
	v11 =	vadd.f32 v11, v4  }
0x383: {  	v26 =	vld [tilespmem:s28+$0xFFFFFF50];
	v12 =	vmul.f32 v59, v17;
	v27 =	vadd.f32 v19, v5;
	(xrf2) =	vadd.scan.msk.f32 $0xffff, v8;
	[tilespmem:s28+$0xFFFFFEC0] =	vst v15  }
0x384: {  	v30 =	vld [tilespmem:s28+$0xFFFFFF60];
	v29, _, _ =	vpop (xrf2);
	v8 =	vmul.f32 v56, v18;
	v13 =	vadd.f32 v13, v3;
	[tilespmem:s28+$0xFFFFFED0] =	vst v11  }
0x385: {  	v31 =	vld [tilespmem:s28+$0xFFFFFF70];
	v20 =	vmul.f32 v63, v17;
	v18 =	vbroadcast v29, $0xF;
	v12 =	vadd.f32 v12, v4;
	[tilespmem:s28+$0xFFFFFEE0] =	vst v27  }
0x386: {  	v32 =	vld [tilespmem:s28+$0xFFFFFF80];
	v28 =	vsel vm8, $0x0, v7;
	v10 =	vmul.f32 v24, v17;
	v8 =	vadd.f32 v8, v6;
	[tilespmem:s28+$0xFFFFFF00] =	vst v13  }
0x387: {  	v36 =	vld [tilespmem:s28+$0xFFFFFFA0];
	v33 =	vadd.f32 v20, v5;
	(xrf2) =	vadd.scan.msk.f32 $0xffff, v28;
	v14 =	vmul.f32 v25, v18;
	[tilespmem:s28+$0xFFFFFF10] =	vst v12  }
0x388: {  	v10 =	vadd.f32 v10, v6;
	v9 =	vmul.f32 v26, v18;
	[tilespmem:s28+$0xFFFFFEF0] =	vst v8;
	v8 =	vld [tilespmem:s28+$0xFFFFFF90];
	v35, _, _ =	vpop (xrf2)  }
0x389: {  	v37 =	vld [tilespmem:s28+$0xFFFFFFB0];
	v19 =	vmul.f32 v30, v18;
	[tilespmem:s28+$0xFFFFFF20] =	vst v33;
	v14 =	vadd.f32 v14, v3;
	v17 =	vbroadcast v35, $0xF  }
0x38a: {  	v38 =	vld [tilespmem:s28+$0xFFFFFFC0];
	v34 =	vsel vm9, $0x0, v7;
	v11 =	vmul.f32 v31, v18;
	[tilespmem:s28+$0xFFFFFF30] =	vst v10;
	v9 =	vadd.f32 v9, v4  }
0x38b: {  	v39 =	vld [tilespmem:s28+$0xFFFFFFD0];
	(xrf2) =	vadd.scan.msk.f32 $0xffff, v34;
	v40 =	vadd.f32 v19, v5;
	[tilespmem:s28+$0xFFFFFF40] =	vst v14;
	v15 =	vmul.f32 v32, v17  }
0x38c: {  	v43 =	vld [tilespmem:s28+$0xFFFFFFE0];
	v11 =	vadd.f32 v11, v6;
	[tilespmem:s28+$0xFFFFFF50] =	vst v9;
	v20 =	vmul.f32 v36, v17  }
0x38d: {  	v46 =	vld [tilespmem:s28+$0x10];
	[tilespmem:s28+$0xFFFFFF60] =	vst v40;
	v8 =	vmul.f32 v8, v17;
	v15 =	vadd.f32 v15, v3;
	v42, _, _ =	vpop (xrf2)  }
0x38e: {  	v41 =	vsel vm10, $0x0, v7;
	v44 =	vld [tilespmem:s28+$0xFFFFFFF0];
	[tilespmem:s28+$0xFFFFFF70] =	vst v11;
	v48 =	vadd.f32 v20, v5;
	v18 =	vbroadcast v42, $0xF  }
0x38f: {  	v45 =	vld [tilespmem:s28+$0x0];
	v12 =	vmul.f32 v37, v17;
	(xrf2) =	vadd.scan.msk.f32 $0xffff, v41;
	v8 =	vadd.f32 v8, v4;
	[tilespmem:s28+$0xFFFFFF80] =	vst v15  }
0x390: {  	v54 =	vld [tilespmem:s28+$0x50];
	[tilespmem:s28+$0xFFFFFFA0] =	vst v48;
	v47 =	vmul.f32 v38, v18  }
0x391: {  	v49 =	vsel vm11, $0x0, v7;
	v12 =	vadd.f32 v12, v6;
	v50, _, _ =	vpop (xrf2);
	v10 =	vmul.f32 v39, v18;
	[tilespmem:s28+$0xFFFFFF90] =	vst v8;
	v8 =	vld [tilespmem:s28+$0x30]  }
0x392: {  	v51 =	vld [tilespmem:s28+$0x20];
	(xrf2) =	vadd.scan.msk.f32 $0xffff, v49;
	v17 =	vbroadcast v50, $0xF;
	v19 =	vmul.f32 v43, v18;
	v14 =	vadd.f32 v47, v3  }
0x393: {  	v52 =	vld [tilespmem:s28+$0x40];
	[tilespmem:s28+$0xFFFFFFB0] =	vst v12;
	v9 =	vmul.f32 v44, v18;
	v10 =	vadd.f32 v10, v4  }
0x394: {  	v62 =	vld [tilespmem:s28+$0x90];
	v55 =	vsel vm12, $0x0, v7;
	v13 =	vmul.f32 v45, v17;
	v53 =	vadd.f32 v19, v5;
	[tilespmem:s28+$0xFFFFFFC0] =	vst v14  }
0x395: {  	v56 =	vld [tilespmem:s28+$0x60];
	v11 =	vmul.f32 v46, v17;
	v57, _, _ =	vpop (xrf2);
	(xrf2) =	vadd.scan.msk.f32 $0xffff, v55;
	v9 =	vadd.f32 v9, v6;
	[tilespmem:s28+$0xFFFFFFD0] =	vst v10  }
0x396: {  	v58 =	vld [tilespmem:s28+$0x70];
	v19 =	vbroadcast v57, $0xF;
	v13 =	vadd.f32 v13, v3;
	[tilespmem:s28+$0xFFFFFFE0] =	vst v53;
	v8 =	vmul.f32 v8, v17  }
0x397: {  	v59 =	vld [tilespmem:s28+$0x80];
	v20 =	vmul.f32 v51, v17;
	v11 =	vadd.f32 v11, v4;
	[tilespmem:s28+$0xFFFFFFF0] =	vst v9  }
0x398: {  	v24 =	vld [tilespmem:s28+$0xA0];
	v61 =	vmul.f32 v52, v19;
	[tilespmem:s28+$0x0] =	vst v13;
	v8 =	vadd.f32 v8, v6  }
0x399: {  	v63 =	vsel vm13, $0x0, v7;
	v26 =	vld [tilespmem:s28+$0xB0];
	v60 =	vadd.f32 v20, v5;
	v15 =	vmul.f32 v54, v19;
	[tilespmem:s28+$0x10] =	vst v11;
	v25, _, _ =	vpop (xrf2)  }
0x39a: {  	v18 =	vmul.f32 v56, v19;
	v14 =	vadd.f32 v61, v3;
	v11 =	vbroadcast v25, $0xF;
	[tilespmem:s28+$0x30] =	vst v8;
	v8 =	vld [tilespmem:s28+$0xC0]  }
0x39b: {  	v29 =	vld [tilespmem:s28+$0xD0];
	v10 =	vmul.f32 v58, v19;
	[tilespmem:s28+$0x20] =	vst v60;
	v27 =	vadd.f32 v15, v4;
	(xrf2) =	vadd.scan.msk.f32 $0xffff, v63  }
0x39c: {  	v30 =	vsel vm14, $0x0, v7;
	v31 =	vld [tilespmem:s28+$0xE0];
	v28 =	vadd.f32 v18, v5;
	[tilespmem:s28+$0x40] =	vst v14;
	v32, _, _ =	vpop (xrf2);
	v9 =	vmul.f32 v59, v11  }
0x39d: {  	v33 =	vld [tilespmem:s28+$0xF0];
	v10 =	vadd.f32 v10, v6;
	[tilespmem:s28+$0x50] =	vst v27;
	v34 =	vbroadcast v32, $0xF;
	v16 =	vmul.f32 v62, v11  }
0x39e: {  	v36 =	vld [tilespmem:s28+$0x100];
	[tilespmem:s28+$0x60] =	vst v28;
	(xrf2) =	vadd.scan.msk.f32 $0xffff, v30;
	v17 =	vmul.f32 v24, v11;
	v9 =	vadd.f32 v9, v3  }
0x39f: {  	v37 =	vld [tilespmem:s28+$0x110];
	[tilespmem:s28+$0x70] =	vst v10;
	v11 =	vmul.f32 v26, v11;
	v35 =	vadd.f32 v16, v4;
	v8 =	vmul.f32 v8, v34  }
0x3a0: {  	v7 =	vsel vm15, $0x0, v7;
	v39, _, _ =	vpop (xrf2);
	v15 =	vmul.f32 v29, v34;
	v17 =	vadd.f32 v17, v5;
	[tilespmem:s28+$0x80] =	vst v9  }
0x3a1: {  	v40 =	vld [tilespmem:s28+$0x120];
	v38 =	vadd.f32 v11, v6;
	v11 =	vbroadcast v39, $0xF;
	[tilespmem:s28+$0x90] =	vst v35;
	v8 =	vadd.f32 v8, v3  }
0x3a2: {  	v41 =	vld [tilespmem:s28+$0x130];
	v18 =	vmul.f32 v31, v34;
	(xrf2) =	vadd.scan.msk.f32 $0xffff, v7;
	[tilespmem:s28+$0xA0] =	vst v17  }
0x3a3: {  	v42 =	vld [tilespmem:s28+$0x140];
	v7 =	vmul.f32 v33, v34;
	v43 =	vadd.f32 v15, v4;
	[tilespmem:s28+$0xC0] =	vst v8;
	v8 =	vmul.f32 v36, v11  }
0x3a4: {  	v44 =	vld [tilespmem:s28+$0x150];
	v45 =	vadd.f32 v18, v5;
	[tilespmem:s28+$0xB0] =	vst v38;
	v16 =	vmul.f32 v37, v11  }
0x3a5: {  	v47 =	vld [tilespmem:s28+$0x160];
	v7 =	vadd.f32 v7, v6;
	[tilespmem:s28+$0xD0] =	vst v43;
	v46, _, _ =	vpop (xrf2);
	v8 =	vadd.f32 v8, v3  }
0x3a6: {  	v48 =	vld [tilespmem:s28+$0x170];
	v49 =	vmul.f32 v40, v11;
	[tilespmem:s28+$0xE0] =	vst v45;
	v50 =	vadd.f32 v16, v4;
	v10 =	vbroadcast v46, $0xF  }
0x3a7: {  	v51 =	vld [tilespmem:s28+$0x180];
	[tilespmem:s28+$0xF0] =	vst v7;
	v11 =	vmul.f32 v41, v11  }
0x3a8: {  	v7 =	vld [tilespmem:s28+$0x190];
	v52 =	vadd.f32 v49, v5;
	[tilespmem:s28+$0x110] =	vst v50;
	v12 =	vmul.f32 v42, v10  }
0x3a9: {  	v53 =	vld [tilespmem:s28+$0x1A0];
	v11 =	vadd.f32 v11, v6;
	v9 =	vmul.f32 v44, v10;
	[tilespmem:s28+$0x100] =	vst v8;
	v8, _, _ =	vpop (xrf2)  }
0x3aa: {  	v54 =	vld [tilespmem:s28+$0x1B0];
	[tilespmem:s28+$0x120] =	vst v52;
	v17 =	vmul.f32 v47, v10;
	v12 =	vadd.f32 v12, v3;
	v8 =	vbroadcast v8, $0xF  }
0x3ab: {  	v56 =	vld [tilespmem:s28+$0x1D0];
	v10 =	vmul.f32 v48, v10;
	v9 =	vadd.f32 v9, v4;
	[tilespmem:s28+$0x130] =	vst v11  }
0x3ac: {  	v55 =	vld [tilespmem:s28+$0x1C0];
	v57 =	vadd.f32 v17, v5;
	[tilespmem:s28+$0x140] =	vst v12;
	v15 =	vmul.f32 v51, v8  }
0x3ad: {  	v59 =	vld [tilespmem:s28+$0x1E0];
	v10 =	vadd.f32 v10, v6;
	[tilespmem:s28+$0x150] =	vst v9;
	v58, _, _ =	vpop (xrf2);
	v7 =	vmul.f32 v7, v8  }
0x3ae: {  	v60 =	vld [tilespmem:s28+$0x1F0];
	[tilespmem:s28+$0x160] =	vst v57;
	v12 =	vbroadcast v58, $0xF;
	v18 =	vmul.f32 v53, v8;
	v15 =	vadd.f32 v15, v3  }
0x3af: {  	[tilespmem:s28+$0x170] =	vst v10;
	v8 =	vmul.f32 v54, v8;
	v7 =	vadd.f32 v7, v4  }
0x3b0: {  	v11 =	vmul.f32 v56, v12;
	v62 =	vadd.f32 v18, v5;
	[tilespmem:s28+$0x180] =	vst v15  }
0x3b1: {  	v61 =	vmul.f32 v55, v12;
	v8 =	vadd.f32 v8, v6;
	[tilespmem:s28+$0x190] =	vst v7  }
0x3b2: {  	v63 =	vmul.f32 v59, v12;
	v11 =	vadd.f32 v11, v4;
	[tilespmem:s28+$0x1A0] =	vst v62  }
0x3b3: {  	v9 =	vmul.f32 v60, v12;
	v7 =	vadd.f32 v61, v3;
	[tilespmem:s28+$0x1B0] =	vst v8  }
0x3b4: {  	v8 =	vadd.f32 v63, v5;
	[tilespmem:s28+$0x1D0] =	vst v11  }
0x3b5: {  	s2 =	sshll.u32 s26, $0x7;
	s26 =	rddreg [dreg:$0x12];
	[tilespmem:s28+$0x1C0] =	vst v7;
	v7 =	vadd.f32 v9, v6  }
0x3b6: {  	s18 =	sadd.s32 $0x1, s18;
	s2 =	sor.u32 s26, s2;
	[tilespmem:s28+$0x1E0] =	vst v8  }
0x3b7: {  	p0 =	sne.s32 s18, $0x5;
	s2 =	sshrl.u32 s2, $0x3;
	[tilespmem:s28+$0x1F0] =	vst v7;
	s28 =	rddreg [dreg:$0xb]  }
.Ltmp9:
0x3b8: {  	s29 =	simm.s32 $0x40;
	s2 =	sadd.s32 s28, s2;
	(pc) =	sbr.rel @p0 .LBB2_18-.Ltmp9, $4  }
0x3b9: {  	[hbm4b:s2+s29] =	stream.strided.scatter [tilespmem:s9], [sflag:$0x5], $0x2000, s10, s29, $0x38;
	[tilespmem:$0x1DF90] =	vst v63  }
0x3ba: {  	_ =	swait.ge [sflag:s1], $0x2000  }
0x3bb: {  	[sflag:s1] =	ssyncset.done $0x0  }
0x3bc: {  	s21 =	sadd.s32 $0x80, s21;
	[sflag:s1] =	ssyncadd.s32 $0xFFFFE000  }
0x3bd: {  	s10 =	rddreg [dreg:$0x1c]  }
0x3be: {  	s2 =	rddreg [dreg:$0x16];
	s10 =	sadd.s32 $0x1, s10  }
0x3bf: {  	p0 =	sne.s32 s10, s2  }
.Ltmp10:
0x3c0: {  	_ = 	snop;
	(pc) =	sbr.rel @p0 .LBB2_1-.Ltmp10, $2  }
0x3c1: {  	_ =	sdelay $0x2  }
0x3c2: {  	s29 =	rddreg [dreg:$0x10]  }
0x3c3: {  	_ =	sfence.sel $0x180000  }
0x3c4: {  	[bflag:$0x0] =	sbarrier.arrive $0xFFFF  }
0x3c5: {  	_ =	strace $0x90000047  }
0x3c6: {  	s0 =	stileid.u32;
	[bflag:$0x2] =	sbarrier.arrive $0xFFFF  }
0x3c7: {  	p0 =	sne.s32 s0, $0x0;
	s0 =	rddreg [dreg:$0x8]  }
0x3c8: {  	s0 =	sadd.s32 @!p0 $0x100000, s0  }
0x3c9: {  	[sflag:s0] =	ssyncadd.tile.s32 @!p0 $0x1;
	_ =	shalt  }
.Lfunc_end2:
_tile_overlayer_lowered:
.L_overlay_start_2:
0x3ca: {  	(tag) =	ssettag $0x2  }
0x3cb: {  	s0 =	rddreg [dreg:$0x0];
	s2 =	stileid.u32  }
0x3cc: {  	s1 =	rddreg [dreg:$0x1];
	p0 =	sne.s32 s2, $0x0  }
0x3cd: {  	s3 =	rddreg [dreg:$0x2];
	[bflag:$0x3] =	sbarrier.arrive $0xFFFF;
	s2 =	simm.s32 @!p0 $0x1C05  }
0x3ce: {  	[timem:s3], [sflag:s2] =	dma.local @!p0 [hbm:s0], s1  }
0x3cf: {  	s0 =	simm.s32 @!p0 $0x5  }
0x3d0: {  	_ =	swait.ge @!p0 [sflag:s0], s1  }
0x3d1: {  	s1 =	ssub.s32 @!p0 $0x0, s1;
	[sflag:s0] =	ssyncset.done @!p0 $0x0  }
0x3d2: {  	[sflag:s0] =	ssyncadd.s32 @!p0 s1  }
0x3d3: {  	[bflag:$0x3] =	sbarrier.arrive $0xFFFF  }
0x3d4: {  	_ =	shalt  }

</sc_bundles>
